<compile_context>
chip_gen: v7x
topology: tpu7x:2x2x1
jax: 0.10.2.dev20260603
libtpu: 0.0.44.dev20260713+nightly
codegen_flags: <defaults>
</compile_context>

<pallas_src>
import jax
import jax.numpy as jnp
import numpy as np
from jax import lax
from jax.experimental import pallas as pl
from jax.experimental.pallas import tpu as pltpu
from jax.experimental.pallas import tpu_sc as plsc

B = 8
N = 1024
D = 256
GN = 196
NPAIR = B * GN
NWORKER = 32
PPW = NPAIR // NWORKER
PADW = 64
TROW = 32
CHUNK0 = 4
NCHUNK = 56

INF_F32 = float(np.float32(4.0 + 0.01))
TWO_INF = 2.0 * INF_F32
BETA_F = 0.1
BETA_W = 1.0


PPB = 7
NBLK = PPW // PPB
BROW = PPB * TROW


def _sc_kernel(gt_hbm, z_hbm, md_hbm, cos_hbm,
               bigbuf, p0b, p1b, p2b, p3b, a0b, a1b, a2b, a3b,
               pibuf, mdbuf, cosbuf,
               sem_g, sem_p, sem_a):
    posbufs = (p0b, p1b, p2b, p3b)
    ancbufs = (a0b, a1b, a2b, a3b)
    wid = lax.axis_index("s") * 2 + lax.axis_index("c")
    lane = lax.iota(jnp.int32, 16)
    p0 = wid * PPW
    bb = wid >> 2
    row0 = (bb * N + (wid & 3) * PPW) * TROW

    def issue(c, slot):
        return pltpu.async_copy(
            gt_hbm.at[pl.ds(row0 + c * BROW, BROW)], bigbuf.at[slot], sem_g)

    def wait(slot):
        pltpu.make_async_copy(gt_hbm.at[pl.ds(0, BROW)],
                              bigbuf.at[slot], sem_g).wait()

    pibuf[pl.ds(PADW - 16, 16)] = jnp.zeros((16,), jnp.int32)
    mdbuf[pl.ds(PADW - 16, 16)] = jnp.zeros((16,), jnp.float32)

    anc_handles = []
    for g in range(PADW // 16):
        tvec = lane + g * 16
        pvec = jnp.minimum(p0 + tvec, jnp.int32(NPAIR - 1))
        bv = pvec // GN
        iv = pvec - bv * GN
        anc_handles.append(
            pltpu.async_copy(z_hbm.at[bv * N + iv], ancbufs[g], sem_a))

    issue(0, 0)

    def cbody(c, carry):
        par = c & 1

        @pl.when(c < NBLK - 1)
        def _():
            issue(c + 1, 1 - par)

        wait(par)
        parv = jnp.full((16,), par, jnp.int32)

        def qbody(q, carry2):
            qrow = q * TROW

            vm = vi = None
            for jt in range(1, 8):
                for g in range(8):
                    if jt == 1 and g < 4:
                        continue
                    lv = g * 16 + lane

                    def ld(k, _jt=jt, _lv=lv):
                        rv = jnp.full((16,), qrow + _jt * 4 + k, jnp.int32)
                        return plsc.load_gather(bigbuf, [parv, rv, _lv])

                    a0, a1, a2, a3 = ld(0), ld(1), ld(2), ld(3)
                    s = a0 * a0 + a1 * a1 + a2 * a2 + a3 * a3
                    jb = jnp.full((16,), 128 * jt + 16 * g, jnp.int32)
                    if vm is None:
                        vm = jnp.where(lane >= 4, s, jnp.float32(3.0e38))
                        vi = jb
                    else:
                        pred = s < vm
                        vm = jnp.where(pred, s, vm)
                        vi = jnp.where(pred, jb, vi)
            m = jnp.min(vm)
            cand = jnp.where(vm == m, vi + lane, jnp.int32(1 << 30))
            jm = jnp.min(cand)
            use_real = m < jnp.float32(TWO_INF)
            md = jnp.float32(0.5) * jnp.minimum(m, jnp.float32(TWO_INF))
            jm = jnp.where(use_real, jm, 0)

            t = c * PPB + q
            posrow = bb * N + jm
            tf = jnp.full((16,), t, jnp.int32)
            one = lane == 0
            plsc.store_scatter(mdbuf, [tf],
                               jnp.full((16,), md, jnp.float32), mask=one)
            plsc.store_scatter(pibuf, [tf],
                               jnp.full((16,), posrow, jnp.int32), mask=one)
            return carry2

        lax.fori_loop(0, PPB, qbody, 0)
        return carry

    lax.fori_loop(0, NBLK, cbody, 0)

    pos_handles = []
    for g in range(PADW // 16):
        pidx = pibuf[pl.ds(g * 16, 16)]
        pos_handles.append(
            pltpu.async_copy(z_hbm.at[pidx], posbufs[g], sem_p))
    for g in range(PADW // 16):
        pos_handles[g].wait()
        anc_handles[g].wait()
        posrows = posbufs[g]
        ancrows = ancbufs[g]

        def qbody(q, cosv):
            qv = jnp.full((16,), q, jnp.int32)
            acc = jnp.zeros((16,), jnp.float32)
            for cc in range(D // 16):
                ev = cc * 16 + lane
                acc = acc + (plsc.load_gather(posrows, [qv, ev]) *
                             plsc.load_gather(ancrows, [qv, ev]))
            return jnp.where(lane == q, jnp.sum(acc), cosv)

        cosv = lax.fori_loop(0, 16, qbody, jnp.zeros((16,), jnp.float32))
        cosbuf[pl.ds(g * 16, 16)] = cosv

    pltpu.sync_copy(mdbuf, md_hbm.at[wid])
    pltpu.sync_copy(cosbuf, cos_hbm.at[wid])


def _finish(md_ref, cos_ref, o_loss, o_cos, o_max, o_mean):
    md = md_ref[...]
    cs = cos_ref[...]
    col = lax.broadcasted_iota(jnp.int32, (NWORKER, PADW), 1)
    mask = col < PPW
    csc = jnp.clip(cs, -1.0, 1.0)
    w = jnp.exp(-BETA_W * md)
    l = BETA_F * jnp.log1p(jnp.exp(-csc / BETA_F))
    inv = jnp.float32(1.0 / NPAIR)
    o_loss[...] = (jnp.sum(jnp.where(mask, w * l, 0.0)) * inv).reshape(1, 1)
    o_cos[...] = (jnp.sum(jnp.where(mask, csc, 0.0)) * inv).reshape(1, 1)
    o_max[...] = jnp.max(jnp.where(mask, md, -jnp.inf)).reshape(1, 1)
    o_mean[...] = (jnp.sum(jnp.where(mask, md, 0.0)) * inv).reshape(1, 1)


def kernel(z, gt_dT):
    gt_v = (gt_dT.reshape(B, N, 8, 128, 4)
            .transpose(0, 1, 2, 4, 3)
            .reshape(B * N * 32, 128))
    z2 = z.reshape(B * N, D)

    mesh = plsc.VectorSubcoreMesh(core_axis_name="c", subcore_axis_name="s",
                                  num_cores=2, num_subcores=16)
    sc = pl.kernel(
        _sc_kernel,
        out_type=[jax.ShapeDtypeStruct((NWORKER, PADW), jnp.float32),
                  jax.ShapeDtypeStruct((NWORKER, PADW), jnp.float32)],
        mesh=mesh,
        compiler_params=pltpu.CompilerParams(needs_layout_passes=False),
        scratch_types=(
            [pltpu.VMEM((2, BROW, 128), jnp.float32)]
            + [pltpu.VMEM((16, D), jnp.float32)] * 4
            + [pltpu.VMEM((16, D), jnp.float32)] * 4
            + [
                pltpu.VMEM((PADW,), jnp.int32),
                pltpu.VMEM((PADW,), jnp.float32),
                pltpu.VMEM((PADW,), jnp.float32),
                pltpu.SemaphoreType.DMA,
                pltpu.SemaphoreType.DMA,
                pltpu.SemaphoreType.DMA,
            ]
        ),
    )
    md, cos = sc(gt_v, z2)

    loss, mcos, mxd, mmd = pl.pallas_call(
        _finish,
        out_shape=[jax.ShapeDtypeStruct((1, 1), jnp.float32)] * 4,
    )(md, cos)

    return (loss[0, 0],
            lax.stop_gradient(mcos[0, 0]),
            lax.stop_gradient(mxd[0, 0]),
            lax.stop_gradient(mmd[0, 0]))

# --- scband reference (transcript-rebuilt; emitter-appended) ---
"""Pipeline reference for scband-patch-matching-loss-68633577390703 (READ-ONLY COPY).

The authoritative reference and input builder live on the scoring server;
editing this copy changes nothing except your own understanding.
"""

import jax, jax.numpy as jnp
import numpy as np

BETA_F = 0.1
BETA_W = 1.0
GN = 196
INF = 4.0 + 0.01
SIGMA = jnp.array([0.5, 0.5, 0.5, 0.5], dtype=jnp.float32)


def setup_inputs(seed: int = 0) -> dict:
    key = jax.random.key(seed)
    k1, k2 = jax.random.split(key)
    z = jax.random.normal(k1, (8, 1024, 256), dtype=jnp.float32)
    z = z / jnp.linalg.norm(z, axis=-1, keepdims=True)
    gt_dT = jax.random.normal(k2, (8, 1024, 1024, 4), dtype=jnp.float32)
    return {"z": z, "gt_dT": gt_dT}


def reference(z, gt_dT):
    B, N, D = z.shape
    anchor_feat = z[:, :GN, :]
    # squared geometric distance weighted by sigma, summed over (dy, dx, dh, dw)
    dist_from_anchor = jnp.sum((gt_dT[:, :GN, :, :] ** 2) * SIGMA, axis=-1)
    # mask out self / other global anchors
    dist_from_anchor = dist_from_anchor.at[:, :, 0:GN].set(INF)
    min_dist = jnp.min(dist_from_anchor, axis=2)
    min_idx = jnp.argmin(dist_from_anchor, axis=2)
    weights = jnp.exp(-BETA_W * min_dist)
    # gather the best-matching (positive) features: [B, gN, D]
    positive_feat = jnp.take_along_axis(z, min_idx[..., None], axis=1)
    cos_sim = jnp.clip(jnp.sum(anchor_feat * positive_feat, axis=-1), -1.0, 1.0)
    exp_cos_sim = BETA_F * jnp.log1p(jnp.exp(-cos_sim / BETA_F))
    weighted_feature_losses = weights * exp_cos_sim
    final_loss = jnp.mean(weighted_feature_losses)
    return (
        final_loss,
        jax.lax.stop_gradient(jnp.mean(cos_sim)),
        jax.lax.stop_gradient(jnp.max(min_dist)),
        jax.lax.stop_gradient(jnp.mean(min_dist)),
    )

if __name__ == "__main__":
    import jax
    _d = setup_inputs()
    print(jax.jit(kernel)(*tuple(_d.values())))

</pallas_src>

<mosaic_0001>
#map = affine_map<(d0, d1) -> (0, 0)>
module attributes {stable_mosaic.version = 14 : i64} {
  func.func @_sc_kernel(%arg0: i32, %arg1: i32, %arg2: memref<262144x128xf32, #tpu.memory_space<hbm>>, %arg3: memref<8192x256xf32, #tpu.memory_space<hbm>>, %arg4: memref<32x64xf32, #tpu.memory_space<hbm>>, %arg5: memref<32x64xf32, #tpu.memory_space<hbm>>, %arg6: memref<2x224x128xf32, #tpu.memory_space<vmem>>, %arg7: memref<16x256xf32, #tpu.memory_space<vmem>>, %arg8: memref<16x256xf32, #tpu.memory_space<vmem>>, %arg9: memref<16x256xf32, #tpu.memory_space<vmem>>, %arg10: memref<16x256xf32, #tpu.memory_space<vmem>>, %arg11: memref<16x256xf32, #tpu.memory_space<vmem>>, %arg12: memref<16x256xf32, #tpu.memory_space<vmem>>, %arg13: memref<16x256xf32, #tpu.memory_space<vmem>>, %arg14: memref<16x256xf32, #tpu.memory_space<vmem>>, %arg15: memref<64xi32, #tpu.memory_space<vmem>>, %arg16: memref<64xf32, #tpu.memory_space<vmem>>, %arg17: memref<64xf32, #tpu.memory_space<vmem>>, %arg18: memref<!tpu.dma_semaphore, #tpu.memory_space<semaphore_mem>>, %arg19: memref<!tpu.dma_semaphore, #tpu.memory_space<semaphore_mem>>, %arg20: memref<!tpu.dma_semaphore, #tpu.memory_space<semaphore_mem>>) attributes {dimension_semantics = [#tpu.dimension_semantics<core_parallel>, #tpu.dimension_semantics<subcore_parallel>], iteration_bounds = array<i64: 2, 16>, scalar_prefetch = 0 : i64, scratch_operands = 15 : i64, tpu.core_type = #tpu.core_type<sc_vector_subcore>, window_params = [{transform_indices = #map}, {transform_indices = #map}, {transform_indices = #map}, {transform_indices = #map}]} {
    %mul3A = arith.constant 2 : i32
    %mul3A_0 = arith.muli %arg1, %mul3A : i32
    %add3A = arith.addi %mul3A_0, %arg0 : i32
    %iota3A = tpu.iota {dimensions = array<i32: 0>} : vector<16xi32>
    %mul3A_1 = arith.constant 49 : i32
    %mul3A_2 = arith.muli %add3A, %mul3A_1 : i32
    %shift_right_arithmetic3A = arith.constant 2 : i32
    %shift_right_arithmetic3A_3 = arith.shrsi %add3A, %shift_right_arithmetic3A : i32
    %mul3A_4 = arith.constant 1024 : i32
    %mul3A_5 = arith.muli %shift_right_arithmetic3A_3, %mul3A_4 : i32
    %and3A = arith.constant 3 : i32
    %and3A_6 = arith.andi %add3A, %and3A : i32
    %mul3A_7 = arith.constant 49 : i32
    %mul3A_8 = arith.muli %and3A_6, %mul3A_7 : i32
    %add3A_9 = arith.addi %mul3A_5, %mul3A_8 : i32
    %mul3A_10 = arith.constant 32 : i32
    %mul3A_11 = arith.muli %add3A_9, %mul3A_10 : i32
    %broadcast_in_dim3A = arith.constant 0 : i32
    %broadcast_in_dim3A_12 = vector.broadcast %broadcast_in_dim3A : i32 to vector<16xi32>
    %swap3A = arith.constant 48 : index
    %swap3A_13 = tpu.vector_load %arg15[%swap3A] {strides = array<i32>} : memref<64xi32, #tpu.memory_space<vmem>>, vector<16xi32>,
    tpu.vector_store %arg15[%swap3A], %broadcast_in_dim3A_12 {strides = array<i32>} : memref<64xi32, #tpu.memory_space<vmem>>, vector<16xi32>,
    %broadcast_in_dim3A_14 = arith.constant 0.000000e+00 : f32
    %broadcast_in_dim3A_15 = vector.broadcast %broadcast_in_dim3A_14 : f32 to vector<16xf32>
    %swap3A_16 = arith.constant 48 : index
    %swap3A_17 = tpu.vector_load %arg16[%swap3A_16] {strides = array<i32>} : memref<64xf32, #tpu.memory_space<vmem>>, vector<16xf32>,
    tpu.vector_store %arg16[%swap3A_16], %broadcast_in_dim3A_15 {strides = array<i32>} : memref<64xf32, #tpu.memory_space<vmem>>, vector<16xf32>,
    %add3A_18 = arith.constant 0 : i32
    %add3A_19 = vector.broadcast %add3A_18 : i32 to vector<16xi32>
    %add3A_20 = arith.addi %iota3A, %add3A_19 : vector<16xi32>
    %add3A_21 = vector.broadcast %mul3A_2 : i32 to vector<16xi32>
    %add3A_22 = arith.addi %add3A_21, %add3A_20 : vector<16xi32>
    %min3A = arith.constant 1567 : i32
    %min3A_23 = vector.broadcast %min3A : i32 to vector<16xi32>
    %min3A_24 = arith.minsi %add3A_22, %min3A_23 : vector<16xi32>
    %jit3A = arith.constant 196 : i32
    %div3A = vector.broadcast %jit3A : i32 to vector<16xi32>
    %div3A_25 = arith.divsi %min3A_24, %div3A : vector<16xi32>
    %sign3A = arith.constant 0 : i32
    %sign3A_26 = vector.broadcast %sign3A : i32 to vector<16xi32>
    %sign3A_27 = arith.cmpi sgt, %min3A_24, %sign3A_26 : vector<16xi32>
    %sign3A_28 = arith.extui %sign3A_27 : vector<16xi1> to vector<16xi32>
    %sign3A_29 = arith.constant 0 : i32
    %sign3A_30 = vector.broadcast %sign3A_29 : i32 to vector<16xi32>
    %sign3A_31 = arith.cmpi slt, %min3A_24, %sign3A_30 : vector<16xi32>
    %sign3A_32 = arith.extui %sign3A_31 : vector<16xi1> to vector<16xi32>
    %sign3A_33 = arith.subi %sign3A_28, %sign3A_32 : vector<16xi32>
    %sign3A_34 = arith.constant 0 : i32
    %sign3A_35 = arith.cmpi sgt, %jit3A, %sign3A_34 : i32
    %sign3A_36 = arith.extui %sign3A_35 : i1 to i32
    %sign3A_37 = arith.constant 0 : i32
    %sign3A_38 = arith.cmpi slt, %jit3A, %sign3A_37 : i32
    %sign3A_39 = arith.extui %sign3A_38 : i1 to i32
    %sign3A_40 = arith.subi %sign3A_36, %sign3A_39 : i32
    %ne3A = vector.broadcast %sign3A_40 : i32 to vector<16xi32>
    %ne3A_41 = arith.cmpi ne, %sign3A_33, %ne3A : vector<16xi32>
    %rem3A = vector.broadcast %jit3A : i32 to vector<16xi32>
    %rem3A_42 = arith.remsi %min3A_24, %rem3A : vector<16xi32>
    %ne3A_43 = arith.constant 0 : i32
    %ne3A_44 = vector.broadcast %ne3A_43 : i32 to vector<16xi32>
    %ne3A_45 = arith.cmpi ne, %rem3A_42, %ne3A_44 : vector<16xi32>
    %and3A_46 = arith.andi %ne3A_41, %ne3A_45 : vector<16xi1>
    %sub3A = arith.constant 1 : i32
    %sub3A_47 = vector.broadcast %sub3A : i32 to vector<16xi32>
    %sub3A_48 = arith.subi %div3A_25, %sub3A_47 : vector<16xi32>
    %select_n3A = arith.select %and3A_46, %sub3A_48, %div3A_25 : vector<16xi1>, vector<16xi32>
    %mul3A_49 = arith.constant 196 : i32
    %mul3A_50 = vector.broadcast %mul3A_49 : i32 to vector<16xi32>
    %mul3A_51 = arith.muli %select_n3A, %mul3A_50 : vector<16xi32>
    %sub3A_52 = arith.subi %min3A_24, %mul3A_51 : vector<16xi32>
    %mul3A_53 = arith.constant 1024 : i32
    %mul3A_54 = vector.broadcast %mul3A_53 : i32 to vector<16xi32>
    %mul3A_55 = arith.muli %select_n3A, %mul3A_54 : vector<16xi32>
    %add3A_56 = arith.addi %mul3A_55, %sub3A_52 : vector<16xi32>
    %dma_start3A = arith.constant 0 : i32
    %dma_start3A_57 = arith.constant 0 : i32
    %dma_start3A_58 = tpu.memref_slice %arg3[%dma_start3A, %dma_start3A_57] : memref<8192x256xf32, #tpu.memory_space<hbm>> -> memref<8192x256xf32, #tpu.memory_space<hbm>>
    tpu.enqueue_indirect_dma source(%dma_start3A_58 : memref<8192x256xf32, #tpu.memory_space<hbm>>) target(%arg11 : memref<16x256xf32, #tpu.memory_space<vmem>>) offsets(%add3A_56 : vector<16xi32>) semaphore(%arg20 : memref<!tpu.dma_semaphore, #tpu.memory_space<semaphore_mem>>)
    %add3A_59 = arith.constant 16 : i32
    %add3A_60 = vector.broadcast %add3A_59 : i32 to vector<16xi32>
    %add3A_61 = arith.addi %iota3A, %add3A_60 : vector<16xi32>
    %add3A_62 = vector.broadcast %mul3A_2 : i32 to vector<16xi32>
    %add3A_63 = arith.addi %add3A_62, %add3A_61 : vector<16xi32>
    %min3A_64 = arith.constant 1567 : i32
    %min3A_65 = vector.broadcast %min3A_64 : i32 to vector<16xi32>
    %min3A_66 = arith.minsi %add3A_63, %min3A_65 : vector<16xi32>
    %jit3A_67 = arith.constant 196 : i32
    %div3A_68 = vector.broadcast %jit3A_67 : i32 to vector<16xi32>
    %div3A_69 = arith.divsi %min3A_66, %div3A_68 : vector<16xi32>
    %sign3A_70 = arith.constant 0 : i32
    %sign3A_71 = vector.broadcast %sign3A_70 : i32 to vector<16xi32>
    %sign3A_72 = arith.cmpi sgt, %min3A_66, %sign3A_71 : vector<16xi32>
    %sign3A_73 = arith.extui %sign3A_72 : vector<16xi1> to vector<16xi32>
    %sign3A_74 = arith.constant 0 : i32
    %sign3A_75 = vector.broadcast %sign3A_74 : i32 to vector<16xi32>
    %sign3A_76 = arith.cmpi slt, %min3A_66, %sign3A_75 : vector<16xi32>
    %sign3A_77 = arith.extui %sign3A_76 : vector<16xi1> to vector<16xi32>
    %sign3A_78 = arith.subi %sign3A_73, %sign3A_77 : vector<16xi32>
    %sign3A_79 = arith.constant 0 : i32
    %sign3A_80 = arith.cmpi sgt, %jit3A_67, %sign3A_79 : i32
    %sign3A_81 = arith.extui %sign3A_80 : i1 to i32
    %sign3A_82 = arith.constant 0 : i32
    %sign3A_83 = arith.cmpi slt, %jit3A_67, %sign3A_82 : i32
    %sign3A_84 = arith.extui %sign3A_83 : i1 to i32
    %sign3A_85 = arith.subi %sign3A_81, %sign3A_84 : i32
    %ne3A_86 = vector.broadcast %sign3A_85 : i32 to vector<16xi32>
    %ne3A_87 = arith.cmpi ne, %sign3A_78, %ne3A_86 : vector<16xi32>
    %rem3A_88 = vector.broadcast %jit3A_67 : i32 to vector<16xi32>
    %rem3A_89 = arith.remsi %min3A_66, %rem3A_88 : vector<16xi32>
    %ne3A_90 = arith.constant 0 : i32
    %ne3A_91 = vector.broadcast %ne3A_90 : i32 to vector<16xi32>
    %ne3A_92 = arith.cmpi ne, %rem3A_89, %ne3A_91 : vector<16xi32>
    %and3A_93 = arith.andi %ne3A_87, %ne3A_92 : vector<16xi1>
    %sub3A_94 = arith.constant 1 : i32
    %sub3A_95 = vector.broadcast %sub3A_94 : i32 to vector<16xi32>
    %sub3A_96 = arith.subi %div3A_69, %sub3A_95 : vector<16xi32>
    %select_n3A_97 = arith.select %and3A_93, %sub3A_96, %div3A_69 : vector<16xi1>, vector<16xi32>
    %mul3A_98 = arith.constant 196 : i32
    %mul3A_99 = vector.broadcast %mul3A_98 : i32 to vector<16xi32>
    %mul3A_100 = arith.muli %select_n3A_97, %mul3A_99 : vector<16xi32>
    %sub3A_101 = arith.subi %min3A_66, %mul3A_100 : vector<16xi32>
    %mul3A_102 = arith.constant 1024 : i32
    %mul3A_103 = vector.broadcast %mul3A_102 : i32 to vector<16xi32>
    %mul3A_104 = arith.muli %select_n3A_97, %mul3A_103 : vector<16xi32>
    %add3A_105 = arith.addi %mul3A_104, %sub3A_101 : vector<16xi32>
    %dma_start3A_106 = arith.constant 0 : i32
    %dma_start3A_107 = arith.constant 0 : i32
    %dma_start3A_108 = tpu.memref_slice %arg3[%dma_start3A_106, %dma_start3A_107] : memref<8192x256xf32, #tpu.memory_space<hbm>> -> memref<8192x256xf32, #tpu.memory_space<hbm>>
    tpu.enqueue_indirect_dma source(%dma_start3A_108 : memref<8192x256xf32, #tpu.memory_space<hbm>>) target(%arg12 : memref<16x256xf32, #tpu.memory_space<vmem>>) offsets(%add3A_105 : vector<16xi32>) semaphore(%arg20 : memref<!tpu.dma_semaphore, #tpu.memory_space<semaphore_mem>>)
    %add3A_109 = arith.constant 32 : i32
    %add3A_110 = vector.broadcast %add3A_109 : i32 to vector<16xi32>
    %add3A_111 = arith.addi %iota3A, %add3A_110 : vector<16xi32>
    %add3A_112 = vector.broadcast %mul3A_2 : i32 to vector<16xi32>
    %add3A_113 = arith.addi %add3A_112, %add3A_111 : vector<16xi32>
    %min3A_114 = arith.constant 1567 : i32
    %min3A_115 = vector.broadcast %min3A_114 : i32 to vector<16xi32>
    %min3A_116 = arith.minsi %add3A_113, %min3A_115 : vector<16xi32>
    %jit3A_117 = arith.constant 196 : i32
    %div3A_118 = vector.broadcast %jit3A_117 : i32 to vector<16xi32>
    %div3A_119 = arith.divsi %min3A_116, %div3A_118 : vector<16xi32>
    %sign3A_120 = arith.constant 0 : i32
    %sign3A_121 = vector.broadcast %sign3A_120 : i32 to vector<16xi32>
    %sign3A_122 = arith.cmpi sgt, %min3A_116, %sign3A_121 : vector<16xi32>
    %sign3A_123 = arith.extui %sign3A_122 : vector<16xi1> to vector<16xi32>
    %sign3A_124 = arith.constant 0 : i32
    %sign3A_125 = vector.broadcast %sign3A_124 : i32 to vector<16xi32>
    %sign3A_126 = arith.cmpi slt, %min3A_116, %sign3A_125 : vector<16xi32>
    %sign3A_127 = arith.extui %sign3A_126 : vector<16xi1> to vector<16xi32>
    %sign3A_128 = arith.subi %sign3A_123, %sign3A_127 : vector<16xi32>
    %sign3A_129 = arith.constant 0 : i32
    %sign3A_130 = arith.cmpi sgt, %jit3A_117, %sign3A_129 : i32
    %sign3A_131 = arith.extui %sign3A_130 : i1 to i32
    %sign3A_132 = arith.constant 0 : i32
    %sign3A_133 = arith.cmpi slt, %jit3A_117, %sign3A_132 : i32
    %sign3A_134 = arith.extui %sign3A_133 : i1 to i32
    %sign3A_135 = arith.subi %sign3A_131, %sign3A_134 : i32
    %ne3A_136 = vector.broadcast %sign3A_135 : i32 to vector<16xi32>
    %ne3A_137 = arith.cmpi ne, %sign3A_128, %ne3A_136 : vector<16xi32>
    %rem3A_138 = vector.broadcast %jit3A_117 : i32 to vector<16xi32>
    %rem3A_139 = arith.remsi %min3A_116, %rem3A_138 : vector<16xi32>
    %ne3A_140 = arith.constant 0 : i32
    %ne3A_141 = vector.broadcast %ne3A_140 : i32 to vector<16xi32>
    %ne3A_142 = arith.cmpi ne, %rem3A_139, %ne3A_141 : vector<16xi32>
    %and3A_143 = arith.andi %ne3A_137, %ne3A_142 : vector<16xi1>
    %sub3A_144 = arith.constant 1 : i32
    %sub3A_145 = vector.broadcast %sub3A_144 : i32 to vector<16xi32>
    %sub3A_146 = arith.subi %div3A_119, %sub3A_145 : vector<16xi32>
    %select_n3A_147 = arith.select %and3A_143, %sub3A_146, %div3A_119 : vector<16xi1>, vector<16xi32>
    %mul3A_148 = arith.constant 196 : i32
    %mul3A_149 = vector.broadcast %mul3A_148 : i32 to vector<16xi32>
    %mul3A_150 = arith.muli %select_n3A_147, %mul3A_149 : vector<16xi32>
    %sub3A_151 = arith.subi %min3A_116, %mul3A_150 : vector<16xi32>
    %mul3A_152 = arith.constant 1024 : i32
    %mul3A_153 = vector.broadcast %mul3A_152 : i32 to vector<16xi32>
    %mul3A_154 = arith.muli %select_n3A_147, %mul3A_153 : vector<16xi32>
    %add3A_155 = arith.addi %mul3A_154, %sub3A_151 : vector<16xi32>
    %dma_start3A_156 = arith.constant 0 : i32
    %dma_start3A_157 = arith.constant 0 : i32
    %dma_start3A_158 = tpu.memref_slice %arg3[%dma_start3A_156, %dma_start3A_157] : memref<8192x256xf32, #tpu.memory_space<hbm>> -> memref<8192x256xf32, #tpu.memory_space<hbm>>
    tpu.enqueue_indirect_dma source(%dma_start3A_158 : memref<8192x256xf32, #tpu.memory_space<hbm>>) target(%arg13 : memref<16x256xf32, #tpu.memory_space<vmem>>) offsets(%add3A_155 : vector<16xi32>) semaphore(%arg20 : memref<!tpu.dma_semaphore, #tpu.memory_space<semaphore_mem>>)
    %add3A_159 = arith.constant 48 : i32
    %add3A_160 = vector.broadcast %add3A_159 : i32 to vector<16xi32>
    %add3A_161 = arith.addi %iota3A, %add3A_160 : vector<16xi32>
    %add3A_162 = vector.broadcast %mul3A_2 : i32 to vector<16xi32>
    %add3A_163 = arith.addi %add3A_162, %add3A_161 : vector<16xi32>
    %min3A_164 = arith.constant 1567 : i32
    %min3A_165 = vector.broadcast %min3A_164 : i32 to vector<16xi32>
    %min3A_166 = arith.minsi %add3A_163, %min3A_165 : vector<16xi32>
    %jit3A_167 = arith.constant 196 : i32
    %div3A_168 = vector.broadcast %jit3A_167 : i32 to vector<16xi32>
    %div3A_169 = arith.divsi %min3A_166, %div3A_168 : vector<16xi32>
    %sign3A_170 = arith.constant 0 : i32
    %sign3A_171 = vector.broadcast %sign3A_170 : i32 to vector<16xi32>
    %sign3A_172 = arith.cmpi sgt, %min3A_166, %sign3A_171 : vector<16xi32>
    %sign3A_173 = arith.extui %sign3A_172 : vector<16xi1> to vector<16xi32>
    %sign3A_174 = arith.constant 0 : i32
    %sign3A_175 = vector.broadcast %sign3A_174 : i32 to vector<16xi32>
    %sign3A_176 = arith.cmpi slt, %min3A_166, %sign3A_175 : vector<16xi32>
    %sign3A_177 = arith.extui %sign3A_176 : vector<16xi1> to vector<16xi32>
    %sign3A_178 = arith.subi %sign3A_173, %sign3A_177 : vector<16xi32>
    %sign3A_179 = arith.constant 0 : i32
    %sign3A_180 = arith.cmpi sgt, %jit3A_167, %sign3A_179 : i32
    %sign3A_181 = arith.extui %sign3A_180 : i1 to i32
    %sign3A_182 = arith.constant 0 : i32
    %sign3A_183 = arith.cmpi slt, %jit3A_167, %sign3A_182 : i32
    %sign3A_184 = arith.extui %sign3A_183 : i1 to i32
    %sign3A_185 = arith.subi %sign3A_181, %sign3A_184 : i32
    %ne3A_186 = vector.broadcast %sign3A_185 : i32 to vector<16xi32>
    %ne3A_187 = arith.cmpi ne, %sign3A_178, %ne3A_186 : vector<16xi32>
    %rem3A_188 = vector.broadcast %jit3A_167 : i32 to vector<16xi32>
    %rem3A_189 = arith.remsi %min3A_166, %rem3A_188 : vector<16xi32>
    %ne3A_190 = arith.constant 0 : i32
    %ne3A_191 = vector.broadcast %ne3A_190 : i32 to vector<16xi32>
    %ne3A_192 = arith.cmpi ne, %rem3A_189, %ne3A_191 : vector<16xi32>
    %and3A_193 = arith.andi %ne3A_187, %ne3A_192 : vector<16xi1>
    %sub3A_194 = arith.constant 1 : i32
    %sub3A_195 = vector.broadcast %sub3A_194 : i32 to vector<16xi32>
    %sub3A_196 = arith.subi %div3A_169, %sub3A_195 : vector<16xi32>
    %select_n3A_197 = arith.select %and3A_193, %sub3A_196, %div3A_169 : vector<16xi1>, vector<16xi32>
    %mul3A_198 = arith.constant 196 : i32
    %mul3A_199 = vector.broadcast %mul3A_198 : i32 to vector<16xi32>
    %mul3A_200 = arith.muli %select_n3A_197, %mul3A_199 : vector<16xi32>
    %sub3A_201 = arith.subi %min3A_166, %mul3A_200 : vector<16xi32>
    %mul3A_202 = arith.constant 1024 : i32
    %mul3A_203 = vector.broadcast %mul3A_202 : i32 to vector<16xi32>
    %mul3A_204 = arith.muli %select_n3A_197, %mul3A_203 : vector<16xi32>
    %add3A_205 = arith.addi %mul3A_204, %sub3A_201 : vector<16xi32>
    %dma_start3A_206 = arith.constant 0 : i32
    %dma_start3A_207 = arith.constant 0 : i32
    %dma_start3A_208 = tpu.memref_slice %arg3[%dma_start3A_206, %dma_start3A_207] : memref<8192x256xf32, #tpu.memory_space<hbm>> -> memref<8192x256xf32, #tpu.memory_space<hbm>>
    tpu.enqueue_indirect_dma source(%dma_start3A_208 : memref<8192x256xf32, #tpu.memory_space<hbm>>) target(%arg14 : memref<16x256xf32, #tpu.memory_space<vmem>>) offsets(%add3A_205 : vector<16xi32>) semaphore(%arg20 : memref<!tpu.dma_semaphore, #tpu.memory_space<semaphore_mem>>)
    %add3A_209 = arith.constant 0 : i32
    %add3A_210 = arith.addi %mul3A_11, %add3A_209 : i32
    %dma_start3A_211 = arith.constant 0 : i32
    %dma_start3A_212 = arith.constant 0 : i32
    %dma_start3A_213 = arith.constant 0 : i32
    %dma_start3A_214 = tpu.memref_slice %arg6[%dma_start3A_211, %dma_start3A_212, %dma_start3A_213] : memref<2x224x128xf32, #tpu.memory_space<vmem>> -> memref<1x224x128xf32, #tpu.memory_space<vmem>>
    %dma_start3A_215 = tpu.memref_squeeze %dma_start3A_214 : memref<1x224x128xf32, #tpu.memory_space<vmem>> -> memref<224x128xf32, #tpu.memory_space<vmem>>
    %dma_start3A_216 = arith.constant 0 : i32
    %dma_start3A_217 = tpu.memref_slice %arg2[%add3A_210, %dma_start3A_216] : memref<262144x128xf32, #tpu.memory_space<hbm>> -> memref<224x128xf32, #tpu.memory_space<hbm>>
    %dma_start3A_218 = arith.constant 0 : i32
    %dma_start3A_219 = arith.constant 0 : i32
    %dma_start3A_220 = tpu.memref_slice %arg6[%dma_start3A_211, %dma_start3A_218, %dma_start3A_219] : memref<2x224x128xf32, #tpu.memory_space<vmem>> -> memref<1x224x128xf32, #tpu.memory_space<vmem>>
    %dma_start3A_221 = tpu.memref_squeeze %dma_start3A_220 : memref<1x224x128xf32, #tpu.memory_space<vmem>> -> memref<224x128xf32, #tpu.memory_space<vmem>>
    %dma_start3A_222 = arith.constant 0 : i32
    %dma_start3A_223 = tpu.memref_slice %arg2[%add3A_210, %dma_start3A_222] : memref<262144x128xf32, #tpu.memory_space<hbm>> -> memref<224x128xf32, #tpu.memory_space<hbm>>
    tpu.enqueue_dma source(%dma_start3A_223 : memref<224x128xf32, #tpu.memory_space<hbm>>) target(%dma_start3A_221 : memref<224x128xf32, #tpu.memory_space<vmem>>) target_semaphore(%arg18 : memref<!tpu.dma_semaphore, #tpu.memory_space<semaphore_mem>>)
    %scan3A = arith.constant 0 : i32
    %scan3A_224 = arith.constant 0 : i32
    %scan3A_225 = arith.constant 7 : i32
    %scan3A_226 = arith.addi %scan3A_224, %scan3A_225 : i32
    %scan3A_227 = arith.constant 1 : i32
    scf.for %scan3A_311 = %scan3A_224 to %scan3A_226 step %scan3A_227  : i32 {
      %and3A_312 = arith.constant 1 : i32
      %and3A_313 = arith.andi %scan3A_311, %and3A_312 : i32
      %lt3A = arith.constant 6 : i32
      %lt3A_314 = arith.cmpi slt, %scan3A_311, %lt3A : i32
      %convert_element_type3A = arith.extui %lt3A_314 : i1 to i32
      %cond3A = arith.constant 0 : i32
      %cond3A_315 = arith.cmpi ne, %convert_element_type3A, %cond3A : i32
      scf.if %cond3A_315 {
        %add3A_337 = arith.constant 1 : i32
        %add3A_338 = arith.addi %scan3A_311, %add3A_337 : i32
        %sub3A_339 = arith.constant 1 : i32
        %sub3A_340 = arith.subi %sub3A_339, %and3A_313 : i32
        %mul3A_341 = arith.constant 224 : i32
        %mul3A_342 = arith.muli %add3A_338, %mul3A_341 : i32
        %add3A_343 = arith.addi %mul3A_11, %mul3A_342 : i32
        %dma_start3A_344 = arith.constant 0 : i32
        %dma_start3A_345 = arith.constant 0 : i32
        %dma_start3A_346 = tpu.memref_slice %arg6[%sub3A_340, %dma_start3A_344, %dma_start3A_345] : memref<2x224x128xf32, #tpu.memory_space<vmem>> -> memref<1x224x128xf32, #tpu.memory_space<vmem>>
        %dma_start3A_347 = tpu.memref_squeeze %dma_start3A_346 : memref<1x224x128xf32, #tpu.memory_space<vmem>> -> memref<224x128xf32, #tpu.memory_space<vmem>>
        %dma_start3A_348 = arith.constant 0 : i32
        %dma_start3A_349 = tpu.memref_slice %arg2[%add3A_343, %dma_start3A_348] : memref<262144x128xf32, #tpu.memory_space<hbm>> -> memref<224x128xf32, #tpu.memory_space<hbm>>
        %dma_start3A_350 = arith.constant 0 : i32
        %dma_start3A_351 = arith.constant 0 : i32
        %dma_start3A_352 = tpu.memref_slice %arg6[%sub3A_340, %dma_start3A_350, %dma_start3A_351] : memref<2x224x128xf32, #tpu.memory_space<vmem>> -> memref<1x224x128xf32, #tpu.memory_space<vmem>>
        %dma_start3A_353 = tpu.memref_squeeze %dma_start3A_352 : memref<1x224x128xf32, #tpu.memory_space<vmem>> -> memref<224x128xf32, #tpu.memory_space<vmem>>
        %dma_start3A_354 = arith.constant 0 : i32
        %dma_start3A_355 = tpu.memref_slice %arg2[%add3A_343, %dma_start3A_354] : memref<262144x128xf32, #tpu.memory_space<hbm>> -> memref<224x128xf32, #tpu.memory_space<hbm>>
        tpu.enqueue_dma source(%dma_start3A_355 : memref<224x128xf32, #tpu.memory_space<hbm>>) target(%dma_start3A_353 : memref<224x128xf32, #tpu.memory_space<vmem>>) target_semaphore(%arg18 : memref<!tpu.dma_semaphore, #tpu.memory_space<semaphore_mem>>)
      } else {
      }
      %dma_wait3A_316 = arith.constant 0 : i32
      %dma_wait3A_317 = arith.constant 0 : i32
      %dma_wait3A_318 = tpu.memref_slice %arg6[%and3A_313, %dma_wait3A_316, %dma_wait3A_317] : memref<2x224x128xf32, #tpu.memory_space<vmem>> -> memref<1x224x128xf32, #tpu.memory_space<vmem>>
      %dma_wait3A_319 = tpu.memref_squeeze %dma_wait3A_318 : memref<1x224x128xf32, #tpu.memory_space<vmem>> -> memref<224x128xf32, #tpu.memory_space<vmem>>
      %dma_wait3A_320 = arith.constant 0 : i32
      %dma_wait3A_321 = arith.constant 0 : i32
      %dma_wait3A_322 = tpu.memref_slice %arg2[%dma_wait3A_320, %dma_wait3A_321] : memref<262144x128xf32, #tpu.memory_space<hbm>> -> memref<224x128xf32, #tpu.memory_space<hbm>>
      %dma_wait3A_323 = arith.constant 0 : i32
      %dma_wait3A_324 = arith.constant 0 : i32
      %dma_wait3A_325 = tpu.memref_slice %arg6[%and3A_313, %dma_wait3A_323, %dma_wait3A_324] : memref<2x224x128xf32, #tpu.memory_space<vmem>> -> memref<1x224x128xf32, #tpu.memory_space<vmem>>
      %dma_wait3A_326 = tpu.memref_squeeze %dma_wait3A_325 : memref<1x224x128xf32, #tpu.memory_space<vmem>> -> memref<224x128xf32, #tpu.memory_space<vmem>>
      %dma_wait3A_327 = arith.constant 0 : i32
      %dma_wait3A_328 = arith.constant 0 : i32
      %dma_wait3A_329 = tpu.memref_slice %arg2[%dma_wait3A_327, %dma_wait3A_328] : memref<262144x128xf32, #tpu.memory_space<hbm>> -> memref<224x128xf32, #tpu.memory_space<hbm>>
      tpu.wait_dma2 semaphore(%arg18 : memref<!tpu.dma_semaphore, #tpu.memory_space<semaphore_mem>>) src(%dma_wait3A_329 : memref<224x128xf32, #tpu.memory_space<hbm>>) dst(%dma_wait3A_326 : memref<224x128xf32, #tpu.memory_space<vmem>>)
      %broadcast_in_dim3A_330 = vector.broadcast %and3A_313 : i32 to vector<16xi32>
      %scan3A_331 = arith.constant 0 : i32
      %scan3A_332 = arith.constant 0 : i32
      %scan3A_333 = arith.constant 7 : i32
      %scan3A_334 = arith.addi %scan3A_332, %scan3A_333 : i32
      %scan3A_335 = arith.constant 1 : i32
      scf.for %scan3A_337 = %scan3A_332 to %scan3A_334 step %scan3A_335  : i32 {
        %mul3A_338 = arith.constant 32 : i32
        %mul3A_339 = arith.muli %scan3A_337, %mul3A_338 : i32
        %add3A_340 = arith.constant 64 : i32
        %add3A_341 = vector.broadcast %add3A_340 : i32 to vector<16xi32>
        %add3A_342 = arith.addi %add3A_341, %iota3A : vector<16xi32>
        %add3A_343 = arith.constant 4 : i32
        %add3A_344 = arith.addi %mul3A_339, %add3A_343 : i32
        %add3A_345 = arith.constant 0 : i32
        %add3A_346 = arith.addi %add3A_344, %add3A_345 : i32
        %broadcast_in_dim3A_347 = vector.broadcast %add3A_346 : i32 to vector<16xi32>
        %gather3A = tpu.vector_load_idx %arg6[%broadcast_in_dim3A_330, %broadcast_in_dim3A_347, %add3A_342] : memref<2x224x128xf32, #tpu.memory_space<vmem>>[vector<16xi32>, vector<16xi32>, vector<16xi32>], vector<16xf32>,
        %add3A_348 = arith.constant 4 : i32
        %add3A_349 = arith.addi %mul3A_339, %add3A_348 : i32
        %add3A_350 = arith.constant 1 : i32
        %add3A_351 = arith.addi %add3A_349, %add3A_350 : i32
        %broadcast_in_dim3A_352 = vector.broadcast %add3A_351 : i32 to vector<16xi32>
        %gather3A_353 = tpu.vector_load_idx %arg6[%broadcast_in_dim3A_330, %broadcast_in_dim3A_352, %add3A_342] : memref<2x224x128xf32, #tpu.memory_space<vmem>>[vector<16xi32>, vector<16xi32>, vector<16xi32>], vector<16xf32>,
        %add3A_354 = arith.constant 4 : i32
        %add3A_355 = arith.addi %mul3A_339, %add3A_354 : i32
        %add3A_356 = arith.constant 2 : i32
        %add3A_357 = arith.addi %add3A_355, %add3A_356 : i32
        %broadcast_in_dim3A_358 = vector.broadcast %add3A_357 : i32 to vector<16xi32>
        %gather3A_359 = tpu.vector_load_idx %arg6[%broadcast_in_dim3A_330, %broadcast_in_dim3A_358, %add3A_342] : memref<2x224x128xf32, #tpu.memory_space<vmem>>[vector<16xi32>, vector<16xi32>, vector<16xi32>], vector<16xf32>,
        %add3A_360 = arith.constant 4 : i32
        %add3A_361 = arith.addi %mul3A_339, %add3A_360 : i32
        %add3A_362 = arith.constant 3 : i32
        %add3A_363 = arith.addi %add3A_361, %add3A_362 : i32
        %broadcast_in_dim3A_364 = vector.broadcast %add3A_363 : i32 to vector<16xi32>
        %gather3A_365 = tpu.vector_load_idx %arg6[%broadcast_in_dim3A_330, %broadcast_in_dim3A_364, %add3A_342] : memref<2x224x128xf32, #tpu.memory_space<vmem>>[vector<16xi32>, vector<16xi32>, vector<16xi32>], vector<16xf32>,
        %mul3A_366 = arith.mulf %gather3A, %gather3A : vector<16xf32>
        %mul3A_367 = arith.mulf %gather3A_353, %gather3A_353 : vector<16xf32>
        %add3A_368 = arith.addf %mul3A_366, %mul3A_367 : vector<16xf32>
        %mul3A_369 = arith.mulf %gather3A_359, %gather3A_359 : vector<16xf32>
        %add3A_370 = arith.addf %add3A_368, %mul3A_369 : vector<16xf32>
        %mul3A_371 = arith.mulf %gather3A_365, %gather3A_365 : vector<16xf32>
        %add3A_372 = arith.addf %add3A_370, %mul3A_371 : vector<16xf32>
        %broadcast_in_dim3A_373 = arith.constant 192 : i32
        %broadcast_in_dim3A_374 = vector.broadcast %broadcast_in_dim3A_373 : i32 to vector<16xi32>
        %ge3A = arith.constant 4 : i32
        %ge3A_375 = vector.broadcast %ge3A : i32 to vector<16xi32>
        %ge3A_376 = arith.cmpi sge, %iota3A, %ge3A_375 : vector<16xi32>
        %jit3A_377 = arith.constant 3.000000e+38 : f32
        %broadcast_in_dim3A_378 = vector.broadcast %jit3A_377 : f32 to vector<16xf32>
        %select_n3A_379 = arith.select %ge3A_376, %add3A_372, %broadcast_in_dim3A_378 : vector<16xi1>, vector<16xf32>
        %add3A_380 = arith.constant 80 : i32
        %add3A_381 = vector.broadcast %add3A_380 : i32 to vector<16xi32>
        %add3A_382 = arith.addi %add3A_381, %iota3A : vector<16xi32>
        %add3A_383 = arith.constant 4 : i32
        %add3A_384 = arith.addi %mul3A_339, %add3A_383 : i32
        %add3A_385 = arith.constant 0 : i32
        %add3A_386 = arith.addi %add3A_384, %add3A_385 : i32
        %broadcast_in_dim3A_387 = vector.broadcast %add3A_386 : i32 to vector<16xi32>
        %gather3A_388 = tpu.vector_load_idx %arg6[%broadcast_in_dim3A_330, %broadcast_in_dim3A_387, %add3A_382] : memref<2x224x128xf32, #tpu.memory_space<vmem>>[vector<16xi32>, vector<16xi32>, vector<16xi32>], vector<16xf32>,
        %add3A_389 = arith.constant 4 : i32
        %add3A_390 = arith.addi %mul3A_339, %add3A_389 : i32
        %add3A_391 = arith.constant 1 : i32
        %add3A_392 = arith.addi %add3A_390, %add3A_391 : i32
        %broadcast_in_dim3A_393 = vector.broadcast %add3A_392 : i32 to vector<16xi32>
        %gather3A_394 = tpu.vector_load_idx %arg6[%broadcast_in_dim3A_330, %broadcast_in_dim3A_393, %add3A_382] : memref<2x224x128xf32, #tpu.memory_space<vmem>>[vector<16xi32>, vector<16xi32>, vector<16xi32>], vector<16xf32>,
        %add3A_395 = arith.constant 4 : i32
        %add3A_396 = arith.addi %mul3A_339, %add3A_395 : i32
        %add3A_397 = arith.constant 2 : i32
        %add3A_398 = arith.addi %add3A_396, %add3A_397 : i32
        %broadcast_in_dim3A_399 = vector.broadcast %add3A_398 : i32 to vector<16xi32>
        %gather3A_400 = tpu.vector_load_idx %arg6[%broadcast_in_dim3A_330, %broadcast_in_dim3A_399, %add3A_382] : memref<2x224x128xf32, #tpu.memory_space<vmem>>[vector<16xi32>, vector<16xi32>, vector<16xi32>], vector<16xf32>,
        %add3A_401 = arith.constant 4 : i32
        %add3A_402 = arith.addi %mul3A_339, %add3A_401 : i32
        %add3A_403 = arith.constant 3 : i32
        %add3A_404 = arith.addi %add3A_402, %add3A_403 : i32
        %broadcast_in_dim3A_405 = vector.broadcast %add3A_404 : i32 to vector<16xi32>
        %gather3A_406 = tpu.vector_load_idx %arg6[%broadcast_in_dim3A_330, %broadcast_in_dim3A_405, %add3A_382] : memref<2x224x128xf32, #tpu.memory_space<vmem>>[vector<16xi32>, vector<16xi32>, vector<16xi32>], vector<16xf32>,
        %mul3A_407 = arith.mulf %gather3A_388, %gather3A_388 : vector<16xf32>
        %mul3A_408 = arith.mulf %gather3A_394, %gather3A_394 : vector<16xf32>
        %add3A_409 = arith.addf %mul3A_407, %mul3A_408 : vector<16xf32>
        %mul3A_410 = arith.mulf %gather3A_400, %gather3A_400 : vector<16xf32>
        %add3A_411 = arith.addf %add3A_409, %mul3A_410 : vector<16xf32>
        %mul3A_412 = arith.mulf %gather3A_406, %gather3A_406 : vector<16xf32>
        %add3A_413 = arith.addf %add3A_411, %mul3A_412 : vector<16xf32>
        %broadcast_in_dim3A_414 = arith.constant 208 : i32
        %broadcast_in_dim3A_415 = vector.broadcast %broadcast_in_dim3A_414 : i32 to vector<16xi32>
        %lt3A_416 = arith.cmpf olt, %add3A_413, %select_n3A_379 : vector<16xf32>
        %select_n3A_417 = arith.select %lt3A_416, %add3A_413, %select_n3A_379 : vector<16xi1>, vector<16xf32>
        %select_n3A_418 = arith.select %lt3A_416, %broadcast_in_dim3A_415, %broadcast_in_dim3A_374 : vector<16xi1>, vector<16xi32>
        %add3A_419 = arith.constant 96 : i32
        %add3A_420 = vector.broadcast %add3A_419 : i32 to vector<16xi32>
        %add3A_421 = arith.addi %add3A_420, %iota3A : vector<16xi32>
        %add3A_422 = arith.constant 4 : i32
        %add3A_423 = arith.addi %mul3A_339, %add3A_422 : i32
        %add3A_424 = arith.constant 0 : i32
        %add3A_425 = arith.addi %add3A_423, %add3A_424 : i32
        %broadcast_in_dim3A_426 = vector.broadcast %add3A_425 : i32 to vector<16xi32>
        %gather3A_427 = tpu.vector_load_idx %arg6[%broadcast_in_dim3A_330, %broadcast_in_dim3A_426, %add3A_421] : memref<2x224x128xf32, #tpu.memory_space<vmem>>[vector<16xi32>, vector<16xi32>, vector<16xi32>], vector<16xf32>,
        %add3A_428 = arith.constant 4 : i32
        %add3A_429 = arith.addi %mul3A_339, %add3A_428 : i32
        %add3A_430 = arith.constant 1 : i32
        %add3A_431 = arith.addi %add3A_429, %add3A_430 : i32
        %broadcast_in_dim3A_432 = vector.broadcast %add3A_431 : i32 to vector<16xi32>
        %gather3A_433 = tpu.vector_load_idx %arg6[%broadcast_in_dim3A_330, %broadcast_in_dim3A_432, %add3A_421] : memref<2x224x128xf32, #tpu.memory_space<vmem>>[vector<16xi32>, vector<16xi32>, vector<16xi32>], vector<16xf32>,
        %add3A_434 = arith.constant 4 : i32
        %add3A_435 = arith.addi %mul3A_339, %add3A_434 : i32
        %add3A_436 = arith.constant 2 : i32
        %add3A_437 = arith.addi %add3A_435, %add3A_436 : i32
        %broadcast_in_dim3A_438 = vector.broadcast %add3A_437 : i32 to vector<16xi32>
        %gather3A_439 = tpu.vector_load_idx %arg6[%broadcast_in_dim3A_330, %broadcast_in_dim3A_438, %add3A_421] : memref<2x224x128xf32, #tpu.memory_space<vmem>>[vector<16xi32>, vector<16xi32>, vector<16xi32>], vector<16xf32>,
        %add3A_440 = arith.constant 4 : i32
        %add3A_441 = arith.addi %mul3A_339, %add3A_440 : i32
        %add3A_442 = arith.constant 3 : i32
        %add3A_443 = arith.addi %add3A_441, %add3A_442 : i32
        %broadcast_in_dim3A_444 = vector.broadcast %add3A_443 : i32 to vector<16xi32>
        %gather3A_445 = tpu.vector_load_idx %arg6[%broadcast_in_dim3A_330, %broadcast_in_dim3A_444, %add3A_421] : memref<2x224x128xf32, #tpu.memory_space<vmem>>[vector<16xi32>, vector<16xi32>, vector<16xi32>], vector<16xf32>,
        %mul3A_446 = arith.mulf %gather3A_427, %gather3A_427 : vector<16xf32>
        %mul3A_447 = arith.mulf %gather3A_433, %gather3A_433 : vector<16xf32>
        %add3A_448 = arith.addf %mul3A_446, %mul3A_447 : vector<16xf32>
        %mul3A_449 = arith.mulf %gather3A_439, %gather3A_439 : vector<16xf32>
        %add3A_450 = arith.addf %add3A_448, %mul3A_449 : vector<16xf32>
        %mul3A_451 = arith.mulf %gather3A_445, %gather3A_445 : vector<16xf32>
        %add3A_452 = arith.addf %add3A_450, %mul3A_451 : vector<16xf32>
        %broadcast_in_dim3A_453 = arith.constant 224 : i32
        %broadcast_in_dim3A_454 = vector.broadcast %broadcast_in_dim3A_453 : i32 to vector<16xi32>
        %lt3A_455 = arith.cmpf olt, %add3A_452, %select_n3A_417 : vector<16xf32>
        %select_n3A_456 = arith.select %lt3A_455, %add3A_452, %select_n3A_417 : vector<16xi1>, vector<16xf32>
        %select_n3A_457 = arith.select %lt3A_455, %broadcast_in_dim3A_454, %select_n3A_418 : vector<16xi1>, vector<16xi32>
        %add3A_458 = arith.constant 112 : i32
        %add3A_459 = vector.broadcast %add3A_458 : i32 to vector<16xi32>
        %add3A_460 = arith.addi %add3A_459, %iota3A : vector<16xi32>
        %add3A_461 = arith.constant 4 : i32
        %add3A_462 = arith.addi %mul3A_339, %add3A_461 : i32
        %add3A_463 = arith.constant 0 : i32
        %add3A_464 = arith.addi %add3A_462, %add3A_463 : i32
        %broadcast_in_dim3A_465 = vector.broadcast %add3A_464 : i32 to vector<16xi32>
        %gather3A_466 = tpu.vector_load_idx %arg6[%broadcast_in_dim3A_330, %broadcast_in_dim3A_465, %add3A_460] : memref<2x224x128xf32, #tpu.memory_space<vmem>>[vector<16xi32>, vector<16xi32>, vector<16xi32>], vector<16xf32>,
        %add3A_467 = arith.constant 4 : i32
        %add3A_468 = arith.addi %mul3A_339, %add3A_467 : i32
        %add3A_469 = arith.constant 1 : i32
        %add3A_470 = arith.addi %add3A_468, %add3A_469 : i32
        %broadcast_in_dim3A_471 = vector.broadcast %add3A_470 : i32 to vector<16xi32>
        %gather3A_472 = tpu.vector_load_idx %arg6[%broadcast_in_dim3A_330, %broadcast_in_dim3A_471, %add3A_460] : memref<2x224x128xf32, #tpu.memory_space<vmem>>[vector<16xi32>, vector<16xi32>, vector<16xi32>], vector<16xf32>,
        %add3A_473 = arith.constant 4 : i32
        %add3A_474 = arith.addi %mul3A_339, %add3A_473 : i32
        %add3A_475 = arith.constant 2 : i32
        %add3A_476 = arith.addi %add3A_474, %add3A_475 : i32
        %broadcast_in_dim3A_477 = vector.broadcast %add3A_476 : i32 to vector<16xi32>
        %gather3A_478 = tpu.vector_load_idx %arg6[%broadcast_in_dim3A_330, %broadcast_in_dim3A_477, %add3A_460] : memref<2x224x128xf32, #tpu.memory_space<vmem>>[vector<16xi32>, vector<16xi32>, vector<16xi32>], vector<16xf32>,
        %add3A_479 = arith.constant 4 : i32
        %add3A_480 = arith.addi %mul3A_339, %add3A_479 : i32
        %add3A_481 = arith.constant 3 : i32
        %add3A_482 = arith.addi %add3A_480, %add3A_481 : i32
        %broadcast_in_dim3A_483 = vector.broadcast %add3A_482 : i32 to vector<16xi32>
        %gather3A_484 = tpu.vector_load_idx %arg6[%broadcast_in_dim3A_330, %broadcast_in_dim3A_483, %add3A_460] : memref<2x224x128xf32, #tpu.memory_space<vmem>>[vector<16xi32>, vector<16xi32>, vector<16xi32>], vector<16xf32>,
        %mul3A_485 = arith.mulf %gather3A_466, %gather3A_466 : vector<16xf32>
        %mul3A_486 = arith.mulf %gather3A_472, %gather3A_472 : vector<16xf32>
        %add3A_487 = arith.addf %mul3A_485, %mul3A_486 : vector<16xf32>
        %mul3A_488 = arith.mulf %gather3A_478, %gather3A_478 : vector<16xf32>
        %add3A_489 = arith.addf %add3A_487, %mul3A_488 : vector<16xf32>
        %mul3A_490 = arith.mulf %gather3A_484, %gather3A_484 : vector<16xf32>
        %add3A_491 = arith.addf %add3A_489, %mul3A_490 : vector<16xf32>
        %broadcast_in_dim3A_492 = arith.constant 240 : i32
        %broadcast_in_dim3A_493 = vector.broadcast %broadcast_in_dim3A_492 : i32 to vector<16xi32>
        %lt3A_494 = arith.cmpf olt, %add3A_491, %select_n3A_456 : vector<16xf32>
        %select_n3A_495 = arith.select %lt3A_494, %add3A_491, %select_n3A_456 : vector<16xi1>, vector<16xf32>
        %select_n3A_496 = arith.select %lt3A_494, %broadcast_in_dim3A_493, %select_n3A_457 : vector<16xi1>, vector<16xi32>
        %add3A_497 = arith.constant 0 : i32
        %add3A_498 = vector.broadcast %add3A_497 : i32 to vector<16xi32>
        %add3A_499 = arith.addi %add3A_498, %iota3A : vector<16xi32>
        %add3A_500 = arith.constant 8 : i32
        %add3A_501 = arith.addi %mul3A_339, %add3A_500 : i32
        %add3A_502 = arith.constant 0 : i32
        %add3A_503 = arith.addi %add3A_501, %add3A_502 : i32
        %broadcast_in_dim3A_504 = vector.broadcast %add3A_503 : i32 to vector<16xi32>
        %gather3A_505 = tpu.vector_load_idx %arg6[%broadcast_in_dim3A_330, %broadcast_in_dim3A_504, %add3A_499] : memref<2x224x128xf32, #tpu.memory_space<vmem>>[vector<16xi32>, vector<16xi32>, vector<16xi32>], vector<16xf32>,
        %add3A_506 = arith.constant 8 : i32
        %add3A_507 = arith.addi %mul3A_339, %add3A_506 : i32
        %add3A_508 = arith.constant 1 : i32
        %add3A_509 = arith.addi %add3A_507, %add3A_508 : i32
        %broadcast_in_dim3A_510 = vector.broadcast %add3A_509 : i32 to vector<16xi32>
        %gather3A_511 = tpu.vector_load_idx %arg6[%broadcast_in_dim3A_330, %broadcast_in_dim3A_510, %add3A_499] : memref<2x224x128xf32, #tpu.memory_space<vmem>>[vector<16xi32>, vector<16xi32>, vector<16xi32>], vector<16xf32>,
        %add3A_512 = arith.constant 8 : i32
        %add3A_513 = arith.addi %mul3A_339, %add3A_512 : i32
        %add3A_514 = arith.constant 2 : i32
        %add3A_515 = arith.addi %add3A_513, %add3A_514 : i32
        %broadcast_in_dim3A_516 = vector.broadcast %add3A_515 : i32 to vector<16xi32>
        %gather3A_517 = tpu.vector_load_idx %arg6[%broadcast_in_dim3A_330, %broadcast_in_dim3A_516, %add3A_499] : memref<2x224x128xf32, #tpu.memory_space<vmem>>[vector<16xi32>, vector<16xi32>, vector<16xi32>], vector<16xf32>,
        %add3A_518 = arith.constant 8 : i32
        %add3A_519 = arith.addi %mul3A_339, %add3A_518 : i32
        %add3A_520 = arith.constant 3 : i32
        %add3A_521 = arith.addi %add3A_519, %add3A_520 : i32
        %broadcast_in_dim3A_522 = vector.broadcast %add3A_521 : i32 to vector<16xi32>
        %gather3A_523 = tpu.vector_load_idx %arg6[%broadcast_in_dim3A_330, %broadcast_in_dim3A_522, %add3A_499] : memref<2x224x128xf32, #tpu.memory_space<vmem>>[vector<16xi32>, vector<16xi32>, vector<16xi32>], vector<16xf32>,
        %mul3A_524 = arith.mulf %gather3A_505, %gather3A_505 : vector<16xf32>
        %mul3A_525 = arith.mulf %gather3A_511, %gather3A_511 : vector<16xf32>
        %add3A_526 = arith.addf %mul3A_524, %mul3A_525 : vector<16xf32>
        %mul3A_527 = arith.mulf %gather3A_517, %gather3A_517 : vector<16xf32>
        %add3A_528 = arith.addf %add3A_526, %mul3A_527 : vector<16xf32>
        %mul3A_529 = arith.mulf %gather3A_523, %gather3A_523 : vector<16xf32>
        %add3A_530 = arith.addf %add3A_528, %mul3A_529 : vector<16xf32>
        %broadcast_in_dim3A_531 = arith.constant 256 : i32
        %broadcast_in_dim3A_532 = vector.broadcast %broadcast_in_dim3A_531 : i32 to vector<16xi32>
        %lt3A_533 = arith.cmpf olt, %add3A_530, %select_n3A_495 : vector<16xf32>
        %select_n3A_534 = arith.select %lt3A_533, %add3A_530, %select_n3A_495 : vector<16xi1>, vector<16xf32>
        %select_n3A_535 = arith.select %lt3A_533, %broadcast_in_dim3A_532, %select_n3A_496 : vector<16xi1>, vector<16xi32>
        %add3A_536 = arith.constant 16 : i32
        %add3A_537 = vector.broadcast %add3A_536 : i32 to vector<16xi32>
        %add3A_538 = arith.addi %add3A_537, %iota3A : vector<16xi32>
        %add3A_539 = arith.constant 8 : i32
        %add3A_540 = arith.addi %mul3A_339, %add3A_539 : i32
        %add3A_541 = arith.constant 0 : i32
        %add3A_542 = arith.addi %add3A_540, %add3A_541 : i32
        %broadcast_in_dim3A_543 = vector.broadcast %add3A_542 : i32 to vector<16xi32>
        %gather3A_544 = tpu.vector_load_idx %arg6[%broadcast_in_dim3A_330, %broadcast_in_dim3A_543, %add3A_538] : memref<2x224x128xf32, #tpu.memory_space<vmem>>[vector<16xi32>, vector<16xi32>, vector<16xi32>], vector<16xf32>,
        %add3A_545 = arith.constant 8 : i32
        %add3A_546 = arith.addi %mul3A_339, %add3A_545 : i32
        %add3A_547 = arith.constant 1 : i32
        %add3A_548 = arith.addi %add3A_546, %add3A_547 : i32
        %broadcast_in_dim3A_549 = vector.broadcast %add3A_548 : i32 to vector<16xi32>
        %gather3A_550 = tpu.vector_load_idx %arg6[%broadcast_in_dim3A_330, %broadcast_in_dim3A_549, %add3A_538] : memref<2x224x128xf32, #tpu.memory_space<vmem>>[vector<16xi32>, vector<16xi32>, vector<16xi32>], vector<16xf32>,
        %add3A_551 = arith.constant 8 : i32
        %add3A_552 = arith.addi %mul3A_339, %add3A_551 : i32
        %add3A_553 = arith.constant 2 : i32
        %add3A_554 = arith.addi %add3A_552, %add3A_553 : i32
        %broadcast_in_dim3A_555 = vector.broadcast %add3A_554 : i32 to vector<16xi32>
        %gather3A_556 = tpu.vector_load_idx %arg6[%broadcast_in_dim3A_330, %broadcast_in_dim3A_555, %add3A_538] : memref<2x224x128xf32, #tpu.memory_space<vmem>>[vector<16xi32>, vector<16xi32>, vector<16xi32>], vector<16xf32>,
        %add3A_557 = arith.constant 8 : i32
        %add3A_558 = arith.addi %mul3A_339, %add3A_557 : i32
        %add3A_559 = arith.constant 3 : i32
        %add3A_560 = arith.addi %add3A_558, %add3A_559 : i32
        %broadcast_in_dim3A_561 = vector.broadcast %add3A_560 : i32 to vector<16xi32>
        %gather3A_562 = tpu.vector_load_idx %arg6[%broadcast_in_dim3A_330, %broadcast_in_dim3A_561, %add3A_538] : memref<2x224x128xf32, #tpu.memory_space<vmem>>[vector<16xi32>, vector<16xi32>, vector<16xi32>], vector<16xf32>,
        %mul3A_563 = arith.mulf %gather3A_544, %gather3A_544 : vector<16xf32>
        %mul3A_564 = arith.mulf %gather3A_550, %gather3A_550 : vector<16xf32>
        %add3A_565 = arith.addf %mul3A_563, %mul3A_564 : vector<16xf32>
        %mul3A_566 = arith.mulf %gather3A_556, %gather3A_556 : vector<16xf32>
        %add3A_567 = arith.addf %add3A_565, %mul3A_566 : vector<16xf32>
        %mul3A_568 = arith.mulf %gather3A_562, %gather3A_562 : vector<16xf32>
        %add3A_569 = arith.addf %add3A_567, %mul3A_568 : vector<16xf32>
        %broadcast_in_dim3A_570 = arith.constant 272 : i32
        %broadcast_in_dim3A_571 = vector.broadcast %broadcast_in_dim3A_570 : i32 to vector<16xi32>
        %lt3A_572 = arith.cmpf olt, %add3A_569, %select_n3A_534 : vector<16xf32>
        %select_n3A_573 = arith.select %lt3A_572, %add3A_569, %select_n3A_534 : vector<16xi1>, vector<16xf32>
        %select_n3A_574 = arith.select %lt3A_572, %broadcast_in_dim3A_571, %select_n3A_535 : vector<16xi1>, vector<16xi32>
        %add3A_575 = arith.constant 32 : i32
        %add3A_576 = vector.broadcast %add3A_575 : i32 to vector<16xi32>
        %add3A_577 = arith.addi %add3A_576, %iota3A : vector<16xi32>
        %add3A_578 = arith.constant 8 : i32
        %add3A_579 = arith.addi %mul3A_339, %add3A_578 : i32
        %add3A_580 = arith.constant 0 : i32
        %add3A_581 = arith.addi %add3A_579, %add3A_580 : i32
        %broadcast_in_dim3A_582 = vector.broadcast %add3A_581 : i32 to vector<16xi32>
        %gather3A_583 = tpu.vector_load_idx %arg6[%broadcast_in_dim3A_330, %broadcast_in_dim3A_582, %add3A_577] : memref<2x224x128xf32, #tpu.memory_space<vmem>>[vector<16xi32>, vector<16xi32>, vector<16xi32>], vector<16xf32>,
        %add3A_584 = arith.constant 8 : i32
        %add3A_585 = arith.addi %mul3A_339, %add3A_584 : i32
        %add3A_586 = arith.constant 1 : i32
        %add3A_587 = arith.addi %add3A_585, %add3A_586 : i32
        %broadcast_in_dim3A_588 = vector.broadcast %add3A_587 : i32 to vector<16xi32>
        %gather3A_589 = tpu.vector_load_idx %arg6[%broadcast_in_dim3A_330, %broadcast_in_dim3A_588, %add3A_577] : memref<2x224x128xf32, #tpu.memory_space<vmem>>[vector<16xi32>, vector<16xi32>, vector<16xi32>], vector<16xf32>,
        %add3A_590 = arith.constant 8 : i32
        %add3A_591 = arith.addi %mul3A_339, %add3A_590 : i32
        %add3A_592 = arith.constant 2 : i32
        %add3A_593 = arith.addi %add3A_591, %add3A_592 : i32
        %broadcast_in_dim3A_594 = vector.broadcast %add3A_593 : i32 to vector<16xi32>
        %gather3A_595 = tpu.vector_load_idx %arg6[%broadcast_in_dim3A_330, %broadcast_in_dim3A_594, %add3A_577] : memref<2x224x128xf32, #tpu.memory_space<vmem>>[vector<16xi32>, vector<16xi32>, vector<16xi32>], vector<16xf32>,
        %add3A_596 = arith.constant 8 : i32
        %add3A_597 = arith.addi %mul3A_339, %add3A_596 : i32
        %add3A_598 = arith.constant 3 : i32
        %add3A_599 = arith.addi %add3A_597, %add3A_598 : i32
        %broadcast_in_dim3A_600 = vector.broadcast %add3A_599 : i32 to vector<16xi32>
        %gather3A_601 = tpu.vector_load_idx %arg6[%broadcast_in_dim3A_330, %broadcast_in_dim3A_600, %add3A_577] : memref<2x224x128xf32, #tpu.memory_space<vmem>>[vector<16xi32>, vector<16xi32>, vector<16xi32>], vector<16xf32>,
        %mul3A_602 = arith.mulf %gather3A_583, %gather3A_583 : vector<16xf32>
        %mul3A_603 = arith.mulf %gather3A_589, %gather3A_589 : vector<16xf32>
        %add3A_604 = arith.addf %mul3A_602, %mul3A_603 : vector<16xf32>
        %mul3A_605 = arith.mulf %gather3A_595, %gather3A_595 : vector<16xf32>
        %add3A_606 = arith.addf %add3A_604, %mul3A_605 : vector<16xf32>
        %mul3A_607 = arith.mulf %gather3A_601, %gather3A_601 : vector<16xf32>
        %add3A_608 = arith.addf %add3A_606, %mul3A_607 : vector<16xf32>
        %broadcast_in_dim3A_609 = arith.constant 288 : i32
        %broadcast_in_dim3A_610 = vector.broadcast %broadcast_in_dim3A_609 : i32 to vector<16xi32>
        %lt3A_611 = arith.cmpf olt, %add3A_608, %select_n3A_573 : vector<16xf32>
        %select_n3A_612 = arith.select %lt3A_611, %add3A_608, %select_n3A_573 : vector<16xi1>, vector<16xf32>
        %select_n3A_613 = arith.select %lt3A_611, %broadcast_in_dim3A_610, %select_n3A_574 : vector<16xi1>, vector<16xi32>
        %add3A_614 = arith.constant 48 : i32
        %add3A_615 = vector.broadcast %add3A_614 : i32 to vector<16xi32>
        %add3A_616 = arith.addi %add3A_615, %iota3A : vector<16xi32>
        %add3A_617 = arith.constant 8 : i32
        %add3A_618 = arith.addi %mul3A_339, %add3A_617 : i32
        %add3A_619 = arith.constant 0 : i32
        %add3A_620 = arith.addi %add3A_618, %add3A_619 : i32
        %broadcast_in_dim3A_621 = vector.broadcast %add3A_620 : i32 to vector<16xi32>
        %gather3A_622 = tpu.vector_load_idx %arg6[%broadcast_in_dim3A_330, %broadcast_in_dim3A_621, %add3A_616] : memref<2x224x128xf32, #tpu.memory_space<vmem>>[vector<16xi32>, vector<16xi32>, vector<16xi32>], vector<16xf32>,
        %add3A_623 = arith.constant 8 : i32
        %add3A_624 = arith.addi %mul3A_339, %add3A_623 : i32
        %add3A_625 = arith.constant 1 : i32
        %add3A_626 = arith.addi %add3A_624, %add3A_625 : i32
        %broadcast_in_dim3A_627 = vector.broadcast %add3A_626 : i32 to vector<16xi32>
        %gather3A_628 = tpu.vector_load_idx %arg6[%broadcast_in_dim3A_330, %broadcast_in_dim3A_627, %add3A_616] : memref<2x224x128xf32, #tpu.memory_space<vmem>>[vector<16xi32>, vector<16xi32>, vector<16xi32>], vector<16xf32>,
        %add3A_629 = arith.constant 8 : i32
        %add3A_630 = arith.addi %mul3A_339, %add3A_629 : i32
        %add3A_631 = arith.constant 2 : i32
        %add3A_632 = arith.addi %add3A_630, %add3A_631 : i32
        %broadcast_in_dim3A_633 = vector.broadcast %add3A_632 : i32 to vector<16xi32>
        %gather3A_634 = tpu.vector_load_idx %arg6[%broadcast_in_dim3A_330, %broadcast_in_dim3A_633, %add3A_616] : memref<2x224x128xf32, #tpu.memory_space<vmem>>[vector<16xi32>, vector<16xi32>, vector<16xi32>], vector<16xf32>,
        %add3A_635 = arith.constant 8 : i32
        %add3A_636 = arith.addi %mul3A_339, %add3A_635 : i32
        %add3A_637 = arith.constant 3 : i32
        %add3A_638 = arith.addi %add3A_636, %add3A_637 : i32
        %broadcast_in_dim3A_639 = vector.broadcast %add3A_638 : i32 to vector<16xi32>
        %gather3A_640 = tpu.vector_load_idx %arg6[%broadcast_in_dim3A_330, %broadcast_in_dim3A_639, %add3A_616] : memref<2x224x128xf32, #tpu.memory_space<vmem>>[vector<16xi32>, vector<16xi32>, vector<16xi32>], vector<16xf32>,
        %mul3A_641 = arith.mulf %gather3A_622, %gather3A_622 : vector<16xf32>
        %mul3A_642 = arith.mulf %gather3A_628, %gather3A_628 : vector<16xf32>
        %add3A_643 = arith.addf %mul3A_641, %mul3A_642 : vector<16xf32>
        %mul3A_644 = arith.mulf %gather3A_634, %gather3A_634 : vector<16xf32>
        %add3A_645 = arith.addf %add3A_643, %mul3A_644 : vector<16xf32>
        %mul3A_646 = arith.mulf %gather3A_640, %gather3A_640 : vector<16xf32>
        %add3A_647 = arith.addf %add3A_645, %mul3A_646 : vector<16xf32>
        %broadcast_in_dim3A_648 = arith.constant 304 : i32
        %broadcast_in_dim3A_649 = vector.broadcast %broadcast_in_dim3A_648 : i32 to vector<16xi32>
        %lt3A_650 = arith.cmpf olt, %add3A_647, %select_n3A_612 : vector<16xf32>
        %select_n3A_651 = arith.select %lt3A_650, %add3A_647, %select_n3A_612 : vector<16xi1>, vector<16xf32>
        %select_n3A_652 = arith.select %lt3A_650, %broadcast_in_dim3A_649, %select_n3A_613 : vector<16xi1>, vector<16xi32>
        %add3A_653 = arith.constant 64 : i32
        %add3A_654 = vector.broadcast %add3A_653 : i32 to vector<16xi32>
        %add3A_655 = arith.addi %add3A_654, %iota3A : vector<16xi32>
        %add3A_656 = arith.constant 8 : i32
        %add3A_657 = arith.addi %mul3A_339, %add3A_656 : i32
        %add3A_658 = arith.constant 0 : i32
        %add3A_659 = arith.addi %add3A_657, %add3A_658 : i32
        %broadcast_in_dim3A_660 = vector.broadcast %add3A_659 : i32 to vector<16xi32>
        %gather3A_661 = tpu.vector_load_idx %arg6[%broadcast_in_dim3A_330, %broadcast_in_dim3A_660, %add3A_655] : memref<2x224x128xf32, #tpu.memory_space<vmem>>[vector<16xi32>, vector<16xi32>, vector<16xi32>], vector<16xf32>,
        %add3A_662 = arith.constant 8 : i32
        %add3A_663 = arith.addi %mul3A_339, %add3A_662 : i32
        %add3A_664 = arith.constant 1 : i32
        %add3A_665 = arith.addi %add3A_663, %add3A_664 : i32
        %broadcast_in_dim3A_666 = vector.broadcast %add3A_665 : i32 to vector<16xi32>
        %gather3A_667 = tpu.vector_load_idx %arg6[%broadcast_in_dim3A_330, %broadcast_in_dim3A_666, %add3A_655] : memref<2x224x128xf32, #tpu.memory_space<vmem>>[vector<16xi32>, vector<16xi32>, vector<16xi32>], vector<16xf32>,
        %add3A_668 = arith.constant 8 : i32
        %add3A_669 = arith.addi %mul3A_339, %add3A_668 : i32
        %add3A_670 = arith.constant 2 : i32
        %add3A_671 = arith.addi %add3A_669, %add3A_670 : i32
        %broadcast_in_dim3A_672 = vector.broadcast %add3A_671 : i32 to vector<16xi32>
        %gather3A_673 = tpu.vector_load_idx %arg6[%broadcast_in_dim3A_330, %broadcast_in_dim3A_672, %add3A_655] : memref<2x224x128xf32, #tpu.memory_space<vmem>>[vector<16xi32>, vector<16xi32>, vector<16xi32>], vector<16xf32>,
        %add3A_674 = arith.constant 8 : i32
        %add3A_675 = arith.addi %mul3A_339, %add3A_674 : i32
        %add3A_676 = arith.constant 3 : i32
        %add3A_677 = arith.addi %add3A_675, %add3A_676 : i32
        %broadcast_in_dim3A_678 = vector.broadcast %add3A_677 : i32 to vector<16xi32>
        %gather3A_679 = tpu.vector_load_idx %arg6[%broadcast_in_dim3A_330, %broadcast_in_dim3A_678, %add3A_655] : memref<2x224x128xf32, #tpu.memory_space<vmem>>[vector<16xi32>, vector<16xi32>, vector<16xi32>], vector<16xf32>,
        %mul3A_680 = arith.mulf %gather3A_661, %gather3A_661 : vector<16xf32>
        %mul3A_681 = arith.mulf %gather3A_667, %gather3A_667 : vector<16xf32>
        %add3A_682 = arith.addf %mul3A_680, %mul3A_681 : vector<16xf32>
        %mul3A_683 = arith.mulf %gather3A_673, %gather3A_673 : vector<16xf32>
        %add3A_684 = arith.addf %add3A_682, %mul3A_683 : vector<16xf32>
        %mul3A_685 = arith.mulf %gather3A_679, %gather3A_679 : vector<16xf32>
        %add3A_686 = arith.addf %add3A_684, %mul3A_685 : vector<16xf32>
        %broadcast_in_dim3A_687 = arith.constant 320 : i32
        %broadcast_in_dim3A_688 = vector.broadcast %broadcast_in_dim3A_687 : i32 to vector<16xi32>
        %lt3A_689 = arith.cmpf olt, %add3A_686, %select_n3A_651 : vector<16xf32>
        %select_n3A_690 = arith.select %lt3A_689, %add3A_686, %select_n3A_651 : vector<16xi1>, vector<16xf32>
        %select_n3A_691 = arith.select %lt3A_689, %broadcast_in_dim3A_688, %select_n3A_652 : vector<16xi1>, vector<16xi32>
        %add3A_692 = arith.constant 80 : i32
        %add3A_693 = vector.broadcast %add3A_692 : i32 to vector<16xi32>
        %add3A_694 = arith.addi %add3A_693, %iota3A : vector<16xi32>
        %add3A_695 = arith.constant 8 : i32
        %add3A_696 = arith.addi %mul3A_339, %add3A_695 : i32
        %add3A_697 = arith.constant 0 : i32
        %add3A_698 = arith.addi %add3A_696, %add3A_697 : i32
        %broadcast_in_dim3A_699 = vector.broadcast %add3A_698 : i32 to vector<16xi32>
        %gather3A_700 = tpu.vector_load_idx %arg6[%broadcast_in_dim3A_330, %broadcast_in_dim3A_699, %add3A_694] : memref<2x224x128xf32, #tpu.memory_space<vmem>>[vector<16xi32>, vector<16xi32>, vector<16xi32>], vector<16xf32>,
        %add3A_701 = arith.constant 8 : i32
        %add3A_702 = arith.addi %mul3A_339, %add3A_701 : i32
        %add3A_703 = arith.constant 1 : i32
        %add3A_704 = arith.addi %add3A_702, %add3A_703 : i32
        %broadcast_in_dim3A_705 = vector.broadcast %add3A_704 : i32 to vector<16xi32>
        %gather3A_706 = tpu.vector_load_idx %arg6[%broadcast_in_dim3A_330, %broadcast_in_dim3A_705, %add3A_694] : memref<2x224x128xf32, #tpu.memory_space<vmem>>[vector<16xi32>, vector<16xi32>, vector<16xi32>], vector<16xf32>,
        %add3A_707 = arith.constant 8 : i32
        %add3A_708 = arith.addi %mul3A_339, %add3A_707 : i32
        %add3A_709 = arith.constant 2 : i32
        %add3A_710 = arith.addi %add3A_708, %add3A_709 : i32
        %broadcast_in_dim3A_711 = vector.broadcast %add3A_710 : i32 to vector<16xi32>
        %gather3A_712 = tpu.vector_load_idx %arg6[%broadcast_in_dim3A_330, %broadcast_in_dim3A_711, %add3A_694] : memref<2x224x128xf32, #tpu.memory_space<vmem>>[vector<16xi32>, vector<16xi32>, vector<16xi32>], vector<16xf32>,
        %add3A_713 = arith.constant 8 : i32
        %add3A_714 = arith.addi %mul3A_339, %add3A_713 : i32
        %add3A_715 = arith.constant 3 : i32
        %add3A_716 = arith.addi %add3A_714, %add3A_715 : i32
        %broadcast_in_dim3A_717 = vector.broadcast %add3A_716 : i32 to vector<16xi32>
        %gather3A_718 = tpu.vector_load_idx %arg6[%broadcast_in_dim3A_330, %broadcast_in_dim3A_717, %add3A_694] : memref<2x224x128xf32, #tpu.memory_space<vmem>>[vector<16xi32>, vector<16xi32>, vector<16xi32>], vector<16xf32>,
        %mul3A_719 = arith.mulf %gather3A_700, %gather3A_700 : vector<16xf32>
        %mul3A_720 = arith.mulf %gather3A_706, %gather3A_706 : vector<16xf32>
        %add3A_721 = arith.addf %mul3A_719, %mul3A_720 : vector<16xf32>
        %mul3A_722 = arith.mulf %gather3A_712, %gather3A_712 : vector<16xf32>
        %add3A_723 = arith.addf %add3A_721, %mul3A_722 : vector<16xf32>
        %mul3A_724 = arith.mulf %gather3A_718, %gather3A_718 : vector<16xf32>
        %add3A_725 = arith.addf %add3A_723, %mul3A_724 : vector<16xf32>
        %broadcast_in_dim3A_726 = arith.constant 336 : i32
        %broadcast_in_dim3A_727 = vector.broadcast %broadcast_in_dim3A_726 : i32 to vector<16xi32>
        %lt3A_728 = arith.cmpf olt, %add3A_725, %select_n3A_690 : vector<16xf32>
        %select_n3A_729 = arith.select %lt3A_728, %add3A_725, %select_n3A_690 : vector<16xi1>, vector<16xf32>
        %select_n3A_730 = arith.select %lt3A_728, %broadcast_in_dim3A_727, %select_n3A_691 : vector<16xi1>, vector<16xi32>
        %add3A_731 = arith.constant 96 : i32
        %add3A_732 = vector.broadcast %add3A_731 : i32 to vector<16xi32>
        %add3A_733 = arith.addi %add3A_732, %iota3A : vector<16xi32>
        %add3A_734 = arith.constant 8 : i32
        %add3A_735 = arith.addi %mul3A_339, %add3A_734 : i32
        %add3A_736 = arith.constant 0 : i32
        %add3A_737 = arith.addi %add3A_735, %add3A_736 : i32
        %broadcast_in_dim3A_738 = vector.broadcast %add3A_737 : i32 to vector<16xi32>
        %gather3A_739 = tpu.vector_load_idx %arg6[%broadcast_in_dim3A_330, %broadcast_in_dim3A_738, %add3A_733] : memref<2x224x128xf32, #tpu.memory_space<vmem>>[vector<16xi32>, vector<16xi32>, vector<16xi32>], vector<16xf32>,
        %add3A_740 = arith.constant 8 : i32
        %add3A_741 = arith.addi %mul3A_339, %add3A_740 : i32
        %add3A_742 = arith.constant 1 : i32
        %add3A_743 = arith.addi %add3A_741, %add3A_742 : i32
        %broadcast_in_dim3A_744 = vector.broadcast %add3A_743 : i32 to vector<16xi32>
        %gather3A_745 = tpu.vector_load_idx %arg6[%broadcast_in_dim3A_330, %broadcast_in_dim3A_744, %add3A_733] : memref<2x224x128xf32, #tpu.memory_space<vmem>>[vector<16xi32>, vector<16xi32>, vector<16xi32>], vector<16xf32>,
        %add3A_746 = arith.constant 8 : i32
        %add3A_747 = arith.addi %mul3A_339, %add3A_746 : i32
        %add3A_748 = arith.constant 2 : i32
        %add3A_749 = arith.addi %add3A_747, %add3A_748 : i32
        %broadcast_in_dim3A_750 = vector.broadcast %add3A_749 : i32 to vector<16xi32>
        %gather3A_751 = tpu.vector_load_idx %arg6[%broadcast_in_dim3A_330, %broadcast_in_dim3A_750, %add3A_733] : memref<2x224x128xf32, #tpu.memory_space<vmem>>[vector<16xi32>, vector<16xi32>, vector<16xi32>], vector<16xf32>,
        %add3A_752 = arith.constant 8 : i32
        %add3A_753 = arith.addi %mul3A_339, %add3A_752 : i32
        %add3A_754 = arith.constant 3 : i32
        %add3A_755 = arith.addi %add3A_753, %add3A_754 : i32
        %broadcast_in_dim3A_756 = vector.broadcast %add3A_755 : i32 to vector<16xi32>
        %gather3A_757 = tpu.vector_load_idx %arg6[%broadcast_in_dim3A_330, %broadcast_in_dim3A_756, %add3A_733] : memref<2x224x128xf32, #tpu.memory_space<vmem>>[vector<16xi32>, vector<16xi32>, vector<16xi32>], vector<16xf32>,
        %mul3A_758 = arith.mulf %gather3A_739, %gather3A_739 : vector<16xf32>
        %mul3A_759 = arith.mulf %gather3A_745, %gather3A_745 : vector<16xf32>
        %add3A_760 = arith.addf %mul3A_758, %mul3A_759 : vector<16xf32>
        %mul3A_761 = arith.mulf %gather3A_751, %gather3A_751 : vector<16xf32>
        %add3A_762 = arith.addf %add3A_760, %mul3A_761 : vector<16xf32>
        %mul3A_763 = arith.mulf %gather3A_757, %gather3A_757 : vector<16xf32>
        %add3A_764 = arith.addf %add3A_762, %mul3A_763 : vector<16xf32>
        %broadcast_in_dim3A_765 = arith.constant 352 : i32
        %broadcast_in_dim3A_766 = vector.broadcast %broadcast_in_dim3A_765 : i32 to vector<16xi32>
        %lt3A_767 = arith.cmpf olt, %add3A_764, %select_n3A_729 : vector<16xf32>
        %select_n3A_768 = arith.select %lt3A_767, %add3A_764, %select_n3A_729 : vector<16xi1>, vector<16xf32>
        %select_n3A_769 = arith.select %lt3A_767, %broadcast_in_dim3A_766, %select_n3A_730 : vector<16xi1>, vector<16xi32>
        %add3A_770 = arith.constant 112 : i32
        %add3A_771 = vector.broadcast %add3A_770 : i32 to vector<16xi32>
        %add3A_772 = arith.addi %add3A_771, %iota3A : vector<16xi32>
        %add3A_773 = arith.constant 8 : i32
        %add3A_774 = arith.addi %mul3A_339, %add3A_773 : i32
        %add3A_775 = arith.constant 0 : i32
        %add3A_776 = arith.addi %add3A_774, %add3A_775 : i32
        %broadcast_in_dim3A_777 = vector.broadcast %add3A_776 : i32 to vector<16xi32>
        %gather3A_778 = tpu.vector_load_idx %arg6[%broadcast_in_dim3A_330, %broadcast_in_dim3A_777, %add3A_772] : memref<2x224x128xf32, #tpu.memory_space<vmem>>[vector<16xi32>, vector<16xi32>, vector<16xi32>], vector<16xf32>,
        %add3A_779 = arith.constant 8 : i32
        %add3A_780 = arith.addi %mul3A_339, %add3A_779 : i32
        %add3A_781 = arith.constant 1 : i32
        %add3A_782 = arith.addi %add3A_780, %add3A_781 : i32
        %broadcast_in_dim3A_783 = vector.broadcast %add3A_782 : i32 to vector<16xi32>
        %gather3A_784 = tpu.vector_load_idx %arg6[%broadcast_in_dim3A_330, %broadcast_in_dim3A_783, %add3A_772] : memref<2x224x128xf32, #tpu.memory_space<vmem>>[vector<16xi32>, vector<16xi32>, vector<16xi32>], vector<16xf32>,
        %add3A_785 = arith.constant 8 : i32
        %add3A_786 = arith.addi %mul3A_339, %add3A_785 : i32
        %add3A_787 = arith.constant 2 : i32
        %add3A_788 = arith.addi %add3A_786, %add3A_787 : i32
        %broadcast_in_dim3A_789 = vector.broadcast %add3A_788 : i32 to vector<16xi32>
        %gather3A_790 = tpu.vector_load_idx %arg6[%broadcast_in_dim3A_330, %broadcast_in_dim3A_789, %add3A_772] : memref<2x224x128xf32, #tpu.memory_space<vmem>>[vector<16xi32>, vector<16xi32>, vector<16xi32>], vector<16xf32>,
        %add3A_791 = arith.constant 8 : i32
        %add3A_792 = arith.addi %mul3A_339, %add3A_791 : i32
        %add3A_793 = arith.constant 3 : i32
        %add3A_794 = arith.addi %add3A_792, %add3A_793 : i32
        %broadcast_in_dim3A_795 = vector.broadcast %add3A_794 : i32 to vector<16xi32>
        %gather3A_796 = tpu.vector_load_idx %arg6[%broadcast_in_dim3A_330, %broadcast_in_dim3A_795, %add3A_772] : memref<2x224x128xf32, #tpu.memory_space<vmem>>[vector<16xi32>, vector<16xi32>, vector<16xi32>], vector<16xf32>,
        %mul3A_797 = arith.mulf %gather3A_778, %gather3A_778 : vector<16xf32>
        %mul3A_798 = arith.mulf %gather3A_784, %gather3A_784 : vector<16xf32>
        %add3A_799 = arith.addf %mul3A_797, %mul3A_798 : vector<16xf32>
        %mul3A_800 = arith.mulf %gather3A_790, %gather3A_790 : vector<16xf32>
        %add3A_801 = arith.addf %add3A_799, %mul3A_800 : vector<16xf32>
        %mul3A_802 = arith.mulf %gather3A_796, %gather3A_796 : vector<16xf32>
        %add3A_803 = arith.addf %add3A_801, %mul3A_802 : vector<16xf32>
        %broadcast_in_dim3A_804 = arith.constant 368 : i32
        %broadcast_in_dim3A_805 = vector.broadcast %broadcast_in_dim3A_804 : i32 to vector<16xi32>
        %lt3A_806 = arith.cmpf olt, %add3A_803, %select_n3A_768 : vector<16xf32>
        %select_n3A_807 = arith.select %lt3A_806, %add3A_803, %select_n3A_768 : vector<16xi1>, vector<16xf32>
        %select_n3A_808 = arith.select %lt3A_806, %broadcast_in_dim3A_805, %select_n3A_769 : vector<16xi1>, vector<16xi32>
        %add3A_809 = arith.constant 0 : i32
        %add3A_810 = vector.broadcast %add3A_809 : i32 to vector<16xi32>
        %add3A_811 = arith.addi %add3A_810, %iota3A : vector<16xi32>
        %add3A_812 = arith.constant 12 : i32
        %add3A_813 = arith.addi %mul3A_339, %add3A_812 : i32
        %add3A_814 = arith.constant 0 : i32
        %add3A_815 = arith.addi %add3A_813, %add3A_814 : i32
        %broadcast_in_dim3A_816 = vector.broadcast %add3A_815 : i32 to vector<16xi32>
        %gather3A_817 = tpu.vector_load_idx %arg6[%broadcast_in_dim3A_330, %broadcast_in_dim3A_816, %add3A_811] : memref<2x224x128xf32, #tpu.memory_space<vmem>>[vector<16xi32>, vector<16xi32>, vector<16xi32>], vector<16xf32>,
        %add3A_818 = arith.constant 12 : i32
        %add3A_819 = arith.addi %mul3A_339, %add3A_818 : i32
        %add3A_820 = arith.constant 1 : i32
        %add3A_821 = arith.addi %add3A_819, %add3A_820 : i32
        %broadcast_in_dim3A_822 = vector.broadcast %add3A_821 : i32 to vector<16xi32>
        %gather3A_823 = tpu.vector_load_idx %arg6[%broadcast_in_dim3A_330, %broadcast_in_dim3A_822, %add3A_811] : memref<2x224x128xf32, #tpu.memory_space<vmem>>[vector<16xi32>, vector<16xi32>, vector<16xi32>], vector<16xf32>,
        %add3A_824 = arith.constant 12 : i32
        %add3A_825 = arith.addi %mul3A_339, %add3A_824 : i32
        %add3A_826 = arith.constant 2 : i32
        %add3A_827 = arith.addi %add3A_825, %add3A_826 : i32
        %broadcast_in_dim3A_828 = vector.broadcast %add3A_827 : i32 to vector<16xi32>
        %gather3A_829 = tpu.vector_load_idx %arg6[%broadcast_in_dim3A_330, %broadcast_in_dim3A_828, %add3A_811] : memref<2x224x128xf32, #tpu.memory_space<vmem>>[vector<16xi32>, vector<16xi32>, vector<16xi32>], vector<16xf32>,
        %add3A_830 = arith.constant 12 : i32
        %add3A_831 = arith.addi %mul3A_339, %add3A_830 : i32
        %add3A_832 = arith.constant 3 : i32
        %add3A_833 = arith.addi %add3A_831, %add3A_832 : i32
        %broadcast_in_dim3A_834 = vector.broadcast %add3A_833 : i32 to vector<16xi32>
        %gather3A_835 = tpu.vector_load_idx %arg6[%broadcast_in_dim3A_330, %broadcast_in_dim3A_834, %add3A_811] : memref<2x224x128xf32, #tpu.memory_space<vmem>>[vector<16xi32>, vector<16xi32>, vector<16xi32>], vector<16xf32>,
        %mul3A_836 = arith.mulf %gather3A_817, %gather3A_817 : vector<16xf32>
        %mul3A_837 = arith.mulf %gather3A_823, %gather3A_823 : vector<16xf32>
        %add3A_838 = arith.addf %mul3A_836, %mul3A_837 : vector<16xf32>
        %mul3A_839 = arith.mulf %gather3A_829, %gather3A_829 : vector<16xf32>
        %add3A_840 = arith.addf %add3A_838, %mul3A_839 : vector<16xf32>
        %mul3A_841 = arith.mulf %gather3A_835, %gather3A_835 : vector<16xf32>
        %add3A_842 = arith.addf %add3A_840, %mul3A_841 : vector<16xf32>
        %broadcast_in_dim3A_843 = arith.constant 384 : i32
        %broadcast_in_dim3A_844 = vector.broadcast %broadcast_in_dim3A_843 : i32 to vector<16xi32>
        %lt3A_845 = arith.cmpf olt, %add3A_842, %select_n3A_807 : vector<16xf32>
        %select_n3A_846 = arith.select %lt3A_845, %add3A_842, %select_n3A_807 : vector<16xi1>, vector<16xf32>
        %select_n3A_847 = arith.select %lt3A_845, %broadcast_in_dim3A_844, %select_n3A_808 : vector<16xi1>, vector<16xi32>
        %add3A_848 = arith.constant 16 : i32
        %add3A_849 = vector.broadcast %add3A_848 : i32 to vector<16xi32>
        %add3A_850 = arith.addi %add3A_849, %iota3A : vector<16xi32>
        %add3A_851 = arith.constant 12 : i32
        %add3A_852 = arith.addi %mul3A_339, %add3A_851 : i32
        %add3A_853 = arith.constant 0 : i32
        %add3A_854 = arith.addi %add3A_852, %add3A_853 : i32
        %broadcast_in_dim3A_855 = vector.broadcast %add3A_854 : i32 to vector<16xi32>
        %gather3A_856 = tpu.vector_load_idx %arg6[%broadcast_in_dim3A_330, %broadcast_in_dim3A_855, %add3A_850] : memref<2x224x128xf32, #tpu.memory_space<vmem>>[vector<16xi32>, vector<16xi32>, vector<16xi32>], vector<16xf32>,
        %add3A_857 = arith.constant 12 : i32
        %add3A_858 = arith.addi %mul3A_339, %add3A_857 : i32
        %add3A_859 = arith.constant 1 : i32
        %add3A_860 = arith.addi %add3A_858, %add3A_859 : i32
        %broadcast_in_dim3A_861 = vector.broadcast %add3A_860 : i32 to vector<16xi32>
        %gather3A_862 = tpu.vector_load_idx %arg6[%broadcast_in_dim3A_330, %broadcast_in_dim3A_861, %add3A_850] : memref<2x224x128xf32, #tpu.memory_space<vmem>>[vector<16xi32>, vector<16xi32>, vector<16xi32>], vector<16xf32>,
        %add3A_863 = arith.constant 12 : i32
        %add3A_864 = arith.addi %mul3A_339, %add3A_863 : i32
        %add3A_865 = arith.constant 2 : i32
        %add3A_866 = arith.addi %add3A_864, %add3A_865 : i32
        %broadcast_in_dim3A_867 = vector.broadcast %add3A_866 : i32 to vector<16xi32>
        %gather3A_868 = tpu.vector_load_idx %arg6[%broadcast_in_dim3A_330, %broadcast_in_dim3A_867, %add3A_850] : memref<2x224x128xf32, #tpu.memory_space<vmem>>[vector<16xi32>, vector<16xi32>, vector<16xi32>], vector<16xf32>,
        %add3A_869 = arith.constant 12 : i32
        %add3A_870 = arith.addi %mul3A_339, %add3A_869 : i32
        %add3A_871 = arith.constant 3 : i32
        %add3A_872 = arith.addi %add3A_870, %add3A_871 : i32
        %broadcast_in_dim3A_873 = vector.broadcast %add3A_872 : i32 to vector<16xi32>
        %gather3A_874 = tpu.vector_load_idx %arg6[%broadcast_in_dim3A_330, %broadcast_in_dim3A_873, %add3A_850] : memref<2x224x128xf32, #tpu.memory_space<vmem>>[vector<16xi32>, vector<16xi32>, vector<16xi32>], vector<16xf32>,
        %mul3A_875 = arith.mulf %gather3A_856, %gather3A_856 : vector<16xf32>
        %mul3A_876 = arith.mulf %gather3A_862, %gather3A_862 : vector<16xf32>
        %add3A_877 = arith.addf %mul3A_875, %mul3A_876 : vector<16xf32>
        %mul3A_878 = arith.mulf %gather3A_868, %gather3A_868 : vector<16xf32>
        %add3A_879 = arith.addf %add3A_877, %mul3A_878 : vector<16xf32>
        %mul3A_880 = arith.mulf %gather3A_874, %gather3A_874 : vector<16xf32>
        %add3A_881 = arith.addf %add3A_879, %mul3A_880 : vector<16xf32>
        %broadcast_in_dim3A_882 = arith.constant 400 : i32
        %broadcast_in_dim3A_883 = vector.broadcast %broadcast_in_dim3A_882 : i32 to vector<16xi32>
        %lt3A_884 = arith.cmpf olt, %add3A_881, %select_n3A_846 : vector<16xf32>
        %select_n3A_885 = arith.select %lt3A_884, %add3A_881, %select_n3A_846 : vector<16xi1>, vector<16xf32>
        %select_n3A_886 = arith.select %lt3A_884, %broadcast_in_dim3A_883, %select_n3A_847 : vector<16xi1>, vector<16xi32>
        %add3A_887 = arith.constant 32 : i32
        %add3A_888 = vector.broadcast %add3A_887 : i32 to vector<16xi32>
        %add3A_889 = arith.addi %add3A_888, %iota3A : vector<16xi32>
        %add3A_890 = arith.constant 12 : i32
        %add3A_891 = arith.addi %mul3A_339, %add3A_890 : i32
        %add3A_892 = arith.constant 0 : i32
        %add3A_893 = arith.addi %add3A_891, %add3A_892 : i32
        %broadcast_in_dim3A_894 = vector.broadcast %add3A_893 : i32 to vector<16xi32>
        %gather3A_895 = tpu.vector_load_idx %arg6[%broadcast_in_dim3A_330, %broadcast_in_dim3A_894, %add3A_889] : memref<2x224x128xf32, #tpu.memory_space<vmem>>[vector<16xi32>, vector<16xi32>, vector<16xi32>], vector<16xf32>,
        %add3A_896 = arith.constant 12 : i32
        %add3A_897 = arith.addi %mul3A_339, %add3A_896 : i32
        %add3A_898 = arith.constant 1 : i32
        %add3A_899 = arith.addi %add3A_897, %add3A_898 : i32
        %broadcast_in_dim3A_900 = vector.broadcast %add3A_899 : i32 to vector<16xi32>
        %gather3A_901 = tpu.vector_load_idx %arg6[%broadcast_in_dim3A_330, %broadcast_in_dim3A_900, %add3A_889] : memref<2x224x128xf32, #tpu.memory_space<vmem>>[vector<16xi32>, vector<16xi32>, vector<16xi32>], vector<16xf32>,
        %add3A_902 = arith.constant 12 : i32
        %add3A_903 = arith.addi %mul3A_339, %add3A_902 : i32
        %add3A_904 = arith.constant 2 : i32
        %add3A_905 = arith.addi %add3A_903, %add3A_904 : i32
        %broadcast_in_dim3A_906 = vector.broadcast %add3A_905 : i32 to vector<16xi32>
        %gather3A_907 = tpu.vector_load_idx %arg6[%broadcast_in_dim3A_330, %broadcast_in_dim3A_906, %add3A_889] : memref<2x224x128xf32, #tpu.memory_space<vmem>>[vector<16xi32>, vector<16xi32>, vector<16xi32>], vector<16xf32>,
        %add3A_908 = arith.constant 12 : i32
        %add3A_909 = arith.addi %mul3A_339, %add3A_908 : i32
        %add3A_910 = arith.constant 3 : i32
        %add3A_911 = arith.addi %add3A_909, %add3A_910 : i32
        %broadcast_in_dim3A_912 = vector.broadcast %add3A_911 : i32 to vector<16xi32>
        %gather3A_913 = tpu.vector_load_idx %arg6[%broadcast_in_dim3A_330, %broadcast_in_dim3A_912, %add3A_889] : memref<2x224x128xf32, #tpu.memory_space<vmem>>[vector<16xi32>, vector<16xi32>, vector<16xi32>], vector<16xf32>,
        %mul3A_914 = arith.mulf %gather3A_895, %gather3A_895 : vector<16xf32>
        %mul3A_915 = arith.mulf %gather3A_901, %gather3A_901 : vector<16xf32>
        %add3A_916 = arith.addf %mul3A_914, %mul3A_915 : vector<16xf32>
        %mul3A_917 = arith.mulf %gather3A_907, %gather3A_907 : vector<16xf32>
        %add3A_918 = arith.addf %add3A_916, %mul3A_917 : vector<16xf32>
        %mul3A_919 = arith.mulf %gather3A_913, %gather3A_913 : vector<16xf32>
        %add3A_920 = arith.addf %add3A_918, %mul3A_919 : vector<16xf32>
        %broadcast_in_dim3A_921 = arith.constant 416 : i32
        %broadcast_in_dim3A_922 = vector.broadcast %broadcast_in_dim3A_921 : i32 to vector<16xi32>
        %lt3A_923 = arith.cmpf olt, %add3A_920, %select_n3A_885 : vector<16xf32>
        %select_n3A_924 = arith.select %lt3A_923, %add3A_920, %select_n3A_885 : vector<16xi1>, vector<16xf32>
        %select_n3A_925 = arith.select %lt3A_923, %broadcast_in_dim3A_922, %select_n3A_886 : vector<16xi1>, vector<16xi32>
        %add3A_926 = arith.constant 48 : i32
        %add3A_927 = vector.broadcast %add3A_926 : i32 to vector<16xi32>
        %add3A_928 = arith.addi %add3A_927, %iota3A : vector<16xi32>
        %add3A_929 = arith.constant 12 : i32
        %add3A_930 = arith.addi %mul3A_339, %add3A_929 : i32
        %add3A_931 = arith.constant 0 : i32
        %add3A_932 = arith.addi %add3A_930, %add3A_931 : i32
        %broadcast_in_dim3A_933 = vector.broadcast %add3A_932 : i32 to vector<16xi32>
        %gather3A_934 = tpu.vector_load_idx %arg6[%broadcast_in_dim3A_330, %broadcast_in_dim3A_933, %add3A_928] : memref<2x224x128xf32, #tpu.memory_space<vmem>>[vector<16xi32>, vector<16xi32>, vector<16xi32>], vector<16xf32>,
        %add3A_935 = arith.constant 12 : i32
        %add3A_936 = arith.addi %mul3A_339, %add3A_935 : i32
        %add3A_937 = arith.constant 1 : i32
        %add3A_938 = arith.addi %add3A_936, %add3A_937 : i32
        %broadcast_in_dim3A_939 = vector.broadcast %add3A_938 : i32 to vector<16xi32>
        %gather3A_940 = tpu.vector_load_idx %arg6[%broadcast_in_dim3A_330, %broadcast_in_dim3A_939, %add3A_928] : memref<2x224x128xf32, #tpu.memory_space<vmem>>[vector<16xi32>, vector<16xi32>, vector<16xi32>], vector<16xf32>,
        %add3A_941 = arith.constant 12 : i32
        %add3A_942 = arith.addi %mul3A_339, %add3A_941 : i32
        %add3A_943 = arith.constant 2 : i32
        %add3A_944 = arith.addi %add3A_942, %add3A_943 : i32
        %broadcast_in_dim3A_945 = vector.broadcast %add3A_944 : i32 to vector<16xi32>
        %gather3A_946 = tpu.vector_load_idx %arg6[%broadcast_in_dim3A_330, %broadcast_in_dim3A_945, %add3A_928] : memref<2x224x128xf32, #tpu.memory_space<vmem>>[vector<16xi32>, vector<16xi32>, vector<16xi32>], vector<16xf32>,
        %add3A_947 = arith.constant 12 : i32
        %add3A_948 = arith.addi %mul3A_339, %add3A_947 : i32
        %add3A_949 = arith.constant 3 : i32
        %add3A_950 = arith.addi %add3A_948, %add3A_949 : i32
        %broadcast_in_dim3A_951 = vector.broadcast %add3A_950 : i32 to vector<16xi32>
        %gather3A_952 = tpu.vector_load_idx %arg6[%broadcast_in_dim3A_330, %broadcast_in_dim3A_951, %add3A_928] : memref<2x224x128xf32, #tpu.memory_space<vmem>>[vector<16xi32>, vector<16xi32>, vector<16xi32>], vector<16xf32>,
        %mul3A_953 = arith.mulf %gather3A_934, %gather3A_934 : vector<16xf32>
        %mul3A_954 = arith.mulf %gather3A_940, %gather3A_940 : vector<16xf32>
        %add3A_955 = arith.addf %mul3A_953, %mul3A_954 : vector<16xf32>
        %mul3A_956 = arith.mulf %gather3A_946, %gather3A_946 : vector<16xf32>
        %add3A_957 = arith.addf %add3A_955, %mul3A_956 : vector<16xf32>
        %mul3A_958 = arith.mulf %gather3A_952, %gather3A_952 : vector<16xf32>
        %add3A_959 = arith.addf %add3A_957, %mul3A_958 : vector<16xf32>
        %broadcast_in_dim3A_960 = arith.constant 432 : i32
        %broadcast_in_dim3A_961 = vector.broadcast %broadcast_in_dim3A_960 : i32 to vector<16xi32>
        %lt3A_962 = arith.cmpf olt, %add3A_959, %select_n3A_924 : vector<16xf32>
        %select_n3A_963 = arith.select %lt3A_962, %add3A_959, %select_n3A_924 : vector<16xi1>, vector<16xf32>
        %select_n3A_964 = arith.select %lt3A_962, %broadcast_in_dim3A_961, %select_n3A_925 : vector<16xi1>, vector<16xi32>
        %add3A_965 = arith.constant 64 : i32
        %add3A_966 = vector.broadcast %add3A_965 : i32 to vector<16xi32>
        %add3A_967 = arith.addi %add3A_966, %iota3A : vector<16xi32>
        %add3A_968 = arith.constant 12 : i32
        %add3A_969 = arith.addi %mul3A_339, %add3A_968 : i32
        %add3A_970 = arith.constant 0 : i32
        %add3A_971 = arith.addi %add3A_969, %add3A_970 : i32
        %broadcast_in_dim3A_972 = vector.broadcast %add3A_971 : i32 to vector<16xi32>
        %gather3A_973 = tpu.vector_load_idx %arg6[%broadcast_in_dim3A_330, %broadcast_in_dim3A_972, %add3A_967] : memref<2x224x128xf32, #tpu.memory_space<vmem>>[vector<16xi32>, vector<16xi32>, vector<16xi32>], vector<16xf32>,
        %add3A_974 = arith.constant 12 : i32
        %add3A_975 = arith.addi %mul3A_339, %add3A_974 : i32
        %add3A_976 = arith.constant 1 : i32
        %add3A_977 = arith.addi %add3A_975, %add3A_976 : i32
        %broadcast_in_dim3A_978 = vector.broadcast %add3A_977 : i32 to vector<16xi32>
        %gather3A_979 = tpu.vector_load_idx %arg6[%broadcast_in_dim3A_330, %broadcast_in_dim3A_978, %add3A_967] : memref<2x224x128xf32, #tpu.memory_space<vmem>>[vector<16xi32>, vector<16xi32>, vector<16xi32>], vector<16xf32>,
        %add3A_980 = arith.constant 12 : i32
        %add3A_981 = arith.addi %mul3A_339, %add3A_980 : i32
        %add3A_982 = arith.constant 2 : i32
        %add3A_983 = arith.addi %add3A_981, %add3A_982 : i32
        %broadcast_in_dim3A_984 = vector.broadcast %add3A_983 : i32 to vector<16xi32>
        %gather3A_985 = tpu.vector_load_idx %arg6[%broadcast_in_dim3A_330, %broadcast_in_dim3A_984, %add3A_967] : memref<2x224x128xf32, #tpu.memory_space<vmem>>[vector<16xi32>, vector<16xi32>, vector<16xi32>], vector<16xf32>,
        %add3A_986 = arith.constant 12 : i32
        %add3A_987 = arith.addi %mul3A_339, %add3A_986 : i32
        %add3A_988 = arith.constant 3 : i32
        %add3A_989 = arith.addi %add3A_987, %add3A_988 : i32
        %broadcast_in_dim3A_990 = vector.broadcast %add3A_989 : i32 to vector<16xi32>
        %gather3A_991 = tpu.vector_load_idx %arg6[%broadcast_in_dim3A_330, %broadcast_in_dim3A_990, %add3A_967] : memref<2x224x128xf32, #tpu.memory_space<vmem>>[vector<16xi32>, vector<16xi32>, vector<16xi32>], vector<16xf32>,
        %mul3A_992 = arith.mulf %gather3A_973, %gather3A_973 : vector<16xf32>
        %mul3A_993 = arith.mulf %gather3A_979, %gather3A_979 : vector<16xf32>
        %add3A_994 = arith.addf %mul3A_992, %mul3A_993 : vector<16xf32>
        %mul3A_995 = arith.mulf %gather3A_985, %gather3A_985 : vector<16xf32>
        %add3A_996 = arith.addf %add3A_994, %mul3A_995 : vector<16xf32>
        %mul3A_997 = arith.mulf %gather3A_991, %gather3A_991 : vector<16xf32>
        %add3A_998 = arith.addf %add3A_996, %mul3A_997 : vector<16xf32>
        %broadcast_in_dim3A_999 = arith.constant 448 : i32
        %broadcast_in_dim3A_1000 = vector.broadcast %broadcast_in_dim3A_999 : i32 to vector<16xi32>
        %lt3A_1001 = arith.cmpf olt, %add3A_998, %select_n3A_963 : vector<16xf32>
        %select_n3A_1002 = arith.select %lt3A_1001, %add3A_998, %select_n3A_963 : vector<16xi1>, vector<16xf32>
        %select_n3A_1003 = arith.select %lt3A_1001, %broadcast_in_dim3A_1000, %select_n3A_964 : vector<16xi1>, vector<16xi32>
        %add3A_1004 = arith.constant 80 : i32
        %add3A_1005 = vector.broadcast %add3A_1004 : i32 to vector<16xi32>
        %add3A_1006 = arith.addi %add3A_1005, %iota3A : vector<16xi32>
        %add3A_1007 = arith.constant 12 : i32
        %add3A_1008 = arith.addi %mul3A_339, %add3A_1007 : i32
        %add3A_1009 = arith.constant 0 : i32
        %add3A_1010 = arith.addi %add3A_1008, %add3A_1009 : i32
        %broadcast_in_dim3A_1011 = vector.broadcast %add3A_1010 : i32 to vector<16xi32>
        %gather3A_1012 = tpu.vector_load_idx %arg6[%broadcast_in_dim3A_330, %broadcast_in_dim3A_1011, %add3A_1006] : memref<2x224x128xf32, #tpu.memory_space<vmem>>[vector<16xi32>, vector<16xi32>, vector<16xi32>], vector<16xf32>,
        %add3A_1013 = arith.constant 12 : i32
        %add3A_1014 = arith.addi %mul3A_339, %add3A_1013 : i32
        %add3A_1015 = arith.constant 1 : i32
        %add3A_1016 = arith.addi %add3A_1014, %add3A_1015 : i32
        %broadcast_in_dim3A_1017 = vector.broadcast %add3A_1016 : i32 to vector<16xi32>
        %gather3A_1018 = tpu.vector_load_idx %arg6[%broadcast_in_dim3A_330, %broadcast_in_dim3A_1017, %add3A_1006] : memref<2x224x128xf32, #tpu.memory_space<vmem>>[vector<16xi32>, vector<16xi32>, vector<16xi32>], vector<16xf32>,
        %add3A_1019 = arith.constant 12 : i32
        %add3A_1020 = arith.addi %mul3A_339, %add3A_1019 : i32
        %add3A_1021 = arith.constant 2 : i32
        %add3A_1022 = arith.addi %add3A_1020, %add3A_1021 : i32
        %broadcast_in_dim3A_1023 = vector.broadcast %add3A_1022 : i32 to vector<16xi32>
        %gather3A_1024 = tpu.vector_load_idx %arg6[%broadcast_in_dim3A_330, %broadcast_in_dim3A_1023, %add3A_1006] : memref<2x224x128xf32, #tpu.memory_space<vmem>>[vector<16xi32>, vector<16xi32>, vector<16xi32>], vector<16xf32>,
        %add3A_1025 = arith.constant 12 : i32
        %add3A_1026 = arith.addi %mul3A_339, %add3A_1025 : i32
        %add3A_1027 = arith.constant 3 : i32
        %add3A_1028 = arith.addi %add3A_1026, %add3A_1027 : i32
        %broadcast_in_dim3A_1029 = vector.broadcast %add3A_1028 : i32 to vector<16xi32>
        %gather3A_1030 = tpu.vector_load_idx %arg6[%broadcast_in_dim3A_330, %broadcast_in_dim3A_1029, %add3A_1006] : memref<2x224x128xf32, #tpu.memory_space<vmem>>[vector<16xi32>, vector<16xi32>, vector<16xi32>], vector<16xf32>,
        %mul3A_1031 = arith.mulf %gather3A_1012, %gather3A_1012 : vector<16xf32>
        %mul3A_1032 = arith.mulf %gather3A_1018, %gather3A_1018 : vector<16xf32>
        %add3A_1033 = arith.addf %mul3A_1031, %mul3A_1032 : vector<16xf32>
        %mul3A_1034 = arith.mulf %gather3A_1024, %gather3A_1024 : vector<16xf32>
        %add3A_1035 = arith.addf %add3A_1033, %mul3A_1034 : vector<16xf32>
        %mul3A_1036 = arith.mulf %gather3A_1030, %gather3A_1030 : vector<16xf32>
        %add3A_1037 = arith.addf %add3A_1035, %mul3A_1036 : vector<16xf32>
        %broadcast_in_dim3A_1038 = arith.constant 464 : i32
        %broadcast_in_dim3A_1039 = vector.broadcast %broadcast_in_dim3A_1038 : i32 to vector<16xi32>
        %lt3A_1040 = arith.cmpf olt, %add3A_1037, %select_n3A_1002 : vector<16xf32>
        %select_n3A_1041 = arith.select %lt3A_1040, %add3A_1037, %select_n3A_1002 : vector<16xi1>, vector<16xf32>
        %select_n3A_1042 = arith.select %lt3A_1040, %broadcast_in_dim3A_1039, %select_n3A_1003 : vector<16xi1>, vector<16xi32>
        %add3A_1043 = arith.constant 96 : i32
        %add3A_1044 = vector.broadcast %add3A_1043 : i32 to vector<16xi32>
        %add3A_1045 = arith.addi %add3A_1044, %iota3A : vector<16xi32>
        %add3A_1046 = arith.constant 12 : i32
        %add3A_1047 = arith.addi %mul3A_339, %add3A_1046 : i32
        %add3A_1048 = arith.constant 0 : i32
        %add3A_1049 = arith.addi %add3A_1047, %add3A_1048 : i32
        %broadcast_in_dim3A_1050 = vector.broadcast %add3A_1049 : i32 to vector<16xi32>
        %gather3A_1051 = tpu.vector_load_idx %arg6[%broadcast_in_dim3A_330, %broadcast_in_dim3A_1050, %add3A_1045] : memref<2x224x128xf32, #tpu.memory_space<vmem>>[vector<16xi32>, vector<16xi32>, vector<16xi32>], vector<16xf32>,
        %add3A_1052 = arith.constant 12 : i32
        %add3A_1053 = arith.addi %mul3A_339, %add3A_1052 : i32
        %add3A_1054 = arith.constant 1 : i32
        %add3A_1055 = arith.addi %add3A_1053, %add3A_1054 : i32
        %broadcast_in_dim3A_1056 = vector.broadcast %add3A_1055 : i32 to vector<16xi32>
        %gather3A_1057 = tpu.vector_load_idx %arg6[%broadcast_in_dim3A_330, %broadcast_in_dim3A_1056, %add3A_1045] : memref<2x224x128xf32, #tpu.memory_space<vmem>>[vector<16xi32>, vector<16xi32>, vector<16xi32>], vector<16xf32>,
        %add3A_1058 = arith.constant 12 : i32
        %add3A_1059 = arith.addi %mul3A_339, %add3A_1058 : i32
        %add3A_1060 = arith.constant 2 : i32
        %add3A_1061 = arith.addi %add3A_1059, %add3A_1060 : i32
        %broadcast_in_dim3A_1062 = vector.broadcast %add3A_1061 : i32 to vector<16xi32>
        %gather3A_1063 = tpu.vector_load_idx %arg6[%broadcast_in_dim3A_330, %broadcast_in_dim3A_1062, %add3A_1045] : memref<2x224x128xf32, #tpu.memory_space<vmem>>[vector<16xi32>, vector<16xi32>, vector<16xi32>], vector<16xf32>,
        %add3A_1064 = arith.constant 12 : i32
        %add3A_1065 = arith.addi %mul3A_339, %add3A_1064 : i32
        %add3A_1066 = arith.constant 3 : i32
        %add3A_1067 = arith.addi %add3A_1065, %add3A_1066 : i32
        %broadcast_in_dim3A_1068 = vector.broadcast %add3A_1067 : i32 to vector<16xi32>
        %gather3A_1069 = tpu.vector_load_idx %arg6[%broadcast_in_dim3A_330, %broadcast_in_dim3A_1068, %add3A_1045] : memref<2x224x128xf32, #tpu.memory_space<vmem>>[vector<16xi32>, vector<16xi32>, vector<16xi32>], vector<16xf32>,
        %mul3A_1070 = arith.mulf %gather3A_1051, %gather3A_1051 : vector<16xf32>
        %mul3A_1071 = arith.mulf %gather3A_1057, %gather3A_1057 : vector<16xf32>
        %add3A_1072 = arith.addf %mul3A_1070, %mul3A_1071 : vector<16xf32>
        %mul3A_1073 = arith.mulf %gather3A_1063, %gather3A_1063 : vector<16xf32>
        %add3A_1074 = arith.addf %add3A_1072, %mul3A_1073 : vector<16xf32>
        %mul3A_1075 = arith.mulf %gather3A_1069, %gather3A_1069 : vector<16xf32>
        %add3A_1076 = arith.addf %add3A_1074, %mul3A_1075 : vector<16xf32>
        %broadcast_in_dim3A_1077 = arith.constant 480 : i32
        %broadcast_in_dim3A_1078 = vector.broadcast %broadcast_in_dim3A_1077 : i32 to vector<16xi32>
        %lt3A_1079 = arith.cmpf olt, %add3A_1076, %select_n3A_1041 : vector<16xf32>
        %select_n3A_1080 = arith.select %lt3A_1079, %add3A_1076, %select_n3A_1041 : vector<16xi1>, vector<16xf32>
        %select_n3A_1081 = arith.select %lt3A_1079, %broadcast_in_dim3A_1078, %select_n3A_1042 : vector<16xi1>, vector<16xi32>
        %add3A_1082 = arith.constant 112 : i32
        %add3A_1083 = vector.broadcast %add3A_1082 : i32 to vector<16xi32>
        %add3A_1084 = arith.addi %add3A_1083, %iota3A : vector<16xi32>
        %add3A_1085 = arith.constant 12 : i32
        %add3A_1086 = arith.addi %mul3A_339, %add3A_1085 : i32
        %add3A_1087 = arith.constant 0 : i32
        %add3A_1088 = arith.addi %add3A_1086, %add3A_1087 : i32
        %broadcast_in_dim3A_1089 = vector.broadcast %add3A_1088 : i32 to vector<16xi32>
        %gather3A_1090 = tpu.vector_load_idx %arg6[%broadcast_in_dim3A_330, %broadcast_in_dim3A_1089, %add3A_1084] : memref<2x224x128xf32, #tpu.memory_space<vmem>>[vector<16xi32>, vector<16xi32>, vector<16xi32>], vector<16xf32>,
        %add3A_1091 = arith.constant 12 : i32
        %add3A_1092 = arith.addi %mul3A_339, %add3A_1091 : i32
        %add3A_1093 = arith.constant 1 : i32
        %add3A_1094 = arith.addi %add3A_1092, %add3A_1093 : i32
        %broadcast_in_dim3A_1095 = vector.broadcast %add3A_1094 : i32 to vector<16xi32>
        %gather3A_1096 = tpu.vector_load_idx %arg6[%broadcast_in_dim3A_330, %broadcast_in_dim3A_1095, %add3A_1084] : memref<2x224x128xf32, #tpu.memory_space<vmem>>[vector<16xi32>, vector<16xi32>, vector<16xi32>], vector<16xf32>,
        %add3A_1097 = arith.constant 12 : i32
        %add3A_1098 = arith.addi %mul3A_339, %add3A_1097 : i32
        %add3A_1099 = arith.constant 2 : i32
        %add3A_1100 = arith.addi %add3A_1098, %add3A_1099 : i32
        %broadcast_in_dim3A_1101 = vector.broadcast %add3A_1100 : i32 to vector<16xi32>
        %gather3A_1102 = tpu.vector_load_idx %arg6[%broadcast_in_dim3A_330, %broadcast_in_dim3A_1101, %add3A_1084] : memref<2x224x128xf32, #tpu.memory_space<vmem>>[vector<16xi32>, vector<16xi32>, vector<16xi32>], vector<16xf32>,
        %add3A_1103 = arith.constant 12 : i32
        %add3A_1104 = arith.addi %mul3A_339, %add3A_1103 : i32
        %add3A_1105 = arith.constant 3 : i32
        %add3A_1106 = arith.addi %add3A_1104, %add3A_1105 : i32
        %broadcast_in_dim3A_1107 = vector.broadcast %add3A_1106 : i32 to vector<16xi32>
        %gather3A_1108 = tpu.vector_load_idx %arg6[%broadcast_in_dim3A_330, %broadcast_in_dim3A_1107, %add3A_1084] : memref<2x224x128xf32, #tpu.memory_space<vmem>>[vector<16xi32>, vector<16xi32>, vector<16xi32>], vector<16xf32>,
        %mul3A_1109 = arith.mulf %gather3A_1090, %gather3A_1090 : vector<16xf32>
        %mul3A_1110 = arith.mulf %gather3A_1096, %gather3A_1096 : vector<16xf32>
        %add3A_1111 = arith.addf %mul3A_1109, %mul3A_1110 : vector<16xf32>
        %mul3A_1112 = arith.mulf %gather3A_1102, %gather3A_1102 : vector<16xf32>
        %add3A_1113 = arith.addf %add3A_1111, %mul3A_1112 : vector<16xf32>
        %mul3A_1114 = arith.mulf %gather3A_1108, %gather3A_1108 : vector<16xf32>
        %add3A_1115 = arith.addf %add3A_1113, %mul3A_1114 : vector<16xf32>
        %broadcast_in_dim3A_1116 = arith.constant 496 : i32
        %broadcast_in_dim3A_1117 = vector.broadcast %broadcast_in_dim3A_1116 : i32 to vector<16xi32>
        %lt3A_1118 = arith.cmpf olt, %add3A_1115, %select_n3A_1080 : vector<16xf32>
        %select_n3A_1119 = arith.select %lt3A_1118, %add3A_1115, %select_n3A_1080 : vector<16xi1>, vector<16xf32>
        %select_n3A_1120 = arith.select %lt3A_1118, %broadcast_in_dim3A_1117, %select_n3A_1081 : vector<16xi1>, vector<16xi32>
        %add3A_1121 = arith.constant 0 : i32
        %add3A_1122 = vector.broadcast %add3A_1121 : i32 to vector<16xi32>
        %add3A_1123 = arith.addi %add3A_1122, %iota3A : vector<16xi32>
        %add3A_1124 = arith.constant 16 : i32
        %add3A_1125 = arith.addi %mul3A_339, %add3A_1124 : i32
        %add3A_1126 = arith.constant 0 : i32
        %add3A_1127 = arith.addi %add3A_1125, %add3A_1126 : i32
        %broadcast_in_dim3A_1128 = vector.broadcast %add3A_1127 : i32 to vector<16xi32>
        %gather3A_1129 = tpu.vector_load_idx %arg6[%broadcast_in_dim3A_330, %broadcast_in_dim3A_1128, %add3A_1123] : memref<2x224x128xf32, #tpu.memory_space<vmem>>[vector<16xi32>, vector<16xi32>, vector<16xi32>], vector<16xf32>,
        %add3A_1130 = arith.constant 16 : i32
        %add3A_1131 = arith.addi %mul3A_339, %add3A_1130 : i32
        %add3A_1132 = arith.constant 1 : i32
        %add3A_1133 = arith.addi %add3A_1131, %add3A_1132 : i32
        %broadcast_in_dim3A_1134 = vector.broadcast %add3A_1133 : i32 to vector<16xi32>
        %gather3A_1135 = tpu.vector_load_idx %arg6[%broadcast_in_dim3A_330, %broadcast_in_dim3A_1134, %add3A_1123] : memref<2x224x128xf32, #tpu.memory_space<vmem>>[vector<16xi32>, vector<16xi32>, vector<16xi32>], vector<16xf32>,
        %add3A_1136 = arith.constant 16 : i32
        %add3A_1137 = arith.addi %mul3A_339, %add3A_1136 : i32
        %add3A_1138 = arith.constant 2 : i32
        %add3A_1139 = arith.addi %add3A_1137, %add3A_1138 : i32
        %broadcast_in_dim3A_1140 = vector.broadcast %add3A_1139 : i32 to vector<16xi32>
        %gather3A_1141 = tpu.vector_load_idx %arg6[%broadcast_in_dim3A_330, %broadcast_in_dim3A_1140, %add3A_1123] : memref<2x224x128xf32, #tpu.memory_space<vmem>>[vector<16xi32>, vector<16xi32>, vector<16xi32>], vector<16xf32>,
        %add3A_1142 = arith.constant 16 : i32
        %add3A_1143 = arith.addi %mul3A_339, %add3A_1142 : i32
        %add3A_1144 = arith.constant 3 : i32
        %add3A_1145 = arith.addi %add3A_1143, %add3A_1144 : i32
        %broadcast_in_dim3A_1146 = vector.broadcast %add3A_1145 : i32 to vector<16xi32>
        %gather3A_1147 = tpu.vector_load_idx %arg6[%broadcast_in_dim3A_330, %broadcast_in_dim3A_1146, %add3A_1123] : memref<2x224x128xf32, #tpu.memory_space<vmem>>[vector<16xi32>, vector<16xi32>, vector<16xi32>], vector<16xf32>,
        %mul3A_1148 = arith.mulf %gather3A_1129, %gather3A_1129 : vector<16xf32>
        %mul3A_1149 = arith.mulf %gather3A_1135, %gather3A_1135 : vector<16xf32>
        %add3A_1150 = arith.addf %mul3A_1148, %mul3A_1149 : vector<16xf32>
        %mul3A_1151 = arith.mulf %gather3A_1141, %gather3A_1141 : vector<16xf32>
        %add3A_1152 = arith.addf %add3A_1150, %mul3A_1151 : vector<16xf32>
        %mul3A_1153 = arith.mulf %gather3A_1147, %gather3A_1147 : vector<16xf32>
        %add3A_1154 = arith.addf %add3A_1152, %mul3A_1153 : vector<16xf32>
        %broadcast_in_dim3A_1155 = arith.constant 512 : i32
        %broadcast_in_dim3A_1156 = vector.broadcast %broadcast_in_dim3A_1155 : i32 to vector<16xi32>
        %lt3A_1157 = arith.cmpf olt, %add3A_1154, %select_n3A_1119 : vector<16xf32>
        %select_n3A_1158 = arith.select %lt3A_1157, %add3A_1154, %select_n3A_1119 : vector<16xi1>, vector<16xf32>
        %select_n3A_1159 = arith.select %lt3A_1157, %broadcast_in_dim3A_1156, %select_n3A_1120 : vector<16xi1>, vector<16xi32>
        %add3A_1160 = arith.constant 16 : i32
        %add3A_1161 = vector.broadcast %add3A_1160 : i32 to vector<16xi32>
        %add3A_1162 = arith.addi %add3A_1161, %iota3A : vector<16xi32>
        %add3A_1163 = arith.constant 16 : i32
        %add3A_1164 = arith.addi %mul3A_339, %add3A_1163 : i32
        %add3A_1165 = arith.constant 0 : i32
        %add3A_1166 = arith.addi %add3A_1164, %add3A_1165 : i32
        %broadcast_in_dim3A_1167 = vector.broadcast %add3A_1166 : i32 to vector<16xi32>
        %gather3A_1168 = tpu.vector_load_idx %arg6[%broadcast_in_dim3A_330, %broadcast_in_dim3A_1167, %add3A_1162] : memref<2x224x128xf32, #tpu.memory_space<vmem>>[vector<16xi32>, vector<16xi32>, vector<16xi32>], vector<16xf32>,
        %add3A_1169 = arith.constant 16 : i32
        %add3A_1170 = arith.addi %mul3A_339, %add3A_1169 : i32
        %add3A_1171 = arith.constant 1 : i32
        %add3A_1172 = arith.addi %add3A_1170, %add3A_1171 : i32
        %broadcast_in_dim3A_1173 = vector.broadcast %add3A_1172 : i32 to vector<16xi32>
        %gather3A_1174 = tpu.vector_load_idx %arg6[%broadcast_in_dim3A_330, %broadcast_in_dim3A_1173, %add3A_1162] : memref<2x224x128xf32, #tpu.memory_space<vmem>>[vector<16xi32>, vector<16xi32>, vector<16xi32>], vector<16xf32>,
        %add3A_1175 = arith.constant 16 : i32
        %add3A_1176 = arith.addi %mul3A_339, %add3A_1175 : i32
        %add3A_1177 = arith.constant 2 : i32
        %add3A_1178 = arith.addi %add3A_1176, %add3A_1177 : i32
        %broadcast_in_dim3A_1179 = vector.broadcast %add3A_1178 : i32 to vector<16xi32>
        %gather3A_1180 = tpu.vector_load_idx %arg6[%broadcast_in_dim3A_330, %broadcast_in_dim3A_1179, %add3A_1162] : memref<2x224x128xf32, #tpu.memory_space<vmem>>[vector<16xi32>, vector<16xi32>, vector<16xi32>], vector<16xf32>,
        %add3A_1181 = arith.constant 16 : i32
        %add3A_1182 = arith.addi %mul3A_339, %add3A_1181 : i32
        %add3A_1183 = arith.constant 3 : i32
        %add3A_1184 = arith.addi %add3A_1182, %add3A_1183 : i32
        %broadcast_in_dim3A_1185 = vector.broadcast %add3A_1184 : i32 to vector<16xi32>
        %gather3A_1186 = tpu.vector_load_idx %arg6[%broadcast_in_dim3A_330, %broadcast_in_dim3A_1185, %add3A_1162] : memref<2x224x128xf32, #tpu.memory_space<vmem>>[vector<16xi32>, vector<16xi32>, vector<16xi32>], vector<16xf32>,
        %mul3A_1187 = arith.mulf %gather3A_1168, %gather3A_1168 : vector<16xf32>
        %mul3A_1188 = arith.mulf %gather3A_1174, %gather3A_1174 : vector<16xf32>
        %add3A_1189 = arith.addf %mul3A_1187, %mul3A_1188 : vector<16xf32>
        %mul3A_1190 = arith.mulf %gather3A_1180, %gather3A_1180 : vector<16xf32>
        %add3A_1191 = arith.addf %add3A_1189, %mul3A_1190 : vector<16xf32>
        %mul3A_1192 = arith.mulf %gather3A_1186, %gather3A_1186 : vector<16xf32>
        %add3A_1193 = arith.addf %add3A_1191, %mul3A_1192 : vector<16xf32>
        %broadcast_in_dim3A_1194 = arith.constant 528 : i32
        %broadcast_in_dim3A_1195 = vector.broadcast %broadcast_in_dim3A_1194 : i32 to vector<16xi32>
        %lt3A_1196 = arith.cmpf olt, %add3A_1193, %select_n3A_1158 : vector<16xf32>
        %select_n3A_1197 = arith.select %lt3A_1196, %add3A_1193, %select_n3A_1158 : vector<16xi1>, vector<16xf32>
        %select_n3A_1198 = arith.select %lt3A_1196, %broadcast_in_dim3A_1195, %select_n3A_1159 : vector<16xi1>, vector<16xi32>
        %add3A_1199 = arith.constant 32 : i32
        %add3A_1200 = vector.broadcast %add3A_1199 : i32 to vector<16xi32>
        %add3A_1201 = arith.addi %add3A_1200, %iota3A : vector<16xi32>
        %add3A_1202 = arith.constant 16 : i32
        %add3A_1203 = arith.addi %mul3A_339, %add3A_1202 : i32
        %add3A_1204 = arith.constant 0 : i32
        %add3A_1205 = arith.addi %add3A_1203, %add3A_1204 : i32
        %broadcast_in_dim3A_1206 = vector.broadcast %add3A_1205 : i32 to vector<16xi32>
        %gather3A_1207 = tpu.vector_load_idx %arg6[%broadcast_in_dim3A_330, %broadcast_in_dim3A_1206, %add3A_1201] : memref<2x224x128xf32, #tpu.memory_space<vmem>>[vector<16xi32>, vector<16xi32>, vector<16xi32>], vector<16xf32>,
        %add3A_1208 = arith.constant 16 : i32
        %add3A_1209 = arith.addi %mul3A_339, %add3A_1208 : i32
        %add3A_1210 = arith.constant 1 : i32
        %add3A_1211 = arith.addi %add3A_1209, %add3A_1210 : i32
        %broadcast_in_dim3A_1212 = vector.broadcast %add3A_1211 : i32 to vector<16xi32>
        %gather3A_1213 = tpu.vector_load_idx %arg6[%broadcast_in_dim3A_330, %broadcast_in_dim3A_1212, %add3A_1201] : memref<2x224x128xf32, #tpu.memory_space<vmem>>[vector<16xi32>, vector<16xi32>, vector<16xi32>], vector<16xf32>,
        %add3A_1214 = arith.constant 16 : i32
        %add3A_1215 = arith.addi %mul3A_339, %add3A_1214 : i32
        %add3A_1216 = arith.constant 2 : i32
        %add3A_1217 = arith.addi %add3A_1215, %add3A_1216 : i32
        %broadcast_in_dim3A_1218 = vector.broadcast %add3A_1217 : i32 to vector<16xi32>
        %gather3A_1219 = tpu.vector_load_idx %arg6[%broadcast_in_dim3A_330, %broadcast_in_dim3A_1218, %add3A_1201] : memref<2x224x128xf32, #tpu.memory_space<vmem>>[vector<16xi32>, vector<16xi32>, vector<16xi32>], vector<16xf32>,
        %add3A_1220 = arith.constant 16 : i32
        %add3A_1221 = arith.addi %mul3A_339, %add3A_1220 : i32
        %add3A_1222 = arith.constant 3 : i32
        %add3A_1223 = arith.addi %add3A_1221, %add3A_1222 : i32
        %broadcast_in_dim3A_1224 = vector.broadcast %add3A_1223 : i32 to vector<16xi32>
        %gather3A_1225 = tpu.vector_load_idx %arg6[%broadcast_in_dim3A_330, %broadcast_in_dim3A_1224, %add3A_1201] : memref<2x224x128xf32, #tpu.memory_space<vmem>>[vector<16xi32>, vector<16xi32>, vector<16xi32>], vector<16xf32>,
        %mul3A_1226 = arith.mulf %gather3A_1207, %gather3A_1207 : vector<16xf32>
        %mul3A_1227 = arith.mulf %gather3A_1213, %gather3A_1213 : vector<16xf32>
        %add3A_1228 = arith.addf %mul3A_1226, %mul3A_1227 : vector<16xf32>
        %mul3A_1229 = arith.mulf %gather3A_1219, %gather3A_1219 : vector<16xf32>
        %add3A_1230 = arith.addf %add3A_1228, %mul3A_1229 : vector<16xf32>
        %mul3A_1231 = arith.mulf %gather3A_1225, %gather3A_1225 : vector<16xf32>
        %add3A_1232 = arith.addf %add3A_1230, %mul3A_1231 : vector<16xf32>
        %broadcast_in_dim3A_1233 = arith.constant 544 : i32
        %broadcast_in_dim3A_1234 = vector.broadcast %broadcast_in_dim3A_1233 : i32 to vector<16xi32>
        %lt3A_1235 = arith.cmpf olt, %add3A_1232, %select_n3A_1197 : vector<16xf32>
        %select_n3A_1236 = arith.select %lt3A_1235, %add3A_1232, %select_n3A_1197 : vector<16xi1>, vector<16xf32>
        %select_n3A_1237 = arith.select %lt3A_1235, %broadcast_in_dim3A_1234, %select_n3A_1198 : vector<16xi1>, vector<16xi32>
        %add3A_1238 = arith.constant 48 : i32
        %add3A_1239 = vector.broadcast %add3A_1238 : i32 to vector<16xi32>
        %add3A_1240 = arith.addi %add3A_1239, %iota3A : vector<16xi32>
        %add3A_1241 = arith.constant 16 : i32
        %add3A_1242 = arith.addi %mul3A_339, %add3A_1241 : i32
        %add3A_1243 = arith.constant 0 : i32
        %add3A_1244 = arith.addi %add3A_1242, %add3A_1243 : i32
        %broadcast_in_dim3A_1245 = vector.broadcast %add3A_1244 : i32 to vector<16xi32>
        %gather3A_1246 = tpu.vector_load_idx %arg6[%broadcast_in_dim3A_330, %broadcast_in_dim3A_1245, %add3A_1240] : memref<2x224x128xf32, #tpu.memory_space<vmem>>[vector<16xi32>, vector<16xi32>, vector<16xi32>], vector<16xf32>,
        %add3A_1247 = arith.constant 16 : i32
        %add3A_1248 = arith.addi %mul3A_339, %add3A_1247 : i32
        %add3A_1249 = arith.constant 1 : i32
        %add3A_1250 = arith.addi %add3A_1248, %add3A_1249 : i32
        %broadcast_in_dim3A_1251 = vector.broadcast %add3A_1250 : i32 to vector<16xi32>
        %gather3A_1252 = tpu.vector_load_idx %arg6[%broadcast_in_dim3A_330, %broadcast_in_dim3A_1251, %add3A_1240] : memref<2x224x128xf32, #tpu.memory_space<vmem>>[vector<16xi32>, vector<16xi32>, vector<16xi32>], vector<16xf32>,
        %add3A_1253 = arith.constant 16 : i32
        %add3A_1254 = arith.addi %mul3A_339, %add3A_1253 : i32
        %add3A_1255 = arith.constant 2 : i32
        %add3A_1256 = arith.addi %add3A_1254, %add3A_1255 : i32
        %broadcast_in_dim3A_1257 = vector.broadcast %add3A_1256 : i32 to vector<16xi32>
        %gather3A_1258 = tpu.vector_load_idx %arg6[%broadcast_in_dim3A_330, %broadcast_in_dim3A_1257, %add3A_1240] : memref<2x224x128xf32, #tpu.memory_space<vmem>>[vector<16xi32>, vector<16xi32>, vector<16xi32>], vector<16xf32>,
        %add3A_1259 = arith.constant 16 : i32
        %add3A_1260 = arith.addi %mul3A_339, %add3A_1259 : i32
        %add3A_1261 = arith.constant 3 : i32
        %add3A_1262 = arith.addi %add3A_1260, %add3A_1261 : i32
        %broadcast_in_dim3A_1263 = vector.broadcast %add3A_1262 : i32 to vector<16xi32>
        %gather3A_1264 = tpu.vector_load_idx %arg6[%broadcast_in_dim3A_330, %broadcast_in_dim3A_1263, %add3A_1240] : memref<2x224x128xf32, #tpu.memory_space<vmem>>[vector<16xi32>, vector<16xi32>, vector<16xi32>], vector<16xf32>,
        %mul3A_1265 = arith.mulf %gather3A_1246, %gather3A_1246 : vector<16xf32>
        %mul3A_1266 = arith.mulf %gather3A_1252, %gather3A_1252 : vector<16xf32>
        %add3A_1267 = arith.addf %mul3A_1265, %mul3A_1266 : vector<16xf32>
        %mul3A_1268 = arith.mulf %gather3A_1258, %gather3A_1258 : vector<16xf32>
        %add3A_1269 = arith.addf %add3A_1267, %mul3A_1268 : vector<16xf32>
        %mul3A_1270 = arith.mulf %gather3A_1264, %gather3A_1264 : vector<16xf32>
        %add3A_1271 = arith.addf %add3A_1269, %mul3A_1270 : vector<16xf32>
        %broadcast_in_dim3A_1272 = arith.constant 560 : i32
        %broadcast_in_dim3A_1273 = vector.broadcast %broadcast_in_dim3A_1272 : i32 to vector<16xi32>
        %lt3A_1274 = arith.cmpf olt, %add3A_1271, %select_n3A_1236 : vector<16xf32>
        %select_n3A_1275 = arith.select %lt3A_1274, %add3A_1271, %select_n3A_1236 : vector<16xi1>, vector<16xf32>
        %select_n3A_1276 = arith.select %lt3A_1274, %broadcast_in_dim3A_1273, %select_n3A_1237 : vector<16xi1>, vector<16xi32>
        %add3A_1277 = arith.constant 64 : i32
        %add3A_1278 = vector.broadcast %add3A_1277 : i32 to vector<16xi32>
        %add3A_1279 = arith.addi %add3A_1278, %iota3A : vector<16xi32>
        %add3A_1280 = arith.constant 16 : i32
        %add3A_1281 = arith.addi %mul3A_339, %add3A_1280 : i32
        %add3A_1282 = arith.constant 0 : i32
        %add3A_1283 = arith.addi %add3A_1281, %add3A_1282 : i32
        %broadcast_in_dim3A_1284 = vector.broadcast %add3A_1283 : i32 to vector<16xi32>
        %gather3A_1285 = tpu.vector_load_idx %arg6[%broadcast_in_dim3A_330, %broadcast_in_dim3A_1284, %add3A_1279] : memref<2x224x128xf32, #tpu.memory_space<vmem>>[vector<16xi32>, vector<16xi32>, vector<16xi32>], vector<16xf32>,
        %add3A_1286 = arith.constant 16 : i32
        %add3A_1287 = arith.addi %mul3A_339, %add3A_1286 : i32
        %add3A_1288 = arith.constant 1 : i32
        %add3A_1289 = arith.addi %add3A_1287, %add3A_1288 : i32
        %broadcast_in_dim3A_1290 = vector.broadcast %add3A_1289 : i32 to vector<16xi32>
        %gather3A_1291 = tpu.vector_load_idx %arg6[%broadcast_in_dim3A_330, %broadcast_in_dim3A_1290, %add3A_1279] : memref<2x224x128xf32, #tpu.memory_space<vmem>>[vector<16xi32>, vector<16xi32>, vector<16xi32>], vector<16xf32>,
        %add3A_1292 = arith.constant 16 : i32
        %add3A_1293 = arith.addi %mul3A_339, %add3A_1292 : i32
        %add3A_1294 = arith.constant 2 : i32
        %add3A_1295 = arith.addi %add3A_1293, %add3A_1294 : i32
        %broadcast_in_dim3A_1296 = vector.broadcast %add3A_1295 : i32 to vector<16xi32>
        %gather3A_1297 = tpu.vector_load_idx %arg6[%broadcast_in_dim3A_330, %broadcast_in_dim3A_1296, %add3A_1279] : memref<2x224x128xf32, #tpu.memory_space<vmem>>[vector<16xi32>, vector<16xi32>, vector<16xi32>], vector<16xf32>,
        %add3A_1298 = arith.constant 16 : i32
        %add3A_1299 = arith.addi %mul3A_339, %add3A_1298 : i32
        %add3A_1300 = arith.constant 3 : i32
        %add3A_1301 = arith.addi %add3A_1299, %add3A_1300 : i32
        %broadcast_in_dim3A_1302 = vector.broadcast %add3A_1301 : i32 to vector<16xi32>
        %gather3A_1303 = tpu.vector_load_idx %arg6[%broadcast_in_dim3A_330, %broadcast_in_dim3A_1302, %add3A_1279] : memref<2x224x128xf32, #tpu.memory_space<vmem>>[vector<16xi32>, vector<16xi32>, vector<16xi32>], vector<16xf32>,
        %mul3A_1304 = arith.mulf %gather3A_1285, %gather3A_1285 : vector<16xf32>
        %mul3A_1305 = arith.mulf %gather3A_1291, %gather3A_1291 : vector<16xf32>
        %add3A_1306 = arith.addf %mul3A_1304, %mul3A_1305 : vector<16xf32>
        %mul3A_1307 = arith.mulf %gather3A_1297, %gather3A_1297 : vector<16xf32>
        %add3A_1308 = arith.addf %add3A_1306, %mul3A_1307 : vector<16xf32>
        %mul3A_1309 = arith.mulf %gather3A_1303, %gather3A_1303 : vector<16xf32>
        %add3A_1310 = arith.addf %add3A_1308, %mul3A_1309 : vector<16xf32>
        %broadcast_in_dim3A_1311 = arith.constant 576 : i32
        %broadcast_in_dim3A_1312 = vector.broadcast %broadcast_in_dim3A_1311 : i32 to vector<16xi32>
        %lt3A_1313 = arith.cmpf olt, %add3A_1310, %select_n3A_1275 : vector<16xf32>
        %select_n3A_1314 = arith.select %lt3A_1313, %add3A_1310, %select_n3A_1275 : vector<16xi1>, vector<16xf32>
        %select_n3A_1315 = arith.select %lt3A_1313, %broadcast_in_dim3A_1312, %select_n3A_1276 : vector<16xi1>, vector<16xi32>
        %add3A_1316 = arith.constant 80 : i32
        %add3A_1317 = vector.broadcast %add3A_1316 : i32 to vector<16xi32>
        %add3A_1318 = arith.addi %add3A_1317, %iota3A : vector<16xi32>
        %add3A_1319 = arith.constant 16 : i32
        %add3A_1320 = arith.addi %mul3A_339, %add3A_1319 : i32
        %add3A_1321 = arith.constant 0 : i32
        %add3A_1322 = arith.addi %add3A_1320, %add3A_1321 : i32
        %broadcast_in_dim3A_1323 = vector.broadcast %add3A_1322 : i32 to vector<16xi32>
        %gather3A_1324 = tpu.vector_load_idx %arg6[%broadcast_in_dim3A_330, %broadcast_in_dim3A_1323, %add3A_1318] : memref<2x224x128xf32, #tpu.memory_space<vmem>>[vector<16xi32>, vector<16xi32>, vector<16xi32>], vector<16xf32>,
        %add3A_1325 = arith.constant 16 : i32
        %add3A_1326 = arith.addi %mul3A_339, %add3A_1325 : i32
        %add3A_1327 = arith.constant 1 : i32
        %add3A_1328 = arith.addi %add3A_1326, %add3A_1327 : i32
        %broadcast_in_dim3A_1329 = vector.broadcast %add3A_1328 : i32 to vector<16xi32>
        %gather3A_1330 = tpu.vector_load_idx %arg6[%broadcast_in_dim3A_330, %broadcast_in_dim3A_1329, %add3A_1318] : memref<2x224x128xf32, #tpu.memory_space<vmem>>[vector<16xi32>, vector<16xi32>, vector<16xi32>], vector<16xf32>,
        %add3A_1331 = arith.constant 16 : i32
        %add3A_1332 = arith.addi %mul3A_339, %add3A_1331 : i32
        %add3A_1333 = arith.constant 2 : i32
        %add3A_1334 = arith.addi %add3A_1332, %add3A_1333 : i32
        %broadcast_in_dim3A_1335 = vector.broadcast %add3A_1334 : i32 to vector<16xi32>
        %gather3A_1336 = tpu.vector_load_idx %arg6[%broadcast_in_dim3A_330, %broadcast_in_dim3A_1335, %add3A_1318] : memref<2x224x128xf32, #tpu.memory_space<vmem>>[vector<16xi32>, vector<16xi32>, vector<16xi32>], vector<16xf32>,
        %add3A_1337 = arith.constant 16 : i32
        %add3A_1338 = arith.addi %mul3A_339, %add3A_1337 : i32
        %add3A_1339 = arith.constant 3 : i32
        %add3A_1340 = arith.addi %add3A_1338, %add3A_1339 : i32
        %broadcast_in_dim3A_1341 = vector.broadcast %add3A_1340 : i32 to vector<16xi32>
        %gather3A_1342 = tpu.vector_load_idx %arg6[%broadcast_in_dim3A_330, %broadcast_in_dim3A_1341, %add3A_1318] : memref<2x224x128xf32, #tpu.memory_space<vmem>>[vector<16xi32>, vector<16xi32>, vector<16xi32>], vector<16xf32>,
        %mul3A_1343 = arith.mulf %gather3A_1324, %gather3A_1324 : vector<16xf32>
        %mul3A_1344 = arith.mulf %gather3A_1330, %gather3A_1330 : vector<16xf32>
        %add3A_1345 = arith.addf %mul3A_1343, %mul3A_1344 : vector<16xf32>
        %mul3A_1346 = arith.mulf %gather3A_1336, %gather3A_1336 : vector<16xf32>
        %add3A_1347 = arith.addf %add3A_1345, %mul3A_1346 : vector<16xf32>
        %mul3A_1348 = arith.mulf %gather3A_1342, %gather3A_1342 : vector<16xf32>
        %add3A_1349 = arith.addf %add3A_1347, %mul3A_1348 : vector<16xf32>
        %broadcast_in_dim3A_1350 = arith.constant 592 : i32
        %broadcast_in_dim3A_1351 = vector.broadcast %broadcast_in_dim3A_1350 : i32 to vector<16xi32>
        %lt3A_1352 = arith.cmpf olt, %add3A_1349, %select_n3A_1314 : vector<16xf32>
        %select_n3A_1353 = arith.select %lt3A_1352, %add3A_1349, %select_n3A_1314 : vector<16xi1>, vector<16xf32>
        %select_n3A_1354 = arith.select %lt3A_1352, %broadcast_in_dim3A_1351, %select_n3A_1315 : vector<16xi1>, vector<16xi32>
        %add3A_1355 = arith.constant 96 : i32
        %add3A_1356 = vector.broadcast %add3A_1355 : i32 to vector<16xi32>
        %add3A_1357 = arith.addi %add3A_1356, %iota3A : vector<16xi32>
        %add3A_1358 = arith.constant 16 : i32
        %add3A_1359 = arith.addi %mul3A_339, %add3A_1358 : i32
        %add3A_1360 = arith.constant 0 : i32
        %add3A_1361 = arith.addi %add3A_1359, %add3A_1360 : i32
        %broadcast_in_dim3A_1362 = vector.broadcast %add3A_1361 : i32 to vector<16xi32>
        %gather3A_1363 = tpu.vector_load_idx %arg6[%broadcast_in_dim3A_330, %broadcast_in_dim3A_1362, %add3A_1357] : memref<2x224x128xf32, #tpu.memory_space<vmem>>[vector<16xi32>, vector<16xi32>, vector<16xi32>], vector<16xf32>,
        %add3A_1364 = arith.constant 16 : i32
        %add3A_1365 = arith.addi %mul3A_339, %add3A_1364 : i32
        %add3A_1366 = arith.constant 1 : i32
        %add3A_1367 = arith.addi %add3A_1365, %add3A_1366 : i32
        %broadcast_in_dim3A_1368 = vector.broadcast %add3A_1367 : i32 to vector<16xi32>
        %gather3A_1369 = tpu.vector_load_idx %arg6[%broadcast_in_dim3A_330, %broadcast_in_dim3A_1368, %add3A_1357] : memref<2x224x128xf32, #tpu.memory_space<vmem>>[vector<16xi32>, vector<16xi32>, vector<16xi32>], vector<16xf32>,
        %add3A_1370 = arith.constant 16 : i32
        %add3A_1371 = arith.addi %mul3A_339, %add3A_1370 : i32
        %add3A_1372 = arith.constant 2 : i32
        %add3A_1373 = arith.addi %add3A_1371, %add3A_1372 : i32
        %broadcast_in_dim3A_1374 = vector.broadcast %add3A_1373 : i32 to vector<16xi32>
        %gather3A_1375 = tpu.vector_load_idx %arg6[%broadcast_in_dim3A_330, %broadcast_in_dim3A_1374, %add3A_1357] : memref<2x224x128xf32, #tpu.memory_space<vmem>>[vector<16xi32>, vector<16xi32>, vector<16xi32>], vector<16xf32>,
        %add3A_1376 = arith.constant 16 : i32
        %add3A_1377 = arith.addi %mul3A_339, %add3A_1376 : i32
        %add3A_1378 = arith.constant 3 : i32
        %add3A_1379 = arith.addi %add3A_1377, %add3A_1378 : i32
        %broadcast_in_dim3A_1380 = vector.broadcast %add3A_1379 : i32 to vector<16xi32>
        %gather3A_1381 = tpu.vector_load_idx %arg6[%broadcast_in_dim3A_330, %broadcast_in_dim3A_1380, %add3A_1357] : memref<2x224x128xf32, #tpu.memory_space<vmem>>[vector<16xi32>, vector<16xi32>, vector<16xi32>], vector<16xf32>,
        %mul3A_1382 = arith.mulf %gather3A_1363, %gather3A_1363 : vector<16xf32>
        %mul3A_1383 = arith.mulf %gather3A_1369, %gather3A_1369 : vector<16xf32>
        %add3A_1384 = arith.addf %mul3A_1382, %mul3A_1383 : vector<16xf32>
        %mul3A_1385 = arith.mulf %gather3A_1375, %gather3A_1375 : vector<16xf32>
        %add3A_1386 = arith.addf %add3A_1384, %mul3A_1385 : vector<16xf32>
        %mul3A_1387 = arith.mulf %gather3A_1381, %gather3A_1381 : vector<16xf32>
        %add3A_1388 = arith.addf %add3A_1386, %mul3A_1387 : vector<16xf32>
        %broadcast_in_dim3A_1389 = arith.constant 608 : i32
        %broadcast_in_dim3A_1390 = vector.broadcast %broadcast_in_dim3A_1389 : i32 to vector<16xi32>
        %lt3A_1391 = arith.cmpf olt, %add3A_1388, %select_n3A_1353 : vector<16xf32>
        %select_n3A_1392 = arith.select %lt3A_1391, %add3A_1388, %select_n3A_1353 : vector<16xi1>, vector<16xf32>
        %select_n3A_1393 = arith.select %lt3A_1391, %broadcast_in_dim3A_1390, %select_n3A_1354 : vector<16xi1>, vector<16xi32>
        %add3A_1394 = arith.constant 112 : i32
        %add3A_1395 = vector.broadcast %add3A_1394 : i32 to vector<16xi32>
        %add3A_1396 = arith.addi %add3A_1395, %iota3A : vector<16xi32>
        %add3A_1397 = arith.constant 16 : i32
        %add3A_1398 = arith.addi %mul3A_339, %add3A_1397 : i32
        %add3A_1399 = arith.constant 0 : i32
        %add3A_1400 = arith.addi %add3A_1398, %add3A_1399 : i32
        %broadcast_in_dim3A_1401 = vector.broadcast %add3A_1400 : i32 to vector<16xi32>
        %gather3A_1402 = tpu.vector_load_idx %arg6[%broadcast_in_dim3A_330, %broadcast_in_dim3A_1401, %add3A_1396] : memref<2x224x128xf32, #tpu.memory_space<vmem>>[vector<16xi32>, vector<16xi32>, vector<16xi32>], vector<16xf32>,
        %add3A_1403 = arith.constant 16 : i32
        %add3A_1404 = arith.addi %mul3A_339, %add3A_1403 : i32
        %add3A_1405 = arith.constant 1 : i32
        %add3A_1406 = arith.addi %add3A_1404, %add3A_1405 : i32
        %broadcast_in_dim3A_1407 = vector.broadcast %add3A_1406 : i32 to vector<16xi32>
        %gather3A_1408 = tpu.vector_load_idx %arg6[%broadcast_in_dim3A_330, %broadcast_in_dim3A_1407, %add3A_1396] : memref<2x224x128xf32, #tpu.memory_space<vmem>>[vector<16xi32>, vector<16xi32>, vector<16xi32>], vector<16xf32>,
        %add3A_1409 = arith.constant 16 : i32
        %add3A_1410 = arith.addi %mul3A_339, %add3A_1409 : i32
        %add3A_1411 = arith.constant 2 : i32
        %add3A_1412 = arith.addi %add3A_1410, %add3A_1411 : i32
        %broadcast_in_dim3A_1413 = vector.broadcast %add3A_1412 : i32 to vector<16xi32>
        %gather3A_1414 = tpu.vector_load_idx %arg6[%broadcast_in_dim3A_330, %broadcast_in_dim3A_1413, %add3A_1396] : memref<2x224x128xf32, #tpu.memory_space<vmem>>[vector<16xi32>, vector<16xi32>, vector<16xi32>], vector<16xf32>,
        %add3A_1415 = arith.constant 16 : i32
        %add3A_1416 = arith.addi %mul3A_339, %add3A_1415 : i32
        %add3A_1417 = arith.constant 3 : i32
        %add3A_1418 = arith.addi %add3A_1416, %add3A_1417 : i32
        %broadcast_in_dim3A_1419 = vector.broadcast %add3A_1418 : i32 to vector<16xi32>
        %gather3A_1420 = tpu.vector_load_idx %arg6[%broadcast_in_dim3A_330, %broadcast_in_dim3A_1419, %add3A_1396] : memref<2x224x128xf32, #tpu.memory_space<vmem>>[vector<16xi32>, vector<16xi32>, vector<16xi32>], vector<16xf32>,
        %mul3A_1421 = arith.mulf %gather3A_1402, %gather3A_1402 : vector<16xf32>
        %mul3A_1422 = arith.mulf %gather3A_1408, %gather3A_1408 : vector<16xf32>
        %add3A_1423 = arith.addf %mul3A_1421, %mul3A_1422 : vector<16xf32>
        %mul3A_1424 = arith.mulf %gather3A_1414, %gather3A_1414 : vector<16xf32>
        %add3A_1425 = arith.addf %add3A_1423, %mul3A_1424 : vector<16xf32>
        %mul3A_1426 = arith.mulf %gather3A_1420, %gather3A_1420 : vector<16xf32>
        %add3A_1427 = arith.addf %add3A_1425, %mul3A_1426 : vector<16xf32>
        %broadcast_in_dim3A_1428 = arith.constant 624 : i32
        %broadcast_in_dim3A_1429 = vector.broadcast %broadcast_in_dim3A_1428 : i32 to vector<16xi32>
        %lt3A_1430 = arith.cmpf olt, %add3A_1427, %select_n3A_1392 : vector<16xf32>
        %select_n3A_1431 = arith.select %lt3A_1430, %add3A_1427, %select_n3A_1392 : vector<16xi1>, vector<16xf32>
        %select_n3A_1432 = arith.select %lt3A_1430, %broadcast_in_dim3A_1429, %select_n3A_1393 : vector<16xi1>, vector<16xi32>
        %add3A_1433 = arith.constant 0 : i32
        %add3A_1434 = vector.broadcast %add3A_1433 : i32 to vector<16xi32>
        %add3A_1435 = arith.addi %add3A_1434, %iota3A : vector<16xi32>
        %add3A_1436 = arith.constant 20 : i32
        %add3A_1437 = arith.addi %mul3A_339, %add3A_1436 : i32
        %add3A_1438 = arith.constant 0 : i32
        %add3A_1439 = arith.addi %add3A_1437, %add3A_1438 : i32
        %broadcast_in_dim3A_1440 = vector.broadcast %add3A_1439 : i32 to vector<16xi32>
        %gather3A_1441 = tpu.vector_load_idx %arg6[%broadcast_in_dim3A_330, %broadcast_in_dim3A_1440, %add3A_1435] : memref<2x224x128xf32, #tpu.memory_space<vmem>>[vector<16xi32>, vector<16xi32>, vector<16xi32>], vector<16xf32>,
        %add3A_1442 = arith.constant 20 : i32
        %add3A_1443 = arith.addi %mul3A_339, %add3A_1442 : i32
        %add3A_1444 = arith.constant 1 : i32
        %add3A_1445 = arith.addi %add3A_1443, %add3A_1444 : i32
        %broadcast_in_dim3A_1446 = vector.broadcast %add3A_1445 : i32 to vector<16xi32>
        %gather3A_1447 = tpu.vector_load_idx %arg6[%broadcast_in_dim3A_330, %broadcast_in_dim3A_1446, %add3A_1435] : memref<2x224x128xf32, #tpu.memory_space<vmem>>[vector<16xi32>, vector<16xi32>, vector<16xi32>], vector<16xf32>,
        %add3A_1448 = arith.constant 20 : i32
        %add3A_1449 = arith.addi %mul3A_339, %add3A_1448 : i32
        %add3A_1450 = arith.constant 2 : i32
        %add3A_1451 = arith.addi %add3A_1449, %add3A_1450 : i32
        %broadcast_in_dim3A_1452 = vector.broadcast %add3A_1451 : i32 to vector<16xi32>
        %gather3A_1453 = tpu.vector_load_idx %arg6[%broadcast_in_dim3A_330, %broadcast_in_dim3A_1452, %add3A_1435] : memref<2x224x128xf32, #tpu.memory_space<vmem>>[vector<16xi32>, vector<16xi32>, vector<16xi32>], vector<16xf32>,
        %add3A_1454 = arith.constant 20 : i32
        %add3A_1455 = arith.addi %mul3A_339, %add3A_1454 : i32
        %add3A_1456 = arith.constant 3 : i32
        %add3A_1457 = arith.addi %add3A_1455, %add3A_1456 : i32
        %broadcast_in_dim3A_1458 = vector.broadcast %add3A_1457 : i32 to vector<16xi32>
        %gather3A_1459 = tpu.vector_load_idx %arg6[%broadcast_in_dim3A_330, %broadcast_in_dim3A_1458, %add3A_1435] : memref<2x224x128xf32, #tpu.memory_space<vmem>>[vector<16xi32>, vector<16xi32>, vector<16xi32>], vector<16xf32>,
        %mul3A_1460 = arith.mulf %gather3A_1441, %gather3A_1441 : vector<16xf32>
        %mul3A_1461 = arith.mulf %gather3A_1447, %gather3A_1447 : vector<16xf32>
        %add3A_1462 = arith.addf %mul3A_1460, %mul3A_1461 : vector<16xf32>
        %mul3A_1463 = arith.mulf %gather3A_1453, %gather3A_1453 : vector<16xf32>
        %add3A_1464 = arith.addf %add3A_1462, %mul3A_1463 : vector<16xf32>
        %mul3A_1465 = arith.mulf %gather3A_1459, %gather3A_1459 : vector<16xf32>
        %add3A_1466 = arith.addf %add3A_1464, %mul3A_1465 : vector<16xf32>
        %broadcast_in_dim3A_1467 = arith.constant 640 : i32
        %broadcast_in_dim3A_1468 = vector.broadcast %broadcast_in_dim3A_1467 : i32 to vector<16xi32>
        %lt3A_1469 = arith.cmpf olt, %add3A_1466, %select_n3A_1431 : vector<16xf32>
        %select_n3A_1470 = arith.select %lt3A_1469, %add3A_1466, %select_n3A_1431 : vector<16xi1>, vector<16xf32>
        %select_n3A_1471 = arith.select %lt3A_1469, %broadcast_in_dim3A_1468, %select_n3A_1432 : vector<16xi1>, vector<16xi32>
        %add3A_1472 = arith.constant 16 : i32
        %add3A_1473 = vector.broadcast %add3A_1472 : i32 to vector<16xi32>
        %add3A_1474 = arith.addi %add3A_1473, %iota3A : vector<16xi32>
        %add3A_1475 = arith.constant 20 : i32
        %add3A_1476 = arith.addi %mul3A_339, %add3A_1475 : i32
        %add3A_1477 = arith.constant 0 : i32
        %add3A_1478 = arith.addi %add3A_1476, %add3A_1477 : i32
        %broadcast_in_dim3A_1479 = vector.broadcast %add3A_1478 : i32 to vector<16xi32>
        %gather3A_1480 = tpu.vector_load_idx %arg6[%broadcast_in_dim3A_330, %broadcast_in_dim3A_1479, %add3A_1474] : memref<2x224x128xf32, #tpu.memory_space<vmem>>[vector<16xi32>, vector<16xi32>, vector<16xi32>], vector<16xf32>,
        %add3A_1481 = arith.constant 20 : i32
        %add3A_1482 = arith.addi %mul3A_339, %add3A_1481 : i32
        %add3A_1483 = arith.constant 1 : i32
        %add3A_1484 = arith.addi %add3A_1482, %add3A_1483 : i32
        %broadcast_in_dim3A_1485 = vector.broadcast %add3A_1484 : i32 to vector<16xi32>
        %gather3A_1486 = tpu.vector_load_idx %arg6[%broadcast_in_dim3A_330, %broadcast_in_dim3A_1485, %add3A_1474] : memref<2x224x128xf32, #tpu.memory_space<vmem>>[vector<16xi32>, vector<16xi32>, vector<16xi32>], vector<16xf32>,
        %add3A_1487 = arith.constant 20 : i32
        %add3A_1488 = arith.addi %mul3A_339, %add3A_1487 : i32
        %add3A_1489 = arith.constant 2 : i32
        %add3A_1490 = arith.addi %add3A_1488, %add3A_1489 : i32
        %broadcast_in_dim3A_1491 = vector.broadcast %add3A_1490 : i32 to vector<16xi32>
        %gather3A_1492 = tpu.vector_load_idx %arg6[%broadcast_in_dim3A_330, %broadcast_in_dim3A_1491, %add3A_1474] : memref<2x224x128xf32, #tpu.memory_space<vmem>>[vector<16xi32>, vector<16xi32>, vector<16xi32>], vector<16xf32>,
        %add3A_1493 = arith.constant 20 : i32
        %add3A_1494 = arith.addi %mul3A_339, %add3A_1493 : i32
        %add3A_1495 = arith.constant 3 : i32
        %add3A_1496 = arith.addi %add3A_1494, %add3A_1495 : i32
        %broadcast_in_dim3A_1497 = vector.broadcast %add3A_1496 : i32 to vector<16xi32>
        %gather3A_1498 = tpu.vector_load_idx %arg6[%broadcast_in_dim3A_330, %broadcast_in_dim3A_1497, %add3A_1474] : memref<2x224x128xf32, #tpu.memory_space<vmem>>[vector<16xi32>, vector<16xi32>, vector<16xi32>], vector<16xf32>,
        %mul3A_1499 = arith.mulf %gather3A_1480, %gather3A_1480 : vector<16xf32>
        %mul3A_1500 = arith.mulf %gather3A_1486, %gather3A_1486 : vector<16xf32>
        %add3A_1501 = arith.addf %mul3A_1499, %mul3A_1500 : vector<16xf32>
        %mul3A_1502 = arith.mulf %gather3A_1492, %gather3A_1492 : vector<16xf32>
        %add3A_1503 = arith.addf %add3A_1501, %mul3A_1502 : vector<16xf32>
        %mul3A_1504 = arith.mulf %gather3A_1498, %gather3A_1498 : vector<16xf32>
        %add3A_1505 = arith.addf %add3A_1503, %mul3A_1504 : vector<16xf32>
        %broadcast_in_dim3A_1506 = arith.constant 656 : i32
        %broadcast_in_dim3A_1507 = vector.broadcast %broadcast_in_dim3A_1506 : i32 to vector<16xi32>
        %lt3A_1508 = arith.cmpf olt, %add3A_1505, %select_n3A_1470 : vector<16xf32>
        %select_n3A_1509 = arith.select %lt3A_1508, %add3A_1505, %select_n3A_1470 : vector<16xi1>, vector<16xf32>
        %select_n3A_1510 = arith.select %lt3A_1508, %broadcast_in_dim3A_1507, %select_n3A_1471 : vector<16xi1>, vector<16xi32>
        %add3A_1511 = arith.constant 32 : i32
        %add3A_1512 = vector.broadcast %add3A_1511 : i32 to vector<16xi32>
        %add3A_1513 = arith.addi %add3A_1512, %iota3A : vector<16xi32>
        %add3A_1514 = arith.constant 20 : i32
        %add3A_1515 = arith.addi %mul3A_339, %add3A_1514 : i32
        %add3A_1516 = arith.constant 0 : i32
        %add3A_1517 = arith.addi %add3A_1515, %add3A_1516 : i32
        %broadcast_in_dim3A_1518 = vector.broadcast %add3A_1517 : i32 to vector<16xi32>
        %gather3A_1519 = tpu.vector_load_idx %arg6[%broadcast_in_dim3A_330, %broadcast_in_dim3A_1518, %add3A_1513] : memref<2x224x128xf32, #tpu.memory_space<vmem>>[vector<16xi32>, vector<16xi32>, vector<16xi32>], vector<16xf32>,
        %add3A_1520 = arith.constant 20 : i32
        %add3A_1521 = arith.addi %mul3A_339, %add3A_1520 : i32
        %add3A_1522 = arith.constant 1 : i32
        %add3A_1523 = arith.addi %add3A_1521, %add3A_1522 : i32
        %broadcast_in_dim3A_1524 = vector.broadcast %add3A_1523 : i32 to vector<16xi32>
        %gather3A_1525 = tpu.vector_load_idx %arg6[%broadcast_in_dim3A_330, %broadcast_in_dim3A_1524, %add3A_1513] : memref<2x224x128xf32, #tpu.memory_space<vmem>>[vector<16xi32>, vector<16xi32>, vector<16xi32>], vector<16xf32>,
        %add3A_1526 = arith.constant 20 : i32
        %add3A_1527 = arith.addi %mul3A_339, %add3A_1526 : i32
        %add3A_1528 = arith.constant 2 : i32
        %add3A_1529 = arith.addi %add3A_1527, %add3A_1528 : i32
        %broadcast_in_dim3A_1530 = vector.broadcast %add3A_1529 : i32 to vector<16xi32>
        %gather3A_1531 = tpu.vector_load_idx %arg6[%broadcast_in_dim3A_330, %broadcast_in_dim3A_1530, %add3A_1513] : memref<2x224x128xf32, #tpu.memory_space<vmem>>[vector<16xi32>, vector<16xi32>, vector<16xi32>], vector<16xf32>,
        %add3A_1532 = arith.constant 20 : i32
        %add3A_1533 = arith.addi %mul3A_339, %add3A_1532 : i32
        %add3A_1534 = arith.constant 3 : i32
        %add3A_1535 = arith.addi %add3A_1533, %add3A_1534 : i32
        %broadcast_in_dim3A_1536 = vector.broadcast %add3A_1535 : i32 to vector<16xi32>
        %gather3A_1537 = tpu.vector_load_idx %arg6[%broadcast_in_dim3A_330, %broadcast_in_dim3A_1536, %add3A_1513] : memref<2x224x128xf32, #tpu.memory_space<vmem>>[vector<16xi32>, vector<16xi32>, vector<16xi32>], vector<16xf32>,
        %mul3A_1538 = arith.mulf %gather3A_1519, %gather3A_1519 : vector<16xf32>
        %mul3A_1539 = arith.mulf %gather3A_1525, %gather3A_1525 : vector<16xf32>
        %add3A_1540 = arith.addf %mul3A_1538, %mul3A_1539 : vector<16xf32>
        %mul3A_1541 = arith.mulf %gather3A_1531, %gather3A_1531 : vector<16xf32>
        %add3A_1542 = arith.addf %add3A_1540, %mul3A_1541 : vector<16xf32>
        %mul3A_1543 = arith.mulf %gather3A_1537, %gather3A_1537 : vector<16xf32>
        %add3A_1544 = arith.addf %add3A_1542, %mul3A_1543 : vector<16xf32>
        %broadcast_in_dim3A_1545 = arith.constant 672 : i32
        %broadcast_in_dim3A_1546 = vector.broadcast %broadcast_in_dim3A_1545 : i32 to vector<16xi32>
        %lt3A_1547 = arith.cmpf olt, %add3A_1544, %select_n3A_1509 : vector<16xf32>
        %select_n3A_1548 = arith.select %lt3A_1547, %add3A_1544, %select_n3A_1509 : vector<16xi1>, vector<16xf32>
        %select_n3A_1549 = arith.select %lt3A_1547, %broadcast_in_dim3A_1546, %select_n3A_1510 : vector<16xi1>, vector<16xi32>
        %add3A_1550 = arith.constant 48 : i32
        %add3A_1551 = vector.broadcast %add3A_1550 : i32 to vector<16xi32>
        %add3A_1552 = arith.addi %add3A_1551, %iota3A : vector<16xi32>
        %add3A_1553 = arith.constant 20 : i32
        %add3A_1554 = arith.addi %mul3A_339, %add3A_1553 : i32
        %add3A_1555 = arith.constant 0 : i32
        %add3A_1556 = arith.addi %add3A_1554, %add3A_1555 : i32
        %broadcast_in_dim3A_1557 = vector.broadcast %add3A_1556 : i32 to vector<16xi32>
        %gather3A_1558 = tpu.vector_load_idx %arg6[%broadcast_in_dim3A_330, %broadcast_in_dim3A_1557, %add3A_1552] : memref<2x224x128xf32, #tpu.memory_space<vmem>>[vector<16xi32>, vector<16xi32>, vector<16xi32>], vector<16xf32>,
        %add3A_1559 = arith.constant 20 : i32
        %add3A_1560 = arith.addi %mul3A_339, %add3A_1559 : i32
        %add3A_1561 = arith.constant 1 : i32
        %add3A_1562 = arith.addi %add3A_1560, %add3A_1561 : i32
        %broadcast_in_dim3A_1563 = vector.broadcast %add3A_1562 : i32 to vector<16xi32>
        %gather3A_1564 = tpu.vector_load_idx %arg6[%broadcast_in_dim3A_330, %broadcast_in_dim3A_1563, %add3A_1552] : memref<2x224x128xf32, #tpu.memory_space<vmem>>[vector<16xi32>, vector<16xi32>, vector<16xi32>], vector<16xf32>,
        %add3A_1565 = arith.constant 20 : i32
        %add3A_1566 = arith.addi %mul3A_339, %add3A_1565 : i32
        %add3A_1567 = arith.constant 2 : i32
        %add3A_1568 = arith.addi %add3A_1566, %add3A_1567 : i32
        %broadcast_in_dim3A_1569 = vector.broadcast %add3A_1568 : i32 to vector<16xi32>
        %gather3A_1570 = tpu.vector_load_idx %arg6[%broadcast_in_dim3A_330, %broadcast_in_dim3A_1569, %add3A_1552] : memref<2x224x128xf32, #tpu.memory_space<vmem>>[vector<16xi32>, vector<16xi32>, vector<16xi32>], vector<16xf32>,
        %add3A_1571 = arith.constant 20 : i32
        %add3A_1572 = arith.addi %mul3A_339, %add3A_1571 : i32
        %add3A_1573 = arith.constant 3 : i32
        %add3A_1574 = arith.addi %add3A_1572, %add3A_1573 : i32
        %broadcast_in_dim3A_1575 = vector.broadcast %add3A_1574 : i32 to vector<16xi32>
        %gather3A_1576 = tpu.vector_load_idx %arg6[%broadcast_in_dim3A_330, %broadcast_in_dim3A_1575, %add3A_1552] : memref<2x224x128xf32, #tpu.memory_space<vmem>>[vector<16xi32>, vector<16xi32>, vector<16xi32>], vector<16xf32>,
        %mul3A_1577 = arith.mulf %gather3A_1558, %gather3A_1558 : vector<16xf32>
        %mul3A_1578 = arith.mulf %gather3A_1564, %gather3A_1564 : vector<16xf32>
        %add3A_1579 = arith.addf %mul3A_1577, %mul3A_1578 : vector<16xf32>
        %mul3A_1580 = arith.mulf %gather3A_1570, %gather3A_1570 : vector<16xf32>
        %add3A_1581 = arith.addf %add3A_1579, %mul3A_1580 : vector<16xf32>
        %mul3A_1582 = arith.mulf %gather3A_1576, %gather3A_1576 : vector<16xf32>
        %add3A_1583 = arith.addf %add3A_1581, %mul3A_1582 : vector<16xf32>
        %broadcast_in_dim3A_1584 = arith.constant 688 : i32
        %broadcast_in_dim3A_1585 = vector.broadcast %broadcast_in_dim3A_1584 : i32 to vector<16xi32>
        %lt3A_1586 = arith.cmpf olt, %add3A_1583, %select_n3A_1548 : vector<16xf32>
        %select_n3A_1587 = arith.select %lt3A_1586, %add3A_1583, %select_n3A_1548 : vector<16xi1>, vector<16xf32>
        %select_n3A_1588 = arith.select %lt3A_1586, %broadcast_in_dim3A_1585, %select_n3A_1549 : vector<16xi1>, vector<16xi32>
        %add3A_1589 = arith.constant 64 : i32
        %add3A_1590 = vector.broadcast %add3A_1589 : i32 to vector<16xi32>
        %add3A_1591 = arith.addi %add3A_1590, %iota3A : vector<16xi32>
        %add3A_1592 = arith.constant 20 : i32
        %add3A_1593 = arith.addi %mul3A_339, %add3A_1592 : i32
        %add3A_1594 = arith.constant 0 : i32
        %add3A_1595 = arith.addi %add3A_1593, %add3A_1594 : i32
        %broadcast_in_dim3A_1596 = vector.broadcast %add3A_1595 : i32 to vector<16xi32>
        %gather3A_1597 = tpu.vector_load_idx %arg6[%broadcast_in_dim3A_330, %broadcast_in_dim3A_1596, %add3A_1591] : memref<2x224x128xf32, #tpu.memory_space<vmem>>[vector<16xi32>, vector<16xi32>, vector<16xi32>], vector<16xf32>,
        %add3A_1598 = arith.constant 20 : i32
        %add3A_1599 = arith.addi %mul3A_339, %add3A_1598 : i32
        %add3A_1600 = arith.constant 1 : i32
        %add3A_1601 = arith.addi %add3A_1599, %add3A_1600 : i32
        %broadcast_in_dim3A_1602 = vector.broadcast %add3A_1601 : i32 to vector<16xi32>
        %gather3A_1603 = tpu.vector_load_idx %arg6[%broadcast_in_dim3A_330, %broadcast_in_dim3A_1602, %add3A_1591] : memref<2x224x128xf32, #tpu.memory_space<vmem>>[vector<16xi32>, vector<16xi32>, vector<16xi32>], vector<16xf32>,
        %add3A_1604 = arith.constant 20 : i32
        %add3A_1605 = arith.addi %mul3A_339, %add3A_1604 : i32
        %add3A_1606 = arith.constant 2 : i32
        %add3A_1607 = arith.addi %add3A_1605, %add3A_1606 : i32
        %broadcast_in_dim3A_1608 = vector.broadcast %add3A_1607 : i32 to vector<16xi32>
        %gather3A_1609 = tpu.vector_load_idx %arg6[%broadcast_in_dim3A_330, %broadcast_in_dim3A_1608, %add3A_1591] : memref<2x224x128xf32, #tpu.memory_space<vmem>>[vector<16xi32>, vector<16xi32>, vector<16xi32>], vector<16xf32>,
        %add3A_1610 = arith.constant 20 : i32
        %add3A_1611 = arith.addi %mul3A_339, %add3A_1610 : i32
        %add3A_1612 = arith.constant 3 : i32
        %add3A_1613 = arith.addi %add3A_1611, %add3A_1612 : i32
        %broadcast_in_dim3A_1614 = vector.broadcast %add3A_1613 : i32 to vector<16xi32>
        %gather3A_1615 = tpu.vector_load_idx %arg6[%broadcast_in_dim3A_330, %broadcast_in_dim3A_1614, %add3A_1591] : memref<2x224x128xf32, #tpu.memory_space<vmem>>[vector<16xi32>, vector<16xi32>, vector<16xi32>], vector<16xf32>,
        %mul3A_1616 = arith.mulf %gather3A_1597, %gather3A_1597 : vector<16xf32>
        %mul3A_1617 = arith.mulf %gather3A_1603, %gather3A_1603 : vector<16xf32>
        %add3A_1618 = arith.addf %mul3A_1616, %mul3A_1617 : vector<16xf32>
        %mul3A_1619 = arith.mulf %gather3A_1609, %gather3A_1609 : vector<16xf32>
        %add3A_1620 = arith.addf %add3A_1618, %mul3A_1619 : vector<16xf32>
        %mul3A_1621 = arith.mulf %gather3A_1615, %gather3A_1615 : vector<16xf32>
        %add3A_1622 = arith.addf %add3A_1620, %mul3A_1621 : vector<16xf32>
        %broadcast_in_dim3A_1623 = arith.constant 704 : i32
        %broadcast_in_dim3A_1624 = vector.broadcast %broadcast_in_dim3A_1623 : i32 to vector<16xi32>
        %lt3A_1625 = arith.cmpf olt, %add3A_1622, %select_n3A_1587 : vector<16xf32>
        %select_n3A_1626 = arith.select %lt3A_1625, %add3A_1622, %select_n3A_1587 : vector<16xi1>, vector<16xf32>
        %select_n3A_1627 = arith.select %lt3A_1625, %broadcast_in_dim3A_1624, %select_n3A_1588 : vector<16xi1>, vector<16xi32>
        %add3A_1628 = arith.constant 80 : i32
        %add3A_1629 = vector.broadcast %add3A_1628 : i32 to vector<16xi32>
        %add3A_1630 = arith.addi %add3A_1629, %iota3A : vector<16xi32>
        %add3A_1631 = arith.constant 20 : i32
        %add3A_1632 = arith.addi %mul3A_339, %add3A_1631 : i32
        %add3A_1633 = arith.constant 0 : i32
        %add3A_1634 = arith.addi %add3A_1632, %add3A_1633 : i32
        %broadcast_in_dim3A_1635 = vector.broadcast %add3A_1634 : i32 to vector<16xi32>
        %gather3A_1636 = tpu.vector_load_idx %arg6[%broadcast_in_dim3A_330, %broadcast_in_dim3A_1635, %add3A_1630] : memref<2x224x128xf32, #tpu.memory_space<vmem>>[vector<16xi32>, vector<16xi32>, vector<16xi32>], vector<16xf32>,
        %add3A_1637 = arith.constant 20 : i32
        %add3A_1638 = arith.addi %mul3A_339, %add3A_1637 : i32
        %add3A_1639 = arith.constant 1 : i32
        %add3A_1640 = arith.addi %add3A_1638, %add3A_1639 : i32
        %broadcast_in_dim3A_1641 = vector.broadcast %add3A_1640 : i32 to vector<16xi32>
        %gather3A_1642 = tpu.vector_load_idx %arg6[%broadcast_in_dim3A_330, %broadcast_in_dim3A_1641, %add3A_1630] : memref<2x224x128xf32, #tpu.memory_space<vmem>>[vector<16xi32>, vector<16xi32>, vector<16xi32>], vector<16xf32>,
        %add3A_1643 = arith.constant 20 : i32
        %add3A_1644 = arith.addi %mul3A_339, %add3A_1643 : i32
        %add3A_1645 = arith.constant 2 : i32
        %add3A_1646 = arith.addi %add3A_1644, %add3A_1645 : i32
        %broadcast_in_dim3A_1647 = vector.broadcast %add3A_1646 : i32 to vector<16xi32>
        %gather3A_1648 = tpu.vector_load_idx %arg6[%broadcast_in_dim3A_330, %broadcast_in_dim3A_1647, %add3A_1630] : memref<2x224x128xf32, #tpu.memory_space<vmem>>[vector<16xi32>, vector<16xi32>, vector<16xi32>], vector<16xf32>,
        %add3A_1649 = arith.constant 20 : i32
        %add3A_1650 = arith.addi %mul3A_339, %add3A_1649 : i32
        %add3A_1651 = arith.constant 3 : i32
        %add3A_1652 = arith.addi %add3A_1650, %add3A_1651 : i32
        %broadcast_in_dim3A_1653 = vector.broadcast %add3A_1652 : i32 to vector<16xi32>
        %gather3A_1654 = tpu.vector_load_idx %arg6[%broadcast_in_dim3A_330, %broadcast_in_dim3A_1653, %add3A_1630] : memref<2x224x128xf32, #tpu.memory_space<vmem>>[vector<16xi32>, vector<16xi32>, vector<16xi32>], vector<16xf32>,
        %mul3A_1655 = arith.mulf %gather3A_1636, %gather3A_1636 : vector<16xf32>
        %mul3A_1656 = arith.mulf %gather3A_1642, %gather3A_1642 : vector<16xf32>
        %add3A_1657 = arith.addf %mul3A_1655, %mul3A_1656 : vector<16xf32>
        %mul3A_1658 = arith.mulf %gather3A_1648, %gather3A_1648 : vector<16xf32>
        %add3A_1659 = arith.addf %add3A_1657, %mul3A_1658 : vector<16xf32>
        %mul3A_1660 = arith.mulf %gather3A_1654, %gather3A_1654 : vector<16xf32>
        %add3A_1661 = arith.addf %add3A_1659, %mul3A_1660 : vector<16xf32>
        %broadcast_in_dim3A_1662 = arith.constant 720 : i32
        %broadcast_in_dim3A_1663 = vector.broadcast %broadcast_in_dim3A_1662 : i32 to vector<16xi32>
        %lt3A_1664 = arith.cmpf olt, %add3A_1661, %select_n3A_1626 : vector<16xf32>
        %select_n3A_1665 = arith.select %lt3A_1664, %add3A_1661, %select_n3A_1626 : vector<16xi1>, vector<16xf32>
        %select_n3A_1666 = arith.select %lt3A_1664, %broadcast_in_dim3A_1663, %select_n3A_1627 : vector<16xi1>, vector<16xi32>
        %add3A_1667 = arith.constant 96 : i32
        %add3A_1668 = vector.broadcast %add3A_1667 : i32 to vector<16xi32>
        %add3A_1669 = arith.addi %add3A_1668, %iota3A : vector<16xi32>
        %add3A_1670 = arith.constant 20 : i32
        %add3A_1671 = arith.addi %mul3A_339, %add3A_1670 : i32
        %add3A_1672 = arith.constant 0 : i32
        %add3A_1673 = arith.addi %add3A_1671, %add3A_1672 : i32
        %broadcast_in_dim3A_1674 = vector.broadcast %add3A_1673 : i32 to vector<16xi32>
        %gather3A_1675 = tpu.vector_load_idx %arg6[%broadcast_in_dim3A_330, %broadcast_in_dim3A_1674, %add3A_1669] : memref<2x224x128xf32, #tpu.memory_space<vmem>>[vector<16xi32>, vector<16xi32>, vector<16xi32>], vector<16xf32>,
        %add3A_1676 = arith.constant 20 : i32
        %add3A_1677 = arith.addi %mul3A_339, %add3A_1676 : i32
        %add3A_1678 = arith.constant 1 : i32
        %add3A_1679 = arith.addi %add3A_1677, %add3A_1678 : i32
        %broadcast_in_dim3A_1680 = vector.broadcast %add3A_1679 : i32 to vector<16xi32>
        %gather3A_1681 = tpu.vector_load_idx %arg6[%broadcast_in_dim3A_330, %broadcast_in_dim3A_1680, %add3A_1669] : memref<2x224x128xf32, #tpu.memory_space<vmem>>[vector<16xi32>, vector<16xi32>, vector<16xi32>], vector<16xf32>,
        %add3A_1682 = arith.constant 20 : i32
        %add3A_1683 = arith.addi %mul3A_339, %add3A_1682 : i32
        %add3A_1684 = arith.constant 2 : i32
        %add3A_1685 = arith.addi %add3A_1683, %add3A_1684 : i32
        %broadcast_in_dim3A_1686 = vector.broadcast %add3A_1685 : i32 to vector<16xi32>
        %gather3A_1687 = tpu.vector_load_idx %arg6[%broadcast_in_dim3A_330, %broadcast_in_dim3A_1686, %add3A_1669] : memref<2x224x128xf32, #tpu.memory_space<vmem>>[vector<16xi32>, vector<16xi32>, vector<16xi32>], vector<16xf32>,
        %add3A_1688 = arith.constant 20 : i32
        %add3A_1689 = arith.addi %mul3A_339, %add3A_1688 : i32
        %add3A_1690 = arith.constant 3 : i32
        %add3A_1691 = arith.addi %add3A_1689, %add3A_1690 : i32
        %broadcast_in_dim3A_1692 = vector.broadcast %add3A_1691 : i32 to vector<16xi32>
        %gather3A_1693 = tpu.vector_load_idx %arg6[%broadcast_in_dim3A_330, %broadcast_in_dim3A_1692, %add3A_1669] : memref<2x224x128xf32, #tpu.memory_space<vmem>>[vector<16xi32>, vector<16xi32>, vector<16xi32>], vector<16xf32>,
        %mul3A_1694 = arith.mulf %gather3A_1675, %gather3A_1675 : vector<16xf32>
        %mul3A_1695 = arith.mulf %gather3A_1681, %gather3A_1681 : vector<16xf32>
        %add3A_1696 = arith.addf %mul3A_1694, %mul3A_1695 : vector<16xf32>
        %mul3A_1697 = arith.mulf %gather3A_1687, %gather3A_1687 : vector<16xf32>
        %add3A_1698 = arith.addf %add3A_1696, %mul3A_1697 : vector<16xf32>
        %mul3A_1699 = arith.mulf %gather3A_1693, %gather3A_1693 : vector<16xf32>
        %add3A_1700 = arith.addf %add3A_1698, %mul3A_1699 : vector<16xf32>
        %broadcast_in_dim3A_1701 = arith.constant 736 : i32
        %broadcast_in_dim3A_1702 = vector.broadcast %broadcast_in_dim3A_1701 : i32 to vector<16xi32>
        %lt3A_1703 = arith.cmpf olt, %add3A_1700, %select_n3A_1665 : vector<16xf32>
        %select_n3A_1704 = arith.select %lt3A_1703, %add3A_1700, %select_n3A_1665 : vector<16xi1>, vector<16xf32>
        %select_n3A_1705 = arith.select %lt3A_1703, %broadcast_in_dim3A_1702, %select_n3A_1666 : vector<16xi1>, vector<16xi32>
        %add3A_1706 = arith.constant 112 : i32
        %add3A_1707 = vector.broadcast %add3A_1706 : i32 to vector<16xi32>
        %add3A_1708 = arith.addi %add3A_1707, %iota3A : vector<16xi32>
        %add3A_1709 = arith.constant 20 : i32
        %add3A_1710 = arith.addi %mul3A_339, %add3A_1709 : i32
        %add3A_1711 = arith.constant 0 : i32
        %add3A_1712 = arith.addi %add3A_1710, %add3A_1711 : i32
        %broadcast_in_dim3A_1713 = vector.broadcast %add3A_1712 : i32 to vector<16xi32>
        %gather3A_1714 = tpu.vector_load_idx %arg6[%broadcast_in_dim3A_330, %broadcast_in_dim3A_1713, %add3A_1708] : memref<2x224x128xf32, #tpu.memory_space<vmem>>[vector<16xi32>, vector<16xi32>, vector<16xi32>], vector<16xf32>,
        %add3A_1715 = arith.constant 20 : i32
        %add3A_1716 = arith.addi %mul3A_339, %add3A_1715 : i32
        %add3A_1717 = arith.constant 1 : i32
        %add3A_1718 = arith.addi %add3A_1716, %add3A_1717 : i32
        %broadcast_in_dim3A_1719 = vector.broadcast %add3A_1718 : i32 to vector<16xi32>
        %gather3A_1720 = tpu.vector_load_idx %arg6[%broadcast_in_dim3A_330, %broadcast_in_dim3A_1719, %add3A_1708] : memref<2x224x128xf32, #tpu.memory_space<vmem>>[vector<16xi32>, vector<16xi32>, vector<16xi32>], vector<16xf32>,
        %add3A_1721 = arith.constant 20 : i32
        %add3A_1722 = arith.addi %mul3A_339, %add3A_1721 : i32
        %add3A_1723 = arith.constant 2 : i32
        %add3A_1724 = arith.addi %add3A_1722, %add3A_1723 : i32
        %broadcast_in_dim3A_1725 = vector.broadcast %add3A_1724 : i32 to vector<16xi32>
        %gather3A_1726 = tpu.vector_load_idx %arg6[%broadcast_in_dim3A_330, %broadcast_in_dim3A_1725, %add3A_1708] : memref<2x224x128xf32, #tpu.memory_space<vmem>>[vector<16xi32>, vector<16xi32>, vector<16xi32>], vector<16xf32>,
        %add3A_1727 = arith.constant 20 : i32
        %add3A_1728 = arith.addi %mul3A_339, %add3A_1727 : i32
        %add3A_1729 = arith.constant 3 : i32
        %add3A_1730 = arith.addi %add3A_1728, %add3A_1729 : i32
        %broadcast_in_dim3A_1731 = vector.broadcast %add3A_1730 : i32 to vector<16xi32>
        %gather3A_1732 = tpu.vector_load_idx %arg6[%broadcast_in_dim3A_330, %broadcast_in_dim3A_1731, %add3A_1708] : memref<2x224x128xf32, #tpu.memory_space<vmem>>[vector<16xi32>, vector<16xi32>, vector<16xi32>], vector<16xf32>,
        %mul3A_1733 = arith.mulf %gather3A_1714, %gather3A_1714 : vector<16xf32>
        %mul3A_1734 = arith.mulf %gather3A_1720, %gather3A_1720 : vector<16xf32>
        %add3A_1735 = arith.addf %mul3A_1733, %mul3A_1734 : vector<16xf32>
        %mul3A_1736 = arith.mulf %gather3A_1726, %gather3A_1726 : vector<16xf32>
        %add3A_1737 = arith.addf %add3A_1735, %mul3A_1736 : vector<16xf32>
        %mul3A_1738 = arith.mulf %gather3A_1732, %gather3A_1732 : vector<16xf32>
        %add3A_1739 = arith.addf %add3A_1737, %mul3A_1738 : vector<16xf32>
        %broadcast_in_dim3A_1740 = arith.constant 752 : i32
        %broadcast_in_dim3A_1741 = vector.broadcast %broadcast_in_dim3A_1740 : i32 to vector<16xi32>
        %lt3A_1742 = arith.cmpf olt, %add3A_1739, %select_n3A_1704 : vector<16xf32>
        %select_n3A_1743 = arith.select %lt3A_1742, %add3A_1739, %select_n3A_1704 : vector<16xi1>, vector<16xf32>
        %select_n3A_1744 = arith.select %lt3A_1742, %broadcast_in_dim3A_1741, %select_n3A_1705 : vector<16xi1>, vector<16xi32>
        %add3A_1745 = arith.constant 0 : i32
        %add3A_1746 = vector.broadcast %add3A_1745 : i32 to vector<16xi32>
        %add3A_1747 = arith.addi %add3A_1746, %iota3A : vector<16xi32>
        %add3A_1748 = arith.constant 24 : i32
        %add3A_1749 = arith.addi %mul3A_339, %add3A_1748 : i32
        %add3A_1750 = arith.constant 0 : i32
        %add3A_1751 = arith.addi %add3A_1749, %add3A_1750 : i32
        %broadcast_in_dim3A_1752 = vector.broadcast %add3A_1751 : i32 to vector<16xi32>
        %gather3A_1753 = tpu.vector_load_idx %arg6[%broadcast_in_dim3A_330, %broadcast_in_dim3A_1752, %add3A_1747] : memref<2x224x128xf32, #tpu.memory_space<vmem>>[vector<16xi32>, vector<16xi32>, vector<16xi32>], vector<16xf32>,
        %add3A_1754 = arith.constant 24 : i32
        %add3A_1755 = arith.addi %mul3A_339, %add3A_1754 : i32
        %add3A_1756 = arith.constant 1 : i32
        %add3A_1757 = arith.addi %add3A_1755, %add3A_1756 : i32
        %broadcast_in_dim3A_1758 = vector.broadcast %add3A_1757 : i32 to vector<16xi32>
        %gather3A_1759 = tpu.vector_load_idx %arg6[%broadcast_in_dim3A_330, %broadcast_in_dim3A_1758, %add3A_1747] : memref<2x224x128xf32, #tpu.memory_space<vmem>>[vector<16xi32>, vector<16xi32>, vector<16xi32>], vector<16xf32>,
        %add3A_1760 = arith.constant 24 : i32
        %add3A_1761 = arith.addi %mul3A_339, %add3A_1760 : i32
        %add3A_1762 = arith.constant 2 : i32
        %add3A_1763 = arith.addi %add3A_1761, %add3A_1762 : i32
        %broadcast_in_dim3A_1764 = vector.broadcast %add3A_1763 : i32 to vector<16xi32>
        %gather3A_1765 = tpu.vector_load_idx %arg6[%broadcast_in_dim3A_330, %broadcast_in_dim3A_1764, %add3A_1747] : memref<2x224x128xf32, #tpu.memory_space<vmem>>[vector<16xi32>, vector<16xi32>, vector<16xi32>], vector<16xf32>,
        %add3A_1766 = arith.constant 24 : i32
        %add3A_1767 = arith.addi %mul3A_339, %add3A_1766 : i32
        %add3A_1768 = arith.constant 3 : i32
        %add3A_1769 = arith.addi %add3A_1767, %add3A_1768 : i32
        %broadcast_in_dim3A_1770 = vector.broadcast %add3A_1769 : i32 to vector<16xi32>
        %gather3A_1771 = tpu.vector_load_idx %arg6[%broadcast_in_dim3A_330, %broadcast_in_dim3A_1770, %add3A_1747] : memref<2x224x128xf32, #tpu.memory_space<vmem>>[vector<16xi32>, vector<16xi32>, vector<16xi32>], vector<16xf32>,
        %mul3A_1772 = arith.mulf %gather3A_1753, %gather3A_1753 : vector<16xf32>
        %mul3A_1773 = arith.mulf %gather3A_1759, %gather3A_1759 : vector<16xf32>
        %add3A_1774 = arith.addf %mul3A_1772, %mul3A_1773 : vector<16xf32>
        %mul3A_1775 = arith.mulf %gather3A_1765, %gather3A_1765 : vector<16xf32>
        %add3A_1776 = arith.addf %add3A_1774, %mul3A_1775 : vector<16xf32>
        %mul3A_1777 = arith.mulf %gather3A_1771, %gather3A_1771 : vector<16xf32>
        %add3A_1778 = arith.addf %add3A_1776, %mul3A_1777 : vector<16xf32>
        %broadcast_in_dim3A_1779 = arith.constant 768 : i32
        %broadcast_in_dim3A_1780 = vector.broadcast %broadcast_in_dim3A_1779 : i32 to vector<16xi32>
        %lt3A_1781 = arith.cmpf olt, %add3A_1778, %select_n3A_1743 : vector<16xf32>
        %select_n3A_1782 = arith.select %lt3A_1781, %add3A_1778, %select_n3A_1743 : vector<16xi1>, vector<16xf32>
        %select_n3A_1783 = arith.select %lt3A_1781, %broadcast_in_dim3A_1780, %select_n3A_1744 : vector<16xi1>, vector<16xi32>
        %add3A_1784 = arith.constant 16 : i32
        %add3A_1785 = vector.broadcast %add3A_1784 : i32 to vector<16xi32>
        %add3A_1786 = arith.addi %add3A_1785, %iota3A : vector<16xi32>
        %add3A_1787 = arith.constant 24 : i32
        %add3A_1788 = arith.addi %mul3A_339, %add3A_1787 : i32
        %add3A_1789 = arith.constant 0 : i32
        %add3A_1790 = arith.addi %add3A_1788, %add3A_1789 : i32
        %broadcast_in_dim3A_1791 = vector.broadcast %add3A_1790 : i32 to vector<16xi32>
        %gather3A_1792 = tpu.vector_load_idx %arg6[%broadcast_in_dim3A_330, %broadcast_in_dim3A_1791, %add3A_1786] : memref<2x224x128xf32, #tpu.memory_space<vmem>>[vector<16xi32>, vector<16xi32>, vector<16xi32>], vector<16xf32>,
        %add3A_1793 = arith.constant 24 : i32
        %add3A_1794 = arith.addi %mul3A_339, %add3A_1793 : i32
        %add3A_1795 = arith.constant 1 : i32
        %add3A_1796 = arith.addi %add3A_1794, %add3A_1795 : i32
        %broadcast_in_dim3A_1797 = vector.broadcast %add3A_1796 : i32 to vector<16xi32>
        %gather3A_1798 = tpu.vector_load_idx %arg6[%broadcast_in_dim3A_330, %broadcast_in_dim3A_1797, %add3A_1786] : memref<2x224x128xf32, #tpu.memory_space<vmem>>[vector<16xi32>, vector<16xi32>, vector<16xi32>], vector<16xf32>,
        %add3A_1799 = arith.constant 24 : i32
        %add3A_1800 = arith.addi %mul3A_339, %add3A_1799 : i32
        %add3A_1801 = arith.constant 2 : i32
        %add3A_1802 = arith.addi %add3A_1800, %add3A_1801 : i32
        %broadcast_in_dim3A_1803 = vector.broadcast %add3A_1802 : i32 to vector<16xi32>
        %gather3A_1804 = tpu.vector_load_idx %arg6[%broadcast_in_dim3A_330, %broadcast_in_dim3A_1803, %add3A_1786] : memref<2x224x128xf32, #tpu.memory_space<vmem>>[vector<16xi32>, vector<16xi32>, vector<16xi32>], vector<16xf32>,
        %add3A_1805 = arith.constant 24 : i32
        %add3A_1806 = arith.addi %mul3A_339, %add3A_1805 : i32
        %add3A_1807 = arith.constant 3 : i32
        %add3A_1808 = arith.addi %add3A_1806, %add3A_1807 : i32
        %broadcast_in_dim3A_1809 = vector.broadcast %add3A_1808 : i32 to vector<16xi32>
        %gather3A_1810 = tpu.vector_load_idx %arg6[%broadcast_in_dim3A_330, %broadcast_in_dim3A_1809, %add3A_1786] : memref<2x224x128xf32, #tpu.memory_space<vmem>>[vector<16xi32>, vector<16xi32>, vector<16xi32>], vector<16xf32>,
        %mul3A_1811 = arith.mulf %gather3A_1792, %gather3A_1792 : vector<16xf32>
        %mul3A_1812 = arith.mulf %gather3A_1798, %gather3A_1798 : vector<16xf32>
        %add3A_1813 = arith.addf %mul3A_1811, %mul3A_1812 : vector<16xf32>
        %mul3A_1814 = arith.mulf %gather3A_1804, %gather3A_1804 : vector<16xf32>
        %add3A_1815 = arith.addf %add3A_1813, %mul3A_1814 : vector<16xf32>
        %mul3A_1816 = arith.mulf %gather3A_1810, %gather3A_1810 : vector<16xf32>
        %add3A_1817 = arith.addf %add3A_1815, %mul3A_1816 : vector<16xf32>
        %broadcast_in_dim3A_1818 = arith.constant 784 : i32
        %broadcast_in_dim3A_1819 = vector.broadcast %broadcast_in_dim3A_1818 : i32 to vector<16xi32>
        %lt3A_1820 = arith.cmpf olt, %add3A_1817, %select_n3A_1782 : vector<16xf32>
        %select_n3A_1821 = arith.select %lt3A_1820, %add3A_1817, %select_n3A_1782 : vector<16xi1>, vector<16xf32>
        %select_n3A_1822 = arith.select %lt3A_1820, %broadcast_in_dim3A_1819, %select_n3A_1783 : vector<16xi1>, vector<16xi32>
        %add3A_1823 = arith.constant 32 : i32
        %add3A_1824 = vector.broadcast %add3A_1823 : i32 to vector<16xi32>
        %add3A_1825 = arith.addi %add3A_1824, %iota3A : vector<16xi32>
        %add3A_1826 = arith.constant 24 : i32
        %add3A_1827 = arith.addi %mul3A_339, %add3A_1826 : i32
        %add3A_1828 = arith.constant 0 : i32
        %add3A_1829 = arith.addi %add3A_1827, %add3A_1828 : i32
        %broadcast_in_dim3A_1830 = vector.broadcast %add3A_1829 : i32 to vector<16xi32>
        %gather3A_1831 = tpu.vector_load_idx %arg6[%broadcast_in_dim3A_330, %broadcast_in_dim3A_1830, %add3A_1825] : memref<2x224x128xf32, #tpu.memory_space<vmem>>[vector<16xi32>, vector<16xi32>, vector<16xi32>], vector<16xf32>,
        %add3A_1832 = arith.constant 24 : i32
        %add3A_1833 = arith.addi %mul3A_339, %add3A_1832 : i32
        %add3A_1834 = arith.constant 1 : i32
        %add3A_1835 = arith.addi %add3A_1833, %add3A_1834 : i32
        %broadcast_in_dim3A_1836 = vector.broadcast %add3A_1835 : i32 to vector<16xi32>
        %gather3A_1837 = tpu.vector_load_idx %arg6[%broadcast_in_dim3A_330, %broadcast_in_dim3A_1836, %add3A_1825] : memref<2x224x128xf32, #tpu.memory_space<vmem>>[vector<16xi32>, vector<16xi32>, vector<16xi32>], vector<16xf32>,
        %add3A_1838 = arith.constant 24 : i32
        %add3A_1839 = arith.addi %mul3A_339, %add3A_1838 : i32
        %add3A_1840 = arith.constant 2 : i32
        %add3A_1841 = arith.addi %add3A_1839, %add3A_1840 : i32
        %broadcast_in_dim3A_1842 = vector.broadcast %add3A_1841 : i32 to vector<16xi32>
        %gather3A_1843 = tpu.vector_load_idx %arg6[%broadcast_in_dim3A_330, %broadcast_in_dim3A_1842, %add3A_1825] : memref<2x224x128xf32, #tpu.memory_space<vmem>>[vector<16xi32>, vector<16xi32>, vector<16xi32>], vector<16xf32>,
        %add3A_1844 = arith.constant 24 : i32
        %add3A_1845 = arith.addi %mul3A_339, %add3A_1844 : i32
        %add3A_1846 = arith.constant 3 : i32
        %add3A_1847 = arith.addi %add3A_1845, %add3A_1846 : i32
        %broadcast_in_dim3A_1848 = vector.broadcast %add3A_1847 : i32 to vector<16xi32>
        %gather3A_1849 = tpu.vector_load_idx %arg6[%broadcast_in_dim3A_330, %broadcast_in_dim3A_1848, %add3A_1825] : memref<2x224x128xf32, #tpu.memory_space<vmem>>[vector<16xi32>, vector<16xi32>, vector<16xi32>], vector<16xf32>,
        %mul3A_1850 = arith.mulf %gather3A_1831, %gather3A_1831 : vector<16xf32>
        %mul3A_1851 = arith.mulf %gather3A_1837, %gather3A_1837 : vector<16xf32>
        %add3A_1852 = arith.addf %mul3A_1850, %mul3A_1851 : vector<16xf32>
        %mul3A_1853 = arith.mulf %gather3A_1843, %gather3A_1843 : vector<16xf32>
        %add3A_1854 = arith.addf %add3A_1852, %mul3A_1853 : vector<16xf32>
        %mul3A_1855 = arith.mulf %gather3A_1849, %gather3A_1849 : vector<16xf32>
        %add3A_1856 = arith.addf %add3A_1854, %mul3A_1855 : vector<16xf32>
        %broadcast_in_dim3A_1857 = arith.constant 800 : i32
        %broadcast_in_dim3A_1858 = vector.broadcast %broadcast_in_dim3A_1857 : i32 to vector<16xi32>
        %lt3A_1859 = arith.cmpf olt, %add3A_1856, %select_n3A_1821 : vector<16xf32>
        %select_n3A_1860 = arith.select %lt3A_1859, %add3A_1856, %select_n3A_1821 : vector<16xi1>, vector<16xf32>
        %select_n3A_1861 = arith.select %lt3A_1859, %broadcast_in_dim3A_1858, %select_n3A_1822 : vector<16xi1>, vector<16xi32>
        %add3A_1862 = arith.constant 48 : i32
        %add3A_1863 = vector.broadcast %add3A_1862 : i32 to vector<16xi32>
        %add3A_1864 = arith.addi %add3A_1863, %iota3A : vector<16xi32>
        %add3A_1865 = arith.constant 24 : i32
        %add3A_1866 = arith.addi %mul3A_339, %add3A_1865 : i32
        %add3A_1867 = arith.constant 0 : i32
        %add3A_1868 = arith.addi %add3A_1866, %add3A_1867 : i32
        %broadcast_in_dim3A_1869 = vector.broadcast %add3A_1868 : i32 to vector<16xi32>
        %gather3A_1870 = tpu.vector_load_idx %arg6[%broadcast_in_dim3A_330, %broadcast_in_dim3A_1869, %add3A_1864] : memref<2x224x128xf32, #tpu.memory_space<vmem>>[vector<16xi32>, vector<16xi32>, vector<16xi32>], vector<16xf32>,
        %add3A_1871 = arith.constant 24 : i32
        %add3A_1872 = arith.addi %mul3A_339, %add3A_1871 : i32
        %add3A_1873 = arith.constant 1 : i32
        %add3A_1874 = arith.addi %add3A_1872, %add3A_1873 : i32
        %broadcast_in_dim3A_1875 = vector.broadcast %add3A_1874 : i32 to vector<16xi32>
        %gather3A_1876 = tpu.vector_load_idx %arg6[%broadcast_in_dim3A_330, %broadcast_in_dim3A_1875, %add3A_1864] : memref<2x224x128xf32, #tpu.memory_space<vmem>>[vector<16xi32>, vector<16xi32>, vector<16xi32>], vector<16xf32>,
        %add3A_1877 = arith.constant 24 : i32
        %add3A_1878 = arith.addi %mul3A_339, %add3A_1877 : i32
        %add3A_1879 = arith.constant 2 : i32
        %add3A_1880 = arith.addi %add3A_1878, %add3A_1879 : i32
        %broadcast_in_dim3A_1881 = vector.broadcast %add3A_1880 : i32 to vector<16xi32>
        %gather3A_1882 = tpu.vector_load_idx %arg6[%broadcast_in_dim3A_330, %broadcast_in_dim3A_1881, %add3A_1864] : memref<2x224x128xf32, #tpu.memory_space<vmem>>[vector<16xi32>, vector<16xi32>, vector<16xi32>], vector<16xf32>,
        %add3A_1883 = arith.constant 24 : i32
        %add3A_1884 = arith.addi %mul3A_339, %add3A_1883 : i32
        %add3A_1885 = arith.constant 3 : i32
        %add3A_1886 = arith.addi %add3A_1884, %add3A_1885 : i32
        %broadcast_in_dim3A_1887 = vector.broadcast %add3A_1886 : i32 to vector<16xi32>
        %gather3A_1888 = tpu.vector_load_idx %arg6[%broadcast_in_dim3A_330, %broadcast_in_dim3A_1887, %add3A_1864] : memref<2x224x128xf32, #tpu.memory_space<vmem>>[vector<16xi32>, vector<16xi32>, vector<16xi32>], vector<16xf32>,
        %mul3A_1889 = arith.mulf %gather3A_1870, %gather3A_1870 : vector<16xf32>
        %mul3A_1890 = arith.mulf %gather3A_1876, %gather3A_1876 : vector<16xf32>
        %add3A_1891 = arith.addf %mul3A_1889, %mul3A_1890 : vector<16xf32>
        %mul3A_1892 = arith.mulf %gather3A_1882, %gather3A_1882 : vector<16xf32>
        %add3A_1893 = arith.addf %add3A_1891, %mul3A_1892 : vector<16xf32>
        %mul3A_1894 = arith.mulf %gather3A_1888, %gather3A_1888 : vector<16xf32>
        %add3A_1895 = arith.addf %add3A_1893, %mul3A_1894 : vector<16xf32>
        %broadcast_in_dim3A_1896 = arith.constant 816 : i32
        %broadcast_in_dim3A_1897 = vector.broadcast %broadcast_in_dim3A_1896 : i32 to vector<16xi32>
        %lt3A_1898 = arith.cmpf olt, %add3A_1895, %select_n3A_1860 : vector<16xf32>
        %select_n3A_1899 = arith.select %lt3A_1898, %add3A_1895, %select_n3A_1860 : vector<16xi1>, vector<16xf32>
        %select_n3A_1900 = arith.select %lt3A_1898, %broadcast_in_dim3A_1897, %select_n3A_1861 : vector<16xi1>, vector<16xi32>
        %add3A_1901 = arith.constant 64 : i32
        %add3A_1902 = vector.broadcast %add3A_1901 : i32 to vector<16xi32>
        %add3A_1903 = arith.addi %add3A_1902, %iota3A : vector<16xi32>
        %add3A_1904 = arith.constant 24 : i32
        %add3A_1905 = arith.addi %mul3A_339, %add3A_1904 : i32
        %add3A_1906 = arith.constant 0 : i32
        %add3A_1907 = arith.addi %add3A_1905, %add3A_1906 : i32
        %broadcast_in_dim3A_1908 = vector.broadcast %add3A_1907 : i32 to vector<16xi32>
        %gather3A_1909 = tpu.vector_load_idx %arg6[%broadcast_in_dim3A_330, %broadcast_in_dim3A_1908, %add3A_1903] : memref<2x224x128xf32, #tpu.memory_space<vmem>>[vector<16xi32>, vector<16xi32>, vector<16xi32>], vector<16xf32>,
        %add3A_1910 = arith.constant 24 : i32
        %add3A_1911 = arith.addi %mul3A_339, %add3A_1910 : i32
        %add3A_1912 = arith.constant 1 : i32
        %add3A_1913 = arith.addi %add3A_1911, %add3A_1912 : i32
        %broadcast_in_dim3A_1914 = vector.broadcast %add3A_1913 : i32 to vector<16xi32>
        %gather3A_1915 = tpu.vector_load_idx %arg6[%broadcast_in_dim3A_330, %broadcast_in_dim3A_1914, %add3A_1903] : memref<2x224x128xf32, #tpu.memory_space<vmem>>[vector<16xi32>, vector<16xi32>, vector<16xi32>], vector<16xf32>,
        %add3A_1916 = arith.constant 24 : i32
        %add3A_1917 = arith.addi %mul3A_339, %add3A_1916 : i32
        %add3A_1918 = arith.constant 2 : i32
        %add3A_1919 = arith.addi %add3A_1917, %add3A_1918 : i32
        %broadcast_in_dim3A_1920 = vector.broadcast %add3A_1919 : i32 to vector<16xi32>
        %gather3A_1921 = tpu.vector_load_idx %arg6[%broadcast_in_dim3A_330, %broadcast_in_dim3A_1920, %add3A_1903] : memref<2x224x128xf32, #tpu.memory_space<vmem>>[vector<16xi32>, vector<16xi32>, vector<16xi32>], vector<16xf32>,
        %add3A_1922 = arith.constant 24 : i32
        %add3A_1923 = arith.addi %mul3A_339, %add3A_1922 : i32
        %add3A_1924 = arith.constant 3 : i32
        %add3A_1925 = arith.addi %add3A_1923, %add3A_1924 : i32
        %broadcast_in_dim3A_1926 = vector.broadcast %add3A_1925 : i32 to vector<16xi32>
        %gather3A_1927 = tpu.vector_load_idx %arg6[%broadcast_in_dim3A_330, %broadcast_in_dim3A_1926, %add3A_1903] : memref<2x224x128xf32, #tpu.memory_space<vmem>>[vector<16xi32>, vector<16xi32>, vector<16xi32>], vector<16xf32>,
        %mul3A_1928 = arith.mulf %gather3A_1909, %gather3A_1909 : vector<16xf32>
        %mul3A_1929 = arith.mulf %gather3A_1915, %gather3A_1915 : vector<16xf32>
        %add3A_1930 = arith.addf %mul3A_1928, %mul3A_1929 : vector<16xf32>
        %mul3A_1931 = arith.mulf %gather3A_1921, %gather3A_1921 : vector<16xf32>
        %add3A_1932 = arith.addf %add3A_1930, %mul3A_1931 : vector<16xf32>
        %mul3A_1933 = arith.mulf %gather3A_1927, %gather3A_1927 : vector<16xf32>
        %add3A_1934 = arith.addf %add3A_1932, %mul3A_1933 : vector<16xf32>
        %broadcast_in_dim3A_1935 = arith.constant 832 : i32
        %broadcast_in_dim3A_1936 = vector.broadcast %broadcast_in_dim3A_1935 : i32 to vector<16xi32>
        %lt3A_1937 = arith.cmpf olt, %add3A_1934, %select_n3A_1899 : vector<16xf32>
        %select_n3A_1938 = arith.select %lt3A_1937, %add3A_1934, %select_n3A_1899 : vector<16xi1>, vector<16xf32>
        %select_n3A_1939 = arith.select %lt3A_1937, %broadcast_in_dim3A_1936, %select_n3A_1900 : vector<16xi1>, vector<16xi32>
        %add3A_1940 = arith.constant 80 : i32
        %add3A_1941 = vector.broadcast %add3A_1940 : i32 to vector<16xi32>
        %add3A_1942 = arith.addi %add3A_1941, %iota3A : vector<16xi32>
        %add3A_1943 = arith.constant 24 : i32
        %add3A_1944 = arith.addi %mul3A_339, %add3A_1943 : i32
        %add3A_1945 = arith.constant 0 : i32
        %add3A_1946 = arith.addi %add3A_1944, %add3A_1945 : i32
        %broadcast_in_dim3A_1947 = vector.broadcast %add3A_1946 : i32 to vector<16xi32>
        %gather3A_1948 = tpu.vector_load_idx %arg6[%broadcast_in_dim3A_330, %broadcast_in_dim3A_1947, %add3A_1942] : memref<2x224x128xf32, #tpu.memory_space<vmem>>[vector<16xi32>, vector<16xi32>, vector<16xi32>], vector<16xf32>,
        %add3A_1949 = arith.constant 24 : i32
        %add3A_1950 = arith.addi %mul3A_339, %add3A_1949 : i32
        %add3A_1951 = arith.constant 1 : i32
        %add3A_1952 = arith.addi %add3A_1950, %add3A_1951 : i32
        %broadcast_in_dim3A_1953 = vector.broadcast %add3A_1952 : i32 to vector<16xi32>
        %gather3A_1954 = tpu.vector_load_idx %arg6[%broadcast_in_dim3A_330, %broadcast_in_dim3A_1953, %add3A_1942] : memref<2x224x128xf32, #tpu.memory_space<vmem>>[vector<16xi32>, vector<16xi32>, vector<16xi32>], vector<16xf32>,
        %add3A_1955 = arith.constant 24 : i32
        %add3A_1956 = arith.addi %mul3A_339, %add3A_1955 : i32
        %add3A_1957 = arith.constant 2 : i32
        %add3A_1958 = arith.addi %add3A_1956, %add3A_1957 : i32
        %broadcast_in_dim3A_1959 = vector.broadcast %add3A_1958 : i32 to vector<16xi32>
        %gather3A_1960 = tpu.vector_load_idx %arg6[%broadcast_in_dim3A_330, %broadcast_in_dim3A_1959, %add3A_1942] : memref<2x224x128xf32, #tpu.memory_space<vmem>>[vector<16xi32>, vector<16xi32>, vector<16xi32>], vector<16xf32>,
        %add3A_1961 = arith.constant 24 : i32
        %add3A_1962 = arith.addi %mul3A_339, %add3A_1961 : i32
        %add3A_1963 = arith.constant 3 : i32
        %add3A_1964 = arith.addi %add3A_1962, %add3A_1963 : i32
        %broadcast_in_dim3A_1965 = vector.broadcast %add3A_1964 : i32 to vector<16xi32>
        %gather3A_1966 = tpu.vector_load_idx %arg6[%broadcast_in_dim3A_330, %broadcast_in_dim3A_1965, %add3A_1942] : memref<2x224x128xf32, #tpu.memory_space<vmem>>[vector<16xi32>, vector<16xi32>, vector<16xi32>], vector<16xf32>,
        %mul3A_1967 = arith.mulf %gather3A_1948, %gather3A_1948 : vector<16xf32>
        %mul3A_1968 = arith.mulf %gather3A_1954, %gather3A_1954 : vector<16xf32>
        %add3A_1969 = arith.addf %mul3A_1967, %mul3A_1968 : vector<16xf32>
        %mul3A_1970 = arith.mulf %gather3A_1960, %gather3A_1960 : vector<16xf32>
        %add3A_1971 = arith.addf %add3A_1969, %mul3A_1970 : vector<16xf32>
        %mul3A_1972 = arith.mulf %gather3A_1966, %gather3A_1966 : vector<16xf32>
        %add3A_1973 = arith.addf %add3A_1971, %mul3A_1972 : vector<16xf32>
        %broadcast_in_dim3A_1974 = arith.constant 848 : i32
        %broadcast_in_dim3A_1975 = vector.broadcast %broadcast_in_dim3A_1974 : i32 to vector<16xi32>
        %lt3A_1976 = arith.cmpf olt, %add3A_1973, %select_n3A_1938 : vector<16xf32>
        %select_n3A_1977 = arith.select %lt3A_1976, %add3A_1973, %select_n3A_1938 : vector<16xi1>, vector<16xf32>
        %select_n3A_1978 = arith.select %lt3A_1976, %broadcast_in_dim3A_1975, %select_n3A_1939 : vector<16xi1>, vector<16xi32>
        %add3A_1979 = arith.constant 96 : i32
        %add3A_1980 = vector.broadcast %add3A_1979 : i32 to vector<16xi32>
        %add3A_1981 = arith.addi %add3A_1980, %iota3A : vector<16xi32>
        %add3A_1982 = arith.constant 24 : i32
        %add3A_1983 = arith.addi %mul3A_339, %add3A_1982 : i32
        %add3A_1984 = arith.constant 0 : i32
        %add3A_1985 = arith.addi %add3A_1983, %add3A_1984 : i32
        %broadcast_in_dim3A_1986 = vector.broadcast %add3A_1985 : i32 to vector<16xi32>
        %gather3A_1987 = tpu.vector_load_idx %arg6[%broadcast_in_dim3A_330, %broadcast_in_dim3A_1986, %add3A_1981] : memref<2x224x128xf32, #tpu.memory_space<vmem>>[vector<16xi32>, vector<16xi32>, vector<16xi32>], vector<16xf32>,
        %add3A_1988 = arith.constant 24 : i32
        %add3A_1989 = arith.addi %mul3A_339, %add3A_1988 : i32
        %add3A_1990 = arith.constant 1 : i32
        %add3A_1991 = arith.addi %add3A_1989, %add3A_1990 : i32
        %broadcast_in_dim3A_1992 = vector.broadcast %add3A_1991 : i32 to vector<16xi32>
        %gather3A_1993 = tpu.vector_load_idx %arg6[%broadcast_in_dim3A_330, %broadcast_in_dim3A_1992, %add3A_1981] : memref<2x224x128xf32, #tpu.memory_space<vmem>>[vector<16xi32>, vector<16xi32>, vector<16xi32>], vector<16xf32>,
        %add3A_1994 = arith.constant 24 : i32
        %add3A_1995 = arith.addi %mul3A_339, %add3A_1994 : i32
        %add3A_1996 = arith.constant 2 : i32
        %add3A_1997 = arith.addi %add3A_1995, %add3A_1996 : i32
        %broadcast_in_dim3A_1998 = vector.broadcast %add3A_1997 : i32 to vector<16xi32>
        %gather3A_1999 = tpu.vector_load_idx %arg6[%broadcast_in_dim3A_330, %broadcast_in_dim3A_1998, %add3A_1981] : memref<2x224x128xf32, #tpu.memory_space<vmem>>[vector<16xi32>, vector<16xi32>, vector<16xi32>], vector<16xf32>,
        %add3A_2000 = arith.constant 24 : i32
        %add3A_2001 = arith.addi %mul3A_339, %add3A_2000 : i32
        %add3A_2002 = arith.constant 3 : i32
        %add3A_2003 = arith.addi %add3A_2001, %add3A_2002 : i32
        %broadcast_in_dim3A_2004 = vector.broadcast %add3A_2003 : i32 to vector<16xi32>
        %gather3A_2005 = tpu.vector_load_idx %arg6[%broadcast_in_dim3A_330, %broadcast_in_dim3A_2004, %add3A_1981] : memref<2x224x128xf32, #tpu.memory_space<vmem>>[vector<16xi32>, vector<16xi32>, vector<16xi32>], vector<16xf32>,
        %mul3A_2006 = arith.mulf %gather3A_1987, %gather3A_1987 : vector<16xf32>
        %mul3A_2007 = arith.mulf %gather3A_1993, %gather3A_1993 : vector<16xf32>
        %add3A_2008 = arith.addf %mul3A_2006, %mul3A_2007 : vector<16xf32>
        %mul3A_2009 = arith.mulf %gather3A_1999, %gather3A_1999 : vector<16xf32>
        %add3A_2010 = arith.addf %add3A_2008, %mul3A_2009 : vector<16xf32>
        %mul3A_2011 = arith.mulf %gather3A_2005, %gather3A_2005 : vector<16xf32>
        %add3A_2012 = arith.addf %add3A_2010, %mul3A_2011 : vector<16xf32>
        %broadcast_in_dim3A_2013 = arith.constant 864 : i32
        %broadcast_in_dim3A_2014 = vector.broadcast %broadcast_in_dim3A_2013 : i32 to vector<16xi32>
        %lt3A_2015 = arith.cmpf olt, %add3A_2012, %select_n3A_1977 : vector<16xf32>
        %select_n3A_2016 = arith.select %lt3A_2015, %add3A_2012, %select_n3A_1977 : vector<16xi1>, vector<16xf32>
        %select_n3A_2017 = arith.select %lt3A_2015, %broadcast_in_dim3A_2014, %select_n3A_1978 : vector<16xi1>, vector<16xi32>
        %add3A_2018 = arith.constant 112 : i32
        %add3A_2019 = vector.broadcast %add3A_2018 : i32 to vector<16xi32>
        %add3A_2020 = arith.addi %add3A_2019, %iota3A : vector<16xi32>
        %add3A_2021 = arith.constant 24 : i32
        %add3A_2022 = arith.addi %mul3A_339, %add3A_2021 : i32
        %add3A_2023 = arith.constant 0 : i32
        %add3A_2024 = arith.addi %add3A_2022, %add3A_2023 : i32
        %broadcast_in_dim3A_2025 = vector.broadcast %add3A_2024 : i32 to vector<16xi32>
        %gather3A_2026 = tpu.vector_load_idx %arg6[%broadcast_in_dim3A_330, %broadcast_in_dim3A_2025, %add3A_2020] : memref<2x224x128xf32, #tpu.memory_space<vmem>>[vector<16xi32>, vector<16xi32>, vector<16xi32>], vector<16xf32>,
        %add3A_2027 = arith.constant 24 : i32
        %add3A_2028 = arith.addi %mul3A_339, %add3A_2027 : i32
        %add3A_2029 = arith.constant 1 : i32
        %add3A_2030 = arith.addi %add3A_2028, %add3A_2029 : i32
        %broadcast_in_dim3A_2031 = vector.broadcast %add3A_2030 : i32 to vector<16xi32>
        %gather3A_2032 = tpu.vector_load_idx %arg6[%broadcast_in_dim3A_330, %broadcast_in_dim3A_2031, %add3A_2020] : memref<2x224x128xf32, #tpu.memory_space<vmem>>[vector<16xi32>, vector<16xi32>, vector<16xi32>], vector<16xf32>,
        %add3A_2033 = arith.constant 24 : i32
        %add3A_2034 = arith.addi %mul3A_339, %add3A_2033 : i32
        %add3A_2035 = arith.constant 2 : i32
        %add3A_2036 = arith.addi %add3A_2034, %add3A_2035 : i32
        %broadcast_in_dim3A_2037 = vector.broadcast %add3A_2036 : i32 to vector<16xi32>
        %gather3A_2038 = tpu.vector_load_idx %arg6[%broadcast_in_dim3A_330, %broadcast_in_dim3A_2037, %add3A_2020] : memref<2x224x128xf32, #tpu.memory_space<vmem>>[vector<16xi32>, vector<16xi32>, vector<16xi32>], vector<16xf32>,
        %add3A_2039 = arith.constant 24 : i32
        %add3A_2040 = arith.addi %mul3A_339, %add3A_2039 : i32
        %add3A_2041 = arith.constant 3 : i32
        %add3A_2042 = arith.addi %add3A_2040, %add3A_2041 : i32
        %broadcast_in_dim3A_2043 = vector.broadcast %add3A_2042 : i32 to vector<16xi32>
        %gather3A_2044 = tpu.vector_load_idx %arg6[%broadcast_in_dim3A_330, %broadcast_in_dim3A_2043, %add3A_2020] : memref<2x224x128xf32, #tpu.memory_space<vmem>>[vector<16xi32>, vector<16xi32>, vector<16xi32>], vector<16xf32>,
        %mul3A_2045 = arith.mulf %gather3A_2026, %gather3A_2026 : vector<16xf32>
        %mul3A_2046 = arith.mulf %gather3A_2032, %gather3A_2032 : vector<16xf32>
        %add3A_2047 = arith.addf %mul3A_2045, %mul3A_2046 : vector<16xf32>
        %mul3A_2048 = arith.mulf %gather3A_2038, %gather3A_2038 : vector<16xf32>
        %add3A_2049 = arith.addf %add3A_2047, %mul3A_2048 : vector<16xf32>
        %mul3A_2050 = arith.mulf %gather3A_2044, %gather3A_2044 : vector<16xf32>
        %add3A_2051 = arith.addf %add3A_2049, %mul3A_2050 : vector<16xf32>
        %broadcast_in_dim3A_2052 = arith.constant 880 : i32
        %broadcast_in_dim3A_2053 = vector.broadcast %broadcast_in_dim3A_2052 : i32 to vector<16xi32>
        %lt3A_2054 = arith.cmpf olt, %add3A_2051, %select_n3A_2016 : vector<16xf32>
        %select_n3A_2055 = arith.select %lt3A_2054, %add3A_2051, %select_n3A_2016 : vector<16xi1>, vector<16xf32>
        %select_n3A_2056 = arith.select %lt3A_2054, %broadcast_in_dim3A_2053, %select_n3A_2017 : vector<16xi1>, vector<16xi32>
        %add3A_2057 = arith.constant 0 : i32
        %add3A_2058 = vector.broadcast %add3A_2057 : i32 to vector<16xi32>
        %add3A_2059 = arith.addi %add3A_2058, %iota3A : vector<16xi32>
        %add3A_2060 = arith.constant 28 : i32
        %add3A_2061 = arith.addi %mul3A_339, %add3A_2060 : i32
        %add3A_2062 = arith.constant 0 : i32
        %add3A_2063 = arith.addi %add3A_2061, %add3A_2062 : i32
        %broadcast_in_dim3A_2064 = vector.broadcast %add3A_2063 : i32 to vector<16xi32>
        %gather3A_2065 = tpu.vector_load_idx %arg6[%broadcast_in_dim3A_330, %broadcast_in_dim3A_2064, %add3A_2059] : memref<2x224x128xf32, #tpu.memory_space<vmem>>[vector<16xi32>, vector<16xi32>, vector<16xi32>], vector<16xf32>,
        %add3A_2066 = arith.constant 28 : i32
        %add3A_2067 = arith.addi %mul3A_339, %add3A_2066 : i32
        %add3A_2068 = arith.constant 1 : i32
        %add3A_2069 = arith.addi %add3A_2067, %add3A_2068 : i32
        %broadcast_in_dim3A_2070 = vector.broadcast %add3A_2069 : i32 to vector<16xi32>
        %gather3A_2071 = tpu.vector_load_idx %arg6[%broadcast_in_dim3A_330, %broadcast_in_dim3A_2070, %add3A_2059] : memref<2x224x128xf32, #tpu.memory_space<vmem>>[vector<16xi32>, vector<16xi32>, vector<16xi32>], vector<16xf32>,
        %add3A_2072 = arith.constant 28 : i32
        %add3A_2073 = arith.addi %mul3A_339, %add3A_2072 : i32
        %add3A_2074 = arith.constant 2 : i32
        %add3A_2075 = arith.addi %add3A_2073, %add3A_2074 : i32
        %broadcast_in_dim3A_2076 = vector.broadcast %add3A_2075 : i32 to vector<16xi32>
        %gather3A_2077 = tpu.vector_load_idx %arg6[%broadcast_in_dim3A_330, %broadcast_in_dim3A_2076, %add3A_2059] : memref<2x224x128xf32, #tpu.memory_space<vmem>>[vector<16xi32>, vector<16xi32>, vector<16xi32>], vector<16xf32>,
        %add3A_2078 = arith.constant 28 : i32
        %add3A_2079 = arith.addi %mul3A_339, %add3A_2078 : i32
        %add3A_2080 = arith.constant 3 : i32
        %add3A_2081 = arith.addi %add3A_2079, %add3A_2080 : i32
        %broadcast_in_dim3A_2082 = vector.broadcast %add3A_2081 : i32 to vector<16xi32>
        %gather3A_2083 = tpu.vector_load_idx %arg6[%broadcast_in_dim3A_330, %broadcast_in_dim3A_2082, %add3A_2059] : memref<2x224x128xf32, #tpu.memory_space<vmem>>[vector<16xi32>, vector<16xi32>, vector<16xi32>], vector<16xf32>,
        %mul3A_2084 = arith.mulf %gather3A_2065, %gather3A_2065 : vector<16xf32>
        %mul3A_2085 = arith.mulf %gather3A_2071, %gather3A_2071 : vector<16xf32>
        %add3A_2086 = arith.addf %mul3A_2084, %mul3A_2085 : vector<16xf32>
        %mul3A_2087 = arith.mulf %gather3A_2077, %gather3A_2077 : vector<16xf32>
        %add3A_2088 = arith.addf %add3A_2086, %mul3A_2087 : vector<16xf32>
        %mul3A_2089 = arith.mulf %gather3A_2083, %gather3A_2083 : vector<16xf32>
        %add3A_2090 = arith.addf %add3A_2088, %mul3A_2089 : vector<16xf32>
        %broadcast_in_dim3A_2091 = arith.constant 896 : i32
        %broadcast_in_dim3A_2092 = vector.broadcast %broadcast_in_dim3A_2091 : i32 to vector<16xi32>
        %lt3A_2093 = arith.cmpf olt, %add3A_2090, %select_n3A_2055 : vector<16xf32>
        %select_n3A_2094 = arith.select %lt3A_2093, %add3A_2090, %select_n3A_2055 : vector<16xi1>, vector<16xf32>
        %select_n3A_2095 = arith.select %lt3A_2093, %broadcast_in_dim3A_2092, %select_n3A_2056 : vector<16xi1>, vector<16xi32>
        %add3A_2096 = arith.constant 16 : i32
        %add3A_2097 = vector.broadcast %add3A_2096 : i32 to vector<16xi32>
        %add3A_2098 = arith.addi %add3A_2097, %iota3A : vector<16xi32>
        %add3A_2099 = arith.constant 28 : i32
        %add3A_2100 = arith.addi %mul3A_339, %add3A_2099 : i32
        %add3A_2101 = arith.constant 0 : i32
        %add3A_2102 = arith.addi %add3A_2100, %add3A_2101 : i32
        %broadcast_in_dim3A_2103 = vector.broadcast %add3A_2102 : i32 to vector<16xi32>
        %gather3A_2104 = tpu.vector_load_idx %arg6[%broadcast_in_dim3A_330, %broadcast_in_dim3A_2103, %add3A_2098] : memref<2x224x128xf32, #tpu.memory_space<vmem>>[vector<16xi32>, vector<16xi32>, vector<16xi32>], vector<16xf32>,
        %add3A_2105 = arith.constant 28 : i32
        %add3A_2106 = arith.addi %mul3A_339, %add3A_2105 : i32
        %add3A_2107 = arith.constant 1 : i32
        %add3A_2108 = arith.addi %add3A_2106, %add3A_2107 : i32
        %broadcast_in_dim3A_2109 = vector.broadcast %add3A_2108 : i32 to vector<16xi32>
        %gather3A_2110 = tpu.vector_load_idx %arg6[%broadcast_in_dim3A_330, %broadcast_in_dim3A_2109, %add3A_2098] : memref<2x224x128xf32, #tpu.memory_space<vmem>>[vector<16xi32>, vector<16xi32>, vector<16xi32>], vector<16xf32>,
        %add3A_2111 = arith.constant 28 : i32
        %add3A_2112 = arith.addi %mul3A_339, %add3A_2111 : i32
        %add3A_2113 = arith.constant 2 : i32
        %add3A_2114 = arith.addi %add3A_2112, %add3A_2113 : i32
        %broadcast_in_dim3A_2115 = vector.broadcast %add3A_2114 : i32 to vector<16xi32>
        %gather3A_2116 = tpu.vector_load_idx %arg6[%broadcast_in_dim3A_330, %broadcast_in_dim3A_2115, %add3A_2098] : memref<2x224x128xf32, #tpu.memory_space<vmem>>[vector<16xi32>, vector<16xi32>, vector<16xi32>], vector<16xf32>,
        %add3A_2117 = arith.constant 28 : i32
        %add3A_2118 = arith.addi %mul3A_339, %add3A_2117 : i32
        %add3A_2119 = arith.constant 3 : i32
        %add3A_2120 = arith.addi %add3A_2118, %add3A_2119 : i32
        %broadcast_in_dim3A_2121 = vector.broadcast %add3A_2120 : i32 to vector<16xi32>
        %gather3A_2122 = tpu.vector_load_idx %arg6[%broadcast_in_dim3A_330, %broadcast_in_dim3A_2121, %add3A_2098] : memref<2x224x128xf32, #tpu.memory_space<vmem>>[vector<16xi32>, vector<16xi32>, vector<16xi32>], vector<16xf32>,
        %mul3A_2123 = arith.mulf %gather3A_2104, %gather3A_2104 : vector<16xf32>
        %mul3A_2124 = arith.mulf %gather3A_2110, %gather3A_2110 : vector<16xf32>
        %add3A_2125 = arith.addf %mul3A_2123, %mul3A_2124 : vector<16xf32>
        %mul3A_2126 = arith.mulf %gather3A_2116, %gather3A_2116 : vector<16xf32>
        %add3A_2127 = arith.addf %add3A_2125, %mul3A_2126 : vector<16xf32>
        %mul3A_2128 = arith.mulf %gather3A_2122, %gather3A_2122 : vector<16xf32>
        %add3A_2129 = arith.addf %add3A_2127, %mul3A_2128 : vector<16xf32>
        %broadcast_in_dim3A_2130 = arith.constant 912 : i32
        %broadcast_in_dim3A_2131 = vector.broadcast %broadcast_in_dim3A_2130 : i32 to vector<16xi32>
        %lt3A_2132 = arith.cmpf olt, %add3A_2129, %select_n3A_2094 : vector<16xf32>
        %select_n3A_2133 = arith.select %lt3A_2132, %add3A_2129, %select_n3A_2094 : vector<16xi1>, vector<16xf32>
        %select_n3A_2134 = arith.select %lt3A_2132, %broadcast_in_dim3A_2131, %select_n3A_2095 : vector<16xi1>, vector<16xi32>
        %add3A_2135 = arith.constant 32 : i32
        %add3A_2136 = vector.broadcast %add3A_2135 : i32 to vector<16xi32>
        %add3A_2137 = arith.addi %add3A_2136, %iota3A : vector<16xi32>
        %add3A_2138 = arith.constant 28 : i32
        %add3A_2139 = arith.addi %mul3A_339, %add3A_2138 : i32
        %add3A_2140 = arith.constant 0 : i32
        %add3A_2141 = arith.addi %add3A_2139, %add3A_2140 : i32
        %broadcast_in_dim3A_2142 = vector.broadcast %add3A_2141 : i32 to vector<16xi32>
        %gather3A_2143 = tpu.vector_load_idx %arg6[%broadcast_in_dim3A_330, %broadcast_in_dim3A_2142, %add3A_2137] : memref<2x224x128xf32, #tpu.memory_space<vmem>>[vector<16xi32>, vector<16xi32>, vector<16xi32>], vector<16xf32>,
        %add3A_2144 = arith.constant 28 : i32
        %add3A_2145 = arith.addi %mul3A_339, %add3A_2144 : i32
        %add3A_2146 = arith.constant 1 : i32
        %add3A_2147 = arith.addi %add3A_2145, %add3A_2146 : i32
        %broadcast_in_dim3A_2148 = vector.broadcast %add3A_2147 : i32 to vector<16xi32>
        %gather3A_2149 = tpu.vector_load_idx %arg6[%broadcast_in_dim3A_330, %broadcast_in_dim3A_2148, %add3A_2137] : memref<2x224x128xf32, #tpu.memory_space<vmem>>[vector<16xi32>, vector<16xi32>, vector<16xi32>], vector<16xf32>,
        %add3A_2150 = arith.constant 28 : i32
        %add3A_2151 = arith.addi %mul3A_339, %add3A_2150 : i32
        %add3A_2152 = arith.constant 2 : i32
        %add3A_2153 = arith.addi %add3A_2151, %add3A_2152 : i32
        %broadcast_in_dim3A_2154 = vector.broadcast %add3A_2153 : i32 to vector<16xi32>
        %gather3A_2155 = tpu.vector_load_idx %arg6[%broadcast_in_dim3A_330, %broadcast_in_dim3A_2154, %add3A_2137] : memref<2x224x128xf32, #tpu.memory_space<vmem>>[vector<16xi32>, vector<16xi32>, vector<16xi32>], vector<16xf32>,
        %add3A_2156 = arith.constant 28 : i32
        %add3A_2157 = arith.addi %mul3A_339, %add3A_2156 : i32
        %add3A_2158 = arith.constant 3 : i32
        %add3A_2159 = arith.addi %add3A_2157, %add3A_2158 : i32
        %broadcast_in_dim3A_2160 = vector.broadcast %add3A_2159 : i32 to vector<16xi32>
        %gather3A_2161 = tpu.vector_load_idx %arg6[%broadcast_in_dim3A_330, %broadcast_in_dim3A_2160, %add3A_2137] : memref<2x224x128xf32, #tpu.memory_space<vmem>>[vector<16xi32>, vector<16xi32>, vector<16xi32>], vector<16xf32>,
        %mul3A_2162 = arith.mulf %gather3A_2143, %gather3A_2143 : vector<16xf32>
        %mul3A_2163 = arith.mulf %gather3A_2149, %gather3A_2149 : vector<16xf32>
        %add3A_2164 = arith.addf %mul3A_2162, %mul3A_2163 : vector<16xf32>
        %mul3A_2165 = arith.mulf %gather3A_2155, %gather3A_2155 : vector<16xf32>
        %add3A_2166 = arith.addf %add3A_2164, %mul3A_2165 : vector<16xf32>
        %mul3A_2167 = arith.mulf %gather3A_2161, %gather3A_2161 : vector<16xf32>
        %add3A_2168 = arith.addf %add3A_2166, %mul3A_2167 : vector<16xf32>
        %broadcast_in_dim3A_2169 = arith.constant 928 : i32
        %broadcast_in_dim3A_2170 = vector.broadcast %broadcast_in_dim3A_2169 : i32 to vector<16xi32>
        %lt3A_2171 = arith.cmpf olt, %add3A_2168, %select_n3A_2133 : vector<16xf32>
        %select_n3A_2172 = arith.select %lt3A_2171, %add3A_2168, %select_n3A_2133 : vector<16xi1>, vector<16xf32>
        %select_n3A_2173 = arith.select %lt3A_2171, %broadcast_in_dim3A_2170, %select_n3A_2134 : vector<16xi1>, vector<16xi32>
        %add3A_2174 = arith.constant 48 : i32
        %add3A_2175 = vector.broadcast %add3A_2174 : i32 to vector<16xi32>
        %add3A_2176 = arith.addi %add3A_2175, %iota3A : vector<16xi32>
        %add3A_2177 = arith.constant 28 : i32
        %add3A_2178 = arith.addi %mul3A_339, %add3A_2177 : i32
        %add3A_2179 = arith.constant 0 : i32
        %add3A_2180 = arith.addi %add3A_2178, %add3A_2179 : i32
        %broadcast_in_dim3A_2181 = vector.broadcast %add3A_2180 : i32 to vector<16xi32>
        %gather3A_2182 = tpu.vector_load_idx %arg6[%broadcast_in_dim3A_330, %broadcast_in_dim3A_2181, %add3A_2176] : memref<2x224x128xf32, #tpu.memory_space<vmem>>[vector<16xi32>, vector<16xi32>, vector<16xi32>], vector<16xf32>,
        %add3A_2183 = arith.constant 28 : i32
        %add3A_2184 = arith.addi %mul3A_339, %add3A_2183 : i32
        %add3A_2185 = arith.constant 1 : i32
        %add3A_2186 = arith.addi %add3A_2184, %add3A_2185 : i32
        %broadcast_in_dim3A_2187 = vector.broadcast %add3A_2186 : i32 to vector<16xi32>
        %gather3A_2188 = tpu.vector_load_idx %arg6[%broadcast_in_dim3A_330, %broadcast_in_dim3A_2187, %add3A_2176] : memref<2x224x128xf32, #tpu.memory_space<vmem>>[vector<16xi32>, vector<16xi32>, vector<16xi32>], vector<16xf32>,
        %add3A_2189 = arith.constant 28 : i32
        %add3A_2190 = arith.addi %mul3A_339, %add3A_2189 : i32
        %add3A_2191 = arith.constant 2 : i32
        %add3A_2192 = arith.addi %add3A_2190, %add3A_2191 : i32
        %broadcast_in_dim3A_2193 = vector.broadcast %add3A_2192 : i32 to vector<16xi32>
        %gather3A_2194 = tpu.vector_load_idx %arg6[%broadcast_in_dim3A_330, %broadcast_in_dim3A_2193, %add3A_2176] : memref<2x224x128xf32, #tpu.memory_space<vmem>>[vector<16xi32>, vector<16xi32>, vector<16xi32>], vector<16xf32>,
        %add3A_2195 = arith.constant 28 : i32
        %add3A_2196 = arith.addi %mul3A_339, %add3A_2195 : i32
        %add3A_2197 = arith.constant 3 : i32
        %add3A_2198 = arith.addi %add3A_2196, %add3A_2197 : i32
        %broadcast_in_dim3A_2199 = vector.broadcast %add3A_2198 : i32 to vector<16xi32>
        %gather3A_2200 = tpu.vector_load_idx %arg6[%broadcast_in_dim3A_330, %broadcast_in_dim3A_2199, %add3A_2176] : memref<2x224x128xf32, #tpu.memory_space<vmem>>[vector<16xi32>, vector<16xi32>, vector<16xi32>], vector<16xf32>,
        %mul3A_2201 = arith.mulf %gather3A_2182, %gather3A_2182 : vector<16xf32>
        %mul3A_2202 = arith.mulf %gather3A_2188, %gather3A_2188 : vector<16xf32>
        %add3A_2203 = arith.addf %mul3A_2201, %mul3A_2202 : vector<16xf32>
        %mul3A_2204 = arith.mulf %gather3A_2194, %gather3A_2194 : vector<16xf32>
        %add3A_2205 = arith.addf %add3A_2203, %mul3A_2204 : vector<16xf32>
        %mul3A_2206 = arith.mulf %gather3A_2200, %gather3A_2200 : vector<16xf32>
        %add3A_2207 = arith.addf %add3A_2205, %mul3A_2206 : vector<16xf32>
        %broadcast_in_dim3A_2208 = arith.constant 944 : i32
        %broadcast_in_dim3A_2209 = vector.broadcast %broadcast_in_dim3A_2208 : i32 to vector<16xi32>
        %lt3A_2210 = arith.cmpf olt, %add3A_2207, %select_n3A_2172 : vector<16xf32>
        %select_n3A_2211 = arith.select %lt3A_2210, %add3A_2207, %select_n3A_2172 : vector<16xi1>, vector<16xf32>
        %select_n3A_2212 = arith.select %lt3A_2210, %broadcast_in_dim3A_2209, %select_n3A_2173 : vector<16xi1>, vector<16xi32>
        %add3A_2213 = arith.constant 64 : i32
        %add3A_2214 = vector.broadcast %add3A_2213 : i32 to vector<16xi32>
        %add3A_2215 = arith.addi %add3A_2214, %iota3A : vector<16xi32>
        %add3A_2216 = arith.constant 28 : i32
        %add3A_2217 = arith.addi %mul3A_339, %add3A_2216 : i32
        %add3A_2218 = arith.constant 0 : i32
        %add3A_2219 = arith.addi %add3A_2217, %add3A_2218 : i32
        %broadcast_in_dim3A_2220 = vector.broadcast %add3A_2219 : i32 to vector<16xi32>
        %gather3A_2221 = tpu.vector_load_idx %arg6[%broadcast_in_dim3A_330, %broadcast_in_dim3A_2220, %add3A_2215] : memref<2x224x128xf32, #tpu.memory_space<vmem>>[vector<16xi32>, vector<16xi32>, vector<16xi32>], vector<16xf32>,
        %add3A_2222 = arith.constant 28 : i32
        %add3A_2223 = arith.addi %mul3A_339, %add3A_2222 : i32
        %add3A_2224 = arith.constant 1 : i32
        %add3A_2225 = arith.addi %add3A_2223, %add3A_2224 : i32
        %broadcast_in_dim3A_2226 = vector.broadcast %add3A_2225 : i32 to vector<16xi32>
        %gather3A_2227 = tpu.vector_load_idx %arg6[%broadcast_in_dim3A_330, %broadcast_in_dim3A_2226, %add3A_2215] : memref<2x224x128xf32, #tpu.memory_space<vmem>>[vector<16xi32>, vector<16xi32>, vector<16xi32>], vector<16xf32>,
        %add3A_2228 = arith.constant 28 : i32
        %add3A_2229 = arith.addi %mul3A_339, %add3A_2228 : i32
        %add3A_2230 = arith.constant 2 : i32
        %add3A_2231 = arith.addi %add3A_2229, %add3A_2230 : i32
        %broadcast_in_dim3A_2232 = vector.broadcast %add3A_2231 : i32 to vector<16xi32>
        %gather3A_2233 = tpu.vector_load_idx %arg6[%broadcast_in_dim3A_330, %broadcast_in_dim3A_2232, %add3A_2215] : memref<2x224x128xf32, #tpu.memory_space<vmem>>[vector<16xi32>, vector<16xi32>, vector<16xi32>], vector<16xf32>,
        %add3A_2234 = arith.constant 28 : i32
        %add3A_2235 = arith.addi %mul3A_339, %add3A_2234 : i32
        %add3A_2236 = arith.constant 3 : i32
        %add3A_2237 = arith.addi %add3A_2235, %add3A_2236 : i32
        %broadcast_in_dim3A_2238 = vector.broadcast %add3A_2237 : i32 to vector<16xi32>
        %gather3A_2239 = tpu.vector_load_idx %arg6[%broadcast_in_dim3A_330, %broadcast_in_dim3A_2238, %add3A_2215] : memref<2x224x128xf32, #tpu.memory_space<vmem>>[vector<16xi32>, vector<16xi32>, vector<16xi32>], vector<16xf32>,
        %mul3A_2240 = arith.mulf %gather3A_2221, %gather3A_2221 : vector<16xf32>
        %mul3A_2241 = arith.mulf %gather3A_2227, %gather3A_2227 : vector<16xf32>
        %add3A_2242 = arith.addf %mul3A_2240, %mul3A_2241 : vector<16xf32>
        %mul3A_2243 = arith.mulf %gather3A_2233, %gather3A_2233 : vector<16xf32>
        %add3A_2244 = arith.addf %add3A_2242, %mul3A_2243 : vector<16xf32>
        %mul3A_2245 = arith.mulf %gather3A_2239, %gather3A_2239 : vector<16xf32>
        %add3A_2246 = arith.addf %add3A_2244, %mul3A_2245 : vector<16xf32>
        %broadcast_in_dim3A_2247 = arith.constant 960 : i32
        %broadcast_in_dim3A_2248 = vector.broadcast %broadcast_in_dim3A_2247 : i32 to vector<16xi32>
        %lt3A_2249 = arith.cmpf olt, %add3A_2246, %select_n3A_2211 : vector<16xf32>
        %select_n3A_2250 = arith.select %lt3A_2249, %add3A_2246, %select_n3A_2211 : vector<16xi1>, vector<16xf32>
        %select_n3A_2251 = arith.select %lt3A_2249, %broadcast_in_dim3A_2248, %select_n3A_2212 : vector<16xi1>, vector<16xi32>
        %add3A_2252 = arith.constant 80 : i32
        %add3A_2253 = vector.broadcast %add3A_2252 : i32 to vector<16xi32>
        %add3A_2254 = arith.addi %add3A_2253, %iota3A : vector<16xi32>
        %add3A_2255 = arith.constant 28 : i32
        %add3A_2256 = arith.addi %mul3A_339, %add3A_2255 : i32
        %add3A_2257 = arith.constant 0 : i32
        %add3A_2258 = arith.addi %add3A_2256, %add3A_2257 : i32
        %broadcast_in_dim3A_2259 = vector.broadcast %add3A_2258 : i32 to vector<16xi32>
        %gather3A_2260 = tpu.vector_load_idx %arg6[%broadcast_in_dim3A_330, %broadcast_in_dim3A_2259, %add3A_2254] : memref<2x224x128xf32, #tpu.memory_space<vmem>>[vector<16xi32>, vector<16xi32>, vector<16xi32>], vector<16xf32>,
        %add3A_2261 = arith.constant 28 : i32
        %add3A_2262 = arith.addi %mul3A_339, %add3A_2261 : i32
        %add3A_2263 = arith.constant 1 : i32
        %add3A_2264 = arith.addi %add3A_2262, %add3A_2263 : i32
        %broadcast_in_dim3A_2265 = vector.broadcast %add3A_2264 : i32 to vector<16xi32>
        %gather3A_2266 = tpu.vector_load_idx %arg6[%broadcast_in_dim3A_330, %broadcast_in_dim3A_2265, %add3A_2254] : memref<2x224x128xf32, #tpu.memory_space<vmem>>[vector<16xi32>, vector<16xi32>, vector<16xi32>], vector<16xf32>,
        %add3A_2267 = arith.constant 28 : i32
        %add3A_2268 = arith.addi %mul3A_339, %add3A_2267 : i32
        %add3A_2269 = arith.constant 2 : i32
        %add3A_2270 = arith.addi %add3A_2268, %add3A_2269 : i32
        %broadcast_in_dim3A_2271 = vector.broadcast %add3A_2270 : i32 to vector<16xi32>
        %gather3A_2272 = tpu.vector_load_idx %arg6[%broadcast_in_dim3A_330, %broadcast_in_dim3A_2271, %add3A_2254] : memref<2x224x128xf32, #tpu.memory_space<vmem>>[vector<16xi32>, vector<16xi32>, vector<16xi32>], vector<16xf32>,
        %add3A_2273 = arith.constant 28 : i32
        %add3A_2274 = arith.addi %mul3A_339, %add3A_2273 : i32
        %add3A_2275 = arith.constant 3 : i32
        %add3A_2276 = arith.addi %add3A_2274, %add3A_2275 : i32
        %broadcast_in_dim3A_2277 = vector.broadcast %add3A_2276 : i32 to vector<16xi32>
        %gather3A_2278 = tpu.vector_load_idx %arg6[%broadcast_in_dim3A_330, %broadcast_in_dim3A_2277, %add3A_2254] : memref<2x224x128xf32, #tpu.memory_space<vmem>>[vector<16xi32>, vector<16xi32>, vector<16xi32>], vector<16xf32>,
        %mul3A_2279 = arith.mulf %gather3A_2260, %gather3A_2260 : vector<16xf32>
        %mul3A_2280 = arith.mulf %gather3A_2266, %gather3A_2266 : vector<16xf32>
        %add3A_2281 = arith.addf %mul3A_2279, %mul3A_2280 : vector<16xf32>
        %mul3A_2282 = arith.mulf %gather3A_2272, %gather3A_2272 : vector<16xf32>
        %add3A_2283 = arith.addf %add3A_2281, %mul3A_2282 : vector<16xf32>
        %mul3A_2284 = arith.mulf %gather3A_2278, %gather3A_2278 : vector<16xf32>
        %add3A_2285 = arith.addf %add3A_2283, %mul3A_2284 : vector<16xf32>
        %broadcast_in_dim3A_2286 = arith.constant 976 : i32
        %broadcast_in_dim3A_2287 = vector.broadcast %broadcast_in_dim3A_2286 : i32 to vector<16xi32>
        %lt3A_2288 = arith.cmpf olt, %add3A_2285, %select_n3A_2250 : vector<16xf32>
        %select_n3A_2289 = arith.select %lt3A_2288, %add3A_2285, %select_n3A_2250 : vector<16xi1>, vector<16xf32>
        %select_n3A_2290 = arith.select %lt3A_2288, %broadcast_in_dim3A_2287, %select_n3A_2251 : vector<16xi1>, vector<16xi32>
        %add3A_2291 = arith.constant 96 : i32
        %add3A_2292 = vector.broadcast %add3A_2291 : i32 to vector<16xi32>
        %add3A_2293 = arith.addi %add3A_2292, %iota3A : vector<16xi32>
        %add3A_2294 = arith.constant 28 : i32
        %add3A_2295 = arith.addi %mul3A_339, %add3A_2294 : i32
        %add3A_2296 = arith.constant 0 : i32
        %add3A_2297 = arith.addi %add3A_2295, %add3A_2296 : i32
        %broadcast_in_dim3A_2298 = vector.broadcast %add3A_2297 : i32 to vector<16xi32>
        %gather3A_2299 = tpu.vector_load_idx %arg6[%broadcast_in_dim3A_330, %broadcast_in_dim3A_2298, %add3A_2293] : memref<2x224x128xf32, #tpu.memory_space<vmem>>[vector<16xi32>, vector<16xi32>, vector<16xi32>], vector<16xf32>,
        %add3A_2300 = arith.constant 28 : i32
        %add3A_2301 = arith.addi %mul3A_339, %add3A_2300 : i32
        %add3A_2302 = arith.constant 1 : i32
        %add3A_2303 = arith.addi %add3A_2301, %add3A_2302 : i32
        %broadcast_in_dim3A_2304 = vector.broadcast %add3A_2303 : i32 to vector<16xi32>
        %gather3A_2305 = tpu.vector_load_idx %arg6[%broadcast_in_dim3A_330, %broadcast_in_dim3A_2304, %add3A_2293] : memref<2x224x128xf32, #tpu.memory_space<vmem>>[vector<16xi32>, vector<16xi32>, vector<16xi32>], vector<16xf32>,
        %add3A_2306 = arith.constant 28 : i32
        %add3A_2307 = arith.addi %mul3A_339, %add3A_2306 : i32
        %add3A_2308 = arith.constant 2 : i32
        %add3A_2309 = arith.addi %add3A_2307, %add3A_2308 : i32
        %broadcast_in_dim3A_2310 = vector.broadcast %add3A_2309 : i32 to vector<16xi32>
        %gather3A_2311 = tpu.vector_load_idx %arg6[%broadcast_in_dim3A_330, %broadcast_in_dim3A_2310, %add3A_2293] : memref<2x224x128xf32, #tpu.memory_space<vmem>>[vector<16xi32>, vector<16xi32>, vector<16xi32>], vector<16xf32>,
        %add3A_2312 = arith.constant 28 : i32
        %add3A_2313 = arith.addi %mul3A_339, %add3A_2312 : i32
        %add3A_2314 = arith.constant 3 : i32
        %add3A_2315 = arith.addi %add3A_2313, %add3A_2314 : i32
        %broadcast_in_dim3A_2316 = vector.broadcast %add3A_2315 : i32 to vector<16xi32>
        %gather3A_2317 = tpu.vector_load_idx %arg6[%broadcast_in_dim3A_330, %broadcast_in_dim3A_2316, %add3A_2293] : memref<2x224x128xf32, #tpu.memory_space<vmem>>[vector<16xi32>, vector<16xi32>, vector<16xi32>], vector<16xf32>,
        %mul3A_2318 = arith.mulf %gather3A_2299, %gather3A_2299 : vector<16xf32>
        %mul3A_2319 = arith.mulf %gather3A_2305, %gather3A_2305 : vector<16xf32>
        %add3A_2320 = arith.addf %mul3A_2318, %mul3A_2319 : vector<16xf32>
        %mul3A_2321 = arith.mulf %gather3A_2311, %gather3A_2311 : vector<16xf32>
        %add3A_2322 = arith.addf %add3A_2320, %mul3A_2321 : vector<16xf32>
        %mul3A_2323 = arith.mulf %gather3A_2317, %gather3A_2317 : vector<16xf32>
        %add3A_2324 = arith.addf %add3A_2322, %mul3A_2323 : vector<16xf32>
        %broadcast_in_dim3A_2325 = arith.constant 992 : i32
        %broadcast_in_dim3A_2326 = vector.broadcast %broadcast_in_dim3A_2325 : i32 to vector<16xi32>
        %lt3A_2327 = arith.cmpf olt, %add3A_2324, %select_n3A_2289 : vector<16xf32>
        %select_n3A_2328 = arith.select %lt3A_2327, %add3A_2324, %select_n3A_2289 : vector<16xi1>, vector<16xf32>
        %select_n3A_2329 = arith.select %lt3A_2327, %broadcast_in_dim3A_2326, %select_n3A_2290 : vector<16xi1>, vector<16xi32>
        %add3A_2330 = arith.constant 112 : i32
        %add3A_2331 = vector.broadcast %add3A_2330 : i32 to vector<16xi32>
        %add3A_2332 = arith.addi %add3A_2331, %iota3A : vector<16xi32>
        %add3A_2333 = arith.constant 28 : i32
        %add3A_2334 = arith.addi %mul3A_339, %add3A_2333 : i32
        %add3A_2335 = arith.constant 0 : i32
        %add3A_2336 = arith.addi %add3A_2334, %add3A_2335 : i32
        %broadcast_in_dim3A_2337 = vector.broadcast %add3A_2336 : i32 to vector<16xi32>
        %gather3A_2338 = tpu.vector_load_idx %arg6[%broadcast_in_dim3A_330, %broadcast_in_dim3A_2337, %add3A_2332] : memref<2x224x128xf32, #tpu.memory_space<vmem>>[vector<16xi32>, vector<16xi32>, vector<16xi32>], vector<16xf32>,
        %add3A_2339 = arith.constant 28 : i32
        %add3A_2340 = arith.addi %mul3A_339, %add3A_2339 : i32
        %add3A_2341 = arith.constant 1 : i32
        %add3A_2342 = arith.addi %add3A_2340, %add3A_2341 : i32
        %broadcast_in_dim3A_2343 = vector.broadcast %add3A_2342 : i32 to vector<16xi32>
        %gather3A_2344 = tpu.vector_load_idx %arg6[%broadcast_in_dim3A_330, %broadcast_in_dim3A_2343, %add3A_2332] : memref<2x224x128xf32, #tpu.memory_space<vmem>>[vector<16xi32>, vector<16xi32>, vector<16xi32>], vector<16xf32>,
        %add3A_2345 = arith.constant 28 : i32
        %add3A_2346 = arith.addi %mul3A_339, %add3A_2345 : i32
        %add3A_2347 = arith.constant 2 : i32
        %add3A_2348 = arith.addi %add3A_2346, %add3A_2347 : i32
        %broadcast_in_dim3A_2349 = vector.broadcast %add3A_2348 : i32 to vector<16xi32>
        %gather3A_2350 = tpu.vector_load_idx %arg6[%broadcast_in_dim3A_330, %broadcast_in_dim3A_2349, %add3A_2332] : memref<2x224x128xf32, #tpu.memory_space<vmem>>[vector<16xi32>, vector<16xi32>, vector<16xi32>], vector<16xf32>,
        %add3A_2351 = arith.constant 28 : i32
        %add3A_2352 = arith.addi %mul3A_339, %add3A_2351 : i32
        %add3A_2353 = arith.constant 3 : i32
        %add3A_2354 = arith.addi %add3A_2352, %add3A_2353 : i32
        %broadcast_in_dim3A_2355 = vector.broadcast %add3A_2354 : i32 to vector<16xi32>
        %gather3A_2356 = tpu.vector_load_idx %arg6[%broadcast_in_dim3A_330, %broadcast_in_dim3A_2355, %add3A_2332] : memref<2x224x128xf32, #tpu.memory_space<vmem>>[vector<16xi32>, vector<16xi32>, vector<16xi32>], vector<16xf32>,
        %mul3A_2357 = arith.mulf %gather3A_2338, %gather3A_2338 : vector<16xf32>
        %mul3A_2358 = arith.mulf %gather3A_2344, %gather3A_2344 : vector<16xf32>
        %add3A_2359 = arith.addf %mul3A_2357, %mul3A_2358 : vector<16xf32>
        %mul3A_2360 = arith.mulf %gather3A_2350, %gather3A_2350 : vector<16xf32>
        %add3A_2361 = arith.addf %add3A_2359, %mul3A_2360 : vector<16xf32>
        %mul3A_2362 = arith.mulf %gather3A_2356, %gather3A_2356 : vector<16xf32>
        %add3A_2363 = arith.addf %add3A_2361, %mul3A_2362 : vector<16xf32>
        %broadcast_in_dim3A_2364 = arith.constant 1008 : i32
        %broadcast_in_dim3A_2365 = vector.broadcast %broadcast_in_dim3A_2364 : i32 to vector<16xi32>
        %lt3A_2366 = arith.cmpf olt, %add3A_2363, %select_n3A_2328 : vector<16xf32>
        %select_n3A_2367 = arith.select %lt3A_2366, %add3A_2363, %select_n3A_2328 : vector<16xi1>, vector<16xf32>
        %select_n3A_2368 = arith.select %lt3A_2366, %broadcast_in_dim3A_2365, %select_n3A_2329 : vector<16xi1>, vector<16xi32>
        %reduce_min3A = arith.constant true
        %reduce_min3A_2369 = vector.broadcast %reduce_min3A : i1 to vector<16xi1>
        %reduce_min3A_2370 = tpu.scan <min>, %select_n3A_2367 masked %reduce_min3A_2369 : vector<16xf32>, vector<16xi1> -> vector<16xf32>
        %reduce_min3A_2371 = vector.extract %reduce_min3A_2370[15] : f32 from vector<16xf32>
        %eq3A = vector.broadcast %reduce_min3A_2371 : f32 to vector<16xf32>
        %eq3A_2372 = arith.cmpf oeq, %select_n3A_2367, %eq3A : vector<16xf32>
        %add3A_2373 = arith.addi %select_n3A_2368, %iota3A : vector<16xi32>
        %jit3A_2374 = arith.constant 1073741824 : i32
        %broadcast_in_dim3A_2375 = vector.broadcast %jit3A_2374 : i32 to vector<16xi32>
        %select_n3A_2376 = arith.select %eq3A_2372, %add3A_2373, %broadcast_in_dim3A_2375 : vector<16xi1>, vector<16xi32>
        %reduce_min3A_2377 = arith.constant true
        %reduce_min3A_2378 = vector.broadcast %reduce_min3A_2377 : i1 to vector<16xi1>
        %reduce_min3A_2379 = arith.constant -2147483648 : i32
        %reduce_min3A_2380 = vector.broadcast %reduce_min3A_2379 : i32 to vector<16xi32>
        %reduce_min3A_2381 = arith.xori %select_n3A_2376, %reduce_min3A_2380 : vector<16xi32>
        %reduce_min3A_2382 = tpu.scan <min>, %reduce_min3A_2381 masked %reduce_min3A_2378 : vector<16xi32>, vector<16xi1> -> vector<16xi32>
        %reduce_min3A_2383 = arith.xori %reduce_min3A_2382, %reduce_min3A_2380 : vector<16xi32>
        %reduce_min3A_2384 = vector.extract %reduce_min3A_2383[15] : i32 from vector<16xi32>
        %lt3A_2385 = arith.constant 8.020000e+00 : f32
        %lt3A_2386 = arith.cmpf olt, %reduce_min3A_2371, %lt3A_2385 : f32
        %min3A_2387 = arith.constant 8.020000e+00 : f32
        %min3A_2388 = arith.minimumf %reduce_min3A_2371, %min3A_2387 : f32
        %mul3A_2389 = arith.constant 5.000000e-01 : f32
        %mul3A_2390 = arith.mulf %mul3A_2389, %min3A_2388 : f32
        %jit3A_2391 = arith.constant 0 : i32
        %select_n3A_2392 = arith.select %lt3A_2386, %reduce_min3A_2384, %jit3A_2391 : i32
        %mul3A_2393 = arith.constant 7 : i32
        %mul3A_2394 = arith.muli %scan3A_311, %mul3A_2393 : i32
        %add3A_2395 = arith.addi %mul3A_2394, %scan3A_337 : i32
        %mul3A_2396 = arith.constant 1024 : i32
        %mul3A_2397 = arith.muli %shift_right_arithmetic3A_3, %mul3A_2396 : i32
        %add3A_2398 = arith.addi %mul3A_2397, %select_n3A_2392 : i32
        %broadcast_in_dim3A_2399 = vector.broadcast %add3A_2395 : i32 to vector<16xi32>
        %eq3A_2400 = arith.constant 0 : i32
        %eq3A_2401 = vector.broadcast %eq3A_2400 : i32 to vector<16xi32>
        %eq3A_2402 = arith.cmpi eq, %iota3A, %eq3A_2401 : vector<16xi32>
        %broadcast_in_dim3A_2403 = vector.broadcast %mul3A_2390 : f32 to vector<16xf32>
        tpu.vector_store_idx %arg16[%broadcast_in_dim3A_2399], %broadcast_in_dim3A_2403 masked %eq3A_2402 : memref<64xf32, #tpu.memory_space<vmem>>[vector<16xi32>], vector<16xf32>, vector<16xi1>
        %broadcast_in_dim3A_2404 = vector.broadcast %add3A_2398 : i32 to vector<16xi32>
        tpu.vector_store_idx %arg15[%broadcast_in_dim3A_2399], %broadcast_in_dim3A_2404 masked %eq3A_2402 : memref<64xi32, #tpu.memory_space<vmem>>[vector<16xi32>], vector<16xi32>, vector<16xi1>
      }
      %scan3A_336 = arith.constant 7 : i32
    }
    %scan3A_228 = arith.constant 7 : i32
    %get3A = arith.constant 0 : index
    %get3A_229 = tpu.vector_load %arg15[%get3A] {strides = array<i32>} : memref<64xi32, #tpu.memory_space<vmem>>, vector<16xi32>,
    %dma_start3A_230 = arith.constant 0 : i32
    %dma_start3A_231 = arith.constant 0 : i32
    %dma_start3A_232 = tpu.memref_slice %arg3[%dma_start3A_230, %dma_start3A_231] : memref<8192x256xf32, #tpu.memory_space<hbm>> -> memref<8192x256xf32, #tpu.memory_space<hbm>>
    tpu.enqueue_indirect_dma source(%dma_start3A_232 : memref<8192x256xf32, #tpu.memory_space<hbm>>) target(%arg7 : memref<16x256xf32, #tpu.memory_space<vmem>>) offsets(%get3A_229 : vector<16xi32>) semaphore(%arg19 : memref<!tpu.dma_semaphore, #tpu.memory_space<semaphore_mem>>)
    %get3A_233 = arith.constant 16 : index
    %get3A_234 = tpu.vector_load %arg15[%get3A_233] {strides = array<i32>} : memref<64xi32, #tpu.memory_space<vmem>>, vector<16xi32>,
    %dma_start3A_235 = arith.constant 0 : i32
    %dma_start3A_236 = arith.constant 0 : i32
    %dma_start3A_237 = tpu.memref_slice %arg3[%dma_start3A_235, %dma_start3A_236] : memref<8192x256xf32, #tpu.memory_space<hbm>> -> memref<8192x256xf32, #tpu.memory_space<hbm>>
    tpu.enqueue_indirect_dma source(%dma_start3A_237 : memref<8192x256xf32, #tpu.memory_space<hbm>>) target(%arg8 : memref<16x256xf32, #tpu.memory_space<vmem>>) offsets(%get3A_234 : vector<16xi32>) semaphore(%arg19 : memref<!tpu.dma_semaphore, #tpu.memory_space<semaphore_mem>>)
    %get3A_238 = arith.constant 32 : index
    %get3A_239 = tpu.vector_load %arg15[%get3A_238] {strides = array<i32>} : memref<64xi32, #tpu.memory_space<vmem>>, vector<16xi32>,
    %dma_start3A_240 = arith.constant 0 : i32
    %dma_start3A_241 = arith.constant 0 : i32
    %dma_start3A_242 = tpu.memref_slice %arg3[%dma_start3A_240, %dma_start3A_241] : memref<8192x256xf32, #tpu.memory_space<hbm>> -> memref<8192x256xf32, #tpu.memory_space<hbm>>
    tpu.enqueue_indirect_dma source(%dma_start3A_242 : memref<8192x256xf32, #tpu.memory_space<hbm>>) target(%arg9 : memref<16x256xf32, #tpu.memory_space<vmem>>) offsets(%get3A_239 : vector<16xi32>) semaphore(%arg19 : memref<!tpu.dma_semaphore, #tpu.memory_space<semaphore_mem>>)
    %get3A_243 = arith.constant 48 : index
    %get3A_244 = tpu.vector_load %arg15[%get3A_243] {strides = array<i32>} : memref<64xi32, #tpu.memory_space<vmem>>, vector<16xi32>,
    %dma_start3A_245 = arith.constant 0 : i32
    %dma_start3A_246 = arith.constant 0 : i32
    %dma_start3A_247 = tpu.memref_slice %arg3[%dma_start3A_245, %dma_start3A_246] : memref<8192x256xf32, #tpu.memory_space<hbm>> -> memref<8192x256xf32, #tpu.memory_space<hbm>>
    tpu.enqueue_indirect_dma source(%dma_start3A_247 : memref<8192x256xf32, #tpu.memory_space<hbm>>) target(%arg10 : memref<16x256xf32, #tpu.memory_space<vmem>>) offsets(%get3A_244 : vector<16xi32>) semaphore(%arg19 : memref<!tpu.dma_semaphore, #tpu.memory_space<semaphore_mem>>)
    %dma_wait3A = arith.constant 0 : i32
    %dma_wait3A_248 = arith.constant 0 : i32
    %dma_wait3A_249 = tpu.memref_slice %arg3[%dma_wait3A, %dma_wait3A_248] : memref<8192x256xf32, #tpu.memory_space<hbm>> -> memref<8192x256xf32, #tpu.memory_space<hbm>>
    tpu.wait_indirect_dma semaphore(%arg19 : memref<!tpu.dma_semaphore, #tpu.memory_space<semaphore_mem>>) src(%dma_wait3A_249 : memref<8192x256xf32, #tpu.memory_space<hbm>>) dst(%arg7 : memref<16x256xf32, #tpu.memory_space<vmem>>)
    %dma_wait3A_250 = arith.constant 0 : i32
    %dma_wait3A_251 = arith.constant 0 : i32
    %dma_wait3A_252 = tpu.memref_slice %arg3[%dma_wait3A_250, %dma_wait3A_251] : memref<8192x256xf32, #tpu.memory_space<hbm>> -> memref<8192x256xf32, #tpu.memory_space<hbm>>
    tpu.wait_indirect_dma semaphore(%arg20 : memref<!tpu.dma_semaphore, #tpu.memory_space<semaphore_mem>>) src(%dma_wait3A_252 : memref<8192x256xf32, #tpu.memory_space<hbm>>) dst(%arg11 : memref<16x256xf32, #tpu.memory_space<vmem>>)
    %broadcast_in_dim3A_253 = arith.constant 0.000000e+00 : f32
    %broadcast_in_dim3A_254 = vector.broadcast %broadcast_in_dim3A_253 : f32 to vector<16xf32>
    %scan3A_255 = arith.constant 0 : i32
    %scan3A_256 = arith.constant 16 : i32
    %scan3A_257 = arith.addi %scan3A_255, %scan3A_256 : i32
    %scan3A_258 = arith.constant 1 : i32
    %scan3A_259 = scf.for %scan3A_311 = %scan3A_255 to %scan3A_257 step %scan3A_258 iter_args(%scan3A_312 = %broadcast_in_dim3A_254) -> (vector<16xf32>)  : i32 {
      %broadcast_in_dim3A_313 = vector.broadcast %scan3A_311 : i32 to vector<16xi32>
      %broadcast_in_dim3A_314 = arith.constant 0.000000e+00 : f32
      %broadcast_in_dim3A_315 = vector.broadcast %broadcast_in_dim3A_314 : f32 to vector<16xf32>
      %add3A_316 = arith.constant 0 : i32
      %add3A_317 = vector.broadcast %add3A_316 : i32 to vector<16xi32>
      %add3A_318 = arith.addi %add3A_317, %iota3A : vector<16xi32>
      %gather3A = tpu.vector_load_idx %arg7[%broadcast_in_dim3A_313, %add3A_318] : memref<16x256xf32, #tpu.memory_space<vmem>>[vector<16xi32>, vector<16xi32>], vector<16xf32>,
      %gather3A_319 = tpu.vector_load_idx %arg11[%broadcast_in_dim3A_313, %add3A_318] : memref<16x256xf32, #tpu.memory_space<vmem>>[vector<16xi32>, vector<16xi32>], vector<16xf32>,
      %mul3A_320 = arith.mulf %gather3A, %gather3A_319 : vector<16xf32>
      %add3A_321 = arith.addf %broadcast_in_dim3A_315, %mul3A_320 : vector<16xf32>
      %add3A_322 = arith.constant 16 : i32
      %add3A_323 = vector.broadcast %add3A_322 : i32 to vector<16xi32>
      %add3A_324 = arith.addi %add3A_323, %iota3A : vector<16xi32>
      %gather3A_325 = tpu.vector_load_idx %arg7[%broadcast_in_dim3A_313, %add3A_324] : memref<16x256xf32, #tpu.memory_space<vmem>>[vector<16xi32>, vector<16xi32>], vector<16xf32>,
      %gather3A_326 = tpu.vector_load_idx %arg11[%broadcast_in_dim3A_313, %add3A_324] : memref<16x256xf32, #tpu.memory_space<vmem>>[vector<16xi32>, vector<16xi32>], vector<16xf32>,
      %mul3A_327 = arith.mulf %gather3A_325, %gather3A_326 : vector<16xf32>
      %add3A_328 = arith.addf %add3A_321, %mul3A_327 : vector<16xf32>
      %add3A_329 = arith.constant 32 : i32
      %add3A_330 = vector.broadcast %add3A_329 : i32 to vector<16xi32>
      %add3A_331 = arith.addi %add3A_330, %iota3A : vector<16xi32>
      %gather3A_332 = tpu.vector_load_idx %arg7[%broadcast_in_dim3A_313, %add3A_331] : memref<16x256xf32, #tpu.memory_space<vmem>>[vector<16xi32>, vector<16xi32>], vector<16xf32>,
      %gather3A_333 = tpu.vector_load_idx %arg11[%broadcast_in_dim3A_313, %add3A_331] : memref<16x256xf32, #tpu.memory_space<vmem>>[vector<16xi32>, vector<16xi32>], vector<16xf32>,
      %mul3A_334 = arith.mulf %gather3A_332, %gather3A_333 : vector<16xf32>
      %add3A_335 = arith.addf %add3A_328, %mul3A_334 : vector<16xf32>
      %add3A_336 = arith.constant 48 : i32
      %add3A_337 = vector.broadcast %add3A_336 : i32 to vector<16xi32>
      %add3A_338 = arith.addi %add3A_337, %iota3A : vector<16xi32>
      %gather3A_339 = tpu.vector_load_idx %arg7[%broadcast_in_dim3A_313, %add3A_338] : memref<16x256xf32, #tpu.memory_space<vmem>>[vector<16xi32>, vector<16xi32>], vector<16xf32>,
      %gather3A_340 = tpu.vector_load_idx %arg11[%broadcast_in_dim3A_313, %add3A_338] : memref<16x256xf32, #tpu.memory_space<vmem>>[vector<16xi32>, vector<16xi32>], vector<16xf32>,
      %mul3A_341 = arith.mulf %gather3A_339, %gather3A_340 : vector<16xf32>
      %add3A_342 = arith.addf %add3A_335, %mul3A_341 : vector<16xf32>
      %add3A_343 = arith.constant 64 : i32
      %add3A_344 = vector.broadcast %add3A_343 : i32 to vector<16xi32>
      %add3A_345 = arith.addi %add3A_344, %iota3A : vector<16xi32>
      %gather3A_346 = tpu.vector_load_idx %arg7[%broadcast_in_dim3A_313, %add3A_345] : memref<16x256xf32, #tpu.memory_space<vmem>>[vector<16xi32>, vector<16xi32>], vector<16xf32>,
      %gather3A_347 = tpu.vector_load_idx %arg11[%broadcast_in_dim3A_313, %add3A_345] : memref<16x256xf32, #tpu.memory_space<vmem>>[vector<16xi32>, vector<16xi32>], vector<16xf32>,
      %mul3A_348 = arith.mulf %gather3A_346, %gather3A_347 : vector<16xf32>
      %add3A_349 = arith.addf %add3A_342, %mul3A_348 : vector<16xf32>
      %add3A_350 = arith.constant 80 : i32
      %add3A_351 = vector.broadcast %add3A_350 : i32 to vector<16xi32>
      %add3A_352 = arith.addi %add3A_351, %iota3A : vector<16xi32>
      %gather3A_353 = tpu.vector_load_idx %arg7[%broadcast_in_dim3A_313, %add3A_352] : memref<16x256xf32, #tpu.memory_space<vmem>>[vector<16xi32>, vector<16xi32>], vector<16xf32>,
      %gather3A_354 = tpu.vector_load_idx %arg11[%broadcast_in_dim3A_313, %add3A_352] : memref<16x256xf32, #tpu.memory_space<vmem>>[vector<16xi32>, vector<16xi32>], vector<16xf32>,
      %mul3A_355 = arith.mulf %gather3A_353, %gather3A_354 : vector<16xf32>
      %add3A_356 = arith.addf %add3A_349, %mul3A_355 : vector<16xf32>
      %add3A_357 = arith.constant 96 : i32
      %add3A_358 = vector.broadcast %add3A_357 : i32 to vector<16xi32>
      %add3A_359 = arith.addi %add3A_358, %iota3A : vector<16xi32>
      %gather3A_360 = tpu.vector_load_idx %arg7[%broadcast_in_dim3A_313, %add3A_359] : memref<16x256xf32, #tpu.memory_space<vmem>>[vector<16xi32>, vector<16xi32>], vector<16xf32>,
      %gather3A_361 = tpu.vector_load_idx %arg11[%broadcast_in_dim3A_313, %add3A_359] : memref<16x256xf32, #tpu.memory_space<vmem>>[vector<16xi32>, vector<16xi32>], vector<16xf32>,
      %mul3A_362 = arith.mulf %gather3A_360, %gather3A_361 : vector<16xf32>
      %add3A_363 = arith.addf %add3A_356, %mul3A_362 : vector<16xf32>
      %add3A_364 = arith.constant 112 : i32
      %add3A_365 = vector.broadcast %add3A_364 : i32 to vector<16xi32>
      %add3A_366 = arith.addi %add3A_365, %iota3A : vector<16xi32>
      %gather3A_367 = tpu.vector_load_idx %arg7[%broadcast_in_dim3A_313, %add3A_366] : memref<16x256xf32, #tpu.memory_space<vmem>>[vector<16xi32>, vector<16xi32>], vector<16xf32>,
      %gather3A_368 = tpu.vector_load_idx %arg11[%broadcast_in_dim3A_313, %add3A_366] : memref<16x256xf32, #tpu.memory_space<vmem>>[vector<16xi32>, vector<16xi32>], vector<16xf32>,
      %mul3A_369 = arith.mulf %gather3A_367, %gather3A_368 : vector<16xf32>
      %add3A_370 = arith.addf %add3A_363, %mul3A_369 : vector<16xf32>
      %add3A_371 = arith.constant 128 : i32
      %add3A_372 = vector.broadcast %add3A_371 : i32 to vector<16xi32>
      %add3A_373 = arith.addi %add3A_372, %iota3A : vector<16xi32>
      %gather3A_374 = tpu.vector_load_idx %arg7[%broadcast_in_dim3A_313, %add3A_373] : memref<16x256xf32, #tpu.memory_space<vmem>>[vector<16xi32>, vector<16xi32>], vector<16xf32>,
      %gather3A_375 = tpu.vector_load_idx %arg11[%broadcast_in_dim3A_313, %add3A_373] : memref<16x256xf32, #tpu.memory_space<vmem>>[vector<16xi32>, vector<16xi32>], vector<16xf32>,
      %mul3A_376 = arith.mulf %gather3A_374, %gather3A_375 : vector<16xf32>
      %add3A_377 = arith.addf %add3A_370, %mul3A_376 : vector<16xf32>
      %add3A_378 = arith.constant 144 : i32
      %add3A_379 = vector.broadcast %add3A_378 : i32 to vector<16xi32>
      %add3A_380 = arith.addi %add3A_379, %iota3A : vector<16xi32>
      %gather3A_381 = tpu.vector_load_idx %arg7[%broadcast_in_dim3A_313, %add3A_380] : memref<16x256xf32, #tpu.memory_space<vmem>>[vector<16xi32>, vector<16xi32>], vector<16xf32>,
      %gather3A_382 = tpu.vector_load_idx %arg11[%broadcast_in_dim3A_313, %add3A_380] : memref<16x256xf32, #tpu.memory_space<vmem>>[vector<16xi32>, vector<16xi32>], vector<16xf32>,
      %mul3A_383 = arith.mulf %gather3A_381, %gather3A_382 : vector<16xf32>
      %add3A_384 = arith.addf %add3A_377, %mul3A_383 : vector<16xf32>
      %add3A_385 = arith.constant 160 : i32
      %add3A_386 = vector.broadcast %add3A_385 : i32 to vector<16xi32>
      %add3A_387 = arith.addi %add3A_386, %iota3A : vector<16xi32>
      %gather3A_388 = tpu.vector_load_idx %arg7[%broadcast_in_dim3A_313, %add3A_387] : memref<16x256xf32, #tpu.memory_space<vmem>>[vector<16xi32>, vector<16xi32>], vector<16xf32>,
      %gather3A_389 = tpu.vector_load_idx %arg11[%broadcast_in_dim3A_313, %add3A_387] : memref<16x256xf32, #tpu.memory_space<vmem>>[vector<16xi32>, vector<16xi32>], vector<16xf32>,
      %mul3A_390 = arith.mulf %gather3A_388, %gather3A_389 : vector<16xf32>
      %add3A_391 = arith.addf %add3A_384, %mul3A_390 : vector<16xf32>
      %add3A_392 = arith.constant 176 : i32
      %add3A_393 = vector.broadcast %add3A_392 : i32 to vector<16xi32>
      %add3A_394 = arith.addi %add3A_393, %iota3A : vector<16xi32>
      %gather3A_395 = tpu.vector_load_idx %arg7[%broadcast_in_dim3A_313, %add3A_394] : memref<16x256xf32, #tpu.memory_space<vmem>>[vector<16xi32>, vector<16xi32>], vector<16xf32>,
      %gather3A_396 = tpu.vector_load_idx %arg11[%broadcast_in_dim3A_313, %add3A_394] : memref<16x256xf32, #tpu.memory_space<vmem>>[vector<16xi32>, vector<16xi32>], vector<16xf32>,
      %mul3A_397 = arith.mulf %gather3A_395, %gather3A_396 : vector<16xf32>
      %add3A_398 = arith.addf %add3A_391, %mul3A_397 : vector<16xf32>
      %add3A_399 = arith.constant 192 : i32
      %add3A_400 = vector.broadcast %add3A_399 : i32 to vector<16xi32>
      %add3A_401 = arith.addi %add3A_400, %iota3A : vector<16xi32>
      %gather3A_402 = tpu.vector_load_idx %arg7[%broadcast_in_dim3A_313, %add3A_401] : memref<16x256xf32, #tpu.memory_space<vmem>>[vector<16xi32>, vector<16xi32>], vector<16xf32>,
      %gather3A_403 = tpu.vector_load_idx %arg11[%broadcast_in_dim3A_313, %add3A_401] : memref<16x256xf32, #tpu.memory_space<vmem>>[vector<16xi32>, vector<16xi32>], vector<16xf32>,
      %mul3A_404 = arith.mulf %gather3A_402, %gather3A_403 : vector<16xf32>
      %add3A_405 = arith.addf %add3A_398, %mul3A_404 : vector<16xf32>
      %add3A_406 = arith.constant 208 : i32
      %add3A_407 = vector.broadcast %add3A_406 : i32 to vector<16xi32>
      %add3A_408 = arith.addi %add3A_407, %iota3A : vector<16xi32>
      %gather3A_409 = tpu.vector_load_idx %arg7[%broadcast_in_dim3A_313, %add3A_408] : memref<16x256xf32, #tpu.memory_space<vmem>>[vector<16xi32>, vector<16xi32>], vector<16xf32>,
      %gather3A_410 = tpu.vector_load_idx %arg11[%broadcast_in_dim3A_313, %add3A_408] : memref<16x256xf32, #tpu.memory_space<vmem>>[vector<16xi32>, vector<16xi32>], vector<16xf32>,
      %mul3A_411 = arith.mulf %gather3A_409, %gather3A_410 : vector<16xf32>
      %add3A_412 = arith.addf %add3A_405, %mul3A_411 : vector<16xf32>
      %add3A_413 = arith.constant 224 : i32
      %add3A_414 = vector.broadcast %add3A_413 : i32 to vector<16xi32>
      %add3A_415 = arith.addi %add3A_414, %iota3A : vector<16xi32>
      %gather3A_416 = tpu.vector_load_idx %arg7[%broadcast_in_dim3A_313, %add3A_415] : memref<16x256xf32, #tpu.memory_space<vmem>>[vector<16xi32>, vector<16xi32>], vector<16xf32>,
      %gather3A_417 = tpu.vector_load_idx %arg11[%broadcast_in_dim3A_313, %add3A_415] : memref<16x256xf32, #tpu.memory_space<vmem>>[vector<16xi32>, vector<16xi32>], vector<16xf32>,
      %mul3A_418 = arith.mulf %gather3A_416, %gather3A_417 : vector<16xf32>
      %add3A_419 = arith.addf %add3A_412, %mul3A_418 : vector<16xf32>
      %add3A_420 = arith.constant 240 : i32
      %add3A_421 = vector.broadcast %add3A_420 : i32 to vector<16xi32>
      %add3A_422 = arith.addi %add3A_421, %iota3A : vector<16xi32>
      %gather3A_423 = tpu.vector_load_idx %arg7[%broadcast_in_dim3A_313, %add3A_422] : memref<16x256xf32, #tpu.memory_space<vmem>>[vector<16xi32>, vector<16xi32>], vector<16xf32>,
      %gather3A_424 = tpu.vector_load_idx %arg11[%broadcast_in_dim3A_313, %add3A_422] : memref<16x256xf32, #tpu.memory_space<vmem>>[vector<16xi32>, vector<16xi32>], vector<16xf32>,
      %mul3A_425 = arith.mulf %gather3A_423, %gather3A_424 : vector<16xf32>
      %add3A_426 = arith.addf %add3A_419, %mul3A_425 : vector<16xf32>
      %eq3A = vector.broadcast %scan3A_311 : i32 to vector<16xi32>
      %eq3A_427 = arith.cmpi eq, %iota3A, %eq3A : vector<16xi32>
      %reduce_sum3A = arith.constant true
      %reduce_sum3A_428 = vector.broadcast %reduce_sum3A : i1 to vector<16xi1>
      %reduce_sum3A_429 = tpu.scan <sum>, %add3A_426 masked %reduce_sum3A_428 : vector<16xf32>, vector<16xi1> -> vector<16xf32>
      %reduce_sum3A_430 = vector.extract %reduce_sum3A_429[15] : f32 from vector<16xf32>
      %broadcast_in_dim3A_431 = vector.broadcast %reduce_sum3A_430 : f32 to vector<16xf32>
      %select_n3A_432 = arith.select %eq3A_427, %broadcast_in_dim3A_431, %scan3A_312 : vector<16xi1>, vector<16xf32>
      scf.yield %select_n3A_432 : vector<16xf32>
    }
    %scan3A_260 = arith.constant 16 : i32
    %swap3A_261 = arith.constant 0 : index
    %swap3A_262 = tpu.vector_load %arg17[%swap3A_261] {strides = array<i32>} : memref<64xf32, #tpu.memory_space<vmem>>, vector<16xf32>,
    tpu.vector_store %arg17[%swap3A_261], %scan3A_259 {strides = array<i32>} : memref<64xf32, #tpu.memory_space<vmem>>, vector<16xf32>,
    %dma_wait3A_263 = arith.constant 0 : i32
    %dma_wait3A_264 = arith.constant 0 : i32
    %dma_wait3A_265 = tpu.memref_slice %arg3[%dma_wait3A_263, %dma_wait3A_264] : memref<8192x256xf32, #tpu.memory_space<hbm>> -> memref<8192x256xf32, #tpu.memory_space<hbm>>
    tpu.wait_indirect_dma semaphore(%arg19 : memref<!tpu.dma_semaphore, #tpu.memory_space<semaphore_mem>>) src(%dma_wait3A_265 : memref<8192x256xf32, #tpu.memory_space<hbm>>) dst(%arg8 : memref<16x256xf32, #tpu.memory_space<vmem>>)
    %dma_wait3A_266 = arith.constant 0 : i32
    %dma_wait3A_267 = arith.constant 0 : i32
    %dma_wait3A_268 = tpu.memref_slice %arg3[%dma_wait3A_266, %dma_wait3A_267] : memref<8192x256xf32, #tpu.memory_space<hbm>> -> memref<8192x256xf32, #tpu.memory_space<hbm>>
    tpu.wait_indirect_dma semaphore(%arg20 : memref<!tpu.dma_semaphore, #tpu.memory_space<semaphore_mem>>) src(%dma_wait3A_268 : memref<8192x256xf32, #tpu.memory_space<hbm>>) dst(%arg12 : memref<16x256xf32, #tpu.memory_space<vmem>>)
    %broadcast_in_dim3A_269 = arith.constant 0.000000e+00 : f32
    %broadcast_in_dim3A_270 = vector.broadcast %broadcast_in_dim3A_269 : f32 to vector<16xf32>
    %scan3A_271 = arith.constant 0 : i32
    %scan3A_272 = arith.constant 16 : i32
    %scan3A_273 = arith.addi %scan3A_271, %scan3A_272 : i32
    %scan3A_274 = arith.constant 1 : i32
    %scan3A_275 = scf.for %scan3A_311 = %scan3A_271 to %scan3A_273 step %scan3A_274 iter_args(%scan3A_312 = %broadcast_in_dim3A_270) -> (vector<16xf32>)  : i32 {
      %broadcast_in_dim3A_313 = vector.broadcast %scan3A_311 : i32 to vector<16xi32>
      %broadcast_in_dim3A_314 = arith.constant 0.000000e+00 : f32
      %broadcast_in_dim3A_315 = vector.broadcast %broadcast_in_dim3A_314 : f32 to vector<16xf32>
      %add3A_316 = arith.constant 0 : i32
      %add3A_317 = vector.broadcast %add3A_316 : i32 to vector<16xi32>
      %add3A_318 = arith.addi %add3A_317, %iota3A : vector<16xi32>
      %gather3A = tpu.vector_load_idx %arg8[%broadcast_in_dim3A_313, %add3A_318] : memref<16x256xf32, #tpu.memory_space<vmem>>[vector<16xi32>, vector<16xi32>], vector<16xf32>,
      %gather3A_319 = tpu.vector_load_idx %arg12[%broadcast_in_dim3A_313, %add3A_318] : memref<16x256xf32, #tpu.memory_space<vmem>>[vector<16xi32>, vector<16xi32>], vector<16xf32>,
      %mul3A_320 = arith.mulf %gather3A, %gather3A_319 : vector<16xf32>
      %add3A_321 = arith.addf %broadcast_in_dim3A_315, %mul3A_320 : vector<16xf32>
      %add3A_322 = arith.constant 16 : i32
      %add3A_323 = vector.broadcast %add3A_322 : i32 to vector<16xi32>
      %add3A_324 = arith.addi %add3A_323, %iota3A : vector<16xi32>
      %gather3A_325 = tpu.vector_load_idx %arg8[%broadcast_in_dim3A_313, %add3A_324] : memref<16x256xf32, #tpu.memory_space<vmem>>[vector<16xi32>, vector<16xi32>], vector<16xf32>,
      %gather3A_326 = tpu.vector_load_idx %arg12[%broadcast_in_dim3A_313, %add3A_324] : memref<16x256xf32, #tpu.memory_space<vmem>>[vector<16xi32>, vector<16xi32>], vector<16xf32>,
      %mul3A_327 = arith.mulf %gather3A_325, %gather3A_326 : vector<16xf32>
      %add3A_328 = arith.addf %add3A_321, %mul3A_327 : vector<16xf32>
      %add3A_329 = arith.constant 32 : i32
      %add3A_330 = vector.broadcast %add3A_329 : i32 to vector<16xi32>
      %add3A_331 = arith.addi %add3A_330, %iota3A : vector<16xi32>
      %gather3A_332 = tpu.vector_load_idx %arg8[%broadcast_in_dim3A_313, %add3A_331] : memref<16x256xf32, #tpu.memory_space<vmem>>[vector<16xi32>, vector<16xi32>], vector<16xf32>,
      %gather3A_333 = tpu.vector_load_idx %arg12[%broadcast_in_dim3A_313, %add3A_331] : memref<16x256xf32, #tpu.memory_space<vmem>>[vector<16xi32>, vector<16xi32>], vector<16xf32>,
      %mul3A_334 = arith.mulf %gather3A_332, %gather3A_333 : vector<16xf32>
      %add3A_335 = arith.addf %add3A_328, %mul3A_334 : vector<16xf32>
      %add3A_336 = arith.constant 48 : i32
      %add3A_337 = vector.broadcast %add3A_336 : i32 to vector<16xi32>
      %add3A_338 = arith.addi %add3A_337, %iota3A : vector<16xi32>
      %gather3A_339 = tpu.vector_load_idx %arg8[%broadcast_in_dim3A_313, %add3A_338] : memref<16x256xf32, #tpu.memory_space<vmem>>[vector<16xi32>, vector<16xi32>], vector<16xf32>,
      %gather3A_340 = tpu.vector_load_idx %arg12[%broadcast_in_dim3A_313, %add3A_338] : memref<16x256xf32, #tpu.memory_space<vmem>>[vector<16xi32>, vector<16xi32>], vector<16xf32>,
      %mul3A_341 = arith.mulf %gather3A_339, %gather3A_340 : vector<16xf32>
      %add3A_342 = arith.addf %add3A_335, %mul3A_341 : vector<16xf32>
      %add3A_343 = arith.constant 64 : i32
      %add3A_344 = vector.broadcast %add3A_343 : i32 to vector<16xi32>
      %add3A_345 = arith.addi %add3A_344, %iota3A : vector<16xi32>
      %gather3A_346 = tpu.vector_load_idx %arg8[%broadcast_in_dim3A_313, %add3A_345] : memref<16x256xf32, #tpu.memory_space<vmem>>[vector<16xi32>, vector<16xi32>], vector<16xf32>,
      %gather3A_347 = tpu.vector_load_idx %arg12[%broadcast_in_dim3A_313, %add3A_345] : memref<16x256xf32, #tpu.memory_space<vmem>>[vector<16xi32>, vector<16xi32>], vector<16xf32>,
      %mul3A_348 = arith.mulf %gather3A_346, %gather3A_347 : vector<16xf32>
      %add3A_349 = arith.addf %add3A_342, %mul3A_348 : vector<16xf32>
      %add3A_350 = arith.constant 80 : i32
      %add3A_351 = vector.broadcast %add3A_350 : i32 to vector<16xi32>
      %add3A_352 = arith.addi %add3A_351, %iota3A : vector<16xi32>
      %gather3A_353 = tpu.vector_load_idx %arg8[%broadcast_in_dim3A_313, %add3A_352] : memref<16x256xf32, #tpu.memory_space<vmem>>[vector<16xi32>, vector<16xi32>], vector<16xf32>,
      %gather3A_354 = tpu.vector_load_idx %arg12[%broadcast_in_dim3A_313, %add3A_352] : memref<16x256xf32, #tpu.memory_space<vmem>>[vector<16xi32>, vector<16xi32>], vector<16xf32>,
      %mul3A_355 = arith.mulf %gather3A_353, %gather3A_354 : vector<16xf32>
      %add3A_356 = arith.addf %add3A_349, %mul3A_355 : vector<16xf32>
      %add3A_357 = arith.constant 96 : i32
      %add3A_358 = vector.broadcast %add3A_357 : i32 to vector<16xi32>
      %add3A_359 = arith.addi %add3A_358, %iota3A : vector<16xi32>
      %gather3A_360 = tpu.vector_load_idx %arg8[%broadcast_in_dim3A_313, %add3A_359] : memref<16x256xf32, #tpu.memory_space<vmem>>[vector<16xi32>, vector<16xi32>], vector<16xf32>,
      %gather3A_361 = tpu.vector_load_idx %arg12[%broadcast_in_dim3A_313, %add3A_359] : memref<16x256xf32, #tpu.memory_space<vmem>>[vector<16xi32>, vector<16xi32>], vector<16xf32>,
      %mul3A_362 = arith.mulf %gather3A_360, %gather3A_361 : vector<16xf32>
      %add3A_363 = arith.addf %add3A_356, %mul3A_362 : vector<16xf32>
      %add3A_364 = arith.constant 112 : i32
      %add3A_365 = vector.broadcast %add3A_364 : i32 to vector<16xi32>
      %add3A_366 = arith.addi %add3A_365, %iota3A : vector<16xi32>
      %gather3A_367 = tpu.vector_load_idx %arg8[%broadcast_in_dim3A_313, %add3A_366] : memref<16x256xf32, #tpu.memory_space<vmem>>[vector<16xi32>, vector<16xi32>], vector<16xf32>,
      %gather3A_368 = tpu.vector_load_idx %arg12[%broadcast_in_dim3A_313, %add3A_366] : memref<16x256xf32, #tpu.memory_space<vmem>>[vector<16xi32>, vector<16xi32>], vector<16xf32>,
      %mul3A_369 = arith.mulf %gather3A_367, %gather3A_368 : vector<16xf32>
      %add3A_370 = arith.addf %add3A_363, %mul3A_369 : vector<16xf32>
      %add3A_371 = arith.constant 128 : i32
      %add3A_372 = vector.broadcast %add3A_371 : i32 to vector<16xi32>
      %add3A_373 = arith.addi %add3A_372, %iota3A : vector<16xi32>
      %gather3A_374 = tpu.vector_load_idx %arg8[%broadcast_in_dim3A_313, %add3A_373] : memref<16x256xf32, #tpu.memory_space<vmem>>[vector<16xi32>, vector<16xi32>], vector<16xf32>,
      %gather3A_375 = tpu.vector_load_idx %arg12[%broadcast_in_dim3A_313, %add3A_373] : memref<16x256xf32, #tpu.memory_space<vmem>>[vector<16xi32>, vector<16xi32>], vector<16xf32>,
      %mul3A_376 = arith.mulf %gather3A_374, %gather3A_375 : vector<16xf32>
      %add3A_377 = arith.addf %add3A_370, %mul3A_376 : vector<16xf32>
      %add3A_378 = arith.constant 144 : i32
      %add3A_379 = vector.broadcast %add3A_378 : i32 to vector<16xi32>
      %add3A_380 = arith.addi %add3A_379, %iota3A : vector<16xi32>
      %gather3A_381 = tpu.vector_load_idx %arg8[%broadcast_in_dim3A_313, %add3A_380] : memref<16x256xf32, #tpu.memory_space<vmem>>[vector<16xi32>, vector<16xi32>], vector<16xf32>,
      %gather3A_382 = tpu.vector_load_idx %arg12[%broadcast_in_dim3A_313, %add3A_380] : memref<16x256xf32, #tpu.memory_space<vmem>>[vector<16xi32>, vector<16xi32>], vector<16xf32>,
      %mul3A_383 = arith.mulf %gather3A_381, %gather3A_382 : vector<16xf32>
      %add3A_384 = arith.addf %add3A_377, %mul3A_383 : vector<16xf32>
      %add3A_385 = arith.constant 160 : i32
      %add3A_386 = vector.broadcast %add3A_385 : i32 to vector<16xi32>
      %add3A_387 = arith.addi %add3A_386, %iota3A : vector<16xi32>
      %gather3A_388 = tpu.vector_load_idx %arg8[%broadcast_in_dim3A_313, %add3A_387] : memref<16x256xf32, #tpu.memory_space<vmem>>[vector<16xi32>, vector<16xi32>], vector<16xf32>,
      %gather3A_389 = tpu.vector_load_idx %arg12[%broadcast_in_dim3A_313, %add3A_387] : memref<16x256xf32, #tpu.memory_space<vmem>>[vector<16xi32>, vector<16xi32>], vector<16xf32>,
      %mul3A_390 = arith.mulf %gather3A_388, %gather3A_389 : vector<16xf32>
      %add3A_391 = arith.addf %add3A_384, %mul3A_390 : vector<16xf32>
      %add3A_392 = arith.constant 176 : i32
      %add3A_393 = vector.broadcast %add3A_392 : i32 to vector<16xi32>
      %add3A_394 = arith.addi %add3A_393, %iota3A : vector<16xi32>
      %gather3A_395 = tpu.vector_load_idx %arg8[%broadcast_in_dim3A_313, %add3A_394] : memref<16x256xf32, #tpu.memory_space<vmem>>[vector<16xi32>, vector<16xi32>], vector<16xf32>,
      %gather3A_396 = tpu.vector_load_idx %arg12[%broadcast_in_dim3A_313, %add3A_394] : memref<16x256xf32, #tpu.memory_space<vmem>>[vector<16xi32>, vector<16xi32>], vector<16xf32>,
      %mul3A_397 = arith.mulf %gather3A_395, %gather3A_396 : vector<16xf32>
      %add3A_398 = arith.addf %add3A_391, %mul3A_397 : vector<16xf32>
      %add3A_399 = arith.constant 192 : i32
      %add3A_400 = vector.broadcast %add3A_399 : i32 to vector<16xi32>
      %add3A_401 = arith.addi %add3A_400, %iota3A : vector<16xi32>
      %gather3A_402 = tpu.vector_load_idx %arg8[%broadcast_in_dim3A_313, %add3A_401] : memref<16x256xf32, #tpu.memory_space<vmem>>[vector<16xi32>, vector<16xi32>], vector<16xf32>,
      %gather3A_403 = tpu.vector_load_idx %arg12[%broadcast_in_dim3A_313, %add3A_401] : memref<16x256xf32, #tpu.memory_space<vmem>>[vector<16xi32>, vector<16xi32>], vector<16xf32>,
      %mul3A_404 = arith.mulf %gather3A_402, %gather3A_403 : vector<16xf32>
      %add3A_405 = arith.addf %add3A_398, %mul3A_404 : vector<16xf32>
      %add3A_406 = arith.constant 208 : i32
      %add3A_407 = vector.broadcast %add3A_406 : i32 to vector<16xi32>
      %add3A_408 = arith.addi %add3A_407, %iota3A : vector<16xi32>
      %gather3A_409 = tpu.vector_load_idx %arg8[%broadcast_in_dim3A_313, %add3A_408] : memref<16x256xf32, #tpu.memory_space<vmem>>[vector<16xi32>, vector<16xi32>], vector<16xf32>,
      %gather3A_410 = tpu.vector_load_idx %arg12[%broadcast_in_dim3A_313, %add3A_408] : memref<16x256xf32, #tpu.memory_space<vmem>>[vector<16xi32>, vector<16xi32>], vector<16xf32>,
      %mul3A_411 = arith.mulf %gather3A_409, %gather3A_410 : vector<16xf32>
      %add3A_412 = arith.addf %add3A_405, %mul3A_411 : vector<16xf32>
      %add3A_413 = arith.constant 224 : i32
      %add3A_414 = vector.broadcast %add3A_413 : i32 to vector<16xi32>
      %add3A_415 = arith.addi %add3A_414, %iota3A : vector<16xi32>
      %gather3A_416 = tpu.vector_load_idx %arg8[%broadcast_in_dim3A_313, %add3A_415] : memref<16x256xf32, #tpu.memory_space<vmem>>[vector<16xi32>, vector<16xi32>], vector<16xf32>,
      %gather3A_417 = tpu.vector_load_idx %arg12[%broadcast_in_dim3A_313, %add3A_415] : memref<16x256xf32, #tpu.memory_space<vmem>>[vector<16xi32>, vector<16xi32>], vector<16xf32>,
      %mul3A_418 = arith.mulf %gather3A_416, %gather3A_417 : vector<16xf32>
      %add3A_419 = arith.addf %add3A_412, %mul3A_418 : vector<16xf32>
      %add3A_420 = arith.constant 240 : i32
      %add3A_421 = vector.broadcast %add3A_420 : i32 to vector<16xi32>
      %add3A_422 = arith.addi %add3A_421, %iota3A : vector<16xi32>
      %gather3A_423 = tpu.vector_load_idx %arg8[%broadcast_in_dim3A_313, %add3A_422] : memref<16x256xf32, #tpu.memory_space<vmem>>[vector<16xi32>, vector<16xi32>], vector<16xf32>,
      %gather3A_424 = tpu.vector_load_idx %arg12[%broadcast_in_dim3A_313, %add3A_422] : memref<16x256xf32, #tpu.memory_space<vmem>>[vector<16xi32>, vector<16xi32>], vector<16xf32>,
      %mul3A_425 = arith.mulf %gather3A_423, %gather3A_424 : vector<16xf32>
      %add3A_426 = arith.addf %add3A_419, %mul3A_425 : vector<16xf32>
      %eq3A = vector.broadcast %scan3A_311 : i32 to vector<16xi32>
      %eq3A_427 = arith.cmpi eq, %iota3A, %eq3A : vector<16xi32>
      %reduce_sum3A = arith.constant true
      %reduce_sum3A_428 = vector.broadcast %reduce_sum3A : i1 to vector<16xi1>
      %reduce_sum3A_429 = tpu.scan <sum>, %add3A_426 masked %reduce_sum3A_428 : vector<16xf32>, vector<16xi1> -> vector<16xf32>
      %reduce_sum3A_430 = vector.extract %reduce_sum3A_429[15] : f32 from vector<16xf32>
      %broadcast_in_dim3A_431 = vector.broadcast %reduce_sum3A_430 : f32 to vector<16xf32>
      %select_n3A_432 = arith.select %eq3A_427, %broadcast_in_dim3A_431, %scan3A_312 : vector<16xi1>, vector<16xf32>
      scf.yield %select_n3A_432 : vector<16xf32>
    }
    %scan3A_276 = arith.constant 16 : i32
    %swap3A_277 = arith.constant 16 : index
    %swap3A_278 = tpu.vector_load %arg17[%swap3A_277] {strides = array<i32>} : memref<64xf32, #tpu.memory_space<vmem>>, vector<16xf32>,
    tpu.vector_store %arg17[%swap3A_277], %scan3A_275 {strides = array<i32>} : memref<64xf32, #tpu.memory_space<vmem>>, vector<16xf32>,
    %dma_wait3A_279 = arith.constant 0 : i32
    %dma_wait3A_280 = arith.constant 0 : i32
    %dma_wait3A_281 = tpu.memref_slice %arg3[%dma_wait3A_279, %dma_wait3A_280] : memref<8192x256xf32, #tpu.memory_space<hbm>> -> memref<8192x256xf32, #tpu.memory_space<hbm>>
    tpu.wait_indirect_dma semaphore(%arg19 : memref<!tpu.dma_semaphore, #tpu.memory_space<semaphore_mem>>) src(%dma_wait3A_281 : memref<8192x256xf32, #tpu.memory_space<hbm>>) dst(%arg9 : memref<16x256xf32, #tpu.memory_space<vmem>>)
    %dma_wait3A_282 = arith.constant 0 : i32
    %dma_wait3A_283 = arith.constant 0 : i32
    %dma_wait3A_284 = tpu.memref_slice %arg3[%dma_wait3A_282, %dma_wait3A_283] : memref<8192x256xf32, #tpu.memory_space<hbm>> -> memref<8192x256xf32, #tpu.memory_space<hbm>>
    tpu.wait_indirect_dma semaphore(%arg20 : memref<!tpu.dma_semaphore, #tpu.memory_space<semaphore_mem>>) src(%dma_wait3A_284 : memref<8192x256xf32, #tpu.memory_space<hbm>>) dst(%arg13 : memref<16x256xf32, #tpu.memory_space<vmem>>)
    %broadcast_in_dim3A_285 = arith.constant 0.000000e+00 : f32
    %broadcast_in_dim3A_286 = vector.broadcast %broadcast_in_dim3A_285 : f32 to vector<16xf32>
    %scan3A_287 = arith.constant 0 : i32
    %scan3A_288 = arith.constant 16 : i32
    %scan3A_289 = arith.addi %scan3A_287, %scan3A_288 : i32
    %scan3A_290 = arith.constant 1 : i32
    %scan3A_291 = scf.for %scan3A_311 = %scan3A_287 to %scan3A_289 step %scan3A_290 iter_args(%scan3A_312 = %broadcast_in_dim3A_286) -> (vector<16xf32>)  : i32 {
      %broadcast_in_dim3A_313 = vector.broadcast %scan3A_311 : i32 to vector<16xi32>
      %broadcast_in_dim3A_314 = arith.constant 0.000000e+00 : f32
      %broadcast_in_dim3A_315 = vector.broadcast %broadcast_in_dim3A_314 : f32 to vector<16xf32>
      %add3A_316 = arith.constant 0 : i32
      %add3A_317 = vector.broadcast %add3A_316 : i32 to vector<16xi32>
      %add3A_318 = arith.addi %add3A_317, %iota3A : vector<16xi32>
      %gather3A = tpu.vector_load_idx %arg9[%broadcast_in_dim3A_313, %add3A_318] : memref<16x256xf32, #tpu.memory_space<vmem>>[vector<16xi32>, vector<16xi32>], vector<16xf32>,
      %gather3A_319 = tpu.vector_load_idx %arg13[%broadcast_in_dim3A_313, %add3A_318] : memref<16x256xf32, #tpu.memory_space<vmem>>[vector<16xi32>, vector<16xi32>], vector<16xf32>,
      %mul3A_320 = arith.mulf %gather3A, %gather3A_319 : vector<16xf32>
      %add3A_321 = arith.addf %broadcast_in_dim3A_315, %mul3A_320 : vector<16xf32>
      %add3A_322 = arith.constant 16 : i32
      %add3A_323 = vector.broadcast %add3A_322 : i32 to vector<16xi32>
      %add3A_324 = arith.addi %add3A_323, %iota3A : vector<16xi32>
      %gather3A_325 = tpu.vector_load_idx %arg9[%broadcast_in_dim3A_313, %add3A_324] : memref<16x256xf32, #tpu.memory_space<vmem>>[vector<16xi32>, vector<16xi32>], vector<16xf32>,
      %gather3A_326 = tpu.vector_load_idx %arg13[%broadcast_in_dim3A_313, %add3A_324] : memref<16x256xf32, #tpu.memory_space<vmem>>[vector<16xi32>, vector<16xi32>], vector<16xf32>,
      %mul3A_327 = arith.mulf %gather3A_325, %gather3A_326 : vector<16xf32>
      %add3A_328 = arith.addf %add3A_321, %mul3A_327 : vector<16xf32>
      %add3A_329 = arith.constant 32 : i32
      %add3A_330 = vector.broadcast %add3A_329 : i32 to vector<16xi32>
      %add3A_331 = arith.addi %add3A_330, %iota3A : vector<16xi32>
      %gather3A_332 = tpu.vector_load_idx %arg9[%broadcast_in_dim3A_313, %add3A_331] : memref<16x256xf32, #tpu.memory_space<vmem>>[vector<16xi32>, vector<16xi32>], vector<16xf32>,
      %gather3A_333 = tpu.vector_load_idx %arg13[%broadcast_in_dim3A_313, %add3A_331] : memref<16x256xf32, #tpu.memory_space<vmem>>[vector<16xi32>, vector<16xi32>], vector<16xf32>,
      %mul3A_334 = arith.mulf %gather3A_332, %gather3A_333 : vector<16xf32>
      %add3A_335 = arith.addf %add3A_328, %mul3A_334 : vector<16xf32>
      %add3A_336 = arith.constant 48 : i32
      %add3A_337 = vector.broadcast %add3A_336 : i32 to vector<16xi32>
      %add3A_338 = arith.addi %add3A_337, %iota3A : vector<16xi32>
      %gather3A_339 = tpu.vector_load_idx %arg9[%broadcast_in_dim3A_313, %add3A_338] : memref<16x256xf32, #tpu.memory_space<vmem>>[vector<16xi32>, vector<16xi32>], vector<16xf32>,
      %gather3A_340 = tpu.vector_load_idx %arg13[%broadcast_in_dim3A_313, %add3A_338] : memref<16x256xf32, #tpu.memory_space<vmem>>[vector<16xi32>, vector<16xi32>], vector<16xf32>,
      %mul3A_341 = arith.mulf %gather3A_339, %gather3A_340 : vector<16xf32>
      %add3A_342 = arith.addf %add3A_335, %mul3A_341 : vector<16xf32>
      %add3A_343 = arith.constant 64 : i32
      %add3A_344 = vector.broadcast %add3A_343 : i32 to vector<16xi32>
      %add3A_345 = arith.addi %add3A_344, %iota3A : vector<16xi32>
      %gather3A_346 = tpu.vector_load_idx %arg9[%broadcast_in_dim3A_313, %add3A_345] : memref<16x256xf32, #tpu.memory_space<vmem>>[vector<16xi32>, vector<16xi32>], vector<16xf32>,
      %gather3A_347 = tpu.vector_load_idx %arg13[%broadcast_in_dim3A_313, %add3A_345] : memref<16x256xf32, #tpu.memory_space<vmem>>[vector<16xi32>, vector<16xi32>], vector<16xf32>,
      %mul3A_348 = arith.mulf %gather3A_346, %gather3A_347 : vector<16xf32>
      %add3A_349 = arith.addf %add3A_342, %mul3A_348 : vector<16xf32>
      %add3A_350 = arith.constant 80 : i32
      %add3A_351 = vector.broadcast %add3A_350 : i32 to vector<16xi32>
      %add3A_352 = arith.addi %add3A_351, %iota3A : vector<16xi32>
      %gather3A_353 = tpu.vector_load_idx %arg9[%broadcast_in_dim3A_313, %add3A_352] : memref<16x256xf32, #tpu.memory_space<vmem>>[vector<16xi32>, vector<16xi32>], vector<16xf32>,
      %gather3A_354 = tpu.vector_load_idx %arg13[%broadcast_in_dim3A_313, %add3A_352] : memref<16x256xf32, #tpu.memory_space<vmem>>[vector<16xi32>, vector<16xi32>], vector<16xf32>,
      %mul3A_355 = arith.mulf %gather3A_353, %gather3A_354 : vector<16xf32>
      %add3A_356 = arith.addf %add3A_349, %mul3A_355 : vector<16xf32>
      %add3A_357 = arith.constant 96 : i32
      %add3A_358 = vector.broadcast %add3A_357 : i32 to vector<16xi32>
      %add3A_359 = arith.addi %add3A_358, %iota3A : vector<16xi32>
      %gather3A_360 = tpu.vector_load_idx %arg9[%broadcast_in_dim3A_313, %add3A_359] : memref<16x256xf32, #tpu.memory_space<vmem>>[vector<16xi32>, vector<16xi32>], vector<16xf32>,
      %gather3A_361 = tpu.vector_load_idx %arg13[%broadcast_in_dim3A_313, %add3A_359] : memref<16x256xf32, #tpu.memory_space<vmem>>[vector<16xi32>, vector<16xi32>], vector<16xf32>,
      %mul3A_362 = arith.mulf %gather3A_360, %gather3A_361 : vector<16xf32>
      %add3A_363 = arith.addf %add3A_356, %mul3A_362 : vector<16xf32>
      %add3A_364 = arith.constant 112 : i32
      %add3A_365 = vector.broadcast %add3A_364 : i32 to vector<16xi32>
      %add3A_366 = arith.addi %add3A_365, %iota3A : vector<16xi32>
      %gather3A_367 = tpu.vector_load_idx %arg9[%broadcast_in_dim3A_313, %add3A_366] : memref<16x256xf32, #tpu.memory_space<vmem>>[vector<16xi32>, vector<16xi32>], vector<16xf32>,
      %gather3A_368 = tpu.vector_load_idx %arg13[%broadcast_in_dim3A_313, %add3A_366] : memref<16x256xf32, #tpu.memory_space<vmem>>[vector<16xi32>, vector<16xi32>], vector<16xf32>,
      %mul3A_369 = arith.mulf %gather3A_367, %gather3A_368 : vector<16xf32>
      %add3A_370 = arith.addf %add3A_363, %mul3A_369 : vector<16xf32>
      %add3A_371 = arith.constant 128 : i32
      %add3A_372 = vector.broadcast %add3A_371 : i32 to vector<16xi32>
      %add3A_373 = arith.addi %add3A_372, %iota3A : vector<16xi32>
      %gather3A_374 = tpu.vector_load_idx %arg9[%broadcast_in_dim3A_313, %add3A_373] : memref<16x256xf32, #tpu.memory_space<vmem>>[vector<16xi32>, vector<16xi32>], vector<16xf32>,
      %gather3A_375 = tpu.vector_load_idx %arg13[%broadcast_in_dim3A_313, %add3A_373] : memref<16x256xf32, #tpu.memory_space<vmem>>[vector<16xi32>, vector<16xi32>], vector<16xf32>,
      %mul3A_376 = arith.mulf %gather3A_374, %gather3A_375 : vector<16xf32>
      %add3A_377 = arith.addf %add3A_370, %mul3A_376 : vector<16xf32>
      %add3A_378 = arith.constant 144 : i32
      %add3A_379 = vector.broadcast %add3A_378 : i32 to vector<16xi32>
      %add3A_380 = arith.addi %add3A_379, %iota3A : vector<16xi32>
      %gather3A_381 = tpu.vector_load_idx %arg9[%broadcast_in_dim3A_313, %add3A_380] : memref<16x256xf32, #tpu.memory_space<vmem>>[vector<16xi32>, vector<16xi32>], vector<16xf32>,
      %gather3A_382 = tpu.vector_load_idx %arg13[%broadcast_in_dim3A_313, %add3A_380] : memref<16x256xf32, #tpu.memory_space<vmem>>[vector<16xi32>, vector<16xi32>], vector<16xf32>,
      %mul3A_383 = arith.mulf %gather3A_381, %gather3A_382 : vector<16xf32>
      %add3A_384 = arith.addf %add3A_377, %mul3A_383 : vector<16xf32>
      %add3A_385 = arith.constant 160 : i32
      %add3A_386 = vector.broadcast %add3A_385 : i32 to vector<16xi32>
      %add3A_387 = arith.addi %add3A_386, %iota3A : vector<16xi32>
      %gather3A_388 = tpu.vector_load_idx %arg9[%broadcast_in_dim3A_313, %add3A_387] : memref<16x256xf32, #tpu.memory_space<vmem>>[vector<16xi32>, vector<16xi32>], vector<16xf32>,
      %gather3A_389 = tpu.vector_load_idx %arg13[%broadcast_in_dim3A_313, %add3A_387] : memref<16x256xf32, #tpu.memory_space<vmem>>[vector<16xi32>, vector<16xi32>], vector<16xf32>,
      %mul3A_390 = arith.mulf %gather3A_388, %gather3A_389 : vector<16xf32>
      %add3A_391 = arith.addf %add3A_384, %mul3A_390 : vector<16xf32>
      %add3A_392 = arith.constant 176 : i32
      %add3A_393 = vector.broadcast %add3A_392 : i32 to vector<16xi32>
      %add3A_394 = arith.addi %add3A_393, %iota3A : vector<16xi32>
      %gather3A_395 = tpu.vector_load_idx %arg9[%broadcast_in_dim3A_313, %add3A_394] : memref<16x256xf32, #tpu.memory_space<vmem>>[vector<16xi32>, vector<16xi32>], vector<16xf32>,
      %gather3A_396 = tpu.vector_load_idx %arg13[%broadcast_in_dim3A_313, %add3A_394] : memref<16x256xf32, #tpu.memory_space<vmem>>[vector<16xi32>, vector<16xi32>], vector<16xf32>,
      %mul3A_397 = arith.mulf %gather3A_395, %gather3A_396 : vector<16xf32>
      %add3A_398 = arith.addf %add3A_391, %mul3A_397 : vector<16xf32>
      %add3A_399 = arith.constant 192 : i32
      %add3A_400 = vector.broadcast %add3A_399 : i32 to vector<16xi32>
      %add3A_401 = arith.addi %add3A_400, %iota3A : vector<16xi32>
      %gather3A_402 = tpu.vector_load_idx %arg9[%broadcast_in_dim3A_313, %add3A_401] : memref<16x256xf32, #tpu.memory_space<vmem>>[vector<16xi32>, vector<16xi32>], vector<16xf32>,
      %gather3A_403 = tpu.vector_load_idx %arg13[%broadcast_in_dim3A_313, %add3A_401] : memref<16x256xf32, #tpu.memory_space<vmem>>[vector<16xi32>, vector<16xi32>], vector<16xf32>,
      %mul3A_404 = arith.mulf %gather3A_402, %gather3A_403 : vector<16xf32>
      %add3A_405 = arith.addf %add3A_398, %mul3A_404 : vector<16xf32>
      %add3A_406 = arith.constant 208 : i32
      %add3A_407 = vector.broadcast %add3A_406 : i32 to vector<16xi32>
      %add3A_408 = arith.addi %add3A_407, %iota3A : vector<16xi32>
      %gather3A_409 = tpu.vector_load_idx %arg9[%broadcast_in_dim3A_313, %add3A_408] : memref<16x256xf32, #tpu.memory_space<vmem>>[vector<16xi32>, vector<16xi32>], vector<16xf32>,
      %gather3A_410 = tpu.vector_load_idx %arg13[%broadcast_in_dim3A_313, %add3A_408] : memref<16x256xf32, #tpu.memory_space<vmem>>[vector<16xi32>, vector<16xi32>], vector<16xf32>,
      %mul3A_411 = arith.mulf %gather3A_409, %gather3A_410 : vector<16xf32>
      %add3A_412 = arith.addf %add3A_405, %mul3A_411 : vector<16xf32>
      %add3A_413 = arith.constant 224 : i32
      %add3A_414 = vector.broadcast %add3A_413 : i32 to vector<16xi32>
      %add3A_415 = arith.addi %add3A_414, %iota3A : vector<16xi32>
      %gather3A_416 = tpu.vector_load_idx %arg9[%broadcast_in_dim3A_313, %add3A_415] : memref<16x256xf32, #tpu.memory_space<vmem>>[vector<16xi32>, vector<16xi32>], vector<16xf32>,
      %gather3A_417 = tpu.vector_load_idx %arg13[%broadcast_in_dim3A_313, %add3A_415] : memref<16x256xf32, #tpu.memory_space<vmem>>[vector<16xi32>, vector<16xi32>], vector<16xf32>,
      %mul3A_418 = arith.mulf %gather3A_416, %gather3A_417 : vector<16xf32>
      %add3A_419 = arith.addf %add3A_412, %mul3A_418 : vector<16xf32>
      %add3A_420 = arith.constant 240 : i32
      %add3A_421 = vector.broadcast %add3A_420 : i32 to vector<16xi32>
      %add3A_422 = arith.addi %add3A_421, %iota3A : vector<16xi32>
      %gather3A_423 = tpu.vector_load_idx %arg9[%broadcast_in_dim3A_313, %add3A_422] : memref<16x256xf32, #tpu.memory_space<vmem>>[vector<16xi32>, vector<16xi32>], vector<16xf32>,
      %gather3A_424 = tpu.vector_load_idx %arg13[%broadcast_in_dim3A_313, %add3A_422] : memref<16x256xf32, #tpu.memory_space<vmem>>[vector<16xi32>, vector<16xi32>], vector<16xf32>,
      %mul3A_425 = arith.mulf %gather3A_423, %gather3A_424 : vector<16xf32>
      %add3A_426 = arith.addf %add3A_419, %mul3A_425 : vector<16xf32>
      %eq3A = vector.broadcast %scan3A_311 : i32 to vector<16xi32>
      %eq3A_427 = arith.cmpi eq, %iota3A, %eq3A : vector<16xi32>
      %reduce_sum3A = arith.constant true
      %reduce_sum3A_428 = vector.broadcast %reduce_sum3A : i1 to vector<16xi1>
      %reduce_sum3A_429 = tpu.scan <sum>, %add3A_426 masked %reduce_sum3A_428 : vector<16xf32>, vector<16xi1> -> vector<16xf32>
      %reduce_sum3A_430 = vector.extract %reduce_sum3A_429[15] : f32 from vector<16xf32>
      %broadcast_in_dim3A_431 = vector.broadcast %reduce_sum3A_430 : f32 to vector<16xf32>
      %select_n3A_432 = arith.select %eq3A_427, %broadcast_in_dim3A_431, %scan3A_312 : vector<16xi1>, vector<16xf32>
      scf.yield %select_n3A_432 : vector<16xf32>
    }
    %scan3A_292 = arith.constant 16 : i32
    %swap3A_293 = arith.constant 32 : index
    %swap3A_294 = tpu.vector_load %arg17[%swap3A_293] {strides = array<i32>} : memref<64xf32, #tpu.memory_space<vmem>>, vector<16xf32>,
    tpu.vector_store %arg17[%swap3A_293], %scan3A_291 {strides = array<i32>} : memref<64xf32, #tpu.memory_space<vmem>>, vector<16xf32>,
    %dma_wait3A_295 = arith.constant 0 : i32
    %dma_wait3A_296 = arith.constant 0 : i32
    %dma_wait3A_297 = tpu.memref_slice %arg3[%dma_wait3A_295, %dma_wait3A_296] : memref<8192x256xf32, #tpu.memory_space<hbm>> -> memref<8192x256xf32, #tpu.memory_space<hbm>>
    tpu.wait_indirect_dma semaphore(%arg19 : memref<!tpu.dma_semaphore, #tpu.memory_space<semaphore_mem>>) src(%dma_wait3A_297 : memref<8192x256xf32, #tpu.memory_space<hbm>>) dst(%arg10 : memref<16x256xf32, #tpu.memory_space<vmem>>)
    %dma_wait3A_298 = arith.constant 0 : i32
    %dma_wait3A_299 = arith.constant 0 : i32
    %dma_wait3A_300 = tpu.memref_slice %arg3[%dma_wait3A_298, %dma_wait3A_299] : memref<8192x256xf32, #tpu.memory_space<hbm>> -> memref<8192x256xf32, #tpu.memory_space<hbm>>
    tpu.wait_indirect_dma semaphore(%arg20 : memref<!tpu.dma_semaphore, #tpu.memory_space<semaphore_mem>>) src(%dma_wait3A_300 : memref<8192x256xf32, #tpu.memory_space<hbm>>) dst(%arg14 : memref<16x256xf32, #tpu.memory_space<vmem>>)
    %broadcast_in_dim3A_301 = arith.constant 0.000000e+00 : f32
    %broadcast_in_dim3A_302 = vector.broadcast %broadcast_in_dim3A_301 : f32 to vector<16xf32>
    %scan3A_303 = arith.constant 0 : i32
    %scan3A_304 = arith.constant 16 : i32
    %scan3A_305 = arith.addi %scan3A_303, %scan3A_304 : i32
    %scan3A_306 = arith.constant 1 : i32
    %scan3A_307 = scf.for %scan3A_311 = %scan3A_303 to %scan3A_305 step %scan3A_306 iter_args(%scan3A_312 = %broadcast_in_dim3A_302) -> (vector<16xf32>)  : i32 {
      %broadcast_in_dim3A_313 = vector.broadcast %scan3A_311 : i32 to vector<16xi32>
      %broadcast_in_dim3A_314 = arith.constant 0.000000e+00 : f32
      %broadcast_in_dim3A_315 = vector.broadcast %broadcast_in_dim3A_314 : f32 to vector<16xf32>
      %add3A_316 = arith.constant 0 : i32
      %add3A_317 = vector.broadcast %add3A_316 : i32 to vector<16xi32>
      %add3A_318 = arith.addi %add3A_317, %iota3A : vector<16xi32>
      %gather3A = tpu.vector_load_idx %arg10[%broadcast_in_dim3A_313, %add3A_318] : memref<16x256xf32, #tpu.memory_space<vmem>>[vector<16xi32>, vector<16xi32>], vector<16xf32>,
      %gather3A_319 = tpu.vector_load_idx %arg14[%broadcast_in_dim3A_313, %add3A_318] : memref<16x256xf32, #tpu.memory_space<vmem>>[vector<16xi32>, vector<16xi32>], vector<16xf32>,
      %mul3A_320 = arith.mulf %gather3A, %gather3A_319 : vector<16xf32>
      %add3A_321 = arith.addf %broadcast_in_dim3A_315, %mul3A_320 : vector<16xf32>
      %add3A_322 = arith.constant 16 : i32
      %add3A_323 = vector.broadcast %add3A_322 : i32 to vector<16xi32>
      %add3A_324 = arith.addi %add3A_323, %iota3A : vector<16xi32>
      %gather3A_325 = tpu.vector_load_idx %arg10[%broadcast_in_dim3A_313, %add3A_324] : memref<16x256xf32, #tpu.memory_space<vmem>>[vector<16xi32>, vector<16xi32>], vector<16xf32>,
      %gather3A_326 = tpu.vector_load_idx %arg14[%broadcast_in_dim3A_313, %add3A_324] : memref<16x256xf32, #tpu.memory_space<vmem>>[vector<16xi32>, vector<16xi32>], vector<16xf32>,
      %mul3A_327 = arith.mulf %gather3A_325, %gather3A_326 : vector<16xf32>
      %add3A_328 = arith.addf %add3A_321, %mul3A_327 : vector<16xf32>
      %add3A_329 = arith.constant 32 : i32
      %add3A_330 = vector.broadcast %add3A_329 : i32 to vector<16xi32>
      %add3A_331 = arith.addi %add3A_330, %iota3A : vector<16xi32>
      %gather3A_332 = tpu.vector_load_idx %arg10[%broadcast_in_dim3A_313, %add3A_331] : memref<16x256xf32, #tpu.memory_space<vmem>>[vector<16xi32>, vector<16xi32>], vector<16xf32>,
      %gather3A_333 = tpu.vector_load_idx %arg14[%broadcast_in_dim3A_313, %add3A_331] : memref<16x256xf32, #tpu.memory_space<vmem>>[vector<16xi32>, vector<16xi32>], vector<16xf32>,
      %mul3A_334 = arith.mulf %gather3A_332, %gather3A_333 : vector<16xf32>
      %add3A_335 = arith.addf %add3A_328, %mul3A_334 : vector<16xf32>
      %add3A_336 = arith.constant 48 : i32
      %add3A_337 = vector.broadcast %add3A_336 : i32 to vector<16xi32>
      %add3A_338 = arith.addi %add3A_337, %iota3A : vector<16xi32>
      %gather3A_339 = tpu.vector_load_idx %arg10[%broadcast_in_dim3A_313, %add3A_338] : memref<16x256xf32, #tpu.memory_space<vmem>>[vector<16xi32>, vector<16xi32>], vector<16xf32>,
      %gather3A_340 = tpu.vector_load_idx %arg14[%broadcast_in_dim3A_313, %add3A_338] : memref<16x256xf32, #tpu.memory_space<vmem>>[vector<16xi32>, vector<16xi32>], vector<16xf32>,
      %mul3A_341 = arith.mulf %gather3A_339, %gather3A_340 : vector<16xf32>
      %add3A_342 = arith.addf %add3A_335, %mul3A_341 : vector<16xf32>
      %add3A_343 = arith.constant 64 : i32
      %add3A_344 = vector.broadcast %add3A_343 : i32 to vector<16xi32>
      %add3A_345 = arith.addi %add3A_344, %iota3A : vector<16xi32>
      %gather3A_346 = tpu.vector_load_idx %arg10[%broadcast_in_dim3A_313, %add3A_345] : memref<16x256xf32, #tpu.memory_space<vmem>>[vector<16xi32>, vector<16xi32>], vector<16xf32>,
      %gather3A_347 = tpu.vector_load_idx %arg14[%broadcast_in_dim3A_313, %add3A_345] : memref<16x256xf32, #tpu.memory_space<vmem>>[vector<16xi32>, vector<16xi32>], vector<16xf32>,
      %mul3A_348 = arith.mulf %gather3A_346, %gather3A_347 : vector<16xf32>
      %add3A_349 = arith.addf %add3A_342, %mul3A_348 : vector<16xf32>
      %add3A_350 = arith.constant 80 : i32
      %add3A_351 = vector.broadcast %add3A_350 : i32 to vector<16xi32>
      %add3A_352 = arith.addi %add3A_351, %iota3A : vector<16xi32>
      %gather3A_353 = tpu.vector_load_idx %arg10[%broadcast_in_dim3A_313, %add3A_352] : memref<16x256xf32, #tpu.memory_space<vmem>>[vector<16xi32>, vector<16xi32>], vector<16xf32>,
      %gather3A_354 = tpu.vector_load_idx %arg14[%broadcast_in_dim3A_313, %add3A_352] : memref<16x256xf32, #tpu.memory_space<vmem>>[vector<16xi32>, vector<16xi32>], vector<16xf32>,
      %mul3A_355 = arith.mulf %gather3A_353, %gather3A_354 : vector<16xf32>
      %add3A_356 = arith.addf %add3A_349, %mul3A_355 : vector<16xf32>
      %add3A_357 = arith.constant 96 : i32
      %add3A_358 = vector.broadcast %add3A_357 : i32 to vector<16xi32>
      %add3A_359 = arith.addi %add3A_358, %iota3A : vector<16xi32>
      %gather3A_360 = tpu.vector_load_idx %arg10[%broadcast_in_dim3A_313, %add3A_359] : memref<16x256xf32, #tpu.memory_space<vmem>>[vector<16xi32>, vector<16xi32>], vector<16xf32>,
      %gather3A_361 = tpu.vector_load_idx %arg14[%broadcast_in_dim3A_313, %add3A_359] : memref<16x256xf32, #tpu.memory_space<vmem>>[vector<16xi32>, vector<16xi32>], vector<16xf32>,
      %mul3A_362 = arith.mulf %gather3A_360, %gather3A_361 : vector<16xf32>
      %add3A_363 = arith.addf %add3A_356, %mul3A_362 : vector<16xf32>
      %add3A_364 = arith.constant 112 : i32
      %add3A_365 = vector.broadcast %add3A_364 : i32 to vector<16xi32>
      %add3A_366 = arith.addi %add3A_365, %iota3A : vector<16xi32>
      %gather3A_367 = tpu.vector_load_idx %arg10[%broadcast_in_dim3A_313, %add3A_366] : memref<16x256xf32, #tpu.memory_space<vmem>>[vector<16xi32>, vector<16xi32>], vector<16xf32>,
      %gather3A_368 = tpu.vector_load_idx %arg14[%broadcast_in_dim3A_313, %add3A_366] : memref<16x256xf32, #tpu.memory_space<vmem>>[vector<16xi32>, vector<16xi32>], vector<16xf32>,
      %mul3A_369 = arith.mulf %gather3A_367, %gather3A_368 : vector<16xf32>
      %add3A_370 = arith.addf %add3A_363, %mul3A_369 : vector<16xf32>
      %add3A_371 = arith.constant 128 : i32
      %add3A_372 = vector.broadcast %add3A_371 : i32 to vector<16xi32>
      %add3A_373 = arith.addi %add3A_372, %iota3A : vector<16xi32>
      %gather3A_374 = tpu.vector_load_idx %arg10[%broadcast_in_dim3A_313, %add3A_373] : memref<16x256xf32, #tpu.memory_space<vmem>>[vector<16xi32>, vector<16xi32>], vector<16xf32>,
      %gather3A_375 = tpu.vector_load_idx %arg14[%broadcast_in_dim3A_313, %add3A_373] : memref<16x256xf32, #tpu.memory_space<vmem>>[vector<16xi32>, vector<16xi32>], vector<16xf32>,
      %mul3A_376 = arith.mulf %gather3A_374, %gather3A_375 : vector<16xf32>
      %add3A_377 = arith.addf %add3A_370, %mul3A_376 : vector<16xf32>
      %add3A_378 = arith.constant 144 : i32
      %add3A_379 = vector.broadcast %add3A_378 : i32 to vector<16xi32>
      %add3A_380 = arith.addi %add3A_379, %iota3A : vector<16xi32>
      %gather3A_381 = tpu.vector_load_idx %arg10[%broadcast_in_dim3A_313, %add3A_380] : memref<16x256xf32, #tpu.memory_space<vmem>>[vector<16xi32>, vector<16xi32>], vector<16xf32>,
      %gather3A_382 = tpu.vector_load_idx %arg14[%broadcast_in_dim3A_313, %add3A_380] : memref<16x256xf32, #tpu.memory_space<vmem>>[vector<16xi32>, vector<16xi32>], vector<16xf32>,
      %mul3A_383 = arith.mulf %gather3A_381, %gather3A_382 : vector<16xf32>
      %add3A_384 = arith.addf %add3A_377, %mul3A_383 : vector<16xf32>
      %add3A_385 = arith.constant 160 : i32
      %add3A_386 = vector.broadcast %add3A_385 : i32 to vector<16xi32>
      %add3A_387 = arith.addi %add3A_386, %iota3A : vector<16xi32>
      %gather3A_388 = tpu.vector_load_idx %arg10[%broadcast_in_dim3A_313, %add3A_387] : memref<16x256xf32, #tpu.memory_space<vmem>>[vector<16xi32>, vector<16xi32>], vector<16xf32>,
      %gather3A_389 = tpu.vector_load_idx %arg14[%broadcast_in_dim3A_313, %add3A_387] : memref<16x256xf32, #tpu.memory_space<vmem>>[vector<16xi32>, vector<16xi32>], vector<16xf32>,
      %mul3A_390 = arith.mulf %gather3A_388, %gather3A_389 : vector<16xf32>
      %add3A_391 = arith.addf %add3A_384, %mul3A_390 : vector<16xf32>
      %add3A_392 = arith.constant 176 : i32
      %add3A_393 = vector.broadcast %add3A_392 : i32 to vector<16xi32>
      %add3A_394 = arith.addi %add3A_393, %iota3A : vector<16xi32>
      %gather3A_395 = tpu.vector_load_idx %arg10[%broadcast_in_dim3A_313, %add3A_394] : memref<16x256xf32, #tpu.memory_space<vmem>>[vector<16xi32>, vector<16xi32>], vector<16xf32>,
      %gather3A_396 = tpu.vector_load_idx %arg14[%broadcast_in_dim3A_313, %add3A_394] : memref<16x256xf32, #tpu.memory_space<vmem>>[vector<16xi32>, vector<16xi32>], vector<16xf32>,
      %mul3A_397 = arith.mulf %gather3A_395, %gather3A_396 : vector<16xf32>
      %add3A_398 = arith.addf %add3A_391, %mul3A_397 : vector<16xf32>
      %add3A_399 = arith.constant 192 : i32
      %add3A_400 = vector.broadcast %add3A_399 : i32 to vector<16xi32>
      %add3A_401 = arith.addi %add3A_400, %iota3A : vector<16xi32>
      %gather3A_402 = tpu.vector_load_idx %arg10[%broadcast_in_dim3A_313, %add3A_401] : memref<16x256xf32, #tpu.memory_space<vmem>>[vector<16xi32>, vector<16xi32>], vector<16xf32>,
      %gather3A_403 = tpu.vector_load_idx %arg14[%broadcast_in_dim3A_313, %add3A_401] : memref<16x256xf32, #tpu.memory_space<vmem>>[vector<16xi32>, vector<16xi32>], vector<16xf32>,
      %mul3A_404 = arith.mulf %gather3A_402, %gather3A_403 : vector<16xf32>
      %add3A_405 = arith.addf %add3A_398, %mul3A_404 : vector<16xf32>
      %add3A_406 = arith.constant 208 : i32
      %add3A_407 = vector.broadcast %add3A_406 : i32 to vector<16xi32>
      %add3A_408 = arith.addi %add3A_407, %iota3A : vector<16xi32>
      %gather3A_409 = tpu.vector_load_idx %arg10[%broadcast_in_dim3A_313, %add3A_408] : memref<16x256xf32, #tpu.memory_space<vmem>>[vector<16xi32>, vector<16xi32>], vector<16xf32>,
      %gather3A_410 = tpu.vector_load_idx %arg14[%broadcast_in_dim3A_313, %add3A_408] : memref<16x256xf32, #tpu.memory_space<vmem>>[vector<16xi32>, vector<16xi32>], vector<16xf32>,
      %mul3A_411 = arith.mulf %gather3A_409, %gather3A_410 : vector<16xf32>
      %add3A_412 = arith.addf %add3A_405, %mul3A_411 : vector<16xf32>
      %add3A_413 = arith.constant 224 : i32
      %add3A_414 = vector.broadcast %add3A_413 : i32 to vector<16xi32>
      %add3A_415 = arith.addi %add3A_414, %iota3A : vector<16xi32>
      %gather3A_416 = tpu.vector_load_idx %arg10[%broadcast_in_dim3A_313, %add3A_415] : memref<16x256xf32, #tpu.memory_space<vmem>>[vector<16xi32>, vector<16xi32>], vector<16xf32>,
      %gather3A_417 = tpu.vector_load_idx %arg14[%broadcast_in_dim3A_313, %add3A_415] : memref<16x256xf32, #tpu.memory_space<vmem>>[vector<16xi32>, vector<16xi32>], vector<16xf32>,
      %mul3A_418 = arith.mulf %gather3A_416, %gather3A_417 : vector<16xf32>
      %add3A_419 = arith.addf %add3A_412, %mul3A_418 : vector<16xf32>
      %add3A_420 = arith.constant 240 : i32
      %add3A_421 = vector.broadcast %add3A_420 : i32 to vector<16xi32>
      %add3A_422 = arith.addi %add3A_421, %iota3A : vector<16xi32>
      %gather3A_423 = tpu.vector_load_idx %arg10[%broadcast_in_dim3A_313, %add3A_422] : memref<16x256xf32, #tpu.memory_space<vmem>>[vector<16xi32>, vector<16xi32>], vector<16xf32>,
      %gather3A_424 = tpu.vector_load_idx %arg14[%broadcast_in_dim3A_313, %add3A_422] : memref<16x256xf32, #tpu.memory_space<vmem>>[vector<16xi32>, vector<16xi32>], vector<16xf32>,
      %mul3A_425 = arith.mulf %gather3A_423, %gather3A_424 : vector<16xf32>
      %add3A_426 = arith.addf %add3A_419, %mul3A_425 : vector<16xf32>
      %eq3A = vector.broadcast %scan3A_311 : i32 to vector<16xi32>
      %eq3A_427 = arith.cmpi eq, %iota3A, %eq3A : vector<16xi32>
      %reduce_sum3A = arith.constant true
      %reduce_sum3A_428 = vector.broadcast %reduce_sum3A : i1 to vector<16xi1>
      %reduce_sum3A_429 = tpu.scan <sum>, %add3A_426 masked %reduce_sum3A_428 : vector<16xf32>, vector<16xi1> -> vector<16xf32>
      %reduce_sum3A_430 = vector.extract %reduce_sum3A_429[15] : f32 from vector<16xf32>
      %broadcast_in_dim3A_431 = vector.broadcast %reduce_sum3A_430 : f32 to vector<16xf32>
      %select_n3A_432 = arith.select %eq3A_427, %broadcast_in_dim3A_431, %scan3A_312 : vector<16xi1>, vector<16xf32>
      scf.yield %select_n3A_432 : vector<16xf32>
    }
    %scan3A_308 = arith.constant 16 : i32
    %swap3A_309 = arith.constant 48 : index
    %swap3A_310 = tpu.vector_load %arg17[%swap3A_309] {strides = array<i32>} : memref<64xf32, #tpu.memory_space<vmem>>, vector<16xf32>,
    tpu.vector_store %arg17[%swap3A_309], %scan3A_307 {strides = array<i32>} : memref<64xf32, #tpu.memory_space<vmem>>, vector<16xf32>,
    "tpu.region"() ({
      %run_scoped3A = tpu.sem_alloc : memref<!tpu.dma_semaphore, #tpu.memory_space<semaphore_mem>>
      %dma_start3A_311 = arith.constant 0 : i32
      %dma_start3A_312 = tpu.memref_slice %arg4[%add3A, %dma_start3A_311] : memref<32x64xf32, #tpu.memory_space<hbm>> -> memref<1x64xf32, #tpu.memory_space<hbm>>
      %dma_start3A_313 = tpu.memref_squeeze %dma_start3A_312 : memref<1x64xf32, #tpu.memory_space<hbm>> -> memref<64xf32, #tpu.memory_space<hbm>>
      %dma_start3A_314 = arith.constant 0 : i32
      %dma_start3A_315 = tpu.memref_slice %arg4[%add3A, %dma_start3A_314] : memref<32x64xf32, #tpu.memory_space<hbm>> -> memref<1x64xf32, #tpu.memory_space<hbm>>
      %dma_start3A_316 = tpu.memref_squeeze %dma_start3A_315 : memref<1x64xf32, #tpu.memory_space<hbm>> -> memref<64xf32, #tpu.memory_space<hbm>>
      tpu.enqueue_dma source(%arg16 : memref<64xf32, #tpu.memory_space<vmem>>) target(%dma_start3A_316 : memref<64xf32, #tpu.memory_space<hbm>>) target_semaphore(%run_scoped3A : memref<!tpu.dma_semaphore, #tpu.memory_space<semaphore_mem>>)
      %dma_wait3A_317 = arith.constant 0 : i32
      %dma_wait3A_318 = tpu.memref_slice %arg4[%add3A, %dma_wait3A_317] : memref<32x64xf32, #tpu.memory_space<hbm>> -> memref<1x64xf32, #tpu.memory_space<hbm>>
      %dma_wait3A_319 = tpu.memref_squeeze %dma_wait3A_318 : memref<1x64xf32, #tpu.memory_space<hbm>> -> memref<64xf32, #tpu.memory_space<hbm>>
      %dma_wait3A_320 = arith.constant 0 : i32
      %dma_wait3A_321 = tpu.memref_slice %arg4[%add3A, %dma_wait3A_320] : memref<32x64xf32, #tpu.memory_space<hbm>> -> memref<1x64xf32, #tpu.memory_space<hbm>>
      %dma_wait3A_322 = tpu.memref_squeeze %dma_wait3A_321 : memref<1x64xf32, #tpu.memory_space<hbm>> -> memref<64xf32, #tpu.memory_space<hbm>>
      tpu.wait_dma2 semaphore(%run_scoped3A : memref<!tpu.dma_semaphore, #tpu.memory_space<semaphore_mem>>) src(%arg16 : memref<64xf32, #tpu.memory_space<vmem>>) dst(%dma_wait3A_322 : memref<64xf32, #tpu.memory_space<hbm>>)
      tpu.yield
    }) : () -> ()
    "tpu.region"() ({
      %run_scoped3A = tpu.sem_alloc : memref<!tpu.dma_semaphore, #tpu.memory_space<semaphore_mem>>
      %dma_start3A_311 = arith.constant 0 : i32
      %dma_start3A_312 = tpu.memref_slice %arg5[%add3A, %dma_start3A_311] : memref<32x64xf32, #tpu.memory_space<hbm>> -> memref<1x64xf32, #tpu.memory_space<hbm>>
      %dma_start3A_313 = tpu.memref_squeeze %dma_start3A_312 : memref<1x64xf32, #tpu.memory_space<hbm>> -> memref<64xf32, #tpu.memory_space<hbm>>
      %dma_start3A_314 = arith.constant 0 : i32
      %dma_start3A_315 = tpu.memref_slice %arg5[%add3A, %dma_start3A_314] : memref<32x64xf32, #tpu.memory_space<hbm>> -> memref<1x64xf32, #tpu.memory_space<hbm>>
      %dma_start3A_316 = tpu.memref_squeeze %dma_start3A_315 : memref<1x64xf32, #tpu.memory_space<hbm>> -> memref<64xf32, #tpu.memory_space<hbm>>
      tpu.enqueue_dma source(%arg17 : memref<64xf32, #tpu.memory_space<vmem>>) target(%dma_start3A_316 : memref<64xf32, #tpu.memory_space<hbm>>) target_semaphore(%run_scoped3A : memref<!tpu.dma_semaphore, #tpu.memory_space<semaphore_mem>>)
      %dma_wait3A_317 = arith.constant 0 : i32
      %dma_wait3A_318 = tpu.memref_slice %arg5[%add3A, %dma_wait3A_317] : memref<32x64xf32, #tpu.memory_space<hbm>> -> memref<1x64xf32, #tpu.memory_space<hbm>>
      %dma_wait3A_319 = tpu.memref_squeeze %dma_wait3A_318 : memref<1x64xf32, #tpu.memory_space<hbm>> -> memref<64xf32, #tpu.memory_space<hbm>>
      %dma_wait3A_320 = arith.constant 0 : i32
      %dma_wait3A_321 = tpu.memref_slice %arg5[%add3A, %dma_wait3A_320] : memref<32x64xf32, #tpu.memory_space<hbm>> -> memref<1x64xf32, #tpu.memory_space<hbm>>
      %dma_wait3A_322 = tpu.memref_squeeze %dma_wait3A_321 : memref<1x64xf32, #tpu.memory_space<hbm>> -> memref<64xf32, #tpu.memory_space<hbm>>
      tpu.wait_dma2 semaphore(%run_scoped3A : memref<!tpu.dma_semaphore, #tpu.memory_space<semaphore_mem>>) src(%arg17 : memref<64xf32, #tpu.memory_space<vmem>>) dst(%dma_wait3A_322 : memref<64xf32, #tpu.memory_space<hbm>>)
      tpu.yield
    }) : () -> ()
    return
  }
}

module attributes {stable_mosaic.version = 14 : i64} {
  func.func @_finish(%arg0: memref<32x64xf32, #tpu.memory_space<vmem>>, %arg1: memref<32x64xf32, #tpu.memory_space<vmem>>, %arg2: memref<1x1xf32, #tpu.memory_space<vmem>>, %arg3: memref<1x1xf32, #tpu.memory_space<vmem>>, %arg4: memref<1x1xf32, #tpu.memory_space<vmem>>, %arg5: memref<1x1xf32, #tpu.memory_space<vmem>>) attributes {dimension_semantics = [], scalar_prefetch = 0 : i64, scratch_operands = 0 : i64, tpu.core_type = #tpu.core_type<tc>} {
    %get3A = arith.constant 0 : index
    %get3A_0 = arith.constant 0 : index
    %get3A_1 = vector.load %arg0[%get3A, %get3A_0] : memref<32x64xf32, #tpu.memory_space<vmem>>, vector<32x64xf32>
    %get3A_2 = arith.constant 0 : index
    %get3A_3 = arith.constant 0 : index
    %get3A_4 = vector.load %arg1[%get3A_2, %get3A_3] : memref<32x64xf32, #tpu.memory_space<vmem>>, vector<32x64xf32>
    %iota3A = tpu.iota {dimensions = array<i32: 1>} : vector<32x64xi32>
    %lt3A = arith.constant 49 : i32
    %lt3A_5 = vector.broadcast %lt3A : i32 to vector<32x64xi32>
    %lt3A_6 = arith.cmpi slt, %iota3A, %lt3A_5 : vector<32x64xi32>
    %jit3A = arith.constant -1.000000e+00 : f32
    %jit3A_7 = arith.constant 1.000000e+00 : f32
    %max3A = vector.broadcast %jit3A : f32 to vector<32x64xf32>
    %max3A_8 = arith.maximumf %max3A, %get3A_4 : vector<32x64xf32>
    %min3A = vector.broadcast %jit3A_7 : f32 to vector<32x64xf32>
    %min3A_9 = arith.minimumf %min3A, %max3A_8 : vector<32x64xf32>
    %mul3A = arith.constant -1.000000e+00 : f32
    %mul3A_10 = vector.broadcast %mul3A : f32 to vector<32x64xf32>
    %mul3A_11 = arith.mulf %mul3A_10, %get3A_1 : vector<32x64xf32>
    %exp3A = math.exp %mul3A_11 : vector<32x64xf32>
    %neg3A = arith.constant 0.000000e+00 : f32
    %neg3A_12 = vector.broadcast %neg3A : f32 to vector<32x64xf32>
    %neg3A_13 = arith.subf %neg3A_12, %min3A_9 : vector<32x64xf32>
    %div3A = arith.constant 1.000000e-01 : f32
    %div3A_14 = vector.broadcast %div3A : f32 to vector<32x64xf32>
    %div3A_15 = arith.divf %neg3A_13, %div3A_14 : vector<32x64xf32>
    %exp3A_16 = math.exp %div3A_15 : vector<32x64xf32>
    %log1p3A = math.log1p %exp3A_16 : vector<32x64xf32>
    %mul3A_17 = arith.constant 1.000000e-01 : f32
    %mul3A_18 = vector.broadcast %mul3A_17 : f32 to vector<32x64xf32>
    %mul3A_19 = arith.mulf %mul3A_18, %log1p3A : vector<32x64xf32>
    %mul3A_20 = arith.mulf %exp3A, %mul3A_19 : vector<32x64xf32>
    %jit3A_21 = arith.constant 0.000000e+00 : f32
    %broadcast_in_dim3A = vector.broadcast %jit3A_21 : f32 to vector<32x64xf32>
    %select_n3A = arith.select %lt3A_6, %mul3A_20, %broadcast_in_dim3A : vector<32x64xi1>, vector<32x64xf32>
    %reduce_sum3A = vector.shape_cast %select_n3A : vector<32x64xf32> to vector<1x32x64xf32>
    %reduce_sum3A_22 = arith.constant dense<0.000000e+00> : vector<1xf32>
    %reduce_sum3A_23 = vector.multi_reduction <add>, %reduce_sum3A, %reduce_sum3A_22 [1, 2] : vector<1x32x64xf32> to vector<1xf32>
    %reduce_sum3A_24 = vector.shape_cast %reduce_sum3A_23 : vector<1xf32> to vector<1x1x1xf32>
    %reduce_sum3A_25 = vector.extract %reduce_sum3A_24[0, 0, 0] : f32 from vector<1x1x1xf32>
    %mul3A_26 = arith.constant 6.37755089E-4 : f32
    %mul3A_27 = arith.mulf %reduce_sum3A_25, %mul3A_26 : f32
    %reshape3A = vector.broadcast %mul3A_27 : f32 to vector<1x1xf32>
    %swap3A = arith.constant 0 : index
    %swap3A_28 = arith.constant 0 : index
    %swap3A_29 = vector.load %arg2[%swap3A, %swap3A_28] : memref<1x1xf32, #tpu.memory_space<vmem>>, vector<1x1xf32>
    tpu.vector_store %arg2[%swap3A, %swap3A_28], %reshape3A {strides = array<i32>} : memref<1x1xf32, #tpu.memory_space<vmem>>, vector<1x1xf32>,
    %jit3A_30 = arith.constant 0.000000e+00 : f32
    %broadcast_in_dim3A_31 = vector.broadcast %jit3A_30 : f32 to vector<32x64xf32>
    %select_n3A_32 = arith.select %lt3A_6, %min3A_9, %broadcast_in_dim3A_31 : vector<32x64xi1>, vector<32x64xf32>
    %reduce_sum3A_33 = vector.shape_cast %select_n3A_32 : vector<32x64xf32> to vector<1x32x64xf32>
    %reduce_sum3A_34 = arith.constant dense<0.000000e+00> : vector<1xf32>
    %reduce_sum3A_35 = vector.multi_reduction <add>, %reduce_sum3A_33, %reduce_sum3A_34 [1, 2] : vector<1x32x64xf32> to vector<1xf32>
    %reduce_sum3A_36 = vector.shape_cast %reduce_sum3A_35 : vector<1xf32> to vector<1x1x1xf32>
    %reduce_sum3A_37 = vector.extract %reduce_sum3A_36[0, 0, 0] : f32 from vector<1x1x1xf32>
    %mul3A_38 = arith.constant 6.37755089E-4 : f32
    %mul3A_39 = arith.mulf %reduce_sum3A_37, %mul3A_38 : f32
    %reshape3A_40 = vector.broadcast %mul3A_39 : f32 to vector<1x1xf32>
    %swap3A_41 = arith.constant 0 : index
    %swap3A_42 = arith.constant 0 : index
    %swap3A_43 = vector.load %arg3[%swap3A_41, %swap3A_42] : memref<1x1xf32, #tpu.memory_space<vmem>>, vector<1x1xf32>
    tpu.vector_store %arg3[%swap3A_41, %swap3A_42], %reshape3A_40 {strides = array<i32>} : memref<1x1xf32, #tpu.memory_space<vmem>>, vector<1x1xf32>,
    %jit3A_44 = arith.constant 0xFF800000 : f32
    %broadcast_in_dim3A_45 = vector.broadcast %jit3A_44 : f32 to vector<32x64xf32>
    %select_n3A_46 = arith.select %lt3A_6, %get3A_1, %broadcast_in_dim3A_45 : vector<32x64xi1>, vector<32x64xf32>
    %reduce_max3A = vector.shape_cast %select_n3A_46 : vector<32x64xf32> to vector<1x32x64xf32>
    %reduce_max3A_47 = arith.constant dense<0xFF800000> : vector<1xf32>
    %reduce_max3A_48 = vector.multi_reduction <maximumf>, %reduce_max3A, %reduce_max3A_47 [1, 2] : vector<1x32x64xf32> to vector<1xf32>
    %reduce_max3A_49 = vector.shape_cast %reduce_max3A_48 : vector<1xf32> to vector<1x1x1xf32>
    %reduce_max3A_50 = vector.extract %reduce_max3A_49[0, 0, 0] : f32 from vector<1x1x1xf32>
    %reshape3A_51 = vector.broadcast %reduce_max3A_50 : f32 to vector<1x1xf32>
    %swap3A_52 = arith.constant 0 : index
    %swap3A_53 = arith.constant 0 : index
    %swap3A_54 = vector.load %arg4[%swap3A_52, %swap3A_53] : memref<1x1xf32, #tpu.memory_space<vmem>>, vector<1x1xf32>
    tpu.vector_store %arg4[%swap3A_52, %swap3A_53], %reshape3A_51 {strides = array<i32>} : memref<1x1xf32, #tpu.memory_space<vmem>>, vector<1x1xf32>,
    %jit3A_55 = arith.constant 0.000000e+00 : f32
    %broadcast_in_dim3A_56 = vector.broadcast %jit3A_55 : f32 to vector<32x64xf32>
    %select_n3A_57 = arith.select %lt3A_6, %get3A_1, %broadcast_in_dim3A_56 : vector<32x64xi1>, vector<32x64xf32>
    %reduce_sum3A_58 = vector.shape_cast %select_n3A_57 : vector<32x64xf32> to vector<1x32x64xf32>
    %reduce_sum3A_59 = arith.constant dense<0.000000e+00> : vector<1xf32>
    %reduce_sum3A_60 = vector.multi_reduction <add>, %reduce_sum3A_58, %reduce_sum3A_59 [1, 2] : vector<1x32x64xf32> to vector<1xf32>
    %reduce_sum3A_61 = vector.shape_cast %reduce_sum3A_60 : vector<1xf32> to vector<1x1x1xf32>
    %reduce_sum3A_62 = vector.extract %reduce_sum3A_61[0, 0, 0] : f32 from vector<1x1x1xf32>
    %mul3A_63 = arith.constant 6.37755089E-4 : f32
    %mul3A_64 = arith.mulf %reduce_sum3A_62, %mul3A_63 : f32
    %reshape3A_65 = vector.broadcast %mul3A_64 : f32 to vector<1x1xf32>
    %swap3A_66 = arith.constant 0 : index
    %swap3A_67 = arith.constant 0 : index
    %swap3A_68 = vector.load %arg5[%swap3A_66, %swap3A_67] : memref<1x1xf32, #tpu.memory_space<vmem>>, vector<1x1xf32>
    tpu.vector_store %arg5[%swap3A_66, %swap3A_67], %reshape3A_65 {strides = array<i32>} : memref<1x1xf32, #tpu.memory_space<vmem>>, vector<1x1xf32>,
    return
  }
}

</mosaic_0001>

<sc_bundles>
// kernel: kernel.4.cloned.1.call-start
scs
__scs_entry_jumppad:
0x0: {  	(pc) =	sbr.rel $0x88, $3  }
0x1: {  	(tag) =	ssettag $0x0;
	lr =	simm.s32 $0x1  }
0x2: {  	[smem:$0x3F9F] =	sst lr;
	_ =	strace $0xD0000000  }
0x3: {  	_ = 	snop  }
0x4: {  	_ = 	snop  }
0x5: {  	_ = 	snop  }
0x6: {  	_ = 	snop  }
0x7: {  	_ = 	snop  }
__scs_overlays_trampoline_lowered:
0x8: {  	[smem:$0x3FAE] =	sst s0  }
0x9: {  	[smem:$0x3FAF] =	sst s1  }
0xa: {  	[smem:$0x3FB0] =	sst s2  }
0xb: {  	[smem:$0x3FB1] =	sst s3  }
0xc: {  	[smem:$0x3FB2] =	sst s4  }
0xd: {  	[smem:$0x3FB3] =	sst s5  }
0xe: {  	[smem:$0x3FB4] =	sst s6  }
0xf: {  	[smem:$0x3FB5] =	sst s7  }
0x10: {  	[smem:$0x3FB6] =	sst s8  }
0x11: {  	[smem:$0x3FB7] =	sst s9;
	s0 =	simm.s32 @!p0 $0x0  }
0x12: {  	s1 =	sld [smem:$0x3F9D];
	s0 =	simm.s32 @p0 $0x1  }
0x13: {  	[smem:$0x3FB8] =	sst s0;
	s0 =	simm.s32 @!p1 $0x0  }
0x14: {  	s2 =	sld [smem:$0x3F9C];
	s0 =	simm.s32 @p1 $0x1  }
0x15: {  	[smem:$0x3FB9] =	sst s0;
	s0 =	simm.s32 @!p2 $0x0  }
0x16: {  	s3 =	sld [smem:$0x3FDB];
	s0 =	simm.s32 @p2 $0x1  }
0x17: {  	s4 =	simm.s32 $0x1BF5;
	[smem:$0x3FBB] =	sst s0  }
0x18: {  	s0 =	sld [smem:$0x3F9E];
	_ =	swait.ge [sflag:s4], $0x0  }
0x19: {  	s7 =	sld [smem:$0x3F9F]  }
0x1a: {  	s8 =	sadd.s32 $0xFFFFE003, lr  }
0x1b: {  	s9 =	sadd.s32 $0xFFFFFEF7, lr;
	s5 =	simm.s32 $0xFFFFFFFF;
	p2 =	slt.u32 s8, $0xFFFFF086  }
0x1c: {  	p1 =	slt.u32 s9, $0xF7A;
	s5 =	simm.s32 @!p2 $0x0  }
0x1d: {  	s5 =	simm.s32 @p1 $0x1;
	p0 =	seq.s32 s7, s2  }
0x1e: {  	s7 =	smul.u32 @!p0 $0xF7A, s2;
	p2 =	seq.s32 @!p0 s5, $0x0  }
0x1f: {  	s9 =	smul.u32 $0xF7A, s1;
	s8 =	simm.s32 @!p0 $0x1BF5;
	p2 =	por !p2, p0  }
0x20: {  	[sflag:s8] =	ssyncset.s32 @!p0 $0xFFFFF086;
	s6 =	sadd.s32 @!p0 s3, s7;
	s7 =	simm.s32 @!p0 $0x108  }
0x21: {  	s3 =	sadd.s32 s3, s9;
	s6 =	sadd.s32 @!p0 $0x88, s6;
	s7 =	simm.s32 @p2 $0x1082  }
0x22: {  	[simem:s7], [sflag:s8] =	dma.local @!p0 [hbm:s6], $0xF7A  }
0x23: {  	s9 =	sor.u32 $0xD0000000, s2;
	s6 =	simm.s32 $0x108;
	_ =	swait.ge @!p0 [sflag:s8], $0x0  }
0x24: {  	s3 =	sadd.s32 $0x88, s3;
	s6 =	simm.s32 @!p1 $0x1082;
	[sflag:s4] =	ssyncset.s32 $0xFFFFF086  }
0x25: {  	[simem:s6], [sflag:s4] =	dma.local [hbm:s3], $0xF7A  }
0x26: {  	[smem:$0x3F9F] =	sst s1;
	(tag) =	ssettag s2;
	_ =	strace s9  }
0x27: {  	s1 =	sld [smem:$0x3FAF]  }
0x28: {  	s2 =	sld [smem:$0x3FB0]  }
0x29: {  	s4 =	sld [smem:$0x3FB2]  }
0x2a: {  	p0 =	seq.s32 s5, $0x0;
	s5 =	sld [smem:$0x3FB3]  }
0x2b: {  	s6 =	sld [smem:$0x3FB4]  }
0x2c: {  	s7 =	sld [smem:$0x3FB5]  }
0x2d: {  	s3 =	simm.s32 $0x108;
	s8 =	sld [smem:$0x3FB6]  }
0x2e: {  	s3 =	simm.s32 @!p0 $0x1082;
	s9 =	sld [smem:$0x3FB7]  }
0x2f: {  	lr =	sadd.s32 s0, s3;
	s0 =	sld [smem:$0x3FAE]  }
0x30: {  	s3 =	sld [smem:$0x3FB1]  }
0x31: {  	[smem:$0x3FBA] =	sst s10  }
0x32: {  	s10 =	sld [smem:$0x3FB8];
	_ =	sdelay $0x3  }
0x33: {  	p0 =	seq.s32 s10, $0x1;
	s10 =	sld [smem:$0x3FBA];
	_ =	sdelay $0x3  }
0x34: {  	[smem:$0x3FBA] =	sst s10  }
0x35: {  	s10 =	sld [smem:$0x3FB9];
	_ =	sdelay $0x3  }
0x36: {  	p1 =	seq.s32 s10, $0x1;
	s10 =	sld [smem:$0x3FBA];
	_ =	sdelay $0x3  }
0x37: {  	[smem:$0x3FBA] =	sst s10  }
0x38: {  	s10 =	sld [smem:$0x3FBB]  }
0x39: {  	_ = 	snop;
	(pc) =	sbr.ind lr, $3  }
0x3a: {  	_ = 	snop  }
0x3b: {  	_ = 	snop  }
0x3c: {  	p2 =	seq.s32 s10, $0x1;
	s10 =	sld [smem:$0x3FBA]  }
0x3d: {  	_ =	shalt  }
0x3e: {  	_ =	shalt  }
0x3f: {  	_ =	shalt  }
0x40: {  	_ =	shalt  }
0x41: {  	_ =	shalt  }
0x42: {  	_ =	shalt  }
0x43: {  	_ =	shalt  }
0x44: {  	_ =	shalt  }
0x45: {  	_ =	shalt  }
0x46: {  	_ =	shalt  }
0x47: {  	_ =	shalt  }
0x48: {  	_ =	shalt  }
0x49: {  	_ =	shalt  }
0x4a: {  	_ =	shalt  }
0x4b: {  	_ =	shalt  }
0x4c: {  	_ =	shalt  }
0x4d: {  	_ =	shalt  }
0x4e: {  	_ =	shalt  }
0x4f: {  	_ =	shalt  }
0x50: {  	_ =	shalt  }
0x51: {  	_ =	shalt  }
0x52: {  	_ =	shalt  }
0x53: {  	_ =	shalt  }
0x54: {  	_ =	shalt  }
0x55: {  	_ =	shalt  }
0x56: {  	_ =	shalt  }
0x57: {  	_ =	shalt  }
0x58: {  	_ =	shalt  }
0x59: {  	_ =	shalt  }
0x5a: {  	_ =	shalt  }
0x5b: {  	_ =	shalt  }
0x5c: {  	_ =	shalt  }
0x5d: {  	_ =	shalt  }
0x5e: {  	_ =	shalt  }
0x5f: {  	_ =	shalt  }
0x60: {  	_ =	shalt  }
0x61: {  	_ =	shalt  }
0x62: {  	_ =	shalt  }
0x63: {  	_ =	shalt  }
0x64: {  	_ =	shalt  }
0x65: {  	_ =	shalt  }
0x66: {  	_ =	shalt  }
0x67: {  	_ =	shalt  }
0x68: {  	_ =	shalt  }
0x69: {  	_ =	shalt  }
0x6a: {  	_ =	shalt  }
0x6b: {  	_ =	shalt  }
0x6c: {  	_ =	shalt  }
0x6d: {  	_ =	shalt  }
0x6e: {  	_ =	shalt  }
0x6f: {  	_ =	shalt  }
0x70: {  	_ =	shalt  }
0x71: {  	_ =	shalt  }
0x72: {  	_ =	shalt  }
0x73: {  	_ =	shalt  }
0x74: {  	_ =	shalt  }
0x75: {  	_ =	shalt  }
0x76: {  	_ =	shalt  }
0x77: {  	_ =	shalt  }
0x78: {  	_ =	shalt  }
0x79: {  	_ =	shalt  }
0x7a: {  	_ =	shalt  }
0x7b: {  	_ =	shalt  }
0x7c: {  	_ =	shalt  }
0x7d: {  	_ =	shalt  }
0x7e: {  	_ =	shalt  }
0x7f: {  	_ =	shalt  }
0x80: {  	_ =	shalt  }
0x81: {  	_ =	shalt  }
0x82: {  	_ =	shalt  }
0x83: {  	_ =	shalt  }
0x84: {  	_ =	shalt  }
0x85: {  	_ =	shalt  }
0x86: {  	_ =	shalt  }
0x87: {  	_ =	shalt  }
.Lfunc_end0:
.L_simem_size_0:
called_computation_lowered:
.L_overlay_start_0:
0x88: {  	s2 =	sld [smem:$0x3FD9]  }
0x89: {  	s3 =	sld [smem:$0x3FFE];
	_ =	sdelay $0x1  }
0x8a: {  	s1 =	srdreg.scid  }
0x8b: {  	s0 =	sand.u32 $0x1, s1  }
0x8c: {  	s17 =	sshll.u32 s0, $0xA;
	s2 =	sadd.s32 s3, s2  }
0x8d: {  	s2 =	sadd.s32 s2, s17  }
0x8e: {  	[smem:$0x3FC6] =	sst s2  }
0x8f: {  	_ = 	snop  }
0x90: {  	s2 =	sld [smem:$0x3FC9]  }
0x91: {  	s18 =	sld [smem:$0x3FC8];
	(tm) =	ssettm $0x1  }
0x92: {  	s4 =	sld [smem:$0x3FFB];
	_ =	sdelay $0x3  }
0x93: {  	_ =	strace s4  }
0x94: {  	s4 =	sld [smem:$0x3FFC];
	_ =	sdelay $0x3  }
0x95: {  	_ =	strace s4  }
0x96: {  	s4 =	sld [smem:$0x3FFD];
	_ =	sdelay $0x3  }
0x97: {  	_ =	strace s4  }
0x98: {  	_ =	strace $0x8FFFFFFF  }
0x99: {  	s19 =	sld [smem:$0x3FDB];
	_ =	sdelay $0x1  }
0x9a: {  	s5 =	simm.s32 $_scs_section_size  }
0x9b: {  	s6 =	simm.s32 $_size__tile_overlayer_lowered;
	s7 =	simm.s32 $_tile_overlayer_lowered  }
0x9c: {  	s22 =	simm.s32 $0x1BFF;
	s21 =	sshll.u32 s7, $0x1;
	s4 =	sadd.s32 s5, s19  }
0x9d: {  	s8 =	simm.s32 $0x0;
	s20 =	sshll.u32 s6, $0x1;
	s6 =	sadd.s32 s21, s4  }
0x9e: {  	[timem:s8], [sflag:s22] =	dma.local [hbm:s6], s20  }
0x9f: {  	_ =	swait.ge [sflag:s22], s20  }
0xa0: {  	s5 =	ssub.s32 $0x0, s20;
	[sflag:s22] =	ssyncset.done $0x0  }
0xa1: {  	[sflag:s22] =	ssyncadd.s32 s5;
	_ =	sdelay $0x1  }
0xa2: {  	s23 =	simm.s32 $0x1B8B  }
0xa3: {  	_ =	swait.ge [sflag:s23], $0x1  }
0xa4: {  	[sflag:s23] =	ssyncset.done $0x0  }
0xa5: {  	s25 =	simm.s32 $0x1B8E;
	s24 =	sld [smem:$0x3FFE];
	[sflag:s23] =	ssyncadd.s32 $0xFFFFFFFF  }
0xa6: {  	s26 =	simm.s32 $execute0_lowered;
	[smem:$0x3FD2] =	sst s25  }
0xa7: {  	s6 =	sshll.u32 s26, $0x1;
	_ =	strace $0x80000046;
	[dreg:$0x1] =	wrdreg $0xFFFFFFFF  }
0xa8: {  	s28 =	simm.s32 $_size_execute0_lowered;
	s4 =	sadd.s32 s4, s6;
	[dreg:$0x0] =	wrdreg $0x0  }
0xa9: {  	s6 =	sshll.u32 s28, $0x1;
	[dreg:$0x2] =	wrdreg s4  }
0xaa: {  	[dreg:$0x3] =	wrdreg s6  }
0xab: {  	[dreg:$0x4] =	wrdreg $0xC0  }
0xac: {  	_ =	task [dreg:s8], $0x5FFFF  }
0xad: {  	[dreg:$0x1] =	wrdreg $0xFFFFFFFF  }
0xae: {  	[dreg:$0x0] =	wrdreg $0x60  }
0xaf: {  	[dreg:$0x2] =	wrdreg s18  }
0xb0: {  	[dreg:$0x3] =	wrdreg s2  }
0xb1: {  	[dreg:$0x4] =	wrdreg s24  }
0xb2: {  	[dreg:$0x5] =	wrdreg $0x9  }
0xb3: {  	_ =	task.clear_ibuf [dreg:s8], $0x6FFFF;
	_ =	strace $0x90000046  }
0xb4: {  	s29 =	simm.s32 $0x9;
	_ =	strace $0x80000048  }
0xb5: {  	_ =	swait.ge [sflag:s29], $0x1  }
0xb6: {  	[sflag:s29] =	ssyncadd.s32 $0xFFFFFFFF  }
0xb7: {  	_ =	strace $0x90000048  }
0xb8: {  	_ =	sfence  }
0xb9: {  	s30 =	sld [smem:$0x0];
	_ =	sdelay $0x2  }
0xba: {  	s31 =	sshll.u32 s1, $0xD;
	s1 =	sshrl.u32 s1, $0x2  }
0xbb: {  	s3 =	sand.u32 $0x4000, s31;
	s1 =	sadd.s32 s1, s30  }
0xbc: {  	s0 =	sor.u32 s3, s0;
	s1 =	sshll.u32 s1, $0x11  }
0xbd: {  	s0 =	sor.u32 s1, s0  }
0xbe: {  	s0 =	sadd.s32 $0x8F2B, s0  }
0xbf: {  	[sflag:s0] =	ssyncadd.remote.s32 $0x1  }
0xc0: {  	_ =	sfence.sel $0xFFFF  }
0xc1: {  	[dreg:$0x0] =	wrdreg $0xFFFFFFFF;
	(pc) =	sbr.abs _section_cstart, $3  }
0xc2: {  	[dreg:$0x1] =	wrdreg $0xFFFFFFFF  }
0xc3: {  	_ =	task.clear_ibuf [dreg:s8], $0x2FFFF;
	_ =	strace $0x9FFFFFFF  }
0xc4: {  	(tm) =	ssettm $0x7FFFFFFF  }
0xc5: {  	_ =	shalt  }
tec
execute0_lowered:
.L_overlay_start_1:
0x0: {  	(tag) =	ssettag $0x1  }
0x1: {  	s0 =	srdreg.scid;
	s5 =	stileid.u32  }
0x2: {  	s0 =	sand.u32 $0x1, s0;
	s1 =	sshll.u32 s5, $0x1  }
0x3: {  	s3 =	sor.u32 s0, s1  }
0x4: {  	v0 =	vlaneseq.u32;
	s1 =	smul.u32 $0x31, s3  }
0x5: {  	vm1 =	vmmov $0xffff;
	v13 =	vand.u32 $0x7, v0;
	v5 =	vor.u32 $0x30, v0  }
0x6: {  	v15 =	vor.u32 $0x8, v0;
	v16 =	vor.u32 $0x800000D0, v0;
	v1 =	vadd.s32 s1, v0  }
0x7: {  	v17 =	vor.u32 $0x800000E0, v0;
	v18 =	vor.u32 $0x800000F0, v0;
	v1 =	vmin.u32 v1, $0x61F  }
0x8: {  	v19 =	vor.u32 $0x80000100, v0;
	v20 =	vor.u32 $0x80000110, v0;
	v2 =	vmulhi.u32 $0x5397829D, v1  }
0x9: {  	v21 =	vor.u32 $0x80000120, v0;
	v22 =	vor.u32 $0x80000130, v0;
	v23 =	vor.u32 $0x80000140, v0  }
0xa: {  	v24 =	vor.u32 $0x80000150, v0;
	v25 =	vor.u32 $0x80000160, v0;
	v2 =	vshrl.u32 v2, $0x6  }
0xb: {  	v26 =	vor.u32 $0x80000170, v0;
	v27 =	vor.u32 $0x80000180, v0;
	v3 =	vmul.u32 $0xFFFFFF3C, v2  }
0xc: {  	v28 =	vor.u32 $0x80000190, v0;
	v29 =	vor.u32 $0x800001A0, v0;
	v30 =	vor.u32 $0x800001B0, v0  }
0xd: {  	v31 =	vor.u32 $0x800001C0, v0;
	v32 =	vor.u32 $0x800001D0, v0;
	v3 =	vadd.s32 v1, v3  }
0xe: {  	v2 =	vshll.u32 v2, $0xB;
	v1 =	vor.u32 $0x10, v0;
	v4 =	vshll.u32 v3, $0x1  }
0xf: {  	v33 =	vor.u32 $0x800001E0, v0;
	v2 =	vadd.s32 v2, v4;
	v4 =	vadd.s32 s1, v1  }
0x10: {  	v3 =	vand.u32 $0x7, v3;
	v2 =	vand.u32 $0xFFFFFFF0, v2;
	v6 =	vmin.u32 v4, $0x61F  }
0x11: {  	v4 =	vshrl.u32 v0, $0x3;
	v2 =	vor.u32 v3, v2;
	v3 =	vmulhi.u32 $0x5397829D, v6  }
0x12: {  	v34 =	vor.u32 $0x800001F0, v0;
	v14 =	vmul.u32 $0x8, v4;
	v7 =	vperm.xlane v2, v13  }
0x13: {  	v56 =	vadd.s32 s1, v5;
	v4 =	vor.u32 $0x20, v0;
	v3 =	vshrl.u32 v3, $0x6  }
0x14: {  	v9 =	vadd.s32 s1, v4;
	v8 =	vmul.u32 $0xFFFFFF3C, v3;
	v7 =	vadd.s32 v14, v7  }
0x15: {  	v2 =	vperm.xlane v2, v15;
	v3 =	vshll.u32 v3, $0xB;
	[tilespmem:$0x1FEF0] =	vst v7;
	v7 =	vmin.u32 v9, $0x61F  }
0x16: {  	v9 =	vmin.u32 v56, $0x61F;
	v6 =	vadd.s32 v6, v8;
	v57 =	vmulhi.u32 $0x5397829D, v7  }
0x17: {  	s2 =	rddreg [dreg:$0x1];
	s4 =	sand.u32 $0x3, s3;
	v2 =	vadd.s32 v14, v2;
	v11 =	vmulhi.u32 $0x5397829D, v9;
	v10 =	vshll.u32 v6, $0x1  }
0x18: {  	s6 =	rddreg [dreg:$0x2];
	s7 =	smul.u32 $0x31, s4;
	s4 =	simm.s32 $0x0;
	v6 =	vand.u32 $0x7, v6;
	v3 =	vadd.s32 v3, v10;
	v8 =	vshrl.u32 v57, $0x6  }
0x19: {  	[smem:$0x7FF] =	sst s4;
	v11 =	vshrl.u32 v11, $0x6;
	v3 =	vand.u32 $0xFFFFFFF0, v3;
	v58 =	vmul.u32 $0xFFFFFF3C, v8  }
0x1a: {  	v36 =	vor.u32 $0x80000200, v0;
	s1 =	rddreg [dreg:$0x0];
	_ =	strace $0x80000047;
	[tilespmem:$0x1FF00] =	vst v2;
	v3 =	vor.u32 v6, v3;
	v6 =	vmul.u32 $0xFFFFFF3C, v11  }
0x1b: {  	[tilespmem:$0x1FF10] =	vst v13;
	v8 =	vshll.u32 v8, $0xB;
	v59 =	vshll.u32 v11, $0xB;
	v7 =	vadd.s32 v7, v58  }
0x1c: {  	[tilespmem:$0x1FF40] =	vst v15;
	v12 =	vperm.xlane v3, v13;
	v10 =	vshll.u32 v7, $0x1;
	v6 =	vadd.s32 v9, v6  }
0x1d: {  	[tilespmem:$0x1FF80] =	vst v14;
	v3 =	vperm.xlane v3, v15;
	v8 =	vadd.s32 v8, v10;
	v60 =	vshll.u32 v6, $0x1  }
0x1e: {  	[tilespmem:$0x1FFB0] =	vst v16;
	v7 =	vand.u32 $0x7, v7;
	v8 =	vand.u32 $0xFFFFFFF0, v8;
	v9 =	vadd.s32 v59, v60  }
0x1f: {  	s9 =	simm.s32 $0x12000;
	s11 =	simm.s32 $0x13000;
	[tilespmem:$0x1FFC0] =	vst v17;
	v6 =	vand.u32 $0x7, v6;
	v7 =	vor.u32 v7, v8;
	v61 =	vand.u32 $0xFFFFFFF0, v9  }
0x20: {  	s13 =	simm.s32 $0x14000;
	s15 =	simm.s32 $0x15000;
	s29 =	simm.s32 $0x16000;
	[tilespmem:$0x1FFD0] =	vst v18;
	v63 =	vadd.s32 v14, v12;
	v6 =	vor.u32 v6, v61;
	v2 =	vperm.xlane v7, v15  }
0x21: {  	s20 =	simm.s32 $0x16080;
	s21 =	simm.s32 $0xE000;
	s23 =	simm.s32 $0xF000;
	v3 =	vadd.s32 v14, v3;
	[tilespmem:$0x1FF20] =	vst v63;
	v62 =	vperm.xlane v7, v13;
	v7 =	vperm.xlane v6, v13  }
0x22: {  	s19 =	simm.s32 $0x1;
	s28 =	simm.s32 $0x11000;
	s5 =	sshll.u32 s5, $0x9;
	v37 =	vor.u32 $0x80000210, v0;
	[tilespmem:$0x1FF30] =	vst v3;
	v3 =	vperm.xlane v6, v15;
	v2 =	vadd.s32 v14, v2  }
0x23: {  	s30 =	simm.s32 $0x2;
	v39 =	vor.u32 $0x80000220, v0;
	v40 =	vor.u32 $0x80000230, v0;
	s0 =	ssub.s32 $0x2, s0;
	s3 =	sshll.u32 s3, $0x4;
	[tilespmem:$0x1FF60] =	vst v2;
	v2 =	vadd.s32 v14, v7  }
0x24: {  	s31 =	simm.s32 $0x3;
	v42 =	vor.u32 $0x80000240, v0;
	v44 =	vor.u32 $0x80000250, v0;
	s26 =	sshrl.u32 s0, $0x1;
	s3 =	sadd.s32 s3, s6;
	[tilespmem:$0x1FF70] =	vst v2;
	v2 =	vadd.s32 v14, v3  }
0x25: {  	vm2 =	vmmov $0xf;
	s5 =	sand.u32 $0x1C00, s5;
	s0 =	ssub.s32 s0, s26;
	s8 =	sadd.s32 $0x1000, s3;
	v15 =	vor.u32 $0x800000C0, v0;
	[tilespmem:$0x1FF90] =	vst v2;
	v2 =	vimm.s32 $0x0  }
0x26: {  	v41 =	vor.u32 $0x40, v0;
	v46 =	vor.u32 $0x80000260, v0;
	s17 =	smax.u32 s0, $0x1;
	s0 =	simm.s32 $0x16100;
	s7 =	sor.u32 s5, s7;
	[tilespmem:$0x1FFA0] =	vst v15;
	v2 =	vsel vm1, $0xFFFFFFFF, v2  }
0x27: {  	v43 =	vor.u32 $0x50, v0;
	s25 =	sshll.u32 s7, $0xC;
	s10 =	sshll.u32 s7, $0x9;
	s7 =	sadd.s32 $0xE00, s3;
	v6 =	vadd.s32 v14, v62;
	[tilespmem:$0x1FFE0] =	vst v2;
	v2 =	vimm.s32 $0x0  }
0x28: {  	v45 =	vor.u32 $0x60, v0;
	v47 =	vor.u32 $0x80000270, v0;
	s3 =	simm.s32 $0x4;
	s6 =	sadd.s32 $0x7000, s25;
	s25 =	simm.s32 $0x10000;
	[tilespmem:$0x1FF50] =	vst v6;
	v2 =	vsel vm2, $0xFFFFFFFF, v2  }
0x29: {  	v48 =	vor.u32 $0x70, v0;
	v49 =	vor.u32 $0x80000280, v0;
	v50 =	vor.u32 $0x80000290, v0;
	s16 =	sadd.s32 s1, s10;
	s10 =	simm.s32 $0x0;
	[dreg:$0x4] =	wrdreg s29;
	[tilespmem:$0x1FFF0] =	vst v2  }
.LBB2_1:
0x2a: {  	v2 =	vimm.s32 $0x0  }
0x2b: {  	[tilespmem:$0x16030] =	vst v2;
	v2 =	vimm.f32 $0.0e+00  }
0x2c: {  	[tilespmem:$0x160B0] =	vst v2;
	v2 =	vld [tilespmem:$0x1FEF0];
	_ =	sdelay $0x7  }
0x2d: {  	[tilespmem:s9], [sflag:$0x3] =	stream.indirect_vreg.gather [hbm4b:s2+s4], $0x80, v2, vm1, $0xb8;
	v2 =	vld [tilespmem:$0x1FF00]  }
0x2e: {  	_ =	sdelay $0x5  }
0x2f: {  	s12 =	simm.s32 $0x12800  }
0x30: {  	[tilespmem:s12], [sflag:$0x3] =	stream.indirect_vreg.gather [hbm4b:s2+s4], $0x80, v2, vm1, $0xb8;
	v2 =	vld [tilespmem:$0x1FF20]  }
0x31: {  	_ =	sdelay $0x6  }
0x32: {  	[tilespmem:s11], [sflag:$0x3] =	stream.indirect_vreg.gather [hbm4b:s2+s4], $0x80, v2, vm1, $0xb8;
	v2 =	vld [tilespmem:$0x1FF30]  }
0x33: {  	_ =	sdelay $0x5  }
0x34: {  	s24 =	simm.s32 $0x13800  }
0x35: {  	[tilespmem:s24], [sflag:$0x3] =	stream.indirect_vreg.gather [hbm4b:s2+s4], $0x80, v2, vm1, $0xb8;
	v2 =	vld [tilespmem:$0x1FF50]  }
0x36: {  	_ =	sdelay $0x6  }
0x37: {  	[tilespmem:s13], [sflag:$0x3] =	stream.indirect_vreg.gather [hbm4b:s2+s4], $0x80, v2, vm1, $0xb8;
	v2 =	vld [tilespmem:$0x1FF60]  }
0x38: {  	_ =	sdelay $0x5  }
0x39: {  	s26 =	simm.s32 $0x14800  }
0x3a: {  	[tilespmem:s26], [sflag:$0x3] =	stream.indirect_vreg.gather [hbm4b:s2+s4], $0x80, v2, vm1, $0xb8;
	v2 =	vld [tilespmem:$0x1FF70]  }
0x3b: {  	_ =	sdelay $0x6  }
0x3c: {  	[tilespmem:s15], [sflag:$0x3] =	stream.indirect_vreg.gather [hbm4b:s2+s4], $0x80, v2, vm1, $0xb8;
	v2 =	vld [tilespmem:$0x1FF90]  }
0x3d: {  	_ =	sdelay $0x5  }
0x3e: {  	s29 =	simm.s32 $0x15800  }
0x3f: {  	[tilespmem:s29], [sflag:$0x3] =	stream.indirect_vreg.gather [hbm4b:s2+s4], $0x80, v2, vm1, $0xb8;
	[tilespmem:$0x16180] =	vst v63  }
0x40: {  	s22 =	simm.s32 $0x0;
	s14 =	simm.s32 $0x0  }
0x41: {  	[tilespmem:s4], [sflag:$0x1] =	stream.linear.gather [hbm4b:s16+s4], $0x7000, $0x38;
	[tilespmem:$0x16180] =	vst v63  }
.LBB2_2:
0x42: {  	p0 =	seq.s32 s14, $0x6  }
0x43: {  	s12 =	sand.u32 $0x1, s14;
	s18 =	smul.u32 @!p0 $0x7000, s14  }
0x44: {  	s24 =	sxor.u32 @!p0 $0x1, s12  }
0x45: {  	s24 =	smul.u32 @!p0 $0x1C000, s24;
	s18 =	sadd.s32 @!p0 s18, s6  }
0x46: {  	s18 =	sshrl.u32 @!p0 s18, $0x3  }
0x47: {  	s26 =	simm.s32 @!p0 $0x0;
	s24 =	sshrl.u32 @!p0 s24, $0x2;
	s18 =	sadd.s32 @!p0 s1, s18  }
0x48: {  	[tilespmem:s24], [sflag:$0x1] =	stream.linear.gather @!p0 [hbm4b:s18+s26], $0x7000, $0x38;
	[tilespmem:$0x16180] =	vst v63  }
0x49: {  	_ =	swait.ge [sflag:s19], $0x7000  }
0x4a: {  	v2 =	vmov s12;
	[sflag:s19] =	ssyncset.done $0x0  }
0x4b: {  	s12 =	smov.u32 s22;
	v51 =	vmul.u32 $0x7000, v2;
	s18 =	simm.s32 $0x1F;
	[sflag:s19] =	ssyncadd.s32 $0xFFFF9000  }
.LBB2_3:
0x4c: {  	s24 =	sshll.u32 s18, $0x7  }
0x4d: {  	s26 =	sadd.s32 $0xFFFFF280, s24  }
0x4e: {  	s29 =	sadd.s32 $0xFFFFF300, s24;
	v2 =	vadd.s32 s26, v51  }
0x4f: {  	v3 =	vadd.s32 s29, v51;
	v2 =	vbroadcast v2, $0x0  }
0x50: {  	v3 =	vbroadcast v3, $0x0  }
0x51: {  	s29 =	sadd.s32 $0xFFFFF380, s24;
	v7 =	vor.u32 v41, v2  }
0x52: {  	v6 =	vadd.s32 s29, v51;
	s29 =	sadd.s32 $0xFFFFF400, s24;
	v8 =	vor.u32 v41, v3  }
0x53: {  	v6 =	vbroadcast v6, $0x0;
	v10 =	vadd.s32 s29, v51;
	v11 =	vor.u32 v43, v2  }
0x54: {  	v10 =	vbroadcast v10, $0x0;
	v12 =	vor.u32 v43, v3  }
0x55: {  	v14 =	vor.u32 v43, v6  }
0x56: {  	v13 =	vor.u32 v41, v10;
	v7 =	vld.idx.msk [tilespmem:v7+s4+$0x0], $0xffff  }
0x57: {  	v9 =	vor.u32 v41, v6;
	v8 =	vld.idx.msk [tilespmem:v8+s4+$0x0], $0xffff  }
0x58: {  	v11 =	vld.idx.msk [tilespmem:v11+s4+$0x0], $0xffff  }
0x59: {  	v35 =	vor.u32 v45, v2;
	v2 =	vor.u32 v48, v2;
	v12 =	vld.idx.msk [tilespmem:v12+s4+$0x0], $0xffff  }
0x5a: {  	v38 =	vor.u32 v45, v3;
	v14 =	vld.idx.msk [tilespmem:v14+s4+$0x0], $0xffff  }
0x5b: {  	v13 =	vld.idx.msk [tilespmem:v13+s4+$0x0], $0xffff  }
0x5c: {  	s29 =	sadd.s32 $0xFFFFF480, s24;
	v52 =	vor.u32 v43, v10;
	v9 =	vld.idx.msk [tilespmem:v9+s4+$0x0], $0xffff  }
0x5d: {  	v59 =	vadd.s32 s29, v51;
	v3 =	vor.u32 v48, v3;
	v7 =	vmul.f32 v7, v7  }
0x5e: {  	v2 =	vld.idx.msk [tilespmem:v2+s4+$0x0], $0xffff;
	v8 =	vmul.f32 v8, v8;
	v54 =	vmul.f32 v12, v12;
	v12 =	vor.u32 v45, v6  }
0x5f: {  	s29 =	sadd.s32 $0xFFFFF500, s24;
	v57 =	vor.u32 v45, v10;
	v53 =	vmul.f32 v11, v11;
	v56 =	vmul.f32 v14, v14;
	v14 =	vld.idx.msk [tilespmem:v38+s4+$0x0], $0xffff  }
0x60: {  	v60 =	vadd.s32 s29, v51;
	v6 =	vor.u32 v48, v6;
	v55 =	vmul.f32 v13, v13;
	v13 =	vld.idx.msk [tilespmem:v35+s4+$0x0], $0xffff  }
0x61: {  	v58 =	vld.idx.msk [tilespmem:v52+s4+$0x0], $0xffff;
	v63 =	vmul.f32 v9, v9;
	v7 =	vadd.f32 v8, v7;
	v9 =	vadd.f32 v54, v53  }
0x62: {  	v10 =	vor.u32 v48, v10;
	v3 =	vld.idx.msk [tilespmem:v3+s4+$0x0], $0xffff;
	v53 =	vbroadcast v60, $0x0  }
0x63: {  	s29 =	sadd.s32 $0xFFFFF580, s24;
	v52 =	vbroadcast v59, $0x0;
	v7 =	vadd.f32 v63, v7;
	v9 =	vadd.f32 v56, v9;
	v12 =	vld.idx.msk [tilespmem:v12+s4+$0x0], $0xffff  }
0x64: {  	v61 =	vld.idx.msk [tilespmem:v57+s4+$0x0], $0xffff;
	v63 =	vadd.s32 s29, v51;
	v56 =	vor.u32 v0, v53;
	v14 =	vmul.f32 v14, v14  }
0x65: {  	v7 =	vadd.f32 v55, v7;
	v55 =	vbroadcast v63, $0x0;
	v13 =	vmul.f32 v13, v13  }
0x66: {  	v62 =	vor.u32 v0, v52;
	v2 =	vmul.f32 v2, v2;
	v8 =	vmul.f32 v58, v58;
	s29 =	sadd.s32 $0xFFFFF600, s24;
	v6 =	vld.idx.msk [tilespmem:v6+s4+$0x0], $0xffff  }
0x67: {  	v38 =	vor.u32 v0, v55;
	v13 =	vadd.f32 v14, v13;
	v14 =	vadd.s32 s29, v51  }
0x68: {  	v8 =	vadd.f32 v8, v9;
	v9 =	vld.idx.msk [tilespmem:v10+s4+$0x0], $0xffff;
	v12 =	vmul.f32 v12, v12;
	v54 =	vbroadcast v14, $0x0  }
0x69: {  	v3 =	vmul.f32 v3, v3;
	v11 =	vmul.f32 v61, v61;
	v61 =	vor.u32 v1, v53  }
0x6a: {  	v14 =	vld.idx.msk [tilespmem:v56+s4+$0x0], $0xffff;
	v60 =	vadd.f32 v12, v13;
	v13 =	vor.u32 v0, v54  }
0x6b: {  	v35 =	vor.u32 v1, v52;
	v2 =	vadd.f32 v3, v2;
	v3 =	vmul.f32 v6, v6;
	v12 =	vld.idx.msk [tilespmem:v62+s4+$0x0], $0xffff  }
0x6c: {  	v57 =	vor.u32 v4, v53;
	v7 =	vsel vm2, $0x7F61B1E6, v7;
	v63 =	vor.u32 v1, v55;
	v62 =	vld.idx.msk [tilespmem:v38+s4+$0x0], $0xffff  }
0x6d: {  	vm9 =	vlt.f32 v8, v7;
	v2 =	vadd.f32 v3, v2;
	v3 =	vmul.f32 v9, v9  }
0x6e: {  	v7 =	vsel vm9, v8, v7;
	v9 =	vld.idx.msk [tilespmem:v61+s4+$0x0], $0xffff;
	v8 =	vadd.f32 v11, v60;
	v60 =	vor.u32 v1, v54  }
0x6f: {  	v61 =	vor.u32 v4, v55;
	v2 =	vadd.f32 v3, v2;
	v6 =	vld.idx.msk [tilespmem:v13+s4+$0x0], $0xffff  }
0x70: {  	v35 =	vld.idx.msk [tilespmem:v35+s4+$0x0], $0xffff;
	v14 =	vmul.f32 v14, v14;
	v13 =	vor.u32 v4, v52;
	v12 =	vmul.f32 v12, v12  }
0x71: {  	v56 =	vld.idx.msk [tilespmem:v57+s4+$0x0], $0xffff;
	vm0 =	vlt.f32 v8, v7;
	v11 =	vmul.f32 v62, v62;
	v62 =	vor.u32 v5, v52  }
0x72: {  	v7 =	vsel vm0, v8, v7;
	v12 =	vadd.f32 v14, v12;
	v14 =	vld.idx.msk [tilespmem:v63+s4+$0x0], $0xffff;
	v63 =	vor.u32 v5, v53  }
0x73: {  	v57 =	vor.u32 v5, v55;
	vm5 =	vlt.f32 v2, v7;
	v3 =	vld.idx.msk [tilespmem:v60+s4+$0x0], $0xffff  }
0x74: {  	v2 =	vsel vm5, v2, v7;
	v7 =	vld.idx.msk [tilespmem:v61+s4+$0x0], $0xffff;
	v11 =	vadd.f32 v11, v12;
	v6 =	vmul.f32 v6, v6  }
0x75: {  	v12 =	vld.idx.msk [tilespmem:v13+s4+$0x0], $0xffff;
	v13 =	vor.u32 v4, v54  }
0x76: {  	v60 =	vor.u32 v5, v54;
	v61 =	vmul.f32 v35, v35;
	v35 =	vld.idx.msk [tilespmem:v62+s4+$0x0], $0xffff;
	v6 =	vadd.f32 v6, v11  }
0x77: {  	v58 =	vor.u32 v41, v53;
	v9 =	vmul.f32 v9, v9;
	v62 =	vor.u32 v41, v52;
	v8 =	vld.idx.msk [tilespmem:v63+s4+$0x0], $0xffff  }
0x78: {  	v63 =	vmul.f32 v14, v14;
	v3 =	vmul.f32 v3, v3;
	vm2 =	vlt.f32 v6, v2  }
0x79: {  	v14 =	vld.idx.msk [tilespmem:v57+s4+$0x0], $0xffff;
	v7 =	vmul.f32 v7, v7;
	v2 =	vsel vm2, v6, v2;
	v6 =	vadd.f32 v9, v61  }
0x7a: {  	v11 =	vld.idx.msk [tilespmem:v13+s4+$0x0], $0xffff;
	v12 =	vmul.f32 v12, v12;
	v13 =	vmul.f32 v56, v56;
	v56 =	vor.u32 v41, v55  }
0x7b: {  	v9 =	vld.idx.msk [tilespmem:v60+s4+$0x0], $0xffff;
	v60 =	vor.u32 v41, v54;
	v61 =	vor.u32 v43, v52;
	v6 =	vadd.f32 v63, v6  }
0x7c: {  	v35 =	vmul.f32 v35, v35;
	v12 =	vadd.f32 v13, v12;
	v13 =	vld.idx.msk [tilespmem:v62+s4+$0x0], $0xffff;
	v8 =	vmul.f32 v8, v8  }
0x7d: {  	v62 =	vld.idx.msk [tilespmem:v58+s4+$0x0], $0xffff;
	v63 =	vor.u32 v43, v53;
	v3 =	vadd.f32 v3, v6  }
0x7e: {  	v6 =	vadd.f32 v7, v12;
	v8 =	vadd.f32 v8, v35  }
0x7f: {  	v35 =	vmul.f32 v14, v14;
	v14 =	vor.u32 v43, v55;
	v7 =	vmul.f32 v11, v11;
	v12 =	vld.idx.msk [tilespmem:v56+s4+$0x0], $0xffff  }
0x80: {  	v38 =	vimm.s32 $0x0;
	v10 =	vld.idx.msk [tilespmem:v60+s4+$0x0], $0xffff;
	v59 =	vmul.f32 v9, v9  }
0x81: {  	v60 =	vld.idx.msk [tilespmem:v61+s4+$0x0], $0xffff;
	vm6 =	vlt.f32 v3, v2;
	v6 =	vadd.f32 v7, v6;
	v7 =	vadd.f32 v35, v8  }
0x82: {  	v2 =	vsel vm6, v3, v2;
	v3 =	vmul.f32 v13, v13;
	v61 =	vmul.f32 v62, v62;
	v13 =	vld.idx.msk [tilespmem:v63+s4+$0x0], $0xffff  }
0x83: {  	v62 =	vor.u32 v45, v52;
	vm7 =	vlt.f32 v6, v2;
	v7 =	vadd.f32 v59, v7  }
0x84: {  	v3 =	vadd.f32 v61, v3;
	v63 =	vmul.f32 v12, v12;
	v12 =	vld.idx.msk [tilespmem:v14+s4+$0x0], $0xffff;
	v14 =	vor.u32 v45, v53  }
0x85: {  	v61 =	vor.u32 v48, v52;
	v2 =	vsel vm7, v6, v2;
	v6 =	vor.u32 v43, v54  }
0x86: {  	v10 =	vmul.f32 v10, v10;
	v9 =	vmul.f32 v60, v60;
	vm1 =	vlt.f32 v7, v2  }
0x87: {  	v3 =	vadd.f32 v63, v3;
	v56 =	vmul.f32 v13, v13;
	v13 =	vor.u32 v45, v55  }
0x88: {  	v60 =	vor.u32 v45, v54;
	v35 =	vsel vm1, $0xFFFFFFFF, v38;
	v2 =	vsel vm1, v7, v2;
	v7 =	vld.idx.msk [tilespmem:v62+s4+$0x0], $0xffff  }
0x89: {  	s29 =	sadd.s32 $0xFFFFF680, s24;
	[tilespmem:$0x1FED0] =	vst v35;
	v35 =	vor.u32 v48, v55;
	v3 =	vadd.f32 v10, v3;
	v59 =	vld.idx.msk [tilespmem:v14+s4+$0x0], $0xffff  }
0x8a: {  	v58 =	vmul.f32 v12, v12;
	v6 =	vld.idx.msk [tilespmem:v6+s4+$0x0], $0xffff;
	v12 =	vadd.s32 s29, v51;
	s29 =	sadd.s32 $0xFFFFF700, s24;
	v14 =	vor.u32 v48, v53  }
0x8b: {  	v57 =	vadd.f32 v56, v9;
	v52 =	vbroadcast v12, $0x0;
	v12 =	vadd.s32 s29, v51;
	s29 =	sadd.s32 $0xFFFFF780, s24  }
0x8c: {  	vm8 =	vlt.f32 v3, v2;
	v13 =	vld.idx.msk [tilespmem:v13+s4+$0x0], $0xffff;
	v53 =	vbroadcast v12, $0x0;
	v62 =	vadd.s32 s29, v51  }
0x8d: {  	v11 =	vld.idx.msk [tilespmem:v60+s4+$0x0], $0xffff;
	v8 =	vadd.f32 v58, v57;
	v12 =	vor.u32 v0, v52;
	v55 =	vbroadcast v62, $0x0  }
0x8e: {  	v9 =	vld.idx.msk [tilespmem:v61+s4+$0x0], $0xffff;
	v7 =	vmul.f32 v7, v7;
	v63 =	vor.u32 v0, v53;
	v10 =	vmul.f32 v59, v59  }
0x8f: {  	s29 =	sadd.s32 $0xFFFFF800, s24;
	v2 =	vsel vm8, v3, v2;
	v6 =	vmul.f32 v6, v6;
	v14 =	vld.idx.msk [tilespmem:v14+s4+$0x0], $0xffff;
	v61 =	vor.u32 v0, v55  }
0x90: {  	v60 =	vadd.s32 s29, v51;
	v7 =	vadd.f32 v10, v7;
	v10 =	vor.u32 v48, v54  }
0x91: {  	v13 =	vmul.f32 v13, v13;
	v54 =	vbroadcast v60, $0x0;
	v3 =	vadd.f32 v6, v8;
	v6 =	vld.idx.msk [tilespmem:v35+s4+$0x0], $0xffff  }
0x92: {  	v62 =	vmul.f32 v11, v11;
	v8 =	vor.u32 v1, v53;
	v11 =	vld.idx.msk [tilespmem:v12+s4+$0x0], $0xffff  }
0x93: {  	v9 =	vmul.f32 v9, v9;
	v7 =	vadd.f32 v13, v7;
	v12 =	vor.u32 v0, v54;
	v13 =	vld.idx.msk [tilespmem:v63+s4+$0x0], $0xffff  }
0x94: {  	vm14 =	vlt.f32 v3, v2;
	v63 =	vor.u32 v1, v52;
	v60 =	vmul.f32 v14, v14;
	v14 =	vld.idx.msk [tilespmem:v61+s4+$0x0], $0xffff  }
0x95: {  	v2 =	vsel vm14, v3, v2;
	v61 =	vor.u32 v1, v55;
	v3 =	vadd.f32 v62, v7;
	v7 =	vld.idx.msk [tilespmem:v10+s4+$0x0], $0xffff  }
0x96: {  	v9 =	vadd.f32 v60, v9;
	v60 =	vor.u32 v4, v55  }
0x97: {  	v56 =	vor.u32 v1, v54;
	v6 =	vmul.f32 v6, v6;
	v8 =	vld.idx.msk [tilespmem:v8+s4+$0x0], $0xffff  }
0x98: {  	v11 =	vmul.f32 v11, v11;
	v62 =	vld.idx.msk [tilespmem:v12+s4+$0x0], $0xffff;
	v12 =	vor.u32 v4, v52;
	v13 =	vmul.f32 v13, v13  }
0x99: {  	v35 =	vld.idx.msk [tilespmem:v63+s4+$0x0], $0xffff;
	v63 =	vor.u32 v4, v53;
	v6 =	vadd.f32 v6, v9  }
0x9a: {  	v11 =	vadd.f32 v13, v11;
	v13 =	vmul.f32 v14, v14;
	v14 =	vld.idx.msk [tilespmem:v61+s4+$0x0], $0xffff;
	v7 =	vmul.f32 v7, v7  }
0x9b: {  	vm10 =	vlt.f32 v3, v2;
	v61 =	vor.u32 v5, v52;
	v9 =	vld.idx.msk [tilespmem:v60+s4+$0x0], $0xffff  }
0x9c: {  	v2 =	vsel vm10, v3, v2;
	v3 =	vadd.f32 v7, v6;
	v6 =	vld.idx.msk [tilespmem:v56+s4+$0x0], $0xffff;
	v7 =	vor.u32 v5, v53  }
0x9d: {  	v11 =	vadd.f32 v13, v11;
	v13 =	vor.u32 v4, v54;
	v12 =	vld.idx.msk [tilespmem:v12+s4+$0x0], $0xffff  }
0x9e: {  	v57 =	vor.u32 v5, v55;
	v8 =	vmul.f32 v8, v8;
	v10 =	vmul.f32 v62, v62;
	v56 =	vld.idx.msk [tilespmem:v63+s4+$0x0], $0xffff  }
0x9f: {  	v62 =	vmul.f32 v35, v35;
	v63 =	vor.u32 v41, v52;
	vm13 =	vlt.f32 v3, v2  }
0xa0: {  	v35 =	vld.idx.msk [tilespmem:v61+s4+$0x0], $0xffff;
	v2 =	vsel vm13, v3, v2;
	v3 =	vadd.f32 v10, v11;
	v10 =	vor.u32 v5, v54  }
0xa1: {  	v59 =	vor.u32 v41, v54;
	v60 =	vor.u32 v41, v53;
	v8 =	vadd.f32 v8, v62;
	v7 =	vld.idx.msk [tilespmem:v7+s4+$0x0], $0xffff  }
0xa2: {  	v61 =	vmul.f32 v14, v14;
	v14 =	vor.u32 v41, v55;
	v9 =	vmul.f32 v9, v9;
	v13 =	vld.idx.msk [tilespmem:v13+s4+$0x0], $0xffff  }
0xa3: {  	v57 =	vld.idx.msk [tilespmem:v57+s4+$0x0], $0xffff;
	v62 =	vor.u32 v43, v52;
	v12 =	vmul.f32 v12, v12;
	v56 =	vmul.f32 v56, v56  }
0xa4: {  	v8 =	vadd.f32 v61, v8;
	vm11 =	vlt.f32 v3, v2;
	v6 =	vmul.f32 v6, v6;
	v38 =	vld.idx.msk [tilespmem:v63+s4+$0x0], $0xffff  }
0xa5: {  	v63 =	vor.u32 v43, v53;
	v2 =	vsel vm11, v3, v2;
	v12 =	vadd.f32 v56, v12;
	v10 =	vld.idx.msk [tilespmem:v10+s4+$0x0], $0xffff  }
0xa6: {  	v58 =	vld.idx.msk [tilespmem:v60+s4+$0x0], $0xffff;
	v3 =	vmul.f32 v35, v35;
	v6 =	vadd.f32 v6, v8;
	v7 =	vmul.f32 v7, v7  }
0xa7: {  	v60 =	vadd.f32 v9, v12;
	v61 =	vmul.f32 v13, v13  }
0xa8: {  	v12 =	vld.idx.msk [tilespmem:v14+s4+$0x0], $0xffff;
	vm15 =	vlt.f32 v6, v2;
	v3 =	vadd.f32 v7, v3;
	v7 =	vmul.f32 v57, v57  }
0xa9: {  	v62 =	vld.idx.msk [tilespmem:v62+s4+$0x0], $0xffff;
	v14 =	vor.u32 v43, v55;
	v2 =	vsel vm15, v6, v2  }
0xaa: {  	v13 =	vld.idx.msk [tilespmem:v59+s4+$0x0], $0xffff;
	v8 =	vadd.f32 v61, v60;
	v6 =	vmul.f32 v10, v10;
	v3 =	vadd.f32 v7, v3  }
0xab: {  	v35 =	vor.u32 v48, v53;
	v7 =	vld.idx.msk [tilespmem:v63+s4+$0x0], $0xffff;
	v63 =	vmul.f32 v38, v38;
	v38 =	vmul.f32 v58, v58  }
0xac: {  	vm4 =	vlt.f32 v8, v2;
	v3 =	vadd.f32 v6, v3;
	v6 =	vor.u32 v43, v54  }
0xad: {  	v57 =	vmul.f32 v12, v12;
	v12 =	vor.u32 v45, v52;
	v56 =	vadd.f32 v38, v63  }
0xae: {  	v59 =	vor.u32 v45, v54;
	v2 =	vsel vm4, v8, v2;
	v58 =	vld.idx.msk [tilespmem:v14+s4+$0x0], $0xffff;
	v14 =	vor.u32 v45, v53  }
0xaf: {  	v13 =	vmul.f32 v13, v13;
	vm3 =	vlt.f32 v3, v2;
	v8 =	vadd.f32 v57, v56  }
0xb0: {  	s29 =	sadd.s32 $0xFFFFF880, s24;
	v9 =	vmul.f32 v62, v62;
	v7 =	vmul.f32 v7, v7;
	v2 =	vsel vm3, v3, v2  }
0xb1: {  	v3 =	vor.u32 v45, v55;
	v8 =	vadd.f32 v13, v8;
	v13 =	vadd.s32 s29, v51;
	v6 =	vld.idx.msk [tilespmem:v6+s4+$0x0], $0xffff  }
0xb2: {  	v60 =	vor.u32 v48, v55;
	v63 =	vld.idx.msk [tilespmem:v12+s4+$0x0], $0xffff;
	v12 =	vor.u32 v48, v52;
	s29 =	sadd.s32 $0xFFFFF900, s24;
	v52 =	vbroadcast v13, $0x0  }
0xb3: {  	v62 =	vmul.f32 v58, v58;
	v14 =	vld.idx.msk [tilespmem:v14+s4+$0x0], $0xffff;
	v7 =	vadd.f32 v7, v9;
	v13 =	vadd.s32 s29, v51;
	s29 =	sadd.s32 $0xFFFFF980, s24  }
0xb4: {  	v35 =	vld.idx.msk [tilespmem:v35+s4+$0x0], $0xffff;
	v53 =	vbroadcast v13, $0x0;
	v13 =	vadd.s32 s29, v51;
	v61 =	vor.u32 v0, v52  }
0xb5: {  	v9 =	vld.idx.msk [tilespmem:v59+s4+$0x0], $0xffff;
	vm12 =	vlt.f32 v8, v2;
	v55 =	vbroadcast v13, $0x0;
	v13 =	vor.u32 v48, v54  }
0xb6: {  	s29 =	sadd.s32 $0xFFFFFA00, s24;
	v7 =	vadd.f32 v62, v7;
	v3 =	vld.idx.msk [tilespmem:v3+s4+$0x0], $0xffff;
	v62 =	vor.u32 v0, v53;
	v6 =	vmul.f32 v6, v6  }
0xb7: {  	v11 =	vmul.f32 v63, v63;
	v12 =	vld.idx.msk [tilespmem:v12+s4+$0x0], $0xffff;
	v63 =	vadd.s32 s29, v51;
	v57 =	vor.u32 v0, v55  }
0xb8: {  	v14 =	vmul.f32 v14, v14;
	v54 =	vbroadcast v63, $0x0;
	v6 =	vadd.f32 v6, v7;
	v7 =	vld.idx.msk [tilespmem:v60+s4+$0x0], $0xffff  }
0xb9: {  	v35 =	vmul.f32 v35, v35;
	v2 =	vsel vm12, v8, v2;
	v56 =	vor.u32 v1, v52;
	v10 =	vld.idx.msk [tilespmem:v61+s4+$0x0], $0xffff  }
0xba: {  	v58 =	vor.u32 v1, v55;
	v60 =	vadd.f32 v14, v11;
	v11 =	vor.u32 v0, v54;
	v63 =	vld.idx.msk [tilespmem:v13+s4+$0x0], $0xffff  }
0xbb: {  	v14 =	vsel vm9, v16, v15;
	v13 =	vor.u32 v1, v53;
	v3 =	vmul.f32 v3, v3;
	v61 =	vld.idx.msk [tilespmem:v62+s4+$0x0], $0xffff  }
0xbc: {  	v62 =	vmul.f32 v9, v9;
	v12 =	vmul.f32 v12, v12;
	vm9 =	vlt.f32 v6, v2;
	v57 =	vld.idx.msk [tilespmem:v57+s4+$0x0], $0xffff  }
0xbd: {  	v3 =	vadd.f32 v3, v60;
	v2 =	vsel vm9, v6, v2;
	v6 =	vor.u32 v1, v54  }
0xbe: {  	v38 =	vld.idx.msk [tilespmem:v56+s4+$0x0], $0xffff;
	v56 =	vor.u32 v4, v53;
	v60 =	vadd.f32 v35, v12;
	v12 =	vor.u32 v4, v52  }
0xbf: {  	v3 =	vadd.f32 v62, v3;
	v7 =	vmul.f32 v7, v7;
	v11 =	vld.idx.msk [tilespmem:v11+s4+$0x0], $0xffff;
	v10 =	vmul.f32 v10, v10  }
0xc0: {  	v62 =	vmul.f32 v63, v63;
	v9 =	vld.idx.msk [tilespmem:v13+s4+$0x0], $0xffff;
	v13 =	vor.u32 v4, v55;
	v61 =	vmul.f32 v61, v61  }
0xc1: {  	v7 =	vadd.f32 v7, v60;
	v63 =	vmul.f32 v57, v57;
	v57 =	vld.idx.msk [tilespmem:v58+s4+$0x0], $0xffff;
	v60 =	vor.u32 v5, v52  }
0xc2: {  	vm1 =	vlt.f32 v3, v2;
	v10 =	vadd.f32 v61, v10;
	v6 =	vld.idx.msk [tilespmem:v6+s4+$0x0], $0xffff  }
0xc3: {  	v14 =	vsel vm0, v17, v14;
	v2 =	vsel vm1, v3, v2;
	v8 =	vld.idx.msk [tilespmem:v12+s4+$0x0], $0xffff;
	v3 =	vadd.f32 v62, v7  }
0xc4: {  	v35 =	vor.u32 v4, v54;
	v61 =	vor.u32 v5, v53;
	v12 =	vld.idx.msk [tilespmem:v56+s4+$0x0], $0xffff;
	v7 =	vadd.f32 v63, v10  }
0xc5: {  	v62 =	vmul.f32 v11, v11;
	v63 =	vmul.f32 v38, v38;
	v13 =	vld.idx.msk [tilespmem:v13+s4+$0x0], $0xffff;
	vm0 =	vlt.f32 v3, v2  }
0xc6: {  	v9 =	vmul.f32 v9, v9;
	v2 =	vsel vm0, v3, v2;
	v3 =	vld.idx.msk [tilespmem:v60+s4+$0x0], $0xffff;
	v60 =	vor.u32 v5, v54  }
0xc7: {  	v7 =	vadd.f32 v62, v7;
	v62 =	vor.u32 v41, v52  }
0xc8: {  	v38 =	vor.u32 v5, v55;
	v9 =	vadd.f32 v9, v63;
	v57 =	vmul.f32 v57, v57  }
0xc9: {  	v63 =	vor.u32 v41, v53;
	v61 =	vld.idx.msk [tilespmem:v61+s4+$0x0], $0xffff;
	v8 =	vmul.f32 v8, v8;
	v12 =	vmul.f32 v12, v12  }
0xca: {  	v35 =	vld.idx.msk [tilespmem:v35+s4+$0x0], $0xffff;
	v6 =	vmul.f32 v6, v6;
	v9 =	vadd.f32 v57, v9;
	v57 =	vor.u32 v41, v55  }
0xcb: {  	v8 =	vadd.f32 v12, v8;
	v12 =	vmul.f32 v13, v13;
	v13 =	vld.idx.msk [tilespmem:v60+s4+$0x0], $0xffff;
	v60 =	vor.u32 v41, v54  }
0xcc: {  	v14 =	vsel vm5, v18, v14;
	v11 =	vld.idx.msk [tilespmem:v62+s4+$0x0], $0xffff;
	v62 =	vor.u32 v43, v53  }
0xcd: {  	v58 =	vor.u32 v43, v55;
	vm5 =	vlt.f32 v7, v2;
	v38 =	vld.idx.msk [tilespmem:v38+s4+$0x0], $0xffff;
	v6 =	vadd.f32 v6, v9  }
0xce: {  	v2 =	vsel vm5, v7, v2;
	v7 =	vld.idx.msk [tilespmem:v63+s4+$0x0], $0xffff;
	v10 =	vmul.f32 v61, v61;
	v61 =	vor.u32 v43, v52  }
0xcf: {  	v14 =	vsel vm2, v19, v14;
	vm2 =	vlt.f32 v6, v2;
	v57 =	vld.idx.msk [tilespmem:v57+s4+$0x0], $0xffff  }
0xd0: {  	v8 =	vadd.f32 v12, v8;
	v12 =	vmul.f32 v35, v35;
	v2 =	vsel vm2, v6, v2;
	v6 =	vld.idx.msk [tilespmem:v60+s4+$0x0], $0xffff  }
0xd1: {  	v14 =	vsel vm6, v20, v14;
	v56 =	vor.u32 v43, v54;
	v3 =	vmul.f32 v3, v3;
	v9 =	vld.idx.msk [tilespmem:v62+s4+$0x0], $0xffff  }
0xd2: {  	v8 =	vadd.f32 v12, v8;
	v60 =	vmul.f32 v13, v13;
	v13 =	vsel vm7, v21, v14;
	v14 =	vld.idx.msk [tilespmem:v58+s4+$0x0], $0xffff  }
0xd3: {  	v3 =	vadd.f32 v10, v3;
	v63 =	vmul.f32 v38, v38;
	v11 =	vmul.f32 v11, v11;
	v12 =	vld.idx.msk [tilespmem:v61+s4+$0x0], $0xffff  }
0xd4: {  	v7 =	vmul.f32 v7, v7;
	v62 =	vmul.f32 v57, v57;
	v57 =	vld [tilespmem:$0x1FED0]  }
0xd5: {  	v35 =	vor.u32 v48, v53;
	vm6 =	vlt.f32 v8, v2;
	v3 =	vadd.f32 v63, v3  }
0xd6: {  	v63 =	vor.u32 v45, v53;
	v61 =	vor.u32 v45, v52;
	v7 =	vadd.f32 v7, v11  }
0xd7: {  	v2 =	vsel vm6, v8, v2;
	v58 =	vimm.s32 $0x0;
	v8 =	vld.idx.msk [tilespmem:v56+s4+$0x0], $0xffff;
	v3 =	vadd.f32 v60, v3  }
0xd8: {  	v7 =	vadd.f32 v62, v7;
	v6 =	vmul.f32 v6, v6;
	v9 =	vmul.f32 v9, v9  }
0xd9: {  	v60 =	vmul.f32 v14, v14;
	v59 =	vmul.f32 v12, v12;
	vm7 =	vnez.u8 v57  }
0xda: {  	s29 =	sadd.s32 $0xFFFFFA80, s24;
	v12 =	vor.u32 v45, v55;
	v13 =	vsel vm7, v22, v13;
	vm7 =	vlt.f32 v3, v2  }
0xdb: {  	v14 =	vadd.s32 s29, v51;
	v2 =	vsel vm7, v3, v2;
	v3 =	vadd.f32 v6, v7;
	v6 =	vld.idx.msk [tilespmem:v61+s4+$0x0], $0xffff  }
0xdc: {  	v62 =	vor.u32 v45, v54;
	s29 =	sadd.s32 $0xFFFFFB00, s24;
	v8 =	vmul.f32 v8, v8;
	v56 =	vbroadcast v14, $0x0;
	v61 =	vld.idx.msk [tilespmem:v63+s4+$0x0], $0xffff  }
0xdd: {  	v14 =	vadd.s32 s29, v51;
	v13 =	vsel vm8, v23, v13;
	v7 =	vadd.f32 v9, v59  }
0xde: {  	v38 =	vsel vm7, $0xFFFFFFFF, v58;
	v63 =	vor.u32 v48, v52;
	v13 =	vsel vm14, v24, v13  }
0xdf: {  	vm14 =	vlt.f32 v3, v2;
	v7 =	vadd.f32 v60, v7;
	v12 =	vld.idx.msk [tilespmem:v12+s4+$0x0], $0xffff;
	v60 =	vor.u32 v48, v55  }
0xe0: {  	s29 =	sadd.s32 $0xFFFFFB80, s24;
	v55 =	vbroadcast v14, $0x0;
	v14 =	vor.u32 v0, v56;
	v13 =	vsel vm10, v25, v13  }
0xe1: {  	v11 =	vld.idx.msk [tilespmem:v62+s4+$0x0], $0xffff;
	v2 =	vsel vm14, v3, v2;
	v10 =	vmul.f32 v61, v61;
	v61 =	vadd.s32 s29, v51  }
0xe2: {  	v62 =	vor.u32 v0, v55;
	v6 =	vmul.f32 v6, v6;
	s29 =	sadd.s32 $0xFFFFFC00, s24;
	v52 =	vbroadcast v61, $0x0  }
0xe3: {  	v13 =	vsel vm13, v26, v13;
	v9 =	vld.idx.msk [tilespmem:v63+s4+$0x0], $0xffff;
	v63 =	vor.u32 v48, v54;
	v58 =	vadd.s32 s29, v51  }
0xe4: {  	v35 =	vld.idx.msk [tilespmem:v35+s4+$0x0], $0xffff;
	v6 =	vadd.f32 v10, v6;
	v12 =	vmul.f32 v12, v12;
	v59 =	vor.u32 v0, v52  }
0xe5: {  	[tilespmem:$0x1FEE0] =	vst v38;
	v3 =	vadd.f32 v8, v7;
	v61 =	vor.u32 v1, v56;
	v53 =	vbroadcast v58, $0x0;
	v7 =	vld.idx.msk [tilespmem:v60+s4+$0x0], $0xffff  }
0xe6: {  	v8 =	vor.u32 v1, v55;
	v60 =	vmul.f32 v11, v11;
	v11 =	vld.idx.msk [tilespmem:v14+s4+$0x0], $0xffff;
	v6 =	vadd.f32 v12, v6  }
0xe7: {  	v13 =	vsel vm11, v27, v13;
	vm7 =	vlt.f32 v3, v2;
	v12 =	vor.u32 v0, v53;
	v14 =	vld.idx.msk [tilespmem:v62+s4+$0x0], $0xffff  }
0xe8: {  	v13 =	vsel vm15, v28, v13;
	v2 =	vsel vm7, v3, v2;
	v3 =	vadd.f32 v60, v6;
	v6 =	vld.idx.msk [tilespmem:v63+s4+$0x0], $0xffff  }
0xe9: {  	v62 =	vmul.f32 v35, v35;
	v9 =	vmul.f32 v9, v9;
	v63 =	vor.u32 v1, v52;
	v35 =	vld.idx.msk [tilespmem:v59+s4+$0x0], $0xffff  }
0xea: {  	v13 =	vsel vm4, v29, v13;
	v57 =	vor.u32 v1, v53;
	v38 =	vld.idx.msk [tilespmem:v61+s4+$0x0], $0xffff;
	v61 =	vor.u32 v4, v55  }
0xeb: {  	v9 =	vadd.f32 v62, v9;
	v7 =	vmul.f32 v7, v7;
	v11 =	vmul.f32 v11, v11  }
0xec: {  	v62 =	vor.u32 v4, v52;
	vm11 =	vlt.f32 v3, v2;
	v60 =	vld.idx.msk [tilespmem:v12+s4+$0x0], $0xffff;
	v14 =	vmul.f32 v14, v14  }
0xed: {  	v8 =	vld.idx.msk [tilespmem:v8+s4+$0x0], $0xffff;
	v12 =	vor.u32 v4, v56;
	v7 =	vadd.f32 v7, v9;
	v6 =	vmul.f32 v6, v6  }
0xee: {  	v11 =	vadd.f32 v14, v11;
	v14 =	vmul.f32 v35, v35;
	v35 =	vld.idx.msk [tilespmem:v63+s4+$0x0], $0xffff;
	v63 =	vor.u32 v5, v56  }
0xef: {  	v2 =	vsel vm11, v3, v2;
	v3 =	vadd.f32 v6, v7;
	v6 =	vld.idx.msk [tilespmem:v57+s4+$0x0], $0xffff;
	v7 =	vor.u32 v5, v55  }
0xf0: {  	v13 =	vsel vm3, v30, v13;
	v58 =	vor.u32 v5, v52;
	v57 =	vld.idx.msk [tilespmem:v61+s4+$0x0], $0xffff;
	v61 =	vor.u32 v41, v56  }
0xf1: {  	v9 =	vld.idx.msk [tilespmem:v62+s4+$0x0], $0xffff;
	v10 =	vmul.f32 v60, v60;
	v11 =	vadd.f32 v14, v11;
	v14 =	vor.u32 v4, v53  }
0xf2: {  	v8 =	vmul.f32 v8, v8;
	v62 =	vor.u32 v41, v55;
	v12 =	vld.idx.msk [tilespmem:v12+s4+$0x0], $0xffff;
	vm13 =	vlt.f32 v3, v2  }
0xf3: {  	v60 =	vmul.f32 v38, v38;
	v2 =	vsel vm13, v3, v2;
	v3 =	vadd.f32 v10, v11;
	v11 =	vld.idx.msk [tilespmem:v63+s4+$0x0], $0xffff  }
0xf4: {  	v13 =	vsel vm12, v31, v13;
	v7 =	vld.idx.msk [tilespmem:v7+s4+$0x0], $0xffff  }
0xf5: {  	v13 =	vsel vm9, v32, v13;
	v59 =	vor.u32 v41, v52;
	v8 =	vadd.f32 v8, v60;
	v61 =	vld.idx.msk [tilespmem:v61+s4+$0x0], $0xffff  }
0xf6: {  	v9 =	vmul.f32 v9, v9;
	v63 =	vmul.f32 v35, v35;
	v35 =	vor.u32 v5, v53;
	v14 =	vld.idx.msk [tilespmem:v14+s4+$0x0], $0xffff  }
0xf7: {  	v58 =	vld.idx.msk [tilespmem:v58+s4+$0x0], $0xffff;
	v57 =	vmul.f32 v57, v57;
	vm10 =	vlt.f32 v3, v2;
	v12 =	vmul.f32 v12, v12  }
0xf8: {  	v62 =	vld.idx.msk [tilespmem:v62+s4+$0x0], $0xffff;
	v6 =	vmul.f32 v6, v6;
	v2 =	vsel vm10, v3, v2;
	v3 =	vadd.f32 v63, v8  }
0xf9: {  	v60 =	vadd.f32 v57, v12;
	v12 =	vor.u32 v41, v53;
	v57 =	vor.u32 v43, v56  }
0xfa: {  	v3 =	vadd.f32 v6, v3;
	v6 =	vmul.f32 v11, v11;
	v7 =	vmul.f32 v7, v7  }
0xfb: {  	v8 =	vadd.f32 v9, v60;
	v60 =	vmul.f32 v61, v61;
	v63 =	vmul.f32 v14, v14;
	v14 =	vld.idx.msk [tilespmem:v35+s4+$0x0], $0xffff  }
0xfc: {  	v6 =	vadd.f32 v7, v6;
	v7 =	vmul.f32 v58, v58;
	v58 =	vld.idx.msk [tilespmem:v59+s4+$0x0], $0xffff;
	v59 =	vor.u32 v43, v55  }
0xfd: {  	v61 =	vmul.f32 v62, v62;
	v62 =	vor.u32 v43, v52;
	vm3 =	vlt.f32 v3, v2  }
0xfe: {  	v2 =	vsel vm3, v3, v2;
	v3 =	vadd.f32 v63, v8;
	v6 =	vadd.f32 v7, v6;
	v7 =	vld.idx.msk [tilespmem:v12+s4+$0x0], $0xffff  }
0xff: {  	v8 =	vadd.f32 v61, v60;
	v60 =	vsel vm1, v33, v13;
	v13 =	vor.u32 v45, v52  }
0x100: {  	v12 =	vld.idx.msk [tilespmem:v57+s4+$0x0], $0xffff;
	v63 =	vmul.f32 v14, v14;
	v14 =	vor.u32 v45, v56  }
0x101: {  	vm8 =	vlt.f32 v3, v2;
	v57 =	vmul.f32 v58, v58;
	v58 =	vld.idx.msk [tilespmem:v59+s4+$0x0], $0xffff;
	v59 =	vor.u32 v45, v55  }
0x102: {  	v2 =	vsel vm8, v3, v2;
	v3 =	vadd.f32 v63, v6  }
0x103: {  	v10 =	vld.idx.msk [tilespmem:v62+s4+$0x0], $0xffff;
	v6 =	vor.u32 v43, v53;
	v8 =	vadd.f32 v57, v8;
	v7 =	vmul.f32 v7, v7  }
0x104: {  	v61 =	vor.u32 v48, v56;
	v62 =	vor.u32 v48, v55;
	v13 =	vld.idx.msk [tilespmem:v13+s4+$0x0], $0xffff;
	vm1 =	vlt.f32 v3, v2  }
0x105: {  	s29 =	sadd.s32 $0xFFFFFC80, s24;
	v11 =	vsel vm0, v34, v60;
	v2 =	vsel vm1, v3, v2;
	v3 =	vadd.f32 v7, v8;
	v7 =	vld.idx.msk [tilespmem:v14+s4+$0x0], $0xffff  }
0x106: {  	v12 =	vmul.f32 v12, v12;
	v63 =	vadd.s32 s29, v51;
	v14 =	vmul.f32 v58, v58;
	v9 =	vld.idx.msk [tilespmem:v59+s4+$0x0], $0xffff  }
0x107: {  	v56 =	vor.u32 v48, v53;
	v54 =	vbroadcast v63, $0x0;
	vm0 =	vlt.f32 v3, v2  }
0x108: {  	s29 =	sadd.s32 $0xFFFFFD00, s24;
	v6 =	vld.idx.msk [tilespmem:v6+s4+$0x0], $0xffff;
	v2 =	vsel vm0, v3, v2;
	v3 =	vadd.f32 v14, v12;
	v12 =	vor.u32 v45, v53  }
0x109: {  	v10 =	vmul.f32 v10, v10;
	v14 =	vor.u32 v48, v52;
	v52 =	vadd.s32 s29, v51  }
0x10a: {  	v60 =	vor.u32 v0, v54;
	v63 =	vmul.f32 v13, v13;
	s29 =	sadd.s32 $0xFFFFFD80, s24;
	v55 =	vbroadcast v52, $0x0  }
0x10b: {  	v35 =	vld.idx.msk [tilespmem:v62+s4+$0x0], $0xffff;
	v53 =	vadd.s32 s29, v51;
	s29 =	sadd.s32 $0xFFFFFE00, s24;
	v7 =	vmul.f32 v7, v7;
	v9 =	vmul.f32 v9, v9  }
0x10c: {  	v8 =	vld.idx.msk [tilespmem:v61+s4+$0x0], $0xffff;
	v53 =	vbroadcast v53, $0x0;
	v61 =	vadd.s32 s29, v51;
	v3 =	vadd.f32 v10, v3  }
0x10d: {  	v62 =	vor.u32 v0, v55;
	v6 =	vmul.f32 v6, v6;
	v7 =	vadd.f32 v9, v7;
	v12 =	vld.idx.msk [tilespmem:v12+s4+$0x0], $0xffff  }
0x10e: {  	v52 =	vbroadcast v61, $0x0;
	v10 =	vld.idx.msk [tilespmem:v14+s4+$0x0], $0xffff;
	v14 =	vor.u32 v0, v53  }
0x10f: {  	v3 =	vadd.f32 v6, v3;
	v6 =	vadd.f32 v63, v7;
	v7 =	vld.idx.msk [tilespmem:v60+s4+$0x0], $0xffff;
	v60 =	vor.u32 v1, v55  }
0x110: {  	v13 =	vor.u32 v0, v52  }
0x111: {  	v38 =	vld.idx.msk [tilespmem:v56+s4+$0x0], $0xffff;
	v56 =	vor.u32 v1, v54  }
0x112: {  	v35 =	vmul.f32 v35, v35;
	v8 =	vmul.f32 v8, v8;
	v61 =	vld.idx.msk [tilespmem:v62+s4+$0x0], $0xffff  }
0x113: {  	v63 =	vor.u32 v4, v54;
	v12 =	vmul.f32 v12, v12;
	v14 =	vld.idx.msk [tilespmem:v14+s4+$0x0], $0xffff  }
0x114: {  	v8 =	vadd.f32 v35, v8;
	v62 =	vor.u32 v1, v53;
	v10 =	vmul.f32 v10, v10;
	v9 =	vld.idx.msk [tilespmem:v60+s4+$0x0], $0xffff  }
0x115: {  	vm4 =	vlt.f32 v3, v2;
	v60 =	vor.u32 v4, v53;
	v6 =	vadd.f32 v12, v6;
	v12 =	vld.idx.msk [tilespmem:v13+s4+$0x0], $0xffff  }
0x116: {  	v2 =	vsel vm4, v3, v2;
	v13 =	vor.u32 v4, v55;
	v3 =	vadd.f32 v10, v8;
	v10 =	vld.idx.msk [tilespmem:v56+s4+$0x0], $0xffff  }
0x117: {  	v59 =	vmul.f32 v38, v38;
	v38 =	vor.u32 v1, v52;
	v7 =	vmul.f32 v7, v7  }
0x118: {  	v56 =	vld.idx.msk [tilespmem:v63+s4+$0x0], $0xffff;
	v35 =	vmul.f32 v61, v61;
	v61 =	vor.u32 v4, v52;
	vm9 =	vlt.f32 v6, v2  }
0x119: {  	v3 =	vadd.f32 v59, v3;
	v2 =	vsel vm9, v6, v2;
	v6 =	vld.idx.msk [tilespmem:v62+s4+$0x0], $0xffff;
	v62 =	vor.u32 v5, v54  }
0x11a: {  	v63 =	vor.u32 v5, v55;
	v7 =	vadd.f32 v35, v7;
	v14 =	vmul.f32 v14, v14;
	v8 =	vld.idx.msk [tilespmem:v60+s4+$0x0], $0xffff  }
0x11b: {  	vm12 =	vlt.f32 v3, v2;
	v9 =	vmul.f32 v9, v9;
	v13 =	vld.idx.msk [tilespmem:v13+s4+$0x0], $0xffff;
	v10 =	vmul.f32 v10, v10  }
0x11c: {  	v11 =	vsel vm5, v36, v11;
	v2 =	vsel vm12, v3, v2;
	v3 =	vld.idx.msk [tilespmem:v38+s4+$0x0], $0xffff  }
0x11d: {  	v7 =	vadd.f32 v14, v7;
	v12 =	vmul.f32 v12, v12;
	v9 =	vadd.f32 v9, v10;
	v10 =	vld.idx.msk [tilespmem:v61+s4+$0x0], $0xffff  }
0x11e: {  	v11 =	vsel vm2, v37, v11;
	v14 =	vor.u32 v5, v53;
	v57 =	vld.idx.msk [tilespmem:v62+s4+$0x0], $0xffff  }
0x11f: {  	v11 =	vsel vm6, v39, v11;
	v35 =	vor.u32 v41, v53;
	v7 =	vadd.f32 v12, v7;
	v62 =	vld.idx.msk [tilespmem:v63+s4+$0x0], $0xffff  }
0x120: {  	v60 =	vor.u32 v5, v52;
	v56 =	vmul.f32 v56, v56;
	v6 =	vmul.f32 v6, v6;
	v63 =	vld [tilespmem:$0x1FEE0]  }
0x121: {  	v61 =	vor.u32 v41, v54;
	v12 =	vor.u32 v41, v55;
	vm6 =	vlt.f32 v7, v2  }
0x122: {  	v13 =	vmul.f32 v13, v13;
	v6 =	vadd.f32 v6, v9;
	v3 =	vmul.f32 v3, v3  }
0x123: {  	v38 =	vor.u32 v48, v54;
	v8 =	vmul.f32 v8, v8;
	v14 =	vld.idx.msk [tilespmem:v14+s4+$0x0], $0xffff;
	v2 =	vsel vm6, v7, v2  }
0x124: {  	v13 =	vadd.f32 v13, v56;
	v56 =	vor.u32 v43, v54;
	v3 =	vadd.f32 v3, v6  }
0x125: {  	v6 =	vld.idx.msk [tilespmem:v60+s4+$0x0], $0xffff;
	v60 =	vor.u32 v43, v55;
	v10 =	vmul.f32 v10, v10;
	vm2 =	vnez.u8 v63  }
0x126: {  	v12 =	vld.idx.msk [tilespmem:v12+s4+$0x0], $0xffff;
	v57 =	vmul.f32 v57, v57;
	v9 =	vmul.f32 v62, v62;
	v62 =	vor.u32 v43, v53  }
0x127: {  	v11 =	vsel vm2, v40, v11;
	v8 =	vadd.f32 v8, v13;
	v13 =	vld.idx.msk [tilespmem:v61+s4+$0x0], $0xffff;
	v61 =	vor.u32 v41, v52  }
0x128: {  	v63 =	vld.idx.msk [tilespmem:v35+s4+$0x0], $0xffff;
	vm2 =	vlt.f32 v3, v2;
	v9 =	vadd.f32 v9, v57;
	v57 =	vmul.f32 v14, v14  }
0x129: {  	v35 =	vsel vm14, v42, v11;
	v2 =	vsel vm2, v3, v2;
	v11 =	vor.u32 v45, v53  }
0x12a: {  	v7 =	vadd.f32 v10, v8;
	v10 =	vsel vm7, v44, v35;
	v14 =	vld.idx.msk [tilespmem:v56+s4+$0x0], $0xffff;
	v9 =	vadd.f32 v57, v9  }
0x12b: {  	v3 =	vld.idx.msk [tilespmem:v60+s4+$0x0], $0xffff;
	v6 =	vmul.f32 v6, v6;
	v12 =	vmul.f32 v12, v12;
	v60 =	vor.u32 v43, v52  }
0x12c: {  	v10 =	vsel vm11, v46, v10;
	vm14 =	vlt.f32 v7, v2;
	v58 =	vld.idx.msk [tilespmem:v61+s4+$0x0], $0xffff;
	v13 =	vmul.f32 v13, v13  }
0x12d: {  	v59 =	vld.idx.msk [tilespmem:v62+s4+$0x0], $0xffff;
	v8 =	vmul.f32 v63, v63;
	v2 =	vsel vm14, v7, v2;
	v61 =	vor.u32 v45, v54  }
0x12e: {  	v6 =	vadd.f32 v6, v9;
	v7 =	vadd.f32 v12, v13;
	v13 =	vor.u32 v45, v55  }
0x12f: {  	v62 =	vor.u32 v45, v52;
	v63 =	vor.u32 v48, v55;
	v10 =	vsel vm13, v47, v10  }
0x130: {  	vm7 =	vlt.f32 v6, v2;
	v12 =	vmul.f32 v14, v14;
	v3 =	vmul.f32 v3, v3;
	v14 =	vld.idx.msk [tilespmem:v60+s4+$0x0], $0xffff  }
0x131: {  	s29 =	sadd.s32 $0xFFFFFE80, s24;
	v2 =	vsel vm7, v6, v2;
	v6 =	vld.idx.msk [tilespmem:v38+s4+$0x0], $0xffff;
	v7 =	vadd.f32 v8, v7;
	v8 =	vmul.f32 v58, v58  }
0x132: {  	v3 =	vadd.f32 v3, v12;
	v12 =	vmul.f32 v59, v59;
	v59 =	vadd.s32 s29, v51;
	s29 =	sadd.s32 $0xFFFFFF00, s24;
	v9 =	vld.idx.msk [tilespmem:v61+s4+$0x0], $0xffff  }
0x133: {  	v61 =	vor.u32 v48, v53;
	v54 =	vbroadcast v59, $0x0;
	v60 =	vadd.s32 s29, v51;
	v13 =	vld.idx.msk [tilespmem:v13+s4+$0x0], $0xffff  }
0x134: {  	s29 =	sadd.s32 $0xFFFFFF80, s24;
	v53 =	vbroadcast v60, $0x0;
	v7 =	vadd.f32 v8, v7;
	v3 =	vadd.f32 v12, v3;
	v8 =	vld.idx.msk [tilespmem:v11+s4+$0x0], $0xffff  }
0x135: {  	v11 =	vor.u32 v0, v54;
	v12 =	vmul.f32 v14, v14;
	v14 =	vld.idx.msk [tilespmem:v62+s4+$0x0], $0xffff;
	v62 =	vadd.s32 s29, v51  }
0x136: {  	v10 =	vsel vm10, v49, v10;
	v58 =	vor.u32 v0, v53;
	v55 =	vbroadcast v62, $0x0  }
0x137: {  	vm15 =	vlt.f32 v7, v2;
	v3 =	vadd.f32 v12, v3;
	v12 =	vld.idx.msk [tilespmem:v63+s4+$0x0], $0xffff;
	v63 =	vor.u32 v48, v52  }
0x138: {  	v9 =	vmul.f32 v9, v9;
	v52 =	vld.idx.msk [tilespmem:v61+s4+$0x0], $0xffff;
	v61 =	vadd.s32 s24, v51;
	v60 =	vor.u32 v0, v55  }
0x139: {  	v2 =	vsel vm15, v7, v2;
	v35 =	vbroadcast v61, $0x0;
	v7 =	vmul.f32 v13, v13  }
0x13a: {  	v10 =	vsel vm3, v50, v10;
	v6 =	vmul.f32 v6, v6;
	vm3 =	vlt.f32 v3, v2;
	v11 =	vld.idx.msk [tilespmem:v11+s4+$0x0], $0xffff  }
0x13b: {  	v8 =	vmul.f32 v8, v8;
	v62 =	vor.u32 v0, v35;
	v13 =	vld.idx.msk [tilespmem:v58+s4+$0x0], $0xffff;
	v7 =	vadd.f32 v7, v9  }
0x13c: {  	v61 =	vor.u32 v1, v53;
	v2 =	vsel vm3, v3, v2;
	v3 =	vld.idx.msk [tilespmem:v63+s4+$0x0], $0xffff;
	v12 =	vmul.f32 v12, v12  }
0x13d: {  	v63 =	vmul.f32 v14, v14;
	v7 =	vadd.f32 v8, v7;
	v14 =	vld.idx.msk [tilespmem:v60+s4+$0x0], $0xffff;
	v60 =	vor.u32 v1, v54  }
0x13e: {  	v56 =	vor.u32 v1, v55;
	v58 =	vor.u32 v43, v55;
	v6 =	vadd.f32 v12, v6  }
0x13f: {  	v12 =	vmul.f32 v52, v52;
	v11 =	vmul.f32 v11, v11;
	v7 =	vadd.f32 v63, v7  }
0x140: {  	v8 =	vld.idx.msk [tilespmem:v62+s4+$0x0], $0xffff;
	v62 =	vor.u32 v4, v54;
	v63 =	vor.u32 v1, v35;
	v13 =	vmul.f32 v13, v13  }
0x141: {  	v6 =	vadd.f32 v12, v6;
	v12 =	vor.u32 v4, v53;
	v3 =	vmul.f32 v3, v3  }
0x142: {  	v11 =	vadd.f32 v13, v11;
	v13 =	vmul.f32 v14, v14;
	v14 =	vld.idx.msk [tilespmem:v60+s4+$0x0], $0xffff;
	v60 =	vor.u32 $0x800002A0, v0  }
0x143: {  	v52 =	vld.idx.msk [tilespmem:v61+s4+$0x0], $0xffff;
	v61 =	vor.u32 v4, v55;
	v10 =	vsel vm8, v60, v10;
	vm8 =	vlt.f32 v7, v2  }
0x144: {  	v3 =	vadd.f32 v3, v6;
	v60 =	vor.u32 $0x800002C0, v0;
	v2 =	vsel vm8, v7, v2;
	v7 =	vld.idx.msk [tilespmem:v56+s4+$0x0], $0xffff  }
0x145: {  	v6 =	vadd.f32 v13, v11;
	v8 =	vmul.f32 v8, v8;
	v9 =	vld.idx.msk [tilespmem:v62+s4+$0x0], $0xffff;
	v13 =	vor.u32 $0x800002B0, v0  }
0x146: {  	v62 =	vor.u32 v4, v35;
	v10 =	vsel vm1, v13, v10;
	vm1 =	vlt.f32 v3, v2;
	v12 =	vld.idx.msk [tilespmem:v12+s4+$0x0], $0xffff  }
0x147: {  	v13 =	vor.u32 v5, v54;
	v2 =	vsel vm1, v3, v2;
	v3 =	vadd.f32 v8, v6;
	v6 =	vld.idx.msk [tilespmem:v63+s4+$0x0], $0xffff  }
0x148: {  	v38 =	vld.idx.msk [tilespmem:v61+s4+$0x0], $0xffff;
	v63 =	vmul.f32 v14, v14;
	v14 =	vmul.f32 v52, v52;
	v52 =	vor.u32 v5, v53  }
0x149: {  	v61 =	vor.u32 v5, v55;
	v10 =	vsel vm0, v60, v10;
	v60 =	vor.u32 v41, v55  }
0x14a: {  	v58 =	vld.idx.msk [tilespmem:v58+s4+$0x0], $0xffff;
	v8 =	vadd.f32 v14, v63;
	v7 =	vmul.f32 v7, v7;
	v14 =	vor.u32 v5, v35  }
0x14b: {  	vm0 =	vlt.f32 v3, v2;
	v11 =	vld.idx.msk [tilespmem:v62+s4+$0x0], $0xffff;
	v9 =	vmul.f32 v9, v9;
	v12 =	vmul.f32 v12, v12  }
0x14c: {  	v62 =	vor.u32 v41, v54;
	v13 =	vld.idx.msk [tilespmem:v13+s4+$0x0], $0xffff;
	v7 =	vadd.f32 v7, v8;
	v6 =	vmul.f32 v6, v6  }
0x14d: {  	v63 =	vor.u32 v41, v53;
	v9 =	vadd.f32 v12, v9;
	v12 =	vmul.f32 v38, v38;
	v38 =	vld.idx.msk [tilespmem:v52+s4+$0x0], $0xffff  }
0x14e: {  	v2 =	vsel vm0, v3, v2;
	v3 =	vadd.f32 v6, v7;
	v6 =	vld.idx.msk [tilespmem:v61+s4+$0x0], $0xffff;
	v7 =	vor.u32 v41, v35  }
0x14f: {  	v61 =	vor.u32 $0x800002D0, v0;
	v9 =	vadd.f32 v12, v9;
	v12 =	vld.idx.msk [tilespmem:v14+s4+$0x0], $0xffff;
	v14 =	vor.u32 v43, v54  }
0x150: {  	v57 =	vor.u32 v43, v53;
	v52 =	vld.idx.msk [tilespmem:v60+s4+$0x0], $0xffff;
	v10 =	vsel vm4, v61, v10  }
0x151: {  	v56 =	vld.idx.msk [tilespmem:v62+s4+$0x0], $0xffff;
	v62 =	vor.u32 $0x800002E0, v0;
	v61 =	vor.u32 v45, v55;
	v55 =	vor.u32 v48, v55  }
0x152: {  	v59 =	vor.u32 v45, v54;
	v8 =	vld.idx.msk [tilespmem:v63+s4+$0x0], $0xffff;
	v10 =	vsel vm9, v62, v10;
	v62 =	vor.u32 v45, v35  }
0x153: {  	v60 =	vor.u32 $0x800002F0, v0;
	v13 =	vmul.f32 v13, v13;
	v38 =	vmul.f32 v38, v38;
	v7 =	vld.idx.msk [tilespmem:v7+s4+$0x0], $0xffff  }
0x154: {  	v11 =	vmul.f32 v11, v11;
	v10 =	vsel vm12, v60, v10;
	v60 =	vor.u32 v45, v53;
	v63 =	vld.idx.msk [tilespmem:v14+s4+$0x0], $0xffff  }
0x155: {  	v54 =	vor.u32 v48, v54;
	v13 =	vadd.f32 v38, v13;
	v38 =	vld.idx.msk [tilespmem:v57+s4+$0x0], $0xffff  }
0x156: {  	vm4 =	vlt.f32 v3, v2;
	v9 =	vadd.f32 v11, v9;
	v6 =	vmul.f32 v6, v6;
	v55 =	vld.idx.msk [tilespmem:v55+s4+$0x0], $0xffff  }
0x157: {  	v14 =	vor.u32 v43, v35;
	v56 =	vmul.f32 v56, v56;
	v8 =	vmul.f32 v8, v8;
	v62 =	vld.idx.msk [tilespmem:v62+s4+$0x0], $0xffff  }
0x158: {  	v2 =	vsel vm4, v3, v2;
	v3 =	vadd.f32 v6, v13;
	v6 =	vld.idx.msk [tilespmem:v59+s4+$0x0], $0xffff;
	v13 =	vor.u32 v48, v53  }
0x159: {  	v52 =	vmul.f32 v52, v52;
	v12 =	vmul.f32 v12, v12;
	v8 =	vadd.f32 v8, v56;
	v53 =	vld.idx.msk [tilespmem:v60+s4+$0x0], $0xffff  }
0x15a: {  	vm9 =	vlt.f32 v9, v2;
	v60 =	vld.idx.msk [tilespmem:v61+s4+$0x0], $0xffff  }
0x15b: {  	v3 =	vadd.f32 v12, v3;
	v8 =	vadd.f32 v52, v8;
	v12 =	vld.idx.msk [tilespmem:v54+s4+$0x0], $0xffff;
	v7 =	vmul.f32 v7, v7  }
0x15c: {  	v35 =	vor.u32 v48, v35;
	v14 =	vld.idx.msk [tilespmem:v14+s4+$0x0], $0xffff;
	v63 =	vmul.f32 v63, v63;
	v59 =	vmul.f32 v38, v38  }
0x15d: {  	v2 =	vsel vm9, v9, v2;
	v61 =	vmul.f32 v58, v58;
	v7 =	vadd.f32 v7, v8;
	v13 =	vld.idx.msk [tilespmem:v13+s4+$0x0], $0xffff  }
0x15e: {  	vm12 =	vlt.f32 v3, v2;
	v58 =	vmul.f32 v62, v62;
	v9 =	vadd.f32 v59, v63  }
0x15f: {  	v6 =	vmul.f32 v6, v6;
	v53 =	vmul.f32 v53, v53;
	v2 =	vsel vm12, v3, v2  }
0x160: {  	v8 =	vmul.f32 v55, v55;
	v57 =	vmul.f32 v60, v60;
	vm13 =	vlt.f32 v7, v2  }
0x161: {  	v3 =	vadd.f32 v61, v9;
	v6 =	vadd.f32 v53, v6;
	v56 =	vmul.f32 v14, v14;
	v14 =	vld.idx.msk [tilespmem:v35+s4+$0x0], $0xffff  }
0x162: {  	v2 =	vsel vm13, v7, v2;
	v7 =	vmul.f32 v12, v12;
	v12 =	vmul.f32 v13, v13  }
0x163: {  	v63 =	vor.u32 $0x80000300, v0;
	v59 =	vor.u32 $0x80000310, v0;
	v6 =	vadd.f32 v57, v6  }
0x164: {  	v10 =	vsel vm6, v63, v10;
	v3 =	vadd.f32 v56, v3;
	v7 =	vadd.f32 v12, v7  }
0x165: {  	v10 =	vsel vm2, v59, v10;
	v61 =	vor.u32 $0x80000320, v0;
	v6 =	vadd.f32 v58, v6  }
0x166: {  	vm2 =	vlt.f32 v3, v2;
	v60 =	vmul.f32 v14, v14;
	v7 =	vadd.f32 v8, v7  }
0x167: {  	v9 =	vsel vm14, v61, v10;
	v2 =	vsel vm2, v3, v2  }
0x168: {  	vm14 =	vlt.f32 v6, v2;
	v3 =	vadd.f32 v60, v7;
	v7 =	vor.u32 $0x80000330, v0  }
0x169: {  	v2 =	vsel vm14, v6, v2;
	v6 =	vor.u32 $0x80000340, v0;
	v7 =	vsel vm7, v7, v9  }
0x16a: {  	v6 =	vsel vm15, v6, v7;
	vm15 =	vlt.f32 v3, v2;
	v7 =	vor.u32 $0x80000350, v0  }
0x16b: {  	v6 =	vsel vm3, v7, v6;
	v2 =	vsel vm15, v3, v2;
	v3 =	vor.u32 $0x80000360, v0  }
0x16c: {  	v3 =	vsel vm8, v3, v6;
	v6 =	vor.u32 $0x80000370, v0  }
0x16d: {  	v3 =	vsel vm1, v6, v3;
	v6 =	vor.u32 $0x80000380, v0  }
0x16e: {  	v3 =	vsel vm0, v6, v3;
	v6 =	vor.u32 $0x80000390, v0  }
0x16f: {  	v3 =	vsel vm4, v6, v3;
	v6 =	vor.u32 $0x800003A0, v0  }
0x170: {  	v3 =	vsel vm9, v6, v3;
	v6 =	vor.u32 $0x800003B0, v0  }
0x171: {  	(xrf0) =	vmin.scan.msk.f32 $0xffff, v2;
	v3 =	vsel vm12, v6, v3;
	v6 =	vor.u32 $0x800003C0, v0  }
0x172: {  	v7 =	vor.u32 $0x800003D0, v0;
	v3 =	vsel vm13, v6, v3  }
0x173: {  	v3 =	vsel vm2, v7, v3;
	v7 =	vld [tilespmem:$0x1FFF0];
	_ =	sdelay $0x3  }
0x174: {  	v6, _, _ =	vpop (xrf0)  }
0x175: {  	v62 =	vor.u32 $0x800003E0, v0;
	vm2 =	vnez.u8 v7;
	v7 =	vbroadcast v6, $0xF  }
0x176: {  	v63 =	vor.u32 $0x800003F0, v0;
	v3 =	vsel vm14, v62, v3  }
0x177: {  	v3 =	vsel vm15, v63, v3;
	vm0 =	veq.f32 v2, v7  }
0x178: {  	v2 =	vnsel vm0, $0xC0000000, v3  }
0x179: {  	(xrf0) =	vmin.scan.msk.u32 $0xffff, v2;
	_ =	sdelay $0x5  }
0x17a: {  	(v2sf) =	vpush v6, $0xF;
	v2, _, _ =	vpop (xrf0)  }
0x17b: {  	(v2sf) =	vpush v2, $0xF;
	_ =	sdelay $0xd  }
0x17c: {  	s26 =	spop (v2sf)  }
0x17d: {  	p0 =	slt.f32 s26, $8.020000460e+00;
	s29 =	spop (v2sf)  }
0x17e: {  	v2 =	vmov s12;
	s24 =	smin.f32 s26, $8.020000460e+00;
	s26 =	sxor.u32 $0x80000000, s29  }
0x17f: {  	s24 =	smul.f32 $5.000000000e-01, s24;
	s26 =	simm.s32 @!p0 $0x0;
	p0 =	sne.s32 s18, $0xDF  }
.Ltmp0:
0x180: {  	_ = 	snop;
	(pc) =	sbr.rel @p0 .LBB2_3-.Ltmp0, $4  }
0x181: {  	_ = 	snop  }
0x182: {  	v3 =	vmov s24;
	s26 =	sadd.s32 s5, s26  }
0x183: {  	[tilespmem:v2+s20+$0x0] =	vst.idx.msk $0x1, v3;
	s29 =	rddreg [dreg:$0x4];
	v3 =	vmov s26  }
0x184: {  	s12 =	sadd.s32 $0x1, s12;
	s18 =	sadd.s32 $0x20, s18;
	[tilespmem:v2+s29+$0x0] =	vst.idx.msk $0x1, v3  }
0x185: {  	s14 =	sadd.s32 $0x1, s14  }
0x186: {  	p0 =	sne.s32 s14, $0x7  }
.Ltmp1:
0x187: {  	_ = 	snop;
	(pc) =	sbr.rel @p0 .LBB2_2-.Ltmp1, $2  }
0x188: {  	_ =	sdelay $0x2  }
0x189: {  	s22 =	sadd.s32 $0x7, s22  }
0x18a: {  	v2 =	vld [tilespmem:$0x16000];
	_ =	sdelay $0x2  }
0x18b: {  	v6 =	vld [tilespmem:$0x1FF10]  }
0x18c: {  	v7 =	vld [tilespmem:$0x1FF80]  }
0x18d: {  	v8 =	vld [tilespmem:$0x1FF40];
	v3 =	vshll.u32 v2, $0x1  }
0x18e: {  	v2 =	vand.u32 $0x7, v2;
	v3 =	vand.u32 $0xFFFFFFF0, v3  }
0x18f: {  	v2 =	vor.u32 v2, v3  }
0x190: {  	v3 =	vperm.xlane v2, v6  }
0x191: {  	v9 =	vld [tilespmem:$0x1FFE0]  }
0x192: {  	v2 =	vperm.xlane v2, v8;
	v3 =	vadd.s32 v7, v3;
	_ =	sdelay $0x1  }
0x193: {  	v2 =	vadd.s32 v7, v2;
	_ =	sdelay $0x1  }
0x194: {  	s12 =	simm.s32 $0x0;
	vm1 =	vnez.u8 v9  }
0x195: {  	[tilespmem:s21], [sflag:$0x2] =	stream.indirect_vreg.gather [hbm4b:s2+s12], $0x80, v3, vm1, $0xb8;
	[tilespmem:$0x16180] =	vst v63  }
0x196: {  	s14 =	simm.s32 $0xE800  }
0x197: {  	[tilespmem:s14], [sflag:$0x2] =	stream.indirect_vreg.gather [hbm4b:s2+s12], $0x80, v2, vm1, $0xb8;
	[tilespmem:$0x16180] =	vst v63  }
0x198: {  	v2 =	vld [tilespmem:$0x16010];
	_ =	sdelay $0x4  }
0x199: {  	v3 =	vshll.u32 v2, $0x1  }
0x19a: {  	v2 =	vand.u32 $0x7, v2;
	v3 =	vand.u32 $0xFFFFFFF0, v3  }
0x19b: {  	v2 =	vor.u32 v2, v3  }
0x19c: {  	v3 =	vperm.xlane v2, v6;
	_ =	sdelay $0x1  }
0x19d: {  	v2 =	vperm.xlane v2, v8;
	v3 =	vadd.s32 v7, v3;
	_ =	sdelay $0x1  }
0x19e: {  	v2 =	vadd.s32 v7, v2;
	_ =	sdelay $0x2  }
0x19f: {  	[tilespmem:s23], [sflag:$0x2] =	stream.indirect_vreg.gather [hbm4b:s2+s12], $0x80, v3, vm1, $0xb8;
	[tilespmem:$0x16180] =	vst v63  }
0x1a0: {  	s22 =	simm.s32 $0xF800  }
0x1a1: {  	[tilespmem:s22], [sflag:$0x2] =	stream.indirect_vreg.gather [hbm4b:s2+s12], $0x80, v2, vm1, $0xb8;
	[tilespmem:$0x16180] =	vst v63  }
0x1a2: {  	v2 =	vld [tilespmem:$0x16020];
	_ =	sdelay $0x4  }
0x1a3: {  	v3 =	vshll.u32 v2, $0x1  }
0x1a4: {  	v2 =	vand.u32 $0x7, v2;
	v3 =	vand.u32 $0xFFFFFFF0, v3  }
0x1a5: {  	v2 =	vor.u32 v2, v3  }
0x1a6: {  	v3 =	vperm.xlane v2, v6;
	_ =	sdelay $0x1  }
0x1a7: {  	v2 =	vperm.xlane v2, v8;
	v3 =	vadd.s32 v7, v3;
	_ =	sdelay $0x1  }
0x1a8: {  	v2 =	vadd.s32 v7, v2;
	_ =	sdelay $0x2  }
0x1a9: {  	[tilespmem:s25], [sflag:$0x2] =	stream.indirect_vreg.gather [hbm4b:s2+s12], $0x80, v3, vm1, $0xb8;
	[tilespmem:$0x16180] =	vst v63  }
0x1aa: {  	s24 =	simm.s32 $0x10800  }
0x1ab: {  	[tilespmem:s24], [sflag:$0x2] =	stream.indirect_vreg.gather [hbm4b:s2+s12], $0x80, v2, vm1, $0xb8;
	[tilespmem:$0x16180] =	vst v63  }
0x1ac: {  	v2 =	vld [tilespmem:$0x16030];
	_ =	sdelay $0x4  }
0x1ad: {  	v3 =	vshll.u32 v2, $0x1  }
0x1ae: {  	v2 =	vand.u32 $0x7, v2;
	v3 =	vand.u32 $0xFFFFFFF0, v3  }
0x1af: {  	v2 =	vor.u32 v2, v3  }
0x1b0: {  	v3 =	vperm.xlane v2, v6;
	_ =	sdelay $0x1  }
0x1b1: {  	v2 =	vperm.xlane v2, v8;
	v3 =	vadd.s32 v7, v3;
	_ =	sdelay $0x1  }
0x1b2: {  	v2 =	vadd.s32 v7, v2;
	_ =	sdelay $0x2  }
0x1b3: {  	v59 =	vmov s12;
	[tilespmem:s28], [sflag:$0x2] =	stream.indirect_vreg.gather [hbm4b:s2+s12], $0x80, v3, vm1, $0xb8;
	[tilespmem:$0x16180] =	vst v63  }
0x1b4: {  	s26 =	simm.s32 $0x11800;
	v6 =	vshll.u32 v59, $0x7;
	v3 =	vshll.u32 v59, $0x8  }
0x1b5: {  	[tilespmem:s26], [sflag:$0x2] =	stream.indirect_vreg.gather [hbm4b:s2+s12], $0x80, v2, vm1, $0xb8;
	v2 =	vand.u32 $0x800, v3;
	v3 =	vand.u32 $0x380, v6;
	[tilespmem:$0x16180] =	vst v63  }
0x1b6: {  	_ =	swait.ge [sflag:s30], $0x1000;
	v62 =	vor.u32 v3, v2  }
0x1b7: {  	[sflag:s30] =	ssyncset.done $0x0;
	v2 =	vor.u32 v0, v62  }
0x1b8: {  	[sflag:s30] =	ssyncadd.s32 $0xFFFFF000  }
0x1b9: {  	v3 =	vor.u32 v1, v62;
	_ =	swait.ge [sflag:s31], $0x1000  }
0x1ba: {  	[sflag:s31] =	ssyncset.done $0x0  }
0x1bb: {  	v6 =	vor.u32 v4, v62;
	[sflag:s31] =	ssyncadd.s32 $0xFFFFF000  }
0x1bc: {  	v7 =	vld.idx.msk [tilespmem:v2+s21+$0x0], $0xffff  }
0x1bd: {  	v8 =	vor.u32 v5, v62;
	v2 =	vld.idx.msk [tilespmem:v2+s9+$0x0], $0xffff  }
0x1be: {  	v9 =	vld.idx.msk [tilespmem:v3+s21+$0x0], $0xffff  }
0x1bf: {  	v10 =	vor.u32 v41, v62;
	v3 =	vld.idx.msk [tilespmem:v3+s9+$0x0], $0xffff  }
0x1c0: {  	v11 =	vld.idx.msk [tilespmem:v6+s21+$0x0], $0xffff  }
0x1c1: {  	v12 =	vor.u32 v43, v62;
	v6 =	vld.idx.msk [tilespmem:v6+s9+$0x0], $0xffff  }
0x1c2: {  	v13 =	vld.idx.msk [tilespmem:v8+s21+$0x0], $0xffff  }
0x1c3: {  	v2 =	vmul.f32 v2, v7;
	v7 =	vld.idx.msk [tilespmem:v8+s9+$0x0], $0xffff;
	v8 =	vor.u32 v45, v62  }
0x1c4: {  	v14 =	vld.idx.msk [tilespmem:v10+s21+$0x0], $0xffff  }
0x1c5: {  	v3 =	vmul.f32 v3, v9;
	v9 =	vld.idx.msk [tilespmem:v10+s9+$0x0], $0xffff;
	v10 =	vor.u32 v48, v62;
	v2 =	vadd.f32 $0.0e+00, v2  }
0x1c6: {  	v51 =	vor.u32 $0x400, v0;
	v35 =	vld.idx.msk [tilespmem:v12+s21+$0x0], $0xffff  }
0x1c7: {  	v2 =	vadd.f32 v3, v2;
	v3 =	vmul.f32 v6, v11;
	v6 =	vld.idx.msk [tilespmem:v12+s9+$0x0], $0xffff;
	v11 =	vor.u32 v51, v62  }
0x1c8: {  	v53 =	vor.u32 $0x410, v0;
	v12 =	vld.idx.msk [tilespmem:v8+s21+$0x0], $0xffff  }
0x1c9: {  	v2 =	vadd.f32 v3, v2;
	v3 =	vmul.f32 v7, v13;
	v7 =	vld.idx.msk [tilespmem:v8+s9+$0x0], $0xffff;
	v8 =	vor.u32 v53, v62  }
0x1ca: {  	v54 =	vor.u32 $0x420, v0;
	v16 =	vld.idx.msk [tilespmem:v10+s21+$0x0], $0xffff  }
0x1cb: {  	v2 =	vadd.f32 v3, v2;
	v3 =	vmul.f32 v9, v14;
	v14 =	vld.idx.msk [tilespmem:v10+s9+$0x0], $0xffff;
	v10 =	vor.u32 v54, v62  }
0x1cc: {  	v55 =	vor.u32 $0x430, v0;
	v15 =	vld.idx.msk [tilespmem:v11+s21+$0x0], $0xffff  }
0x1cd: {  	v9 =	vor.u32 v55, v62;
	v17 =	vld.idx.msk [tilespmem:v11+s9+$0x0], $0xffff;
	v2 =	vadd.f32 v3, v2;
	v3 =	vmul.f32 v6, v35  }
0x1ce: {  	v56 =	vor.u32 $0x440, v0;
	v63 =	vld.idx.msk [tilespmem:v8+s21+$0x0], $0xffff  }
0x1cf: {  	s29 =	simm.s32 $0x1;
	v13 =	vor.u32 v56, v62;
	v38 =	vld.idx.msk [tilespmem:v8+s9+$0x0], $0xffff;
	v2 =	vadd.f32 v3, v2;
	v3 =	vmul.f32 v7, v12  }
0x1d0: {  	v60 =	vimm.f32 $0.0e+00;
	v57 =	vor.u32 $0x450, v0;
	v61 =	vmov s29;
	v35 =	vld.idx.msk [tilespmem:v10+s21+$0x0], $0xffff  }
0x1d1: {  	v8 =	vld.idx.msk [tilespmem:v10+s9+$0x0], $0xffff;
	v2 =	vadd.f32 v3, v2;
	v3 =	vmul.f32 v14, v16;
	v14 =	vor.u32 v57, v62  }
0x1d2: {  	v52 =	vor.u32 $0x460, v0;
	v58 =	vshll.u32 v61, $0x7;
	v7 =	vshll.u32 v61, $0x8;
	v6 =	vld.idx.msk [tilespmem:v9+s21+$0x0], $0xffff  }
0x1d3: {  	v10 =	vld.idx.msk [tilespmem:v9+s9+$0x0], $0xffff;
	v12 =	vmul.f32 v17, v15;
	v11 =	vadd.f32 v3, v2;
	v2 =	vor.u32 v52, v62  }
0x1d4: {  	s12 =	simm.s32 $0x2;
	v7 =	vand.u32 $0x800, v7;
	v9 =	vld.idx.msk [tilespmem:v13+s21+$0x0], $0xffff;
	v3 =	vand.u32 $0x380, v58;
	v58 =	vor.u32 $0x470, v0  }
.LBB2_6:
0x1d5: {  	p0 =	sne.s32 s12, $0xF;
	v11 =	vadd.f32 v12, v11;
	v12 =	vmul.f32 v38, v63;
	v13 =	vld.idx.msk [tilespmem:v13+s9+$0x0], $0xffff;
	v38 =	vor.u32 v58, v62  }
0x1d6: {  	v62 =	vor.u32 v3, v7;
	v3 =	vld.idx.msk [tilespmem:v14+s21+$0x0], $0xffff  }
0x1d7: {  	v7 =	vor.u32 v0, v62;
	v8 =	vmul.f32 v8, v35;
	v11 =	vadd.f32 v12, v11;
	v12 =	vld.idx.msk [tilespmem:v14+s9+$0x0], $0xffff  }
0x1d8: {  	v14 =	vld.idx.msk [tilespmem:v2+s21+$0x0], $0xffff  }
0x1d9: {  	v35 =	vor.u32 v1, v62;
	v6 =	vmul.f32 v10, v6;
	v8 =	vadd.f32 v8, v11;
	v2 =	vld.idx.msk [tilespmem:v2+s9+$0x0], $0xffff  }
0x1da: {  	v10 =	vld.idx.msk [tilespmem:v38+s21+$0x0], $0xffff  }
0x1db: {  	v11 =	vor.u32 v4, v62;
	v6 =	vadd.f32 v6, v8;
	v8 =	vmul.f32 v13, v9;
	v9 =	vld.idx.msk [tilespmem:v38+s9+$0x0], $0xffff  }
0x1dc: {  	v13 =	vld.idx.msk [tilespmem:v7+s21+$0x0], $0xffff  }
0x1dd: {  	v38 =	vor.u32 v5, v62;
	v3 =	vmul.f32 v12, v3;
	v7 =	vld.idx.msk [tilespmem:v7+s9+$0x0], $0xffff;
	v6 =	vadd.f32 v8, v6  }
0x1de: {  	v8 =	vld.idx.msk [tilespmem:v35+s21+$0x0], $0xffff  }
0x1df: {  	v2 =	vmul.f32 v2, v14;
	v12 =	vld.idx.msk [tilespmem:v35+s9+$0x0], $0xffff;
	v35 =	vor.u32 v41, v62;
	v3 =	vadd.f32 v3, v6  }
0x1e0: {  	v6 =	vld.idx.msk [tilespmem:v11+s21+$0x0], $0xffff  }
0x1e1: {  	v14 =	vor.u32 v43, v62;
	v11 =	vld.idx.msk [tilespmem:v11+s9+$0x0], $0xffff;
	v2 =	vadd.f32 v2, v3;
	v3 =	vmul.f32 v9, v10  }
0x1e2: {  	v9 =	vld.idx.msk [tilespmem:v38+s21+$0x0], $0xffff  }
0x1e3: {  	v7 =	vmul.f32 v7, v13;
	v13 =	vor.u32 v45, v62;
	v10 =	vld.idx.msk [tilespmem:v38+s9+$0x0], $0xffff;
	v2 =	vadd.f32 v3, v2  }
0x1e4: {  	v3 =	vld.idx.msk [tilespmem:v35+s21+$0x0], $0xffff  }
0x1e5: {  	v7 =	vadd.f32 $0.0e+00, v7;
	v8 =	vmul.f32 v12, v8;
	v12 =	vld.idx.msk [tilespmem:v35+s9+$0x0], $0xffff;
	v35 =	vor.u32 v48, v62;
	(xrf2) =	vadd.scan.msk.f32 $0xffff, v2  }
0x1e6: {  	v2 =	vld.idx.msk [tilespmem:v14+s21+$0x0], $0xffff  }
0x1e7: {  	v7 =	vadd.f32 v8, v7;
	v6 =	vmul.f32 v11, v6;
	v11 =	vor.u32 v51, v62;
	v8 =	vld.idx.msk [tilespmem:v14+s9+$0x0], $0xffff  }
0x1e8: {  	v14 =	vld.idx.msk [tilespmem:v13+s21+$0x0], $0xffff  }
0x1e9: {  	v6 =	vadd.f32 v6, v7;
	v7 =	vmul.f32 v10, v9;
	v10 =	vor.u32 v53, v62;
	v9 =	vld.idx.msk [tilespmem:v13+s9+$0x0], $0xffff  }
0x1ea: {  	v15 =	vld.idx.msk [tilespmem:v35+s21+$0x0], $0xffff  }
0x1eb: {  	v6 =	vadd.f32 v7, v6;
	v3 =	vmul.f32 v12, v3;
	v12 =	vor.u32 v54, v62;
	v7 =	vld.idx.msk [tilespmem:v35+s9+$0x0], $0xffff  }
0x1ec: {  	v16 =	vld.idx.msk [tilespmem:v11+s21+$0x0], $0xffff  }
0x1ed: {  	v18 =	vor.u32 v55, v62;
	v3 =	vadd.f32 v3, v6;
	v2 =	vmul.f32 v8, v2;
	v17 =	vld.idx.msk [tilespmem:v11+s9+$0x0], $0xffff  }
0x1ee: {  	v63 =	vld.idx.msk [tilespmem:v10+s21+$0x0], $0xffff  }
0x1ef: {  	v13 =	vor.u32 v56, v62;
	v2 =	vadd.f32 v2, v3;
	v3 =	vmul.f32 v9, v14;
	v38 =	vld.idx.msk [tilespmem:v10+s9+$0x0], $0xffff;
	v6, _, _ =	vpop (xrf2)  }
.Ltmp2:
0x1f0: {  	vm0 =	veq.s32 v59, v0;
	v59 =	vmovc v61;
	v61 =	vmov s12;
	v35 =	vld.idx.msk [tilespmem:v12+s21+$0x0], $0xffff;
	v9 =	vbroadcast v6, $0xF;
	(pc) =	sbr.rel @p0 .LBB2_6-.Ltmp2, $4  }
0x1f1: {  	v14 =	vor.u32 v57, v62;
	v2 =	vadd.f32 v3, v2;
	v3 =	vmul.f32 v7, v15;
	v8 =	vld.idx.msk [tilespmem:v12+s9+$0x0], $0xffff  }
0x1f2: {  	v7 =	vshll.u32 v61, $0x8;
	v15 =	vshll.u32 v61, $0x7;
	v6 =	vld.idx.msk [tilespmem:v18+s21+$0x0], $0xffff;
	v60 =	vsel vm0, v9, v60  }
0x1f3: {  	v11 =	vadd.f32 v3, v2;
	v12 =	vmul.f32 v17, v16;
	v2 =	vor.u32 v52, v62;
	v10 =	vld.idx.msk [tilespmem:v18+s9+$0x0], $0xffff  }
0x1f4: {  	s12 =	sadd.s32 $0x1, s12;
	v7 =	vand.u32 $0x800, v7;
	v3 =	vand.u32 $0x380, v15;
	v9 =	vld.idx.msk [tilespmem:v13+s21+$0x0], $0xffff  }
0x1f5: {  	_ =	sdelay $0x3  }
0x1f6: {  	v3 =	vor.u32 v3, v7;
	v7 =	vld.idx.msk [tilespmem:v14+s21+$0x0], $0xffff;
	_ =	sdelay $0x4  }
0x1f7: {  	[tilespmem:$0x1FE70] =	vst v7;
	v7 =	vld.idx.msk [tilespmem:v14+s9+$0x0], $0xffff;
	_ =	sdelay $0x4  }
0x1f8: {  	[tilespmem:$0x1FE80] =	vst v7;
	v7 =	vld.idx.msk [tilespmem:v2+s21+$0x0], $0xffff  }
0x1f9: {  	v15 =	vor.u32 v58, v62;
	v2 =	vld.idx.msk [tilespmem:v2+s9+$0x0], $0xffff;
	_ =	sdelay $0x4  }
0x1fa: {  	[tilespmem:$0x1FEA0] =	vst v2;
	v2 =	vld.idx.msk [tilespmem:v15+s21+$0x0], $0xffff  }
0x1fb: {  	[tilespmem:$0x1FE90] =	vst v7;
	v7 =	vld.idx.msk [tilespmem:v15+s9+$0x0], $0xffff;
	_ =	sdelay $0x3  }
0x1fc: {  	[tilespmem:$0x1FEB0] =	vst v2;
	v2 =	vor.u32 v4, v3  }
0x1fd: {  	[tilespmem:$0x1FEC0] =	vst v7;
	v7 =	vor.u32 v5, v3  }
0x1fe: {  	v13 =	vld.idx.msk [tilespmem:v13+s9+$0x0], $0xffff  }
0x1ff: {  	v16 =	vor.u32 v0, v3;
	_ =	sdelay $0x1  }
0x200: {  	v18 =	vor.u32 v1, v3;
	v17 =	vld.idx.msk [tilespmem:v2+s21+$0x0], $0xffff  }
0x201: {  	v62 =	vld.idx.msk [tilespmem:v7+s21+$0x0], $0xffff  }
0x202: {  	[tilespmem:$0x1FE60] =	vst v13;
	v13 =	vor.u32 v41, v3;
	v7 =	vld.idx.msk [tilespmem:v7+s9+$0x0], $0xffff  }
0x203: {  	v14 =	vld.idx.msk [tilespmem:v16+s21+$0x0], $0xffff  }
0x204: {  	v16 =	vld.idx.msk [tilespmem:v16+s9+$0x0], $0xffff  }
0x205: {  	v15 =	vld.idx.msk [tilespmem:v18+s21+$0x0], $0xffff  }
0x206: {  	[tilespmem:$0x1FDD0] =	vst v17;
	v17 =	vld.idx.msk [tilespmem:v2+s9+$0x0], $0xffff  }
0x207: {  	v2 =	vor.u32 v43, v3;
	[tilespmem:$0x1FDF0] =	vst v7;
	v7 =	vld.idx.msk [tilespmem:v13+s21+$0x0], $0xffff  }
0x208: {  	v18 =	vld.idx.msk [tilespmem:v18+s9+$0x0], $0xffff;
	_ =	sdelay $0x2  }
0x209: {  	v14 =	vmul.f32 v16, v14;
	v16 =	vor.u32 v45, v3  }
0x20a: {  	[tilespmem:$0x1FE00] =	vst v7;
	v7 =	vld.idx.msk [tilespmem:v2+s21+$0x0], $0xffff  }
0x20b: {  	v14 =	vadd.f32 $0.0e+00, v14;
	v15 =	vmul.f32 v18, v15;
	_ =	sdelay $0x1  }
0x20c: {  	v14 =	vadd.f32 v15, v14;
	v15 =	vld.idx.msk [tilespmem:v2+s9+$0x0], $0xffff  }
0x20d: {  	v2 =	vld.idx.msk [tilespmem:v16+s21+$0x0], $0xffff  }
0x20e: {  	[tilespmem:$0x1FE10] =	vst v7;
	v7 =	vld [tilespmem:$0x1FDD0];
	_ =	sdelay $0x2  }
0x20f: {  	[tilespmem:$0x1FDE0] =	vst v62  }
0x210: {  	[tilespmem:$0x1FE20] =	vst v2;
	v2 =	vld [tilespmem:$0x1FDE0]  }
0x211: {  	v17 =	vmul.f32 v17, v7;
	v7 =	vld [tilespmem:$0x1FDF0];
	_ =	sdelay $0x1  }
0x212: {  	v18 =	vor.u32 v48, v3;
	_ =	sdelay $0x2  }
0x213: {  	v14 =	vadd.f32 v17, v14;
	v7 =	vmul.f32 v7, v2;
	_ =	sdelay $0x1  }
0x214: {  	v14 =	vadd.f32 v7, v14;
	v7 =	vld.idx.msk [tilespmem:v18+s21+$0x0], $0xffff;
	_ =	sdelay $0x3  }
0x215: {  	v13 =	vld.idx.msk [tilespmem:v13+s9+$0x0], $0xffff  }
0x216: {  	[tilespmem:$0x1FE30] =	vst v7;
	v7 =	vld [tilespmem:$0x1FE00];
	_ =	sdelay $0x4  }
0x217: {  	v13 =	vmul.f32 v13, v7;
	_ =	sdelay $0x1  }
0x218: {  	v14 =	vadd.f32 v13, v14;
	v13 =	vld [tilespmem:$0x1FE10];
	_ =	sdelay $0x1  }
0x219: {  	v2 =	vor.u32 v53, v3;
	_ =	sdelay $0x2  }
0x21a: {  	v15 =	vmul.f32 v15, v13;
	_ =	sdelay $0x1  }
0x21b: {  	v14 =	vadd.f32 v15, v14;
	v15 =	vld.idx.msk [tilespmem:v2+s21+$0x0], $0xffff;
	_ =	sdelay $0x3  }
0x21c: {  	v16 =	vld.idx.msk [tilespmem:v16+s9+$0x0], $0xffff  }
0x21d: {  	[tilespmem:$0x1FE40] =	vst v15;
	v15 =	vld [tilespmem:$0x1FE20];
	_ =	sdelay $0x1  }
0x21e: {  	v7 =	vor.u32 v54, v3;
	_ =	sdelay $0x2  }
0x21f: {  	v16 =	vmul.f32 v16, v15;
	_ =	sdelay $0x1  }
0x220: {  	v14 =	vadd.f32 v16, v14;
	v16 =	vld.idx.msk [tilespmem:v7+s21+$0x0], $0xffff  }
0x221: {  	v62 =	vor.u32 v51, v3;
	_ =	sdelay $0x2  }
0x222: {  	v18 =	vld.idx.msk [tilespmem:v18+s9+$0x0], $0xffff  }
0x223: {  	[tilespmem:$0x1FE50] =	vst v16;
	v16 =	vld [tilespmem:$0x1FE30]  }
0x224: {  	v17 =	vld.idx.msk [tilespmem:v62+s21+$0x0], $0xffff  }
0x225: {  	v62 =	vld.idx.msk [tilespmem:v62+s9+$0x0], $0xffff;
	_ =	sdelay $0x1  }
0x226: {  	v11 =	vadd.f32 v12, v11;
	v12 =	vmul.f32 v38, v63  }
0x227: {  	v18 =	vmul.f32 v18, v16  }
0x228: {  	v8 =	vmul.f32 v8, v35;
	v11 =	vadd.f32 v12, v11  }
0x229: {  	v17 =	vmul.f32 v62, v17;
	v13 =	vor.u32 v55, v3;
	v14 =	vadd.f32 v18, v14  }
0x22a: {  	v6 =	vmul.f32 v10, v6;
	v8 =	vadd.f32 v8, v11;
	v15 =	vld.idx.msk [tilespmem:v2+s9+$0x0], $0xffff  }
0x22b: {  	v14 =	vadd.f32 v17, v14;
	v17 =	vld [tilespmem:$0x1FE40]  }
0x22c: {  	v6 =	vadd.f32 v6, v8;
	v8 =	vld [tilespmem:$0x1FE60];
	_ =	sdelay $0x1  }
0x22d: {  	v18 =	vld.idx.msk [tilespmem:v13+s21+$0x0], $0xffff  }
0x22e: {  	v13 =	vld.idx.msk [tilespmem:v13+s9+$0x0], $0xffff  }
0x22f: {  	v2 =	vor.u32 v56, v3;
	v15 =	vmul.f32 v15, v17  }
0x230: {  	v8 =	vmul.f32 v8, v9;
	v16 =	vld.idx.msk [tilespmem:v7+s9+$0x0], $0xffff  }
0x231: {  	v12 =	vadd.f32 v15, v14;
	v14 =	vld [tilespmem:$0x1FE50]  }
0x232: {  	v6 =	vadd.f32 v8, v6;
	v8 =	vld [tilespmem:$0x1FE70]  }
0x233: {  	v63 =	vor.u32 v52, v3;
	v11 =	vmul.f32 v13, v18;
	v13 =	vld [tilespmem:$0x1FE80]  }
0x234: {  	v7 =	vor.u32 v57, v3;
	v17 =	vld.idx.msk [tilespmem:v2+s21+$0x0], $0xffff  }
0x235: {  	v2 =	vld.idx.msk [tilespmem:v2+s9+$0x0], $0xffff  }
0x236: {  	v14 =	vmul.f32 v16, v14;
	_ =	sdelay $0x1  }
0x237: {  	v9 =	vld.idx.msk [tilespmem:v63+s9+$0x0], $0xffff;
	v10 =	vadd.f32 v14, v12  }
0x238: {  	v15 =	vld.idx.msk [tilespmem:v7+s21+$0x0], $0xffff;
	v8 =	vmul.f32 v13, v8  }
0x239: {  	v7 =	vld.idx.msk [tilespmem:v7+s9+$0x0], $0xffff;
	v2 =	vmul.f32 v2, v17;
	v10 =	vadd.f32 v11, v10  }
0x23a: {  	v6 =	vadd.f32 v8, v6;
	v8 =	vld [tilespmem:$0x1FE90]  }
0x23b: {  	v3 =	vor.u32 v58, v3;
	v2 =	vadd.f32 v2, v10;
	v10 =	vld [tilespmem:$0x1FEA0]  }
0x23c: {  	v12 =	vld.idx.msk [tilespmem:v63+s21+$0x0], $0xffff;
	_ =	sdelay $0x2  }
0x23d: {  	v7 =	vmul.f32 v7, v15  }
0x23e: {  	v11 =	vld.idx.msk [tilespmem:v3+s21+$0x0], $0xffff;
	v8 =	vmul.f32 v10, v8  }
0x23f: {  	v2 =	vadd.f32 v7, v2;
	v7 =	vmul.f32 v9, v12;
	v9 =	vld [tilespmem:$0x1FEC0]  }
0x240: {  	v6 =	vadd.f32 v8, v6;
	v8 =	vld [tilespmem:$0x1FEB0]  }
0x241: {  	v3 =	vld.idx.msk [tilespmem:v3+s9+$0x0], $0xffff;
	_ =	sdelay $0x3  }
0x242: {  	v8 =	vmul.f32 v9, v8  }
0x243: {  	v3 =	vmul.f32 v3, v11;
	v2 =	vadd.f32 v7, v2  }
0x244: {  	v6 =	vadd.f32 v8, v6  }
0x245: {  	v2 =	vadd.f32 v3, v2  }
0x246: {  	(xrf2) =	vadd.scan.msk.f32 $0xffff, v6  }
0x247: {  	(xrf2) =	vadd.scan.msk.f32 $0xffff, v2;
	_ =	sdelay $0x8  }
0x248: {  	v2, _, _ =	vpop (xrf2)  }
0x249: {  	v2 =	vbroadcast v2, $0xF;
	v3, _, _ =	vpop (xrf2)  }
0x24a: {  	vm0 =	veq.s32 v59, v0;
	s12 =	simm.s32 $0x0;
	v3 =	vbroadcast v3, $0xF  }
0x24b: {  	v59 =	vmov s12;
	v2 =	vsel vm0, v2, v60;
	vm0 =	veq.s32 v61, v0  }
0x24c: {  	v6 =	vshll.u32 v59, $0x7;
	v2 =	vsel vm0, v3, v2;
	v3 =	vshll.u32 v59, $0x8  }
0x24d: {  	[tilespmem:$0x16100] =	vst v2;
	v2 =	vand.u32 $0x800, v3;
	v3 =	vand.u32 $0x380, v6  }
0x24e: {  	_ =	swait.ge [sflag:s30], $0x1000;
	v62 =	vor.u32 v3, v2  }
0x24f: {  	[sflag:s30] =	ssyncset.done $0x0;
	v2 =	vor.u32 v0, v62  }
0x250: {  	[sflag:s30] =	ssyncadd.s32 $0xFFFFF000  }
0x251: {  	v3 =	vor.u32 v1, v62;
	_ =	swait.ge [sflag:s31], $0x1000  }
0x252: {  	[sflag:s31] =	ssyncset.done $0x0  }
0x253: {  	v6 =	vor.u32 v4, v62;
	[sflag:s31] =	ssyncadd.s32 $0xFFFFF000  }
0x254: {  	v7 =	vld.idx.msk [tilespmem:v2+s23+$0x0], $0xffff  }
0x255: {  	v8 =	vor.u32 v5, v62;
	v2 =	vld.idx.msk [tilespmem:v2+s11+$0x0], $0xffff  }
0x256: {  	v10 =	vor.u32 v41, v62;
	v9 =	vld.idx.msk [tilespmem:v3+s23+$0x0], $0xffff  }
0x257: {  	v3 =	vld.idx.msk [tilespmem:v3+s11+$0x0], $0xffff  }
0x258: {  	v11 =	vld.idx.msk [tilespmem:v6+s23+$0x0], $0xffff  }
0x259: {  	v6 =	vld.idx.msk [tilespmem:v6+s11+$0x0], $0xffff  }
0x25a: {  	v12 =	vor.u32 v43, v62;
	v13 =	vld.idx.msk [tilespmem:v8+s23+$0x0], $0xffff  }
0x25b: {  	v14 =	vld.idx.msk [tilespmem:v10+s23+$0x0], $0xffff  }
0x25c: {  	v2 =	vmul.f32 v2, v7;
	v7 =	vld.idx.msk [tilespmem:v8+s11+$0x0], $0xffff;
	v8 =	vor.u32 v45, v62  }
0x25d: {  	v3 =	vmul.f32 v3, v9;
	v9 =	vld.idx.msk [tilespmem:v10+s11+$0x0], $0xffff;
	v10 =	vor.u32 v48, v62  }
0x25e: {  	v2 =	vadd.f32 $0.0e+00, v2  }
0x25f: {  	v15 =	vld.idx.msk [tilespmem:v12+s23+$0x0], $0xffff  }
0x260: {  	v2 =	vadd.f32 v3, v2;
	v3 =	vmul.f32 v6, v11;
	v6 =	vld.idx.msk [tilespmem:v12+s11+$0x0], $0xffff;
	v11 =	vor.u32 v51, v62  }
0x261: {  	v12 =	vld.idx.msk [tilespmem:v8+s23+$0x0], $0xffff  }
0x262: {  	v18 =	vor.u32 v55, v62;
	v16 =	vld.idx.msk [tilespmem:v10+s23+$0x0], $0xffff;
	v2 =	vadd.f32 v3, v2;
	v3 =	vmul.f32 v7, v13  }
0x263: {  	v7 =	vld.idx.msk [tilespmem:v8+s11+$0x0], $0xffff;
	v8 =	vor.u32 v53, v62  }
0x264: {  	v2 =	vadd.f32 v3, v2;
	v3 =	vmul.f32 v9, v14;
	v9 =	vld.idx.msk [tilespmem:v10+s11+$0x0], $0xffff  }
0x265: {  	v10 =	vor.u32 v54, v62;
	v17 =	vld.idx.msk [tilespmem:v11+s23+$0x0], $0xffff  }
0x266: {  	v2 =	vadd.f32 v3, v2;
	v3 =	vmul.f32 v6, v15;
	v15 =	vld.idx.msk [tilespmem:v11+s11+$0x0], $0xffff  }
0x267: {  	v6 =	vld.idx.msk [tilespmem:v18+s23+$0x0], $0xffff  }
0x268: {  	s29 =	simm.s32 $0x1;
	v13 =	vor.u32 v56, v62;
	v63 =	vld.idx.msk [tilespmem:v8+s23+$0x0], $0xffff;
	v2 =	vadd.f32 v3, v2;
	v3 =	vmul.f32 v7, v12  }
0x269: {  	v60 =	vmov s29;
	v38 =	vld.idx.msk [tilespmem:v8+s11+$0x0], $0xffff  }
0x26a: {  	v14 =	vor.u32 v57, v62;
	v35 =	vld.idx.msk [tilespmem:v10+s23+$0x0], $0xffff;
	v2 =	vadd.f32 v3, v2;
	v3 =	vmul.f32 v9, v16  }
0x26b: {  	v7 =	vshll.u32 v60, $0x8;
	v8 =	vld.idx.msk [tilespmem:v10+s11+$0x0], $0xffff;
	v9 =	vshll.u32 v60, $0x7  }
0x26c: {  	v10 =	vld.idx.msk [tilespmem:v18+s11+$0x0], $0xffff;
	v12 =	vmul.f32 v15, v17;
	v11 =	vadd.f32 v3, v2;
	v2 =	vor.u32 v52, v62  }
0x26d: {  	s12 =	simm.s32 $0x2;
	v61 =	vimm.f32 $0.0e+00;
	v7 =	vand.u32 $0x800, v7;
	v3 =	vand.u32 $0x380, v9;
	v9 =	vld.idx.msk [tilespmem:v13+s23+$0x0], $0xffff  }
.LBB2_8:
0x26e: {  	p0 =	sne.s32 s12, $0xF;
	v11 =	vadd.f32 v12, v11;
	v12 =	vmul.f32 v38, v63;
	v13 =	vld.idx.msk [tilespmem:v13+s11+$0x0], $0xffff;
	v15 =	vor.u32 v58, v62  }
0x26f: {  	v62 =	vor.u32 v3, v7;
	v3 =	vld.idx.msk [tilespmem:v14+s23+$0x0], $0xffff  }
0x270: {  	v7 =	vor.u32 v0, v62;
	v8 =	vmul.f32 v8, v35;
	v11 =	vadd.f32 v12, v11;
	v12 =	vld.idx.msk [tilespmem:v14+s11+$0x0], $0xffff  }
0x271: {  	v14 =	vld.idx.msk [tilespmem:v2+s23+$0x0], $0xffff  }
0x272: {  	v16 =	vor.u32 v1, v62;
	v6 =	vmul.f32 v10, v6;
	v8 =	vadd.f32 v8, v11;
	v2 =	vld.idx.msk [tilespmem:v2+s11+$0x0], $0xffff  }
0x273: {  	v10 =	vld.idx.msk [tilespmem:v15+s23+$0x0], $0xffff  }
0x274: {  	v11 =	vor.u32 v4, v62;
	v6 =	vadd.f32 v6, v8;
	v8 =	vmul.f32 v13, v9;
	v9 =	vld.idx.msk [tilespmem:v15+s11+$0x0], $0xffff  }
0x275: {  	v13 =	vld.idx.msk [tilespmem:v7+s23+$0x0], $0xffff  }
0x276: {  	v15 =	vor.u32 v5, v62;
	v3 =	vmul.f32 v12, v3;
	v7 =	vld.idx.msk [tilespmem:v7+s11+$0x0], $0xffff;
	v6 =	vadd.f32 v8, v6  }
0x277: {  	v8 =	vld.idx.msk [tilespmem:v16+s23+$0x0], $0xffff  }
0x278: {  	v2 =	vmul.f32 v2, v14;
	v12 =	vld.idx.msk [tilespmem:v16+s11+$0x0], $0xffff;
	v16 =	vor.u32 v41, v62;
	v3 =	vadd.f32 v3, v6  }
0x279: {  	v6 =	vld.idx.msk [tilespmem:v11+s23+$0x0], $0xffff  }
0x27a: {  	v14 =	vor.u32 v43, v62;
	v11 =	vld.idx.msk [tilespmem:v11+s11+$0x0], $0xffff;
	v2 =	vadd.f32 v2, v3;
	v3 =	vmul.f32 v9, v10  }
0x27b: {  	v9 =	vld.idx.msk [tilespmem:v15+s23+$0x0], $0xffff  }
0x27c: {  	v7 =	vmul.f32 v7, v13;
	v13 =	vor.u32 v45, v62;
	v10 =	vld.idx.msk [tilespmem:v15+s11+$0x0], $0xffff;
	v2 =	vadd.f32 v3, v2  }
0x27d: {  	v3 =	vld.idx.msk [tilespmem:v16+s23+$0x0], $0xffff  }
0x27e: {  	v15 =	vor.u32 v48, v62;
	v7 =	vadd.f32 $0.0e+00, v7;
	v8 =	vmul.f32 v12, v8;
	v12 =	vld.idx.msk [tilespmem:v16+s11+$0x0], $0xffff;
	(xrf2) =	vadd.scan.msk.f32 $0xffff, v2  }
0x27f: {  	v2 =	vld.idx.msk [tilespmem:v14+s23+$0x0], $0xffff  }
0x280: {  	v7 =	vadd.f32 v8, v7;
	v6 =	vmul.f32 v11, v6;
	v11 =	vor.u32 v51, v62;
	v8 =	vld.idx.msk [tilespmem:v14+s11+$0x0], $0xffff  }
0x281: {  	v14 =	vld.idx.msk [tilespmem:v13+s23+$0x0], $0xffff  }
0x282: {  	v6 =	vadd.f32 v6, v7;
	v7 =	vmul.f32 v10, v9;
	v10 =	vor.u32 v53, v62;
	v9 =	vld.idx.msk [tilespmem:v13+s11+$0x0], $0xffff  }
0x283: {  	v16 =	vld.idx.msk [tilespmem:v15+s23+$0x0], $0xffff  }
0x284: {  	v6 =	vadd.f32 v7, v6;
	v3 =	vmul.f32 v12, v3;
	v12 =	vor.u32 v54, v62;
	v7 =	vld.idx.msk [tilespmem:v15+s11+$0x0], $0xffff  }
0x285: {  	v15 =	vld.idx.msk [tilespmem:v11+s23+$0x0], $0xffff  }
0x286: {  	v18 =	vor.u32 v55, v62;
	v3 =	vadd.f32 v3, v6;
	v2 =	vmul.f32 v8, v2;
	v17 =	vld.idx.msk [tilespmem:v11+s11+$0x0], $0xffff  }
0x287: {  	v63 =	vld.idx.msk [tilespmem:v10+s23+$0x0], $0xffff  }
0x288: {  	v13 =	vor.u32 v56, v62;
	v2 =	vadd.f32 v2, v3;
	v3 =	vmul.f32 v9, v14;
	v38 =	vld.idx.msk [tilespmem:v10+s11+$0x0], $0xffff;
	v6, _, _ =	vpop (xrf2)  }
.Ltmp3:
0x289: {  	vm0 =	veq.s32 v59, v0;
	v59 =	vmovc v60;
	v60 =	vmov s12;
	v35 =	vld.idx.msk [tilespmem:v12+s23+$0x0], $0xffff;
	v9 =	vbroadcast v6, $0xF;
	(pc) =	sbr.rel @p0 .LBB2_8-.Ltmp3, $4  }
0x28a: {  	v14 =	vor.u32 v57, v62;
	v2 =	vadd.f32 v3, v2;
	v3 =	vmul.f32 v7, v16;
	v8 =	vld.idx.msk [tilespmem:v12+s11+$0x0], $0xffff  }
0x28b: {  	v7 =	vshll.u32 v60, $0x8;
	v16 =	vshll.u32 v60, $0x7;
	v6 =	vld.idx.msk [tilespmem:v18+s23+$0x0], $0xffff;
	v61 =	vsel vm0, v9, v61  }
0x28c: {  	v11 =	vadd.f32 v3, v2;
	v12 =	vmul.f32 v17, v15;
	v2 =	vor.u32 v52, v62;
	v10 =	vld.idx.msk [tilespmem:v18+s11+$0x0], $0xffff  }
0x28d: {  	s12 =	sadd.s32 $0x1, s12;
	v7 =	vand.u32 $0x800, v7;
	v3 =	vand.u32 $0x380, v16;
	v9 =	vld.idx.msk [tilespmem:v13+s23+$0x0], $0xffff  }
0x28e: {  	_ =	sdelay $0x3  }
0x28f: {  	v3 =	vor.u32 v3, v7;
	v7 =	vld.idx.msk [tilespmem:v14+s23+$0x0], $0xffff;
	_ =	sdelay $0x4  }
0x290: {  	[tilespmem:$0x1FD70] =	vst v7;
	v7 =	vld.idx.msk [tilespmem:v14+s11+$0x0], $0xffff;
	_ =	sdelay $0x4  }
0x291: {  	[tilespmem:$0x1FD80] =	vst v7;
	v7 =	vld.idx.msk [tilespmem:v2+s23+$0x0], $0xffff  }
0x292: {  	v15 =	vor.u32 v58, v62;
	v2 =	vld.idx.msk [tilespmem:v2+s11+$0x0], $0xffff;
	_ =	sdelay $0x4  }
0x293: {  	[tilespmem:$0x1FDA0] =	vst v2;
	v2 =	vld.idx.msk [tilespmem:v15+s23+$0x0], $0xffff  }
0x294: {  	[tilespmem:$0x1FD90] =	vst v7;
	v7 =	vld.idx.msk [tilespmem:v15+s11+$0x0], $0xffff;
	_ =	sdelay $0x3  }
0x295: {  	[tilespmem:$0x1FDB0] =	vst v2;
	v2 =	vor.u32 v4, v3  }
0x296: {  	[tilespmem:$0x1FDC0] =	vst v7;
	v7 =	vor.u32 v5, v3  }
0x297: {  	v13 =	vld.idx.msk [tilespmem:v13+s11+$0x0], $0xffff  }
0x298: {  	v16 =	vor.u32 v0, v3;
	_ =	sdelay $0x1  }
0x299: {  	v18 =	vor.u32 v1, v3;
	v17 =	vld.idx.msk [tilespmem:v2+s23+$0x0], $0xffff  }
0x29a: {  	v62 =	vld.idx.msk [tilespmem:v7+s23+$0x0], $0xffff  }
0x29b: {  	[tilespmem:$0x1FD60] =	vst v13;
	v13 =	vor.u32 v41, v3;
	v7 =	vld.idx.msk [tilespmem:v7+s11+$0x0], $0xffff  }
0x29c: {  	v14 =	vld.idx.msk [tilespmem:v16+s23+$0x0], $0xffff  }
0x29d: {  	v16 =	vld.idx.msk [tilespmem:v16+s11+$0x0], $0xffff  }
0x29e: {  	v15 =	vld.idx.msk [tilespmem:v18+s23+$0x0], $0xffff  }
0x29f: {  	[tilespmem:$0x1FCD0] =	vst v17;
	v17 =	vld.idx.msk [tilespmem:v2+s11+$0x0], $0xffff  }
0x2a0: {  	v2 =	vor.u32 v43, v3;
	[tilespmem:$0x1FCF0] =	vst v7;
	v7 =	vld.idx.msk [tilespmem:v13+s23+$0x0], $0xffff  }
0x2a1: {  	v18 =	vld.idx.msk [tilespmem:v18+s11+$0x0], $0xffff;
	_ =	sdelay $0x2  }
0x2a2: {  	v14 =	vmul.f32 v16, v14;
	v16 =	vor.u32 v45, v3  }
0x2a3: {  	[tilespmem:$0x1FD00] =	vst v7;
	v7 =	vld.idx.msk [tilespmem:v2+s23+$0x0], $0xffff  }
0x2a4: {  	v14 =	vadd.f32 $0.0e+00, v14;
	v15 =	vmul.f32 v18, v15;
	_ =	sdelay $0x1  }
0x2a5: {  	v14 =	vadd.f32 v15, v14;
	v15 =	vld.idx.msk [tilespmem:v2+s11+$0x0], $0xffff  }
0x2a6: {  	v2 =	vld.idx.msk [tilespmem:v16+s23+$0x0], $0xffff  }
0x2a7: {  	[tilespmem:$0x1FD10] =	vst v7;
	v7 =	vld [tilespmem:$0x1FCD0];
	_ =	sdelay $0x2  }
0x2a8: {  	[tilespmem:$0x1FCE0] =	vst v62  }
0x2a9: {  	[tilespmem:$0x1FD20] =	vst v2;
	v2 =	vld [tilespmem:$0x1FCE0]  }
0x2aa: {  	v17 =	vmul.f32 v17, v7;
	v7 =	vld [tilespmem:$0x1FCF0];
	_ =	sdelay $0x1  }
0x2ab: {  	v18 =	vor.u32 v48, v3;
	_ =	sdelay $0x2  }
0x2ac: {  	v14 =	vadd.f32 v17, v14;
	v7 =	vmul.f32 v7, v2;
	_ =	sdelay $0x1  }
0x2ad: {  	v14 =	vadd.f32 v7, v14;
	v7 =	vld.idx.msk [tilespmem:v18+s23+$0x0], $0xffff;
	_ =	sdelay $0x3  }
0x2ae: {  	v13 =	vld.idx.msk [tilespmem:v13+s11+$0x0], $0xffff  }
0x2af: {  	[tilespmem:$0x1FD30] =	vst v7;
	v7 =	vld [tilespmem:$0x1FD00];
	_ =	sdelay $0x4  }
0x2b0: {  	v13 =	vmul.f32 v13, v7;
	_ =	sdelay $0x1  }
0x2b1: {  	v14 =	vadd.f32 v13, v14;
	v13 =	vld [tilespmem:$0x1FD10];
	_ =	sdelay $0x1  }
0x2b2: {  	v2 =	vor.u32 v53, v3;
	_ =	sdelay $0x2  }
0x2b3: {  	v15 =	vmul.f32 v15, v13;
	_ =	sdelay $0x1  }
0x2b4: {  	v14 =	vadd.f32 v15, v14;
	v15 =	vld.idx.msk [tilespmem:v2+s23+$0x0], $0xffff;
	_ =	sdelay $0x3  }
0x2b5: {  	v16 =	vld.idx.msk [tilespmem:v16+s11+$0x0], $0xffff  }
0x2b6: {  	[tilespmem:$0x1FD40] =	vst v15;
	v15 =	vld [tilespmem:$0x1FD20];
	_ =	sdelay $0x1  }
0x2b7: {  	v7 =	vor.u32 v54, v3;
	_ =	sdelay $0x2  }
0x2b8: {  	v16 =	vmul.f32 v16, v15;
	_ =	sdelay $0x1  }
0x2b9: {  	v14 =	vadd.f32 v16, v14;
	v16 =	vld.idx.msk [tilespmem:v7+s23+$0x0], $0xffff  }
0x2ba: {  	v62 =	vor.u32 v51, v3;
	_ =	sdelay $0x2  }
0x2bb: {  	v18 =	vld.idx.msk [tilespmem:v18+s11+$0x0], $0xffff  }
0x2bc: {  	[tilespmem:$0x1FD50] =	vst v16;
	v16 =	vld [tilespmem:$0x1FD30]  }
0x2bd: {  	v17 =	vld.idx.msk [tilespmem:v62+s23+$0x0], $0xffff  }
0x2be: {  	v62 =	vld.idx.msk [tilespmem:v62+s11+$0x0], $0xffff;
	_ =	sdelay $0x1  }
0x2bf: {  	v11 =	vadd.f32 v12, v11;
	v12 =	vmul.f32 v38, v63  }
0x2c0: {  	v18 =	vmul.f32 v18, v16  }
0x2c1: {  	v8 =	vmul.f32 v8, v35;
	v11 =	vadd.f32 v12, v11  }
0x2c2: {  	v17 =	vmul.f32 v62, v17;
	v13 =	vor.u32 v55, v3;
	v14 =	vadd.f32 v18, v14  }
0x2c3: {  	v6 =	vmul.f32 v10, v6;
	v8 =	vadd.f32 v8, v11;
	v15 =	vld.idx.msk [tilespmem:v2+s11+$0x0], $0xffff  }
0x2c4: {  	v14 =	vadd.f32 v17, v14;
	v17 =	vld [tilespmem:$0x1FD40]  }
0x2c5: {  	v6 =	vadd.f32 v6, v8;
	v8 =	vld [tilespmem:$0x1FD60];
	_ =	sdelay $0x1  }
0x2c6: {  	v18 =	vld.idx.msk [tilespmem:v13+s23+$0x0], $0xffff  }
0x2c7: {  	v13 =	vld.idx.msk [tilespmem:v13+s11+$0x0], $0xffff  }
0x2c8: {  	v2 =	vor.u32 v56, v3;
	v15 =	vmul.f32 v15, v17  }
0x2c9: {  	v8 =	vmul.f32 v8, v9;
	v16 =	vld.idx.msk [tilespmem:v7+s11+$0x0], $0xffff  }
0x2ca: {  	v12 =	vadd.f32 v15, v14;
	v14 =	vld [tilespmem:$0x1FD50]  }
0x2cb: {  	v6 =	vadd.f32 v8, v6;
	v8 =	vld [tilespmem:$0x1FD70]  }
0x2cc: {  	v63 =	vor.u32 v52, v3;
	v11 =	vmul.f32 v13, v18;
	v13 =	vld [tilespmem:$0x1FD80]  }
0x2cd: {  	v7 =	vor.u32 v57, v3;
	v17 =	vld.idx.msk [tilespmem:v2+s23+$0x0], $0xffff  }
0x2ce: {  	v2 =	vld.idx.msk [tilespmem:v2+s11+$0x0], $0xffff  }
0x2cf: {  	v14 =	vmul.f32 v16, v14;
	_ =	sdelay $0x1  }
0x2d0: {  	v9 =	vld.idx.msk [tilespmem:v63+s11+$0x0], $0xffff;
	v10 =	vadd.f32 v14, v12  }
0x2d1: {  	v15 =	vld.idx.msk [tilespmem:v7+s23+$0x0], $0xffff;
	v8 =	vmul.f32 v13, v8  }
0x2d2: {  	v7 =	vld.idx.msk [tilespmem:v7+s11+$0x0], $0xffff;
	v2 =	vmul.f32 v2, v17;
	v10 =	vadd.f32 v11, v10  }
0x2d3: {  	v6 =	vadd.f32 v8, v6;
	v8 =	vld [tilespmem:$0x1FD90]  }
0x2d4: {  	v3 =	vor.u32 v58, v3;
	v2 =	vadd.f32 v2, v10;
	v10 =	vld [tilespmem:$0x1FDA0]  }
0x2d5: {  	v12 =	vld.idx.msk [tilespmem:v63+s23+$0x0], $0xffff;
	_ =	sdelay $0x2  }
0x2d6: {  	v7 =	vmul.f32 v7, v15  }
0x2d7: {  	v11 =	vld.idx.msk [tilespmem:v3+s23+$0x0], $0xffff;
	v8 =	vmul.f32 v10, v8  }
0x2d8: {  	v2 =	vadd.f32 v7, v2;
	v7 =	vmul.f32 v9, v12;
	v9 =	vld [tilespmem:$0x1FDC0]  }
0x2d9: {  	v6 =	vadd.f32 v8, v6;
	v8 =	vld [tilespmem:$0x1FDB0]  }
0x2da: {  	v3 =	vld.idx.msk [tilespmem:v3+s11+$0x0], $0xffff;
	_ =	sdelay $0x3  }
0x2db: {  	v8 =	vmul.f32 v9, v8  }
0x2dc: {  	v3 =	vmul.f32 v3, v11;
	v2 =	vadd.f32 v7, v2  }
0x2dd: {  	v6 =	vadd.f32 v8, v6  }
0x2de: {  	v2 =	vadd.f32 v3, v2  }
0x2df: {  	(xrf2) =	vadd.scan.msk.f32 $0xffff, v6  }
0x2e0: {  	(xrf2) =	vadd.scan.msk.f32 $0xffff, v2;
	_ =	sdelay $0x8  }
0x2e1: {  	v2, _, _ =	vpop (xrf2)  }
0x2e2: {  	v2 =	vbroadcast v2, $0xF;
	v3, _, _ =	vpop (xrf2)  }
0x2e3: {  	vm0 =	veq.s32 v59, v0;
	s12 =	simm.s32 $0x0;
	v3 =	vbroadcast v3, $0xF  }
0x2e4: {  	v59 =	vmov s12;
	v2 =	vsel vm0, v2, v61;
	vm0 =	veq.s32 v60, v0  }
0x2e5: {  	v6 =	vshll.u32 v59, $0x7;
	v2 =	vsel vm0, v3, v2;
	v3 =	vshll.u32 v59, $0x8  }
0x2e6: {  	[tilespmem:$0x16110] =	vst v2;
	v2 =	vand.u32 $0x800, v3;
	v3 =	vand.u32 $0x380, v6  }
0x2e7: {  	_ =	swait.ge [sflag:s30], $0x1000;
	v62 =	vor.u32 v3, v2  }
0x2e8: {  	[sflag:s30] =	ssyncset.done $0x0;
	v2 =	vor.u32 v0, v62  }
0x2e9: {  	[sflag:s30] =	ssyncadd.s32 $0xFFFFF000  }
0x2ea: {  	v3 =	vor.u32 v1, v62;
	_ =	swait.ge [sflag:s31], $0x1000  }
0x2eb: {  	[sflag:s31] =	ssyncset.done $0x0  }
0x2ec: {  	v6 =	vor.u32 v4, v62;
	[sflag:s31] =	ssyncadd.s32 $0xFFFFF000  }
0x2ed: {  	v7 =	vld.idx.msk [tilespmem:v2+s25+$0x0], $0xffff  }
0x2ee: {  	v8 =	vor.u32 v5, v62;
	v2 =	vld.idx.msk [tilespmem:v2+s13+$0x0], $0xffff  }
0x2ef: {  	v10 =	vor.u32 v41, v62;
	v9 =	vld.idx.msk [tilespmem:v3+s25+$0x0], $0xffff  }
0x2f0: {  	v3 =	vld.idx.msk [tilespmem:v3+s13+$0x0], $0xffff  }
0x2f1: {  	v11 =	vld.idx.msk [tilespmem:v6+s25+$0x0], $0xffff  }
0x2f2: {  	v6 =	vld.idx.msk [tilespmem:v6+s13+$0x0], $0xffff  }
0x2f3: {  	v12 =	vor.u32 v43, v62;
	v13 =	vld.idx.msk [tilespmem:v8+s25+$0x0], $0xffff  }
0x2f4: {  	v14 =	vld.idx.msk [tilespmem:v10+s25+$0x0], $0xffff  }
0x2f5: {  	v2 =	vmul.f32 v2, v7;
	v7 =	vld.idx.msk [tilespmem:v8+s13+$0x0], $0xffff;
	v8 =	vor.u32 v45, v62  }
0x2f6: {  	v3 =	vmul.f32 v3, v9;
	v9 =	vld.idx.msk [tilespmem:v10+s13+$0x0], $0xffff;
	v10 =	vor.u32 v48, v62  }
0x2f7: {  	v2 =	vadd.f32 $0.0e+00, v2  }
0x2f8: {  	v15 =	vld.idx.msk [tilespmem:v12+s25+$0x0], $0xffff  }
0x2f9: {  	v2 =	vadd.f32 v3, v2;
	v3 =	vmul.f32 v6, v11;
	v6 =	vld.idx.msk [tilespmem:v12+s13+$0x0], $0xffff;
	v11 =	vor.u32 v51, v62  }
0x2fa: {  	v12 =	vld.idx.msk [tilespmem:v8+s25+$0x0], $0xffff  }
0x2fb: {  	v18 =	vor.u32 v55, v62;
	v16 =	vld.idx.msk [tilespmem:v10+s25+$0x0], $0xffff;
	v2 =	vadd.f32 v3, v2;
	v3 =	vmul.f32 v7, v13  }
0x2fc: {  	v7 =	vld.idx.msk [tilespmem:v8+s13+$0x0], $0xffff;
	v8 =	vor.u32 v53, v62  }
0x2fd: {  	v2 =	vadd.f32 v3, v2;
	v3 =	vmul.f32 v9, v14;
	v9 =	vld.idx.msk [tilespmem:v10+s13+$0x0], $0xffff  }
0x2fe: {  	v10 =	vor.u32 v54, v62;
	v17 =	vld.idx.msk [tilespmem:v11+s25+$0x0], $0xffff  }
0x2ff: {  	v2 =	vadd.f32 v3, v2;
	v3 =	vmul.f32 v6, v15;
	v15 =	vld.idx.msk [tilespmem:v11+s13+$0x0], $0xffff  }
0x300: {  	v6 =	vld.idx.msk [tilespmem:v18+s25+$0x0], $0xffff  }
0x301: {  	s29 =	simm.s32 $0x1;
	v13 =	vor.u32 v56, v62;
	v63 =	vld.idx.msk [tilespmem:v8+s25+$0x0], $0xffff;
	v2 =	vadd.f32 v3, v2;
	v3 =	vmul.f32 v7, v12  }
0x302: {  	v60 =	vmov s29;
	v38 =	vld.idx.msk [tilespmem:v8+s13+$0x0], $0xffff  }
0x303: {  	v14 =	vor.u32 v57, v62;
	v35 =	vld.idx.msk [tilespmem:v10+s25+$0x0], $0xffff;
	v2 =	vadd.f32 v3, v2;
	v3 =	vmul.f32 v9, v16  }
0x304: {  	v7 =	vshll.u32 v60, $0x8;
	v8 =	vld.idx.msk [tilespmem:v10+s13+$0x0], $0xffff;
	v9 =	vshll.u32 v60, $0x7  }
0x305: {  	v10 =	vld.idx.msk [tilespmem:v18+s13+$0x0], $0xffff;
	v12 =	vmul.f32 v15, v17;
	v11 =	vadd.f32 v3, v2;
	v2 =	vor.u32 v52, v62  }
0x306: {  	s12 =	simm.s32 $0x2;
	v61 =	vimm.f32 $0.0e+00;
	v7 =	vand.u32 $0x800, v7;
	v3 =	vand.u32 $0x380, v9;
	v9 =	vld.idx.msk [tilespmem:v13+s25+$0x0], $0xffff  }
.LBB2_10:
0x307: {  	p0 =	sne.s32 s12, $0xF;
	v11 =	vadd.f32 v12, v11;
	v12 =	vmul.f32 v38, v63;
	v13 =	vld.idx.msk [tilespmem:v13+s13+$0x0], $0xffff;
	v15 =	vor.u32 v58, v62  }
0x308: {  	v62 =	vor.u32 v3, v7;
	v3 =	vld.idx.msk [tilespmem:v14+s25+$0x0], $0xffff  }
0x309: {  	v7 =	vor.u32 v0, v62;
	v8 =	vmul.f32 v8, v35;
	v11 =	vadd.f32 v12, v11;
	v12 =	vld.idx.msk [tilespmem:v14+s13+$0x0], $0xffff  }
0x30a: {  	v14 =	vld.idx.msk [tilespmem:v2+s25+$0x0], $0xffff  }
0x30b: {  	v16 =	vor.u32 v1, v62;
	v6 =	vmul.f32 v10, v6;
	v8 =	vadd.f32 v8, v11;
	v2 =	vld.idx.msk [tilespmem:v2+s13+$0x0], $0xffff  }
0x30c: {  	v10 =	vld.idx.msk [tilespmem:v15+s25+$0x0], $0xffff  }
0x30d: {  	v11 =	vor.u32 v4, v62;
	v6 =	vadd.f32 v6, v8;
	v8 =	vmul.f32 v13, v9;
	v9 =	vld.idx.msk [tilespmem:v15+s13+$0x0], $0xffff  }
0x30e: {  	v13 =	vld.idx.msk [tilespmem:v7+s25+$0x0], $0xffff  }
0x30f: {  	v15 =	vor.u32 v5, v62;
	v3 =	vmul.f32 v12, v3;
	v7 =	vld.idx.msk [tilespmem:v7+s13+$0x0], $0xffff;
	v6 =	vadd.f32 v8, v6  }
0x310: {  	v8 =	vld.idx.msk [tilespmem:v16+s25+$0x0], $0xffff  }
0x311: {  	v2 =	vmul.f32 v2, v14;
	v12 =	vld.idx.msk [tilespmem:v16+s13+$0x0], $0xffff;
	v16 =	vor.u32 v41, v62;
	v3 =	vadd.f32 v3, v6  }
0x312: {  	v6 =	vld.idx.msk [tilespmem:v11+s25+$0x0], $0xffff  }
0x313: {  	v14 =	vor.u32 v43, v62;
	v11 =	vld.idx.msk [tilespmem:v11+s13+$0x0], $0xffff;
	v2 =	vadd.f32 v2, v3;
	v3 =	vmul.f32 v9, v10  }
0x314: {  	v9 =	vld.idx.msk [tilespmem:v15+s25+$0x0], $0xffff  }
0x315: {  	v7 =	vmul.f32 v7, v13;
	v13 =	vor.u32 v45, v62;
	v10 =	vld.idx.msk [tilespmem:v15+s13+$0x0], $0xffff;
	v2 =	vadd.f32 v3, v2  }
0x316: {  	v3 =	vld.idx.msk [tilespmem:v16+s25+$0x0], $0xffff  }
0x317: {  	v15 =	vor.u32 v48, v62;
	v7 =	vadd.f32 $0.0e+00, v7;
	v8 =	vmul.f32 v12, v8;
	v12 =	vld.idx.msk [tilespmem:v16+s13+$0x0], $0xffff;
	(xrf2) =	vadd.scan.msk.f32 $0xffff, v2  }
0x318: {  	v2 =	vld.idx.msk [tilespmem:v14+s25+$0x0], $0xffff  }
0x319: {  	v7 =	vadd.f32 v8, v7;
	v6 =	vmul.f32 v11, v6;
	v11 =	vor.u32 v51, v62;
	v8 =	vld.idx.msk [tilespmem:v14+s13+$0x0], $0xffff  }
0x31a: {  	v14 =	vld.idx.msk [tilespmem:v13+s25+$0x0], $0xffff  }
0x31b: {  	v6 =	vadd.f32 v6, v7;
	v7 =	vmul.f32 v10, v9;
	v10 =	vor.u32 v53, v62;
	v9 =	vld.idx.msk [tilespmem:v13+s13+$0x0], $0xffff  }
0x31c: {  	v16 =	vld.idx.msk [tilespmem:v15+s25+$0x0], $0xffff  }
0x31d: {  	v6 =	vadd.f32 v7, v6;
	v3 =	vmul.f32 v12, v3;
	v12 =	vor.u32 v54, v62;
	v7 =	vld.idx.msk [tilespmem:v15+s13+$0x0], $0xffff  }
0x31e: {  	v15 =	vld.idx.msk [tilespmem:v11+s25+$0x0], $0xffff  }
0x31f: {  	v18 =	vor.u32 v55, v62;
	v3 =	vadd.f32 v3, v6;
	v2 =	vmul.f32 v8, v2;
	v17 =	vld.idx.msk [tilespmem:v11+s13+$0x0], $0xffff  }
0x320: {  	v63 =	vld.idx.msk [tilespmem:v10+s25+$0x0], $0xffff  }
0x321: {  	v13 =	vor.u32 v56, v62;
	v2 =	vadd.f32 v2, v3;
	v3 =	vmul.f32 v9, v14;
	v38 =	vld.idx.msk [tilespmem:v10+s13+$0x0], $0xffff;
	v6, _, _ =	vpop (xrf2)  }
.Ltmp4:
0x322: {  	vm0 =	veq.s32 v59, v0;
	v59 =	vmovc v60;
	v60 =	vmov s12;
	v35 =	vld.idx.msk [tilespmem:v12+s25+$0x0], $0xffff;
	v9 =	vbroadcast v6, $0xF;
	(pc) =	sbr.rel @p0 .LBB2_10-.Ltmp4, $4  }
0x323: {  	v14 =	vor.u32 v57, v62;
	v2 =	vadd.f32 v3, v2;
	v3 =	vmul.f32 v7, v16;
	v8 =	vld.idx.msk [tilespmem:v12+s13+$0x0], $0xffff  }
0x324: {  	v7 =	vshll.u32 v60, $0x8;
	v16 =	vshll.u32 v60, $0x7;
	v6 =	vld.idx.msk [tilespmem:v18+s25+$0x0], $0xffff;
	v61 =	vsel vm0, v9, v61  }
0x325: {  	v11 =	vadd.f32 v3, v2;
	v12 =	vmul.f32 v17, v15;
	v2 =	vor.u32 v52, v62;
	v10 =	vld.idx.msk [tilespmem:v18+s13+$0x0], $0xffff  }
0x326: {  	s12 =	sadd.s32 $0x1, s12;
	v7 =	vand.u32 $0x800, v7;
	v3 =	vand.u32 $0x380, v16;
	v9 =	vld.idx.msk [tilespmem:v13+s25+$0x0], $0xffff  }
0x327: {  	_ =	sdelay $0x3  }
0x328: {  	v3 =	vor.u32 v3, v7;
	v7 =	vld.idx.msk [tilespmem:v14+s25+$0x0], $0xffff;
	_ =	sdelay $0x4  }
0x329: {  	[tilespmem:$0x1FC70] =	vst v7;
	v7 =	vld.idx.msk [tilespmem:v14+s13+$0x0], $0xffff;
	_ =	sdelay $0x4  }
0x32a: {  	[tilespmem:$0x1FC80] =	vst v7;
	v7 =	vld.idx.msk [tilespmem:v2+s25+$0x0], $0xffff  }
0x32b: {  	v15 =	vor.u32 v58, v62;
	v2 =	vld.idx.msk [tilespmem:v2+s13+$0x0], $0xffff;
	_ =	sdelay $0x4  }
0x32c: {  	[tilespmem:$0x1FCA0] =	vst v2;
	v2 =	vld.idx.msk [tilespmem:v15+s25+$0x0], $0xffff  }
0x32d: {  	[tilespmem:$0x1FC90] =	vst v7;
	v7 =	vld.idx.msk [tilespmem:v15+s13+$0x0], $0xffff;
	_ =	sdelay $0x3  }
0x32e: {  	[tilespmem:$0x1FCB0] =	vst v2;
	v2 =	vor.u32 v4, v3  }
0x32f: {  	[tilespmem:$0x1FCC0] =	vst v7;
	v7 =	vor.u32 v5, v3  }
0x330: {  	v13 =	vld.idx.msk [tilespmem:v13+s13+$0x0], $0xffff  }
0x331: {  	v16 =	vor.u32 v0, v3;
	_ =	sdelay $0x1  }
0x332: {  	v18 =	vor.u32 v1, v3;
	v17 =	vld.idx.msk [tilespmem:v2+s25+$0x0], $0xffff  }
0x333: {  	v62 =	vld.idx.msk [tilespmem:v7+s25+$0x0], $0xffff  }
0x334: {  	[tilespmem:$0x1FC60] =	vst v13;
	v13 =	vor.u32 v41, v3;
	v7 =	vld.idx.msk [tilespmem:v7+s13+$0x0], $0xffff  }
0x335: {  	v14 =	vld.idx.msk [tilespmem:v16+s25+$0x0], $0xffff  }
0x336: {  	v16 =	vld.idx.msk [tilespmem:v16+s13+$0x0], $0xffff  }
0x337: {  	v15 =	vld.idx.msk [tilespmem:v18+s25+$0x0], $0xffff  }
0x338: {  	[tilespmem:$0x1FBD0] =	vst v17;
	v17 =	vld.idx.msk [tilespmem:v2+s13+$0x0], $0xffff  }
0x339: {  	v2 =	vor.u32 v43, v3;
	[tilespmem:$0x1FBF0] =	vst v7;
	v7 =	vld.idx.msk [tilespmem:v13+s25+$0x0], $0xffff  }
0x33a: {  	v18 =	vld.idx.msk [tilespmem:v18+s13+$0x0], $0xffff;
	_ =	sdelay $0x2  }
0x33b: {  	v14 =	vmul.f32 v16, v14;
	v16 =	vor.u32 v45, v3  }
0x33c: {  	[tilespmem:$0x1FC00] =	vst v7;
	v7 =	vld.idx.msk [tilespmem:v2+s25+$0x0], $0xffff  }
0x33d: {  	v14 =	vadd.f32 $0.0e+00, v14;
	v15 =	vmul.f32 v18, v15;
	_ =	sdelay $0x1  }
0x33e: {  	v14 =	vadd.f32 v15, v14;
	v15 =	vld.idx.msk [tilespmem:v2+s13+$0x0], $0xffff  }
0x33f: {  	v2 =	vld.idx.msk [tilespmem:v16+s25+$0x0], $0xffff  }
0x340: {  	[tilespmem:$0x1FC10] =	vst v7;
	v7 =	vld [tilespmem:$0x1FBD0];
	_ =	sdelay $0x2  }
0x341: {  	[tilespmem:$0x1FBE0] =	vst v62  }
0x342: {  	[tilespmem:$0x1FC20] =	vst v2;
	v2 =	vld [tilespmem:$0x1FBE0]  }
0x343: {  	v17 =	vmul.f32 v17, v7;
	v7 =	vld [tilespmem:$0x1FBF0];
	_ =	sdelay $0x1  }
0x344: {  	v18 =	vor.u32 v48, v3;
	_ =	sdelay $0x2  }
0x345: {  	v14 =	vadd.f32 v17, v14;
	v7 =	vmul.f32 v7, v2;
	_ =	sdelay $0x1  }
0x346: {  	v14 =	vadd.f32 v7, v14;
	v7 =	vld.idx.msk [tilespmem:v18+s25+$0x0], $0xffff;
	_ =	sdelay $0x3  }
0x347: {  	v13 =	vld.idx.msk [tilespmem:v13+s13+$0x0], $0xffff  }
0x348: {  	[tilespmem:$0x1FC30] =	vst v7;
	v7 =	vld [tilespmem:$0x1FC00];
	_ =	sdelay $0x4  }
0x349: {  	v13 =	vmul.f32 v13, v7;
	_ =	sdelay $0x1  }
0x34a: {  	v14 =	vadd.f32 v13, v14;
	v13 =	vld [tilespmem:$0x1FC10];
	_ =	sdelay $0x1  }
0x34b: {  	v2 =	vor.u32 v53, v3;
	_ =	sdelay $0x2  }
0x34c: {  	v15 =	vmul.f32 v15, v13;
	_ =	sdelay $0x1  }
0x34d: {  	v14 =	vadd.f32 v15, v14;
	v15 =	vld.idx.msk [tilespmem:v2+s25+$0x0], $0xffff;
	_ =	sdelay $0x3  }
0x34e: {  	v16 =	vld.idx.msk [tilespmem:v16+s13+$0x0], $0xffff  }
0x34f: {  	[tilespmem:$0x1FC40] =	vst v15;
	v15 =	vld [tilespmem:$0x1FC20];
	_ =	sdelay $0x1  }
0x350: {  	v7 =	vor.u32 v54, v3;
	_ =	sdelay $0x2  }
0x351: {  	v16 =	vmul.f32 v16, v15;
	_ =	sdelay $0x1  }
0x352: {  	v14 =	vadd.f32 v16, v14;
	v16 =	vld.idx.msk [tilespmem:v7+s25+$0x0], $0xffff  }
0x353: {  	v62 =	vor.u32 v51, v3;
	_ =	sdelay $0x2  }
0x354: {  	v18 =	vld.idx.msk [tilespmem:v18+s13+$0x0], $0xffff  }
0x355: {  	[tilespmem:$0x1FC50] =	vst v16;
	v16 =	vld [tilespmem:$0x1FC30]  }
0x356: {  	v17 =	vld.idx.msk [tilespmem:v62+s25+$0x0], $0xffff  }
0x357: {  	v62 =	vld.idx.msk [tilespmem:v62+s13+$0x0], $0xffff;
	_ =	sdelay $0x1  }
0x358: {  	v11 =	vadd.f32 v12, v11;
	v12 =	vmul.f32 v38, v63  }
0x359: {  	v18 =	vmul.f32 v18, v16  }
0x35a: {  	v8 =	vmul.f32 v8, v35;
	v11 =	vadd.f32 v12, v11  }
0x35b: {  	v17 =	vmul.f32 v62, v17;
	v13 =	vor.u32 v55, v3;
	v14 =	vadd.f32 v18, v14  }
0x35c: {  	v6 =	vmul.f32 v10, v6;
	v8 =	vadd.f32 v8, v11;
	v15 =	vld.idx.msk [tilespmem:v2+s13+$0x0], $0xffff  }
0x35d: {  	v14 =	vadd.f32 v17, v14;
	v17 =	vld [tilespmem:$0x1FC40]  }
0x35e: {  	v6 =	vadd.f32 v6, v8;
	v8 =	vld [tilespmem:$0x1FC60];
	_ =	sdelay $0x1  }
0x35f: {  	v18 =	vld.idx.msk [tilespmem:v13+s25+$0x0], $0xffff  }
0x360: {  	v13 =	vld.idx.msk [tilespmem:v13+s13+$0x0], $0xffff  }
0x361: {  	v2 =	vor.u32 v56, v3;
	v15 =	vmul.f32 v15, v17  }
0x362: {  	v8 =	vmul.f32 v8, v9;
	v16 =	vld.idx.msk [tilespmem:v7+s13+$0x0], $0xffff  }
0x363: {  	v12 =	vadd.f32 v15, v14;
	v14 =	vld [tilespmem:$0x1FC50]  }
0x364: {  	v6 =	vadd.f32 v8, v6;
	v8 =	vld [tilespmem:$0x1FC70]  }
0x365: {  	v63 =	vor.u32 v52, v3;
	v11 =	vmul.f32 v13, v18;
	v13 =	vld [tilespmem:$0x1FC80]  }
0x366: {  	v7 =	vor.u32 v57, v3;
	v17 =	vld.idx.msk [tilespmem:v2+s25+$0x0], $0xffff  }
0x367: {  	v2 =	vld.idx.msk [tilespmem:v2+s13+$0x0], $0xffff  }
0x368: {  	v14 =	vmul.f32 v16, v14;
	_ =	sdelay $0x1  }
0x369: {  	v9 =	vld.idx.msk [tilespmem:v63+s13+$0x0], $0xffff;
	v10 =	vadd.f32 v14, v12  }
0x36a: {  	v15 =	vld.idx.msk [tilespmem:v7+s25+$0x0], $0xffff;
	v8 =	vmul.f32 v13, v8  }
0x36b: {  	v7 =	vld.idx.msk [tilespmem:v7+s13+$0x0], $0xffff;
	v2 =	vmul.f32 v2, v17;
	v10 =	vadd.f32 v11, v10  }
0x36c: {  	v6 =	vadd.f32 v8, v6;
	v8 =	vld [tilespmem:$0x1FC90]  }
0x36d: {  	v3 =	vor.u32 v58, v3;
	v2 =	vadd.f32 v2, v10;
	v10 =	vld [tilespmem:$0x1FCA0]  }
0x36e: {  	v12 =	vld.idx.msk [tilespmem:v63+s25+$0x0], $0xffff;
	_ =	sdelay $0x2  }
0x36f: {  	v7 =	vmul.f32 v7, v15  }
0x370: {  	v11 =	vld.idx.msk [tilespmem:v3+s25+$0x0], $0xffff;
	v8 =	vmul.f32 v10, v8  }
0x371: {  	v2 =	vadd.f32 v7, v2;
	v7 =	vmul.f32 v9, v12;
	v9 =	vld [tilespmem:$0x1FCC0]  }
0x372: {  	v6 =	vadd.f32 v8, v6;
	v8 =	vld [tilespmem:$0x1FCB0]  }
0x373: {  	v3 =	vld.idx.msk [tilespmem:v3+s13+$0x0], $0xffff;
	_ =	sdelay $0x3  }
0x374: {  	v8 =	vmul.f32 v9, v8  }
0x375: {  	v3 =	vmul.f32 v3, v11;
	v2 =	vadd.f32 v7, v2  }
0x376: {  	v6 =	vadd.f32 v8, v6  }
0x377: {  	v2 =	vadd.f32 v3, v2  }
0x378: {  	(xrf2) =	vadd.scan.msk.f32 $0xffff, v6  }
0x379: {  	(xrf2) =	vadd.scan.msk.f32 $0xffff, v2;
	_ =	sdelay $0x8  }
0x37a: {  	v2, _, _ =	vpop (xrf2)  }
0x37b: {  	v2 =	vbroadcast v2, $0xF;
	v3, _, _ =	vpop (xrf2)  }
0x37c: {  	vm0 =	veq.s32 v59, v0;
	s12 =	simm.s32 $0x0;
	v3 =	vbroadcast v3, $0xF  }
0x37d: {  	v59 =	vmov s12;
	v2 =	vsel vm0, v2, v61;
	vm0 =	veq.s32 v60, v0  }
0x37e: {  	v6 =	vshll.u32 v59, $0x7;
	v2 =	vsel vm0, v3, v2;
	v3 =	vshll.u32 v59, $0x8  }
0x37f: {  	[tilespmem:$0x16120] =	vst v2;
	v2 =	vand.u32 $0x800, v3;
	v3 =	vand.u32 $0x380, v6  }
0x380: {  	_ =	swait.ge [sflag:s30], $0x1000;
	v62 =	vor.u32 v3, v2  }
0x381: {  	[sflag:s30] =	ssyncset.done $0x0;
	v2 =	vor.u32 v0, v62  }
0x382: {  	[sflag:s30] =	ssyncadd.s32 $0xFFFFF000  }
0x383: {  	v3 =	vor.u32 v1, v62;
	_ =	swait.ge [sflag:s31], $0x1000  }
0x384: {  	[sflag:s31] =	ssyncset.done $0x0  }
0x385: {  	v6 =	vor.u32 v4, v62;
	[sflag:s31] =	ssyncadd.s32 $0xFFFFF000  }
0x386: {  	v7 =	vld.idx.msk [tilespmem:v2+s28+$0x0], $0xffff  }
0x387: {  	v8 =	vor.u32 v5, v62;
	v2 =	vld.idx.msk [tilespmem:v2+s15+$0x0], $0xffff  }
0x388: {  	v10 =	vor.u32 v41, v62;
	v9 =	vld.idx.msk [tilespmem:v3+s28+$0x0], $0xffff  }
0x389: {  	v3 =	vld.idx.msk [tilespmem:v3+s15+$0x0], $0xffff  }
0x38a: {  	v11 =	vld.idx.msk [tilespmem:v6+s28+$0x0], $0xffff  }
0x38b: {  	v6 =	vld.idx.msk [tilespmem:v6+s15+$0x0], $0xffff  }
0x38c: {  	v12 =	vor.u32 v43, v62;
	v13 =	vld.idx.msk [tilespmem:v8+s28+$0x0], $0xffff  }
0x38d: {  	v14 =	vld.idx.msk [tilespmem:v10+s28+$0x0], $0xffff  }
0x38e: {  	v2 =	vmul.f32 v2, v7;
	v7 =	vld.idx.msk [tilespmem:v8+s15+$0x0], $0xffff;
	v8 =	vor.u32 v45, v62  }
0x38f: {  	v3 =	vmul.f32 v3, v9;
	v9 =	vld.idx.msk [tilespmem:v10+s15+$0x0], $0xffff;
	v10 =	vor.u32 v48, v62  }
0x390: {  	v2 =	vadd.f32 $0.0e+00, v2  }
0x391: {  	v15 =	vld.idx.msk [tilespmem:v12+s28+$0x0], $0xffff  }
0x392: {  	v2 =	vadd.f32 v3, v2;
	v3 =	vmul.f32 v6, v11;
	v6 =	vld.idx.msk [tilespmem:v12+s15+$0x0], $0xffff;
	v11 =	vor.u32 v51, v62  }
0x393: {  	v12 =	vld.idx.msk [tilespmem:v8+s28+$0x0], $0xffff  }
0x394: {  	v18 =	vor.u32 v55, v62;
	v16 =	vld.idx.msk [tilespmem:v10+s28+$0x0], $0xffff;
	v2 =	vadd.f32 v3, v2;
	v3 =	vmul.f32 v7, v13  }
0x395: {  	v7 =	vld.idx.msk [tilespmem:v8+s15+$0x0], $0xffff;
	v8 =	vor.u32 v53, v62  }
0x396: {  	v2 =	vadd.f32 v3, v2;
	v3 =	vmul.f32 v9, v14;
	v9 =	vld.idx.msk [tilespmem:v10+s15+$0x0], $0xffff  }
0x397: {  	v10 =	vor.u32 v54, v62;
	v17 =	vld.idx.msk [tilespmem:v11+s28+$0x0], $0xffff  }
0x398: {  	v2 =	vadd.f32 v3, v2;
	v3 =	vmul.f32 v6, v15;
	v15 =	vld.idx.msk [tilespmem:v11+s15+$0x0], $0xffff  }
0x399: {  	v6 =	vld.idx.msk [tilespmem:v18+s28+$0x0], $0xffff  }
0x39a: {  	s29 =	simm.s32 $0x1;
	v13 =	vor.u32 v56, v62;
	v63 =	vld.idx.msk [tilespmem:v8+s28+$0x0], $0xffff;
	v2 =	vadd.f32 v3, v2;
	v3 =	vmul.f32 v7, v12  }
0x39b: {  	v60 =	vmov s29;
	v38 =	vld.idx.msk [tilespmem:v8+s15+$0x0], $0xffff  }
0x39c: {  	v14 =	vor.u32 v57, v62;
	v35 =	vld.idx.msk [tilespmem:v10+s28+$0x0], $0xffff;
	v2 =	vadd.f32 v3, v2;
	v3 =	vmul.f32 v9, v16  }
0x39d: {  	v7 =	vshll.u32 v60, $0x8;
	v8 =	vld.idx.msk [tilespmem:v10+s15+$0x0], $0xffff;
	v9 =	vshll.u32 v60, $0x7  }
0x39e: {  	v10 =	vld.idx.msk [tilespmem:v18+s15+$0x0], $0xffff;
	v12 =	vmul.f32 v15, v17;
	v11 =	vadd.f32 v3, v2;
	v2 =	vor.u32 v52, v62  }
0x39f: {  	s12 =	simm.s32 $0x2;
	v61 =	vimm.f32 $0.0e+00;
	v7 =	vand.u32 $0x800, v7;
	v3 =	vand.u32 $0x380, v9;
	v9 =	vld.idx.msk [tilespmem:v13+s28+$0x0], $0xffff  }
.LBB2_12:
0x3a0: {  	p0 =	sne.s32 s12, $0xF;
	v11 =	vadd.f32 v12, v11;
	v12 =	vmul.f32 v38, v63;
	v13 =	vld.idx.msk [tilespmem:v13+s15+$0x0], $0xffff;
	v15 =	vor.u32 v58, v62  }
0x3a1: {  	v62 =	vor.u32 v3, v7;
	v3 =	vld.idx.msk [tilespmem:v14+s28+$0x0], $0xffff  }
0x3a2: {  	v7 =	vor.u32 v0, v62;
	v8 =	vmul.f32 v8, v35;
	v11 =	vadd.f32 v12, v11;
	v12 =	vld.idx.msk [tilespmem:v14+s15+$0x0], $0xffff  }
0x3a3: {  	v14 =	vld.idx.msk [tilespmem:v2+s28+$0x0], $0xffff  }
0x3a4: {  	v16 =	vor.u32 v1, v62;
	v6 =	vmul.f32 v10, v6;
	v8 =	vadd.f32 v8, v11;
	v2 =	vld.idx.msk [tilespmem:v2+s15+$0x0], $0xffff  }
0x3a5: {  	v10 =	vld.idx.msk [tilespmem:v15+s28+$0x0], $0xffff  }
0x3a6: {  	v11 =	vor.u32 v4, v62;
	v6 =	vadd.f32 v6, v8;
	v8 =	vmul.f32 v13, v9;
	v9 =	vld.idx.msk [tilespmem:v15+s15+$0x0], $0xffff  }
0x3a7: {  	v13 =	vld.idx.msk [tilespmem:v7+s28+$0x0], $0xffff  }
0x3a8: {  	v15 =	vor.u32 v5, v62;
	v3 =	vmul.f32 v12, v3;
	v7 =	vld.idx.msk [tilespmem:v7+s15+$0x0], $0xffff;
	v6 =	vadd.f32 v8, v6  }
0x3a9: {  	v8 =	vld.idx.msk [tilespmem:v16+s28+$0x0], $0xffff  }
0x3aa: {  	v2 =	vmul.f32 v2, v14;
	v12 =	vld.idx.msk [tilespmem:v16+s15+$0x0], $0xffff;
	v16 =	vor.u32 v41, v62;
	v3 =	vadd.f32 v3, v6  }
0x3ab: {  	v6 =	vld.idx.msk [tilespmem:v11+s28+$0x0], $0xffff  }
0x3ac: {  	v14 =	vor.u32 v43, v62;
	v11 =	vld.idx.msk [tilespmem:v11+s15+$0x0], $0xffff;
	v2 =	vadd.f32 v2, v3;
	v3 =	vmul.f32 v9, v10  }
0x3ad: {  	v9 =	vld.idx.msk [tilespmem:v15+s28+$0x0], $0xffff  }
0x3ae: {  	v7 =	vmul.f32 v7, v13;
	v13 =	vor.u32 v45, v62;
	v10 =	vld.idx.msk [tilespmem:v15+s15+$0x0], $0xffff;
	v2 =	vadd.f32 v3, v2  }
0x3af: {  	v3 =	vld.idx.msk [tilespmem:v16+s28+$0x0], $0xffff  }
0x3b0: {  	v15 =	vor.u32 v48, v62;
	v7 =	vadd.f32 $0.0e+00, v7;
	v8 =	vmul.f32 v12, v8;
	v12 =	vld.idx.msk [tilespmem:v16+s15+$0x0], $0xffff;
	(xrf2) =	vadd.scan.msk.f32 $0xffff, v2  }
0x3b1: {  	v2 =	vld.idx.msk [tilespmem:v14+s28+$0x0], $0xffff  }
0x3b2: {  	v7 =	vadd.f32 v8, v7;
	v6 =	vmul.f32 v11, v6;
	v11 =	vor.u32 v51, v62;
	v8 =	vld.idx.msk [tilespmem:v14+s15+$0x0], $0xffff  }
0x3b3: {  	v14 =	vld.idx.msk [tilespmem:v13+s28+$0x0], $0xffff  }
0x3b4: {  	v6 =	vadd.f32 v6, v7;
	v7 =	vmul.f32 v10, v9;
	v10 =	vor.u32 v53, v62;
	v9 =	vld.idx.msk [tilespmem:v13+s15+$0x0], $0xffff  }
0x3b5: {  	v16 =	vld.idx.msk [tilespmem:v15+s28+$0x0], $0xffff  }
0x3b6: {  	v6 =	vadd.f32 v7, v6;
	v3 =	vmul.f32 v12, v3;
	v12 =	vor.u32 v54, v62;
	v7 =	vld.idx.msk [tilespmem:v15+s15+$0x0], $0xffff  }
0x3b7: {  	v15 =	vld.idx.msk [tilespmem:v11+s28+$0x0], $0xffff  }
0x3b8: {  	v18 =	vor.u32 v55, v62;
	v3 =	vadd.f32 v3, v6;
	v2 =	vmul.f32 v8, v2;
	v17 =	vld.idx.msk [tilespmem:v11+s15+$0x0], $0xffff  }
0x3b9: {  	v63 =	vld.idx.msk [tilespmem:v10+s28+$0x0], $0xffff  }
0x3ba: {  	v13 =	vor.u32 v56, v62;
	v2 =	vadd.f32 v2, v3;
	v3 =	vmul.f32 v9, v14;
	v38 =	vld.idx.msk [tilespmem:v10+s15+$0x0], $0xffff;
	v6, _, _ =	vpop (xrf2)  }
.Ltmp5:
0x3bb: {  	vm0 =	veq.s32 v59, v0;
	v59 =	vmovc v60;
	v60 =	vmov s12;
	v35 =	vld.idx.msk [tilespmem:v12+s28+$0x0], $0xffff;
	v9 =	vbroadcast v6, $0xF;
	(pc) =	sbr.rel @p0 .LBB2_12-.Ltmp5, $4  }
0x3bc: {  	v14 =	vor.u32 v57, v62;
	v2 =	vadd.f32 v3, v2;
	v3 =	vmul.f32 v7, v16;
	v8 =	vld.idx.msk [tilespmem:v12+s15+$0x0], $0xffff  }
0x3bd: {  	v7 =	vshll.u32 v60, $0x8;
	v16 =	vshll.u32 v60, $0x7;
	v6 =	vld.idx.msk [tilespmem:v18+s28+$0x0], $0xffff;
	v61 =	vsel vm0, v9, v61  }
0x3be: {  	v11 =	vadd.f32 v3, v2;
	v12 =	vmul.f32 v17, v15;
	v2 =	vor.u32 v52, v62;
	v10 =	vld.idx.msk [tilespmem:v18+s15+$0x0], $0xffff  }
0x3bf: {  	s12 =	sadd.s32 $0x1, s12;
	v7 =	vand.u32 $0x800, v7;
	v3 =	vand.u32 $0x380, v16;
	v9 =	vld.idx.msk [tilespmem:v13+s28+$0x0], $0xffff  }
0x3c0: {  	_ =	sdelay $0x3  }
0x3c1: {  	v3 =	vor.u32 v3, v7;
	v7 =	vld.idx.msk [tilespmem:v14+s28+$0x0], $0xffff;
	_ =	sdelay $0x4  }
0x3c2: {  	[tilespmem:$0x1FB70] =	vst v7;
	v7 =	vld.idx.msk [tilespmem:v14+s15+$0x0], $0xffff;
	_ =	sdelay $0x4  }
0x3c3: {  	v15 =	vor.u32 v58, v62;
	[tilespmem:$0x1FB80] =	vst v7;
	v7 =	vld.idx.msk [tilespmem:v2+s28+$0x0], $0xffff;
	_ =	sdelay $0x3  }
0x3c4: {  	v2 =	vld.idx.msk [tilespmem:v2+s15+$0x0], $0xffff  }
0x3c5: {  	[tilespmem:$0x1FB90] =	vst v7;
	v7 =	vld.idx.msk [tilespmem:v15+s15+$0x0], $0xffff;
	_ =	sdelay $0x3  }
0x3c6: {  	[tilespmem:$0x1FBA0] =	vst v2;
	v2 =	vld.idx.msk [tilespmem:v15+s28+$0x0], $0xffff  }
0x3c7: {  	[tilespmem:$0x1FBC0] =	vst v7;
	v7 =	vor.u32 v5, v3  }
0x3c8: {  	v13 =	vld.idx.msk [tilespmem:v13+s15+$0x0], $0xffff;
	_ =	sdelay $0x1  }
0x3c9: {  	v16 =	vor.u32 v0, v3  }
0x3ca: {  	[tilespmem:$0x1FBB0] =	vst v2;
	v2 =	vor.u32 v4, v3  }
0x3cb: {  	v62 =	vld.idx.msk [tilespmem:v7+s28+$0x0], $0xffff  }
0x3cc: {  	[tilespmem:$0x1FB60] =	vst v13;
	v13 =	vor.u32 v41, v3;
	_ =	sdelay $0x1  }
0x3cd: {  	v18 =	vor.u32 v1, v3;
	v14 =	vld.idx.msk [tilespmem:v16+s28+$0x0], $0xffff  }
0x3ce: {  	v17 =	vld.idx.msk [tilespmem:v2+s28+$0x0], $0xffff  }
0x3cf: {  	[tilespmem:$0x1FB40] =	vst v62;
	v62 =	vld.idx.msk [tilespmem:v7+s15+$0x0], $0xffff  }
0x3d0: {  	v7 =	vld.idx.msk [tilespmem:v13+s28+$0x0], $0xffff  }
0x3d1: {  	v16 =	vld.idx.msk [tilespmem:v16+s15+$0x0], $0xffff  }
0x3d2: {  	v15 =	vld.idx.msk [tilespmem:v18+s28+$0x0], $0xffff  }
0x3d3: {  	v18 =	vld.idx.msk [tilespmem:v18+s15+$0x0], $0xffff  }
0x3d4: {  	[tilespmem:$0x1FB30] =	vst v17;
	v17 =	vld.idx.msk [tilespmem:v2+s15+$0x0], $0xffff  }
0x3d5: {  	[tilespmem:$0x1FB50] =	vst v7;
	v7 =	vld [tilespmem:$0x1FB30]  }
0x3d6: {  	v14 =	vmul.f32 v16, v14;
	_ =	sdelay $0x1  }
0x3d7: {  	v14 =	vadd.f32 $0.0e+00, v14;
	v15 =	vmul.f32 v18, v15;
	_ =	sdelay $0x1  }
0x3d8: {  	v14 =	vadd.f32 v15, v14;
	v2 =	vor.u32 v43, v3;
	v15 =	vmul.f32 v17, v7;
	v7 =	vld [tilespmem:$0x1FB40];
	_ =	sdelay $0x3  }
0x3d9: {  	v16 =	vor.u32 v45, v3;
	v13 =	vld.idx.msk [tilespmem:v13+s15+$0x0], $0xffff  }
0x3da: {  	v17 =	vld.idx.msk [tilespmem:v2+s28+$0x0], $0xffff;
	v14 =	vadd.f32 v15, v14;
	v7 =	vmul.f32 v62, v7  }
0x3db: {  	v51 =	vor.u32 v51, v3;
	v2 =	vld.idx.msk [tilespmem:v2+s15+$0x0], $0xffff  }
0x3dc: {  	v7 =	vadd.f32 v7, v14;
	v14 =	vld [tilespmem:$0x1FB50]  }
0x3dd: {  	v11 =	vadd.f32 v12, v11;
	v12 =	vmul.f32 v38, v63;
	v18 =	vor.u32 v48, v3;
	v63 =	vld [tilespmem:$0x1FBC0]  }
0x3de: {  	v15 =	vld.idx.msk [tilespmem:v16+s28+$0x0], $0xffff  }
0x3df: {  	v16 =	vld.idx.msk [tilespmem:v16+s15+$0x0], $0xffff  }
0x3e0: {  	v53 =	vor.u32 v53, v3;
	v2 =	vmul.f32 v2, v17;
	v17 =	vld.idx.msk [tilespmem:v51+s15+$0x0], $0xffff  }
0x3e1: {  	v62 =	vor.u32 v57, v3;
	v57 =	vld [tilespmem:$0x1FB90];
	v13 =	vmul.f32 v13, v14  }
0x3e2: {  	v14 =	vld.idx.msk [tilespmem:v18+s28+$0x0], $0xffff  }
0x3e3: {  	v54 =	vor.u32 v54, v3;
	v18 =	vld.idx.msk [tilespmem:v18+s15+$0x0], $0xffff;
	v7 =	vadd.f32 v13, v7  }
0x3e4: {  	v13 =	vld.idx.msk [tilespmem:v51+s28+$0x0], $0xffff  }
0x3e5: {  	v51 =	vor.u32 v55, v3;
	v2 =	vadd.f32 v2, v7;
	v7 =	vmul.f32 v16, v15;
	v15 =	vld.idx.msk [tilespmem:v53+s28+$0x0], $0xffff  }
0x3e6: {  	v16 =	vld.idx.msk [tilespmem:v53+s15+$0x0], $0xffff  }
0x3e7: {  	v53 =	vor.u32 v56, v3;
	v56 =	vld [tilespmem:$0x1FB70]  }
0x3e8: {  	v2 =	vadd.f32 v7, v2;
	v7 =	vmul.f32 v18, v14;
	v14 =	vld.idx.msk [tilespmem:v54+s28+$0x0], $0xffff  }
0x3e9: {  	v18 =	vld.idx.msk [tilespmem:v54+s15+$0x0], $0xffff  }
0x3ea: {  	v2 =	vadd.f32 v7, v2;
	v7 =	vmul.f32 v17, v13;
	v13 =	vld.idx.msk [tilespmem:v51+s28+$0x0], $0xffff  }
0x3eb: {  	v17 =	vld.idx.msk [tilespmem:v51+s15+$0x0], $0xffff  }
0x3ec: {  	v54 =	vld [tilespmem:$0x1FB60];
	v2 =	vadd.f32 v7, v2;
	v7 =	vmul.f32 v16, v15  }
0x3ed: {  	v51 =	vor.u32 v52, v3;
	v52 =	vld.idx.msk [tilespmem:v62+s15+$0x0], $0xffff  }
0x3ee: {  	v3 =	vor.u32 v58, v3;
	v58 =	vld [tilespmem:$0x1FBA0];
	v14 =	vmul.f32 v18, v14;
	v2 =	vadd.f32 v7, v2  }
0x3ef: {  	v11 =	vadd.f32 v12, v11;
	v12 =	vld.idx.msk [tilespmem:v53+s15+$0x0], $0xffff  }
0x3f0: {  	v15 =	vld.idx.msk [tilespmem:v53+s28+$0x0], $0xffff;
	v13 =	vmul.f32 v17, v13;
	v2 =	vadd.f32 v14, v2  }
0x3f1: {  	v8 =	vmul.f32 v8, v35;
	v7 =	vld.idx.msk [tilespmem:v62+s28+$0x0], $0xffff  }
0x3f2: {  	v2 =	vadd.f32 v13, v2;
	v13 =	vld [tilespmem:$0x1FB80]  }
0x3f3: {  	v6 =	vmul.f32 v10, v6;
	v8 =	vadd.f32 v8, v11;
	v62 =	vld [tilespmem:$0x1FBB0]  }
0x3f4: {  	v53 =	vld.idx.msk [tilespmem:v51+s28+$0x0], $0xffff  }
0x3f5: {  	v6 =	vadd.f32 v6, v8;
	v8 =	vmul.f32 v54, v9;
	v55 =	vld.idx.msk [tilespmem:v51+s15+$0x0], $0xffff  }
0x3f6: {  	v14 =	vld.idx.msk [tilespmem:v3+s28+$0x0], $0xffff;
	v12 =	vmul.f32 v12, v15  }
0x3f7: {  	v6 =	vadd.f32 v8, v6;
	v3 =	vld.idx.msk [tilespmem:v3+s15+$0x0], $0xffff;
	v8 =	vmul.f32 v13, v56  }
0x3f8: {  	v7 =	vmul.f32 v52, v7;
	v2 =	vadd.f32 v12, v2  }
0x3f9: {  	v6 =	vadd.f32 v8, v6;
	v8 =	vmul.f32 v58, v57  }
0x3fa: {  	v2 =	vadd.f32 v7, v2;
	v7 =	vmul.f32 v55, v53  }
0x3fb: {  	v6 =	vadd.f32 v8, v6;
	v8 =	vmul.f32 v63, v62  }
0x3fc: {  	v3 =	vmul.f32 v3, v14;
	v2 =	vadd.f32 v7, v2  }
0x3fd: {  	v6 =	vadd.f32 v8, v6  }
0x3fe: {  	v2 =	vadd.f32 v3, v2  }
0x3ff: {  	(xrf2) =	vadd.scan.msk.f32 $0xffff, v6  }
0x400: {  	(xrf2) =	vadd.scan.msk.f32 $0xffff, v2;
	_ =	sdelay $0x8  }
0x401: {  	v2, _, _ =	vpop (xrf2)  }
0x402: {  	v2 =	vbroadcast v2, $0xF;
	v3, _, _ =	vpop (xrf2)  }
0x403: {  	vm0 =	veq.s32 v59, v0;
	v3 =	vbroadcast v3, $0xF  }
0x404: {  	v2 =	vsel vm0, v2, v61;
	vm0 =	veq.s32 v60, v0  }
0x405: {  	v2 =	vsel vm0, v3, v2  }
0x406: {  	[tilespmem:$0x16130] =	vst v2  }
0x407: {  	[hbm4b:s7+s4] =	stream.linear.scatter [tilespmem:s20], [sflag:$0x4], $0x80, $0x38;
	[tilespmem:$0x16180] =	vst v63  }
0x408: {  	_ =	swait.ge [sflag:s3], $0x80  }
0x409: {  	s10 =	sadd.s32 $0x1, s10;
	[sflag:s3] =	ssyncset.done $0x0  }
0x40a: {  	p0 =	sne.s32 s10, s17;
	[sflag:s3] =	ssyncadd.s32 $0xFFFFFF80  }
0x40b: {  	[hbm4b:s8+s4] =	stream.linear.scatter [tilespmem:s0], [sflag:$0x4], $0x80, $0x38;
	[tilespmem:$0x16180] =	vst v63  }
.Ltmp6:
0x40c: {  	_ =	swait.ge [sflag:s3], $0x80;
	(pc) =	sbr.rel @p0 .LBB2_1-.Ltmp6, $4  }
0x40d: {  	v15 =	vld [tilespmem:$0x1FFA0]  }
0x40e: {  	v16 =	vld [tilespmem:$0x1FFB0]  }
0x40f: {  	[sflag:s3] =	ssyncset.done $0x0;
	v17 =	vld [tilespmem:$0x1FFC0]  }
0x410: {  	v18 =	vld [tilespmem:$0x1FFD0];
	[sflag:s3] =	ssyncadd.s32 $0xFFFFFF80  }
0x411: {  	_ =	sfence.sel $0x180000  }
0x412: {  	[bflag:$0x0] =	sbarrier.arrive $0xFFFF  }
0x413: {  	_ =	strace $0x90000047  }
0x414: {  	s0 =	stileid.u32;
	[bflag:$0x2] =	sbarrier.arrive $0xFFFF  }
0x415: {  	p0 =	sne.s32 s0, $0x0;
	s0 =	rddreg [dreg:$0x3]  }
0x416: {  	s0 =	sadd.s32 @!p0 $0x100000, s0  }
0x417: {  	[sflag:s0] =	ssyncadd.tile.s32 @!p0 $0x1;
	_ =	shalt  }
.Lfunc_end2:
_tile_overlayer_lowered:
.L_overlay_start_2:
0x418: {  	(tag) =	ssettag $0x2  }
0x419: {  	s0 =	rddreg [dreg:$0x0];
	s2 =	stileid.u32  }
0x41a: {  	s1 =	rddreg [dreg:$0x1];
	p0 =	sne.s32 s2, $0x0  }
0x41b: {  	s3 =	rddreg [dreg:$0x2];
	[bflag:$0x3] =	sbarrier.arrive $0xFFFF;
	s2 =	simm.s32 @!p0 $0x1C04  }
0x41c: {  	[timem:s3], [sflag:s2] =	dma.local @!p0 [hbm:s0], s1  }
0x41d: {  	s0 =	simm.s32 @!p0 $0x4  }
0x41e: {  	_ =	swait.ge @!p0 [sflag:s0], s1  }
0x41f: {  	s1 =	ssub.s32 @!p0 $0x0, s1;
	[sflag:s0] =	ssyncset.done @!p0 $0x0  }
0x420: {  	[sflag:s0] =	ssyncadd.s32 @!p0 s1  }
0x421: {  	[bflag:$0x3] =	sbarrier.arrive $0xFFFF  }
0x422: {  	_ =	shalt  }

</sc_bundles>
